<compile_context>
chip_gen: v7x
topology: tpu7x:2x2x1
jax: 0.10.2.dev20260603
libtpu: 0.0.44.dev20260713+nightly
codegen_flags: <defaults>
</compile_context>

<pallas_src>
import functools

import jax
import jax.numpy as jnp
from jax import lax
from jax.experimental import pallas as pl
from jax.experimental.pallas import tpu as pltpu
from jax.experimental.pallas import tpu_sc as plsc

_NC = 2
_NS = 16
_NW = _NC * _NS


def _split(total, nw=_NW):
    ch = ((total + nw - 1) // nw + 7) // 8 * 8
    last = total - (nw - 1) * ch
    assert last > 0 and last % 8 == 0 and ch % 8 == 0
    return ch, last



def _score_grid_body(f_ref, w_ref, a_ref, b_ref, s_ref):
    g = jnp.dot(a_ref[...], w_ref[...],
                preferred_element_type=jnp.float32)
    c0 = jnp.sum(a_ref[...] * b_ref[...])
    f = f_ref[0]
    s_ref[0, 0] = jnp.sum(f * g[0][:, None, None], axis=0) + c0


def _score_grid(feat, W, a, b, HB):
    Bn, C, H, Wg = feat.shape
    CE = W.shape[0]
    return pl.pallas_call(
        _score_grid_body,
        grid=(Bn, H // HB),
        in_specs=[
            pl.BlockSpec((1, C, HB, Wg), lambda bi, i: (bi, 0, i, 0)),
            pl.BlockSpec((CE, C), lambda bi, i: (0, 0)),
            pl.BlockSpec((1, CE), lambda bi, i: (0, 0)),
            pl.BlockSpec((1, CE), lambda bi, i: (0, 0)),
        ],
        out_specs=pl.BlockSpec((1, 1, HB, Wg), lambda bi, i: (bi, 0, i, 0)),
        out_shape=jax.ShapeDtypeStruct((Bn, 1, H, Wg), jnp.float32),
        compiler_params=pltpu.CompilerParams(
            dimension_semantics=("parallel", "parallel")),
    )(feat, W, a.reshape(1, CE), b.reshape(1, CE))


def _point_body(p_ref, sv_ref, sr_ref, w_ref, b_ref, a_ref,
                xp_ref, av_ref, ar_ref):
    emb = lax.dot_general(w_ref[...], p_ref[0],
                          (((1,), (1,)), ((), ())),
                          preferred_element_type=jnp.float32) + b_ref[...]
    sp = jnp.sum(emb * a_ref[...], axis=0, keepdims=True)
    sv = sv_ref[0]
    sr = sr_ref[0]
    m = jnp.maximum(sp, jnp.maximum(sv, sr))
    ep = jnp.exp(sp - m)
    ev = jnp.exp(sv - m)
    er = jnp.exp(sr - m)
    inv = 1.0 / (ep + ev + er)
    xp_ref[0] = emb * (ep * inv)
    av_ref[0] = ev * inv
    ar_ref[0] = er * inv


def _point_kernel(pT, sv_pt, sr_pt, Wp, bp, ap, T):
    Bn, N, C = pT.shape
    CE = Wp.shape[0]
    nt = pl.cdiv(N, T)
    return pl.pallas_call(
        _point_body,
        grid=(Bn, nt),
        in_specs=[
            pl.BlockSpec((1, T, C), lambda bi, i: (bi, i, 0)),
            pl.BlockSpec((1, 1, T), lambda bi, i: (bi, 0, i)),
            pl.BlockSpec((1, 1, T), lambda bi, i: (bi, 0, i)),
            pl.BlockSpec((CE, C), lambda bi, i: (0, 0)),
            pl.BlockSpec((CE, 1), lambda bi, i: (0, 0)),
            pl.BlockSpec((CE, 1), lambda bi, i: (0, 0)),
        ],
        out_specs=[
            pl.BlockSpec((1, CE, T), lambda bi, i: (bi, 0, i)),
            pl.BlockSpec((1, 1, T), lambda bi, i: (bi, 0, i)),
            pl.BlockSpec((1, 1, T), lambda bi, i: (bi, 0, i)),
        ],
        out_shape=[
            jax.ShapeDtypeStruct((Bn, CE, N), jnp.float32),
            jax.ShapeDtypeStruct((Bn, 1, N), jnp.float32),
            jax.ShapeDtypeStruct((Bn, 1, N), jnp.float32),
        ],
        compiler_params=pltpu.CompilerParams(
            dimension_semantics=("parallel", "parallel")),
    )(pT, sv_pt, sr_pt, Wp, bp.reshape(CE, 1), ap.reshape(CE, 1))


def _map_body(hb, wg, f_ref, w_ref, b_ref, wt_ref, o_ref):
    for h in range(hb):
        emb = jnp.dot(w_ref[...], f_ref[0, :, h, :],
                      preferred_element_type=jnp.float32) + b_ref[...]
        o_ref[0, :, h, :] = emb * wt_ref[pl.ds(h * wg, wg)][None, :]


def _map_kernel(feat, W, b, wt, HB):
    Bn, C, H, Wg = feat.shape
    CE = W.shape[0]
    nh = H // HB
    return pl.pallas_call(
        functools.partial(_map_body, HB, Wg),
        grid=(Bn, nh),
        in_specs=[
            pl.BlockSpec((1, C, HB, Wg), lambda bi, i: (bi, 0, i, 0)),
            pl.BlockSpec((CE, C), lambda bi, i: (0, 0)),
            pl.BlockSpec((CE, 1), lambda bi, i: (0, 0)),
            pl.BlockSpec((HB * Wg,), lambda bi, i, nh=nh: (bi * nh + i,)),
        ],
        out_specs=pl.BlockSpec((1, CE, HB, Wg), lambda bi, i: (bi, 0, i, 0)),
        out_shape=jax.ShapeDtypeStruct((Bn, CE, H, Wg), jnp.float32),
        compiler_params=pltpu.CompilerParams(
            dimension_semantics=("parallel", "parallel")),
    )(feat, W, b.reshape(CE, 1), wt)



def _sc_gather(tab, lin):
    PT = lin.shape[0]
    CH, CHL = _split(PT)
    mesh = plsc.VectorSubcoreMesh(core_axis_name="c", subcore_axis_name="s")

    @functools.partial(
        pl.kernel, mesh=mesh,
        out_type=jax.ShapeDtypeStruct((PT,), jnp.float32),
        scratch_types=[pltpu.VMEM((CH,), jnp.int32),
                       pltpu.VMEM((CH,), jnp.float32),
                       pltpu.VMEM((CHL,), jnp.int32),
                       pltpu.VMEM((CHL,), jnp.float32),
                       pltpu.SemaphoreType.DMA],
    )
    def gk(tab_h, lin_h, out_h, iv, rv, ivt, rvt, sem):
        wid = lax.axis_index("s") * _NC + lax.axis_index("c")
        base = wid * CH

        @pl.when(wid < _NW - 1)
        def _main():
            pltpu.sync_copy(lin_h.at[pl.ds(base, CH)], iv)
            pltpu.async_copy(tab_h.at[iv], rv, sem).wait()
            pltpu.sync_copy(rv, out_h.at[pl.ds(base, CH)])

        @pl.when(wid == _NW - 1)
        def _tail():
            pltpu.sync_copy(lin_h.at[pl.ds(base, CHL)], ivt)
            pltpu.async_copy(tab_h.at[ivt], rvt, sem).wait()
            pltpu.sync_copy(rvt, out_h.at[pl.ds(base, CHL)])

    return gk(tab, lin)


def _sc_scatter(avals, rvals, linv, linr, zrow, GVt, GRt):
    PT = avals.shape[0]
    CH, CHL = _split(PT, _NS)
    SGV = GVt // _NS
    SGR = GRt // _NS
    mesh = plsc.VectorSubcoreMesh(core_axis_name="c", subcore_axis_name="s")

    @functools.partial(
        pl.kernel, mesh=mesh,
        out_type=[jax.ShapeDtypeStruct((GVt,), jnp.float32),
                  jax.ShapeDtypeStruct((GRt,), jnp.float32)],
        scratch_types=[pltpu.VMEM((CH,), jnp.int32),
                       pltpu.VMEM((CH,), jnp.float32),
                       pltpu.VMEM((CHL,), jnp.int32),
                       pltpu.VMEM((CHL,), jnp.float32),
                       pltpu.VMEM_SHARED((GVt,), jnp.float32),
                       pltpu.VMEM_SHARED((GRt,), jnp.float32),
                       pltpu.SemaphoreType.DMA],
    )
    def sk(av_h, ar_h, lv_h, lr_h, z_h, ov_h, or_h,
           iv, vv, ivt, vvt, accv, accr, sem):
        cid = lax.axis_index("c")
        sid = lax.axis_index("s")
        base = sid * CH

        @pl.when(cid == 0)
        def _zv():
            pltpu.sync_copy(z_h.at[pl.ds(0, SGV)],
                            accv.at[pl.ds(sid * SGV, SGV)])

        @pl.when(cid == 1)
        def _zr():
            pltpu.sync_copy(z_h.at[pl.ds(0, SGR)],
                            accr.at[pl.ds(sid * SGR, SGR)])

        plsc.subcore_barrier()

        @pl.when((cid == 0) & (sid < _NS - 1))
        def _v_main():
            pltpu.sync_copy(lv_h.at[pl.ds(base, CH)], iv)
            pltpu.sync_copy(av_h.at[pl.ds(base, CH)], vv)
            pltpu.sync_copy(vv, accv.at[iv], add=True)

        @pl.when((cid == 0) & (sid == _NS - 1))
        def _v_tail():
            pltpu.sync_copy(lv_h.at[pl.ds(base, CHL)], ivt)
            pltpu.sync_copy(av_h.at[pl.ds(base, CHL)], vvt)
            pltpu.sync_copy(vvt, accv.at[ivt], add=True)

        @pl.when((cid == 1) & (sid < _NS - 1))
        def _r_main():
            pltpu.sync_copy(lr_h.at[pl.ds(base, CH)], iv)
            pltpu.sync_copy(ar_h.at[pl.ds(base, CH)], vv)
            pltpu.sync_copy(vv, accr.at[iv], add=True)

        @pl.when((cid == 1) & (sid == _NS - 1))
        def _r_tail():
            pltpu.sync_copy(lr_h.at[pl.ds(base, CHL)], ivt)
            pltpu.sync_copy(ar_h.at[pl.ds(base, CHL)], vvt)
            pltpu.sync_copy(vvt, accr.at[ivt], add=True)

        plsc.subcore_barrier()

        @pl.when(cid == 0)
        def _pv():
            pltpu.sync_copy(accv.at[pl.ds(sid * SGV, SGV)],
                            ov_h.at[pl.ds(sid * SGV, SGV)])

        @pl.when(cid == 1)
        def _pr():
            pltpu.sync_copy(accr.at[pl.ds(sid * SGR, SGR)],
                            or_h.at[pl.ds(sid * SGR, SGR)])

    return sk(avals, rvals, linv, linr, zrow)



def kernel(p_feat, v_feat, r_feat, v2p_ind, r2p_ind,
           Wp, bp, Wv, bv, Wr, br, ap, av, ar):
    B, CP, N = p_feat.shape
    CV, HV, WVG = v_feat.shape[1:]
    CR, HR, WRG = r_feat.shape[1:]
    CE = Wp.shape[0]
    GV = HV * WVG
    GR = HR * WRG

    sv_grid = _score_grid(v_feat, Wv, av, bv, HB=64)
    sr_grid = _score_grid(r_feat, Wr, ar, br, HB=32)


    viT = jnp.transpose(v2p_ind, (0, 2, 1)).astype(jnp.int32)
    riT = jnp.transpose(r2p_ind, (0, 2, 1)).astype(jnp.int32)
    offv = (jnp.arange(B, dtype=jnp.int32) * GV)[:, None]
    offr = (jnp.arange(B, dtype=jnp.int32) * GR)[:, None]
    linv = (viT[:, 0, :] * WVG + viT[:, 1, :] + offv).reshape(-1)
    linr = (riT[:, 0, :] * WRG + riT[:, 1, :] + offr).reshape(-1)


    sv_pt = _sc_gather(sv_grid.reshape(-1), linv).reshape(B, 1, N)
    sr_pt = _sc_gather(sr_grid.reshape(-1), linr).reshape(B, 1, N)

    pT = jnp.transpose(p_feat, (0, 2, 1))
    xp, alpha_v, alpha_r = _point_kernel(pT, sv_pt, sr_pt, Wp, bp, ap,
                                         T=12544)

    zrow = jnp.zeros((B * GR // _NS,), jnp.float32)
    wv, wr = _sc_scatter(alpha_v.reshape(-1), alpha_r.reshape(-1),
                         linv, linr, zrow, B * GV, B * GR)

    xv = _map_kernel(v_feat, Wv, bv, wv, HB=64)
    xr = _map_kernel(r_feat, Wr, br, wr, HB=16)
    return (xp, xv, xr)

# --- scband reference (transcript-rebuilt; emitter-appended) ---
"""Pipeline reference for scband-attention-block-14345190768931 (READ-ONLY COPY).

The authoritative reference and input builder live on the scoring server;
editing this copy changes nothing except your own understanding.
"""

import jax, jax.numpy as jnp
import numpy as np

B, N = 2, 100000
CP, CV, CR, CE = 128, 64, 20, 64
HV, WVG = 256, 256
HR, WRG = 64, 2048


def setup_inputs(seed: int = 0):
    key = jax.random.key(seed)
    ks = jax.random.split(key, 12)
    p_feat = jax.random.normal(ks[0], (B, CP, N), dtype=jnp.float32)
    v_feat = jax.random.normal(ks[1], (B, CV, HV, WVG), dtype=jnp.float32)
    r_feat = jax.random.normal(ks[2], (B, CR, HR, WRG), dtype=jnp.float32)
    v2p_ind = jax.random.randint(ks[3], (B, N, 2), 0, 256, dtype=jnp.int64)
    r2p_ind = jax.random.randint(ks[4], (B, N, 2), 0, 64, dtype=jnp.int64)
    Wp = jax.random.normal(ks[5], (CE, CP), dtype=jnp.float32) * 0.05
    bp = jnp.zeros((CE,), dtype=jnp.float32)
    Wv = jax.random.normal(ks[6], (CE, CV), dtype=jnp.float32) * 0.05
    bv = jnp.zeros((CE,), dtype=jnp.float32)
    Wr = jax.random.normal(ks[7], (CE, CR), dtype=jnp.float32) * 0.05
    br = jnp.zeros((CE,), dtype=jnp.float32)
    ap = jax.random.normal(ks[8], (CE,), dtype=jnp.float32) * 0.05
    av = jax.random.normal(ks[9], (CE,), dtype=jnp.float32) * 0.05
    ar = jax.random.normal(ks[10], (CE,), dtype=jnp.float32) * 0.05
    return {"p_feat": p_feat, "v_feat": v_feat, "r_feat": r_feat,
            "v2p_ind": v2p_ind, "r2p_ind": r2p_ind,
            "Wp": Wp, "bp": bp, "Wv": Wv, "bv": bv, "Wr": Wr, "br": br,
            "ap": ap, "av": av, "ar": ar}


def _c2p(grid, ind):
    # grid: [B, C, H, W], ind: [B, N, 2] -> [B, C, N]
    def g(gr, ix):
        return gr[:, ix[:, 0], ix[:, 1]]
    return jax.vmap(g)(grid, ind)


def _p2c(pt, ind, H, W):
    # pt: [B, C, N], ind: [B, N, 2] -> scatter-add into [B, C, H, W]
    def sct(p, ix):
        lin = ix[:, 0] * W + ix[:, 1]
        flat = jnp.zeros((p.shape[0], H * W), p.dtype)
        return flat.at[:, lin].add(p).reshape(p.shape[0], H, W)
    return jax.vmap(sct)(pt, ind)


def reference(p_feat, v_feat, r_feat, v2p_ind, r2p_ind, Wp, bp, Wv, bv, Wr, br, ap, av, ar):
    # c2p_map: gather voxel / range-image features to each point (features detached)
    v_pt = _c2p(jax.lax.stop_gradient(v_feat), v2p_ind)
    r_pt = _c2p(jax.lax.stop_gradient(r_feat), r2p_ind)
    # attent1d: 1x1-conv embeddings per modality + softmax attention over modalities
    emb_p = jnp.einsum('ec,bcn->ben', Wp, p_feat) + bp[None, :, None]
    emb_v = jnp.einsum('ec,bcn->ben', Wv, v_pt) + bv[None, :, None]
    emb_r = jnp.einsum('ec,bcn->ben', Wr, r_pt) + br[None, :, None]
    s = jnp.stack([jnp.einsum('e,ben->bn', ap, emb_p),
                   jnp.einsum('e,ben->bn', av, emb_v),
                   jnp.einsum('e,ben->bn', ar, emb_r)], axis=1)
    alpha = jax.nn.softmax(s, axis=1)
    xp = alpha[:, 0:1, :] * emb_p
    xv = alpha[:, 1:2, :] * emb_v
    xr = alpha[:, 2:3, :] * emb_r
    # p2c_map: scatter point features back onto voxel / range grids
    xv_mapped = _p2c(xv, v2p_ind, HV, WVG)
    xr_mapped = _p2c(xr, r2p_ind, HR, WRG)
    return (xp, xv_mapped, xr_mapped)

if __name__ == "__main__":
    import jax
    _d = setup_inputs()
    print(jax.jit(kernel)(*tuple(_d.values())))

</pallas_src>

<mosaic_0001>
#map = affine_map<(d0, d1) -> (0)>
module attributes {stable_mosaic.version = 14 : i64} {
  func.func @gk(%arg0: i32, %arg1: i32, %arg2: memref<131072xf32, #tpu.memory_space<hbm>>, %arg3: memref<200000xi32, #tpu.memory_space<hbm>>, %arg4: memref<200000xf32, #tpu.memory_space<hbm>>, %arg5: memref<6256xi32, #tpu.memory_space<vmem>>, %arg6: memref<6256xf32, #tpu.memory_space<vmem>>, %arg7: memref<6064xi32, #tpu.memory_space<vmem>>, %arg8: memref<6064xf32, #tpu.memory_space<vmem>>, %arg9: memref<!tpu.dma_semaphore, #tpu.memory_space<semaphore_mem>>) attributes {dimension_semantics = [#tpu.dimension_semantics<core_parallel>, #tpu.dimension_semantics<subcore_parallel>], iteration_bounds = array<i64: 2, 16>, scalar_prefetch = 0 : i64, scratch_operands = 5 : i64, tpu.core_type = #tpu.core_type<sc_vector_subcore>, window_params = [{transform_indices = #map}, {transform_indices = #map}, {transform_indices = #map}]} {
    %mul3A = arith.constant 2 : i32
    %mul3A_0 = arith.muli %arg1, %mul3A : i32
    %add3A = arith.addi %mul3A_0, %arg0 : i32
    %mul3A_1 = arith.constant 6256 : i32
    %mul3A_2 = arith.muli %add3A, %mul3A_1 : i32
    %lt3A = arith.constant 31 : i32
    %lt3A_3 = arith.cmpi slt, %add3A, %lt3A : i32
    %convert_element_type3A = arith.extui %lt3A_3 : i1 to i32
    %cond3A = arith.constant 0 : i32
    %cond3A_4 = arith.cmpi ne, %convert_element_type3A, %cond3A : i32
    scf.if %cond3A_4 {
      "tpu.region"() ({
        %run_scoped3A = tpu.sem_alloc : memref<!tpu.dma_semaphore, #tpu.memory_space<semaphore_mem>>
        %dma_start3A_11 = tpu.memref_slice %arg3[%mul3A_2] : memref<200000xi32, #tpu.memory_space<hbm>> -> memref<6256xi32, #tpu.memory_space<hbm>>
        %dma_start3A_12 = tpu.memref_slice %arg3[%mul3A_2] : memref<200000xi32, #tpu.memory_space<hbm>> -> memref<6256xi32, #tpu.memory_space<hbm>>
        tpu.enqueue_dma source(%dma_start3A_12 : memref<6256xi32, #tpu.memory_space<hbm>>) target(%arg5 : memref<6256xi32, #tpu.memory_space<vmem>>) target_semaphore(%run_scoped3A : memref<!tpu.dma_semaphore, #tpu.memory_space<semaphore_mem>>)
        %dma_wait3A_13 = tpu.memref_slice %arg3[%mul3A_2] : memref<200000xi32, #tpu.memory_space<hbm>> -> memref<6256xi32, #tpu.memory_space<hbm>>
        %dma_wait3A_14 = tpu.memref_slice %arg3[%mul3A_2] : memref<200000xi32, #tpu.memory_space<hbm>> -> memref<6256xi32, #tpu.memory_space<hbm>>
        tpu.wait_dma2 semaphore(%run_scoped3A : memref<!tpu.dma_semaphore, #tpu.memory_space<semaphore_mem>>) src(%dma_wait3A_14 : memref<6256xi32, #tpu.memory_space<hbm>>) dst(%arg5 : memref<6256xi32, #tpu.memory_space<vmem>>)
        tpu.yield
      }) : () -> ()
      %dma_start3A = arith.constant 0 : i32
      %dma_start3A_9 = tpu.memref_slice %arg2[%dma_start3A] : memref<131072xf32, #tpu.memory_space<hbm>> -> memref<131072xf32, #tpu.memory_space<hbm>>
      tpu.enqueue_indirect_dma source(%dma_start3A_9 : memref<131072xf32, #tpu.memory_space<hbm>>) target(%arg6 : memref<6256xf32, #tpu.memory_space<vmem>>) offsets(%arg5 : memref<6256xi32, #tpu.memory_space<vmem>>) semaphore(%arg9 : memref<!tpu.dma_semaphore, #tpu.memory_space<semaphore_mem>>)
      %dma_wait3A = arith.constant 0 : i32
      %dma_wait3A_10 = tpu.memref_slice %arg2[%dma_wait3A] : memref<131072xf32, #tpu.memory_space<hbm>> -> memref<131072xf32, #tpu.memory_space<hbm>>
      tpu.wait_indirect_dma semaphore(%arg9 : memref<!tpu.dma_semaphore, #tpu.memory_space<semaphore_mem>>) src(%dma_wait3A_10 : memref<131072xf32, #tpu.memory_space<hbm>>) dst(%arg6 : memref<6256xf32, #tpu.memory_space<vmem>>)
      "tpu.region"() ({
        %run_scoped3A = tpu.sem_alloc : memref<!tpu.dma_semaphore, #tpu.memory_space<semaphore_mem>>
        %dma_start3A_11 = tpu.memref_slice %arg4[%mul3A_2] : memref<200000xf32, #tpu.memory_space<hbm>> -> memref<6256xf32, #tpu.memory_space<hbm>>
        %dma_start3A_12 = tpu.memref_slice %arg4[%mul3A_2] : memref<200000xf32, #tpu.memory_space<hbm>> -> memref<6256xf32, #tpu.memory_space<hbm>>
        tpu.enqueue_dma source(%arg6 : memref<6256xf32, #tpu.memory_space<vmem>>) target(%dma_start3A_12 : memref<6256xf32, #tpu.memory_space<hbm>>) target_semaphore(%run_scoped3A : memref<!tpu.dma_semaphore, #tpu.memory_space<semaphore_mem>>)
        %dma_wait3A_13 = tpu.memref_slice %arg4[%mul3A_2] : memref<200000xf32, #tpu.memory_space<hbm>> -> memref<6256xf32, #tpu.memory_space<hbm>>
        %dma_wait3A_14 = tpu.memref_slice %arg4[%mul3A_2] : memref<200000xf32, #tpu.memory_space<hbm>> -> memref<6256xf32, #tpu.memory_space<hbm>>
        tpu.wait_dma2 semaphore(%run_scoped3A : memref<!tpu.dma_semaphore, #tpu.memory_space<semaphore_mem>>) src(%arg6 : memref<6256xf32, #tpu.memory_space<vmem>>) dst(%dma_wait3A_14 : memref<6256xf32, #tpu.memory_space<hbm>>)
        tpu.yield
      }) : () -> ()
    } else {
    }
    %eq3A = arith.constant 31 : i32
    %eq3A_5 = arith.cmpi eq, %add3A, %eq3A : i32
    %convert_element_type3A_6 = arith.extui %eq3A_5 : i1 to i32
    %cond3A_7 = arith.constant 0 : i32
    %cond3A_8 = arith.cmpi ne, %convert_element_type3A_6, %cond3A_7 : i32
    scf.if %cond3A_8 {
      "tpu.region"() ({
        %run_scoped3A = tpu.sem_alloc : memref<!tpu.dma_semaphore, #tpu.memory_space<semaphore_mem>>
        %dma_start3A_11 = tpu.memref_slice %arg3[%mul3A_2] : memref<200000xi32, #tpu.memory_space<hbm>> -> memref<6064xi32, #tpu.memory_space<hbm>>
        %dma_start3A_12 = tpu.memref_slice %arg3[%mul3A_2] : memref<200000xi32, #tpu.memory_space<hbm>> -> memref<6064xi32, #tpu.memory_space<hbm>>
        tpu.enqueue_dma source(%dma_start3A_12 : memref<6064xi32, #tpu.memory_space<hbm>>) target(%arg7 : memref<6064xi32, #tpu.memory_space<vmem>>) target_semaphore(%run_scoped3A : memref<!tpu.dma_semaphore, #tpu.memory_space<semaphore_mem>>)
        %dma_wait3A_13 = tpu.memref_slice %arg3[%mul3A_2] : memref<200000xi32, #tpu.memory_space<hbm>> -> memref<6064xi32, #tpu.memory_space<hbm>>
        %dma_wait3A_14 = tpu.memref_slice %arg3[%mul3A_2] : memref<200000xi32, #tpu.memory_space<hbm>> -> memref<6064xi32, #tpu.memory_space<hbm>>
        tpu.wait_dma2 semaphore(%run_scoped3A : memref<!tpu.dma_semaphore, #tpu.memory_space<semaphore_mem>>) src(%dma_wait3A_14 : memref<6064xi32, #tpu.memory_space<hbm>>) dst(%arg7 : memref<6064xi32, #tpu.memory_space<vmem>>)
        tpu.yield
      }) : () -> ()
      %dma_start3A = arith.constant 0 : i32
      %dma_start3A_9 = tpu.memref_slice %arg2[%dma_start3A] : memref<131072xf32, #tpu.memory_space<hbm>> -> memref<131072xf32, #tpu.memory_space<hbm>>
      tpu.enqueue_indirect_dma source(%dma_start3A_9 : memref<131072xf32, #tpu.memory_space<hbm>>) target(%arg8 : memref<6064xf32, #tpu.memory_space<vmem>>) offsets(%arg7 : memref<6064xi32, #tpu.memory_space<vmem>>) semaphore(%arg9 : memref<!tpu.dma_semaphore, #tpu.memory_space<semaphore_mem>>)
      %dma_wait3A = arith.constant 0 : i32
      %dma_wait3A_10 = tpu.memref_slice %arg2[%dma_wait3A] : memref<131072xf32, #tpu.memory_space<hbm>> -> memref<131072xf32, #tpu.memory_space<hbm>>
      tpu.wait_indirect_dma semaphore(%arg9 : memref<!tpu.dma_semaphore, #tpu.memory_space<semaphore_mem>>) src(%dma_wait3A_10 : memref<131072xf32, #tpu.memory_space<hbm>>) dst(%arg8 : memref<6064xf32, #tpu.memory_space<vmem>>)
      "tpu.region"() ({
        %run_scoped3A = tpu.sem_alloc : memref<!tpu.dma_semaphore, #tpu.memory_space<semaphore_mem>>
        %dma_start3A_11 = tpu.memref_slice %arg4[%mul3A_2] : memref<200000xf32, #tpu.memory_space<hbm>> -> memref<6064xf32, #tpu.memory_space<hbm>>
        %dma_start3A_12 = tpu.memref_slice %arg4[%mul3A_2] : memref<200000xf32, #tpu.memory_space<hbm>> -> memref<6064xf32, #tpu.memory_space<hbm>>
        tpu.enqueue_dma source(%arg8 : memref<6064xf32, #tpu.memory_space<vmem>>) target(%dma_start3A_12 : memref<6064xf32, #tpu.memory_space<hbm>>) target_semaphore(%run_scoped3A : memref<!tpu.dma_semaphore, #tpu.memory_space<semaphore_mem>>)
        %dma_wait3A_13 = tpu.memref_slice %arg4[%mul3A_2] : memref<200000xf32, #tpu.memory_space<hbm>> -> memref<6064xf32, #tpu.memory_space<hbm>>
        %dma_wait3A_14 = tpu.memref_slice %arg4[%mul3A_2] : memref<200000xf32, #tpu.memory_space<hbm>> -> memref<6064xf32, #tpu.memory_space<hbm>>
        tpu.wait_dma2 semaphore(%run_scoped3A : memref<!tpu.dma_semaphore, #tpu.memory_space<semaphore_mem>>) src(%arg8 : memref<6064xf32, #tpu.memory_space<vmem>>) dst(%dma_wait3A_14 : memref<6064xf32, #tpu.memory_space<hbm>>)
        tpu.yield
      }) : () -> ()
    } else {
    }
    return
  }
}

#map = affine_map<(d0, d1) -> (0)>
module attributes {stable_mosaic.version = 14 : i64} {
  func.func @sk(%arg0: i32, %arg1: i32, %arg2: memref<200000xf32, #tpu.memory_space<hbm>>, %arg3: memref<200000xf32, #tpu.memory_space<hbm>>, %arg4: memref<200000xi32, #tpu.memory_space<hbm>>, %arg5: memref<200000xi32, #tpu.memory_space<hbm>>, %arg6: memref<16384xf32, #tpu.memory_space<hbm>>, %arg7: memref<131072xf32, #tpu.memory_space<hbm>>, %arg8: memref<262144xf32, #tpu.memory_space<hbm>>, %arg9: memref<12504xi32, #tpu.memory_space<vmem>>, %arg10: memref<12504xf32, #tpu.memory_space<vmem>>, %arg11: memref<12440xi32, #tpu.memory_space<vmem>>, %arg12: memref<12440xf32, #tpu.memory_space<vmem>>, %arg13: memref<131072xf32, #tpu.memory_space<vmem_shared>>, %arg14: memref<262144xf32, #tpu.memory_space<vmem_shared>>, %arg15: memref<!tpu.dma_semaphore, #tpu.memory_space<semaphore_mem>>) attributes {dimension_semantics = [#tpu.dimension_semantics<core_parallel>, #tpu.dimension_semantics<subcore_parallel>], iteration_bounds = array<i64: 2, 16>, scalar_prefetch = 0 : i64, scratch_operands = 7 : i64, tpu.core_type = #tpu.core_type<sc_vector_subcore>, window_params = [{transform_indices = #map}, {transform_indices = #map}, {transform_indices = #map}, {transform_indices = #map}, {transform_indices = #map}, {transform_indices = #map}, {transform_indices = #map}]} {
    %mul3A = arith.constant 12504 : i32
    %mul3A_0 = arith.muli %arg1, %mul3A : i32
    %eq3A = arith.constant 0 : i32
    %eq3A_1 = arith.cmpi eq, %arg0, %eq3A : i32
    %convert_element_type3A = arith.extui %eq3A_1 : i1 to i32
    %cond3A = arith.constant 0 : i32
    %cond3A_2 = arith.cmpi ne, %convert_element_type3A, %cond3A : i32
    scf.if %cond3A_2 {
      %mul3A_49 = arith.constant 8192 : i32
      %mul3A_50 = arith.muli %arg1, %mul3A_49 : i32
      "tpu.region"() ({
        %run_scoped3A = tpu.sem_alloc : memref<!tpu.dma_semaphore, #tpu.memory_space<semaphore_mem>>
        %dma_start3A = tpu.memref_slice %arg13[%mul3A_50] : memref<131072xf32, #tpu.memory_space<vmem_shared>> -> memref<8192xf32, #tpu.memory_space<vmem_shared>>
        %dma_start3A_51 = arith.constant 0 : i32
        %dma_start3A_52 = tpu.memref_slice %arg6[%dma_start3A_51] : memref<16384xf32, #tpu.memory_space<hbm>> -> memref<8192xf32, #tpu.memory_space<hbm>>
        tpu.enqueue_dma source(%dma_start3A_52 : memref<8192xf32, #tpu.memory_space<hbm>>) target(%dma_start3A : memref<8192xf32, #tpu.memory_space<vmem_shared>>) target_semaphore(%run_scoped3A : memref<!tpu.dma_semaphore, #tpu.memory_space<semaphore_mem>>)
        %dma_wait3A = tpu.memref_slice %arg13[%mul3A_50] : memref<131072xf32, #tpu.memory_space<vmem_shared>> -> memref<8192xf32, #tpu.memory_space<vmem_shared>>
        %dma_wait3A_53 = arith.constant 0 : i32
        %dma_wait3A_54 = tpu.memref_slice %arg6[%dma_wait3A_53] : memref<16384xf32, #tpu.memory_space<hbm>> -> memref<8192xf32, #tpu.memory_space<hbm>>
        tpu.wait_dma2 semaphore(%run_scoped3A : memref<!tpu.dma_semaphore, #tpu.memory_space<semaphore_mem>>) src(%dma_wait3A_54 : memref<8192xf32, #tpu.memory_space<hbm>>) dst(%dma_wait3A : memref<8192xf32, #tpu.memory_space<vmem_shared>>)
        tpu.yield
      }) : () -> ()
    } else {
    }
    %eq3A_3 = arith.constant 1 : i32
    %eq3A_4 = arith.cmpi eq, %arg0, %eq3A_3 : i32
    %convert_element_type3A_5 = arith.extui %eq3A_4 : i1 to i32
    %cond3A_6 = arith.constant 0 : i32
    %cond3A_7 = arith.cmpi ne, %convert_element_type3A_5, %cond3A_6 : i32
    scf.if %cond3A_7 {
      %mul3A_49 = arith.constant 16384 : i32
      %mul3A_50 = arith.muli %arg1, %mul3A_49 : i32
      "tpu.region"() ({
        %run_scoped3A = tpu.sem_alloc : memref<!tpu.dma_semaphore, #tpu.memory_space<semaphore_mem>>
        %dma_start3A = tpu.memref_slice %arg14[%mul3A_50] : memref<262144xf32, #tpu.memory_space<vmem_shared>> -> memref<16384xf32, #tpu.memory_space<vmem_shared>>
        %dma_start3A_51 = arith.constant 0 : i32
        %dma_start3A_52 = tpu.memref_slice %arg6[%dma_start3A_51] : memref<16384xf32, #tpu.memory_space<hbm>> -> memref<16384xf32, #tpu.memory_space<hbm>>
        tpu.enqueue_dma source(%dma_start3A_52 : memref<16384xf32, #tpu.memory_space<hbm>>) target(%dma_start3A : memref<16384xf32, #tpu.memory_space<vmem_shared>>) target_semaphore(%run_scoped3A : memref<!tpu.dma_semaphore, #tpu.memory_space<semaphore_mem>>)
        %dma_wait3A = tpu.memref_slice %arg14[%mul3A_50] : memref<262144xf32, #tpu.memory_space<vmem_shared>> -> memref<16384xf32, #tpu.memory_space<vmem_shared>>
        %dma_wait3A_53 = arith.constant 0 : i32
        %dma_wait3A_54 = tpu.memref_slice %arg6[%dma_wait3A_53] : memref<16384xf32, #tpu.memory_space<hbm>> -> memref<16384xf32, #tpu.memory_space<hbm>>
        tpu.wait_dma2 semaphore(%run_scoped3A : memref<!tpu.dma_semaphore, #tpu.memory_space<semaphore_mem>>) src(%dma_wait3A_54 : memref<16384xf32, #tpu.memory_space<hbm>>) dst(%dma_wait3A : memref<16384xf32, #tpu.memory_space<vmem_shared>>)
        tpu.yield
      }) : () -> ()
    } else {
    }
    %barrier3A = arith.constant 0 : index
    tpu.barrier barrier_id(%barrier3A)
    %eq3A_8 = arith.constant 0 : i32
    %eq3A_9 = arith.cmpi eq, %arg0, %eq3A_8 : i32
    %lt3A = arith.constant 15 : i32
    %lt3A_10 = arith.cmpi slt, %arg1, %lt3A : i32
    %and3A = arith.andi %eq3A_9, %lt3A_10 : i1
    %convert_element_type3A_11 = arith.extui %and3A : i1 to i32
    %cond3A_12 = arith.constant 0 : i32
    %cond3A_13 = arith.cmpi ne, %convert_element_type3A_11, %cond3A_12 : i32
    scf.if %cond3A_13 {
      "tpu.region"() ({
        %run_scoped3A = tpu.sem_alloc : memref<!tpu.dma_semaphore, #tpu.memory_space<semaphore_mem>>
        %dma_start3A = tpu.memref_slice %arg4[%mul3A_0] : memref<200000xi32, #tpu.memory_space<hbm>> -> memref<12504xi32, #tpu.memory_space<hbm>>
        %dma_start3A_49 = tpu.memref_slice %arg4[%mul3A_0] : memref<200000xi32, #tpu.memory_space<hbm>> -> memref<12504xi32, #tpu.memory_space<hbm>>
        tpu.enqueue_dma source(%dma_start3A_49 : memref<12504xi32, #tpu.memory_space<hbm>>) target(%arg9 : memref<12504xi32, #tpu.memory_space<vmem>>) target_semaphore(%run_scoped3A : memref<!tpu.dma_semaphore, #tpu.memory_space<semaphore_mem>>)
        %dma_wait3A = tpu.memref_slice %arg4[%mul3A_0] : memref<200000xi32, #tpu.memory_space<hbm>> -> memref<12504xi32, #tpu.memory_space<hbm>>
        %dma_wait3A_50 = tpu.memref_slice %arg4[%mul3A_0] : memref<200000xi32, #tpu.memory_space<hbm>> -> memref<12504xi32, #tpu.memory_space<hbm>>
        tpu.wait_dma2 semaphore(%run_scoped3A : memref<!tpu.dma_semaphore, #tpu.memory_space<semaphore_mem>>) src(%dma_wait3A_50 : memref<12504xi32, #tpu.memory_space<hbm>>) dst(%arg9 : memref<12504xi32, #tpu.memory_space<vmem>>)
        tpu.yield
      }) : () -> ()
      "tpu.region"() ({
        %run_scoped3A = tpu.sem_alloc : memref<!tpu.dma_semaphore, #tpu.memory_space<semaphore_mem>>
        %dma_start3A = tpu.memref_slice %arg2[%mul3A_0] : memref<200000xf32, #tpu.memory_space<hbm>> -> memref<12504xf32, #tpu.memory_space<hbm>>
        %dma_start3A_49 = tpu.memref_slice %arg2[%mul3A_0] : memref<200000xf32, #tpu.memory_space<hbm>> -> memref<12504xf32, #tpu.memory_space<hbm>>
        tpu.enqueue_dma source(%dma_start3A_49 : memref<12504xf32, #tpu.memory_space<hbm>>) target(%arg10 : memref<12504xf32, #tpu.memory_space<vmem>>) target_semaphore(%run_scoped3A : memref<!tpu.dma_semaphore, #tpu.memory_space<semaphore_mem>>)
        %dma_wait3A = tpu.memref_slice %arg2[%mul3A_0] : memref<200000xf32, #tpu.memory_space<hbm>> -> memref<12504xf32, #tpu.memory_space<hbm>>
        %dma_wait3A_50 = tpu.memref_slice %arg2[%mul3A_0] : memref<200000xf32, #tpu.memory_space<hbm>> -> memref<12504xf32, #tpu.memory_space<hbm>>
        tpu.wait_dma2 semaphore(%run_scoped3A : memref<!tpu.dma_semaphore, #tpu.memory_space<semaphore_mem>>) src(%dma_wait3A_50 : memref<12504xf32, #tpu.memory_space<hbm>>) dst(%arg10 : memref<12504xf32, #tpu.memory_space<vmem>>)
        tpu.yield
      }) : () -> ()
      "tpu.region"() ({
        %run_scoped3A = tpu.sem_alloc : memref<!tpu.dma_semaphore, #tpu.memory_space<semaphore_mem>>
        %dma_start3A = arith.constant 0 : i32
        %dma_start3A_49 = tpu.memref_slice %arg13[%dma_start3A] : memref<131072xf32, #tpu.memory_space<vmem_shared>> -> memref<131072xf32, #tpu.memory_space<vmem_shared>>
        tpu.enqueue_indirect_dma source(%arg10 : memref<12504xf32, #tpu.memory_space<vmem>>) target(%dma_start3A_49 : memref<131072xf32, #tpu.memory_space<vmem_shared>>) offsets(%arg9 : memref<12504xi32, #tpu.memory_space<vmem>>) semaphore(%run_scoped3A : memref<!tpu.dma_semaphore, #tpu.memory_space<semaphore_mem>>) {add = true}
        %dma_wait3A = arith.constant 0 : i32
        %dma_wait3A_50 = tpu.memref_slice %arg13[%dma_wait3A] : memref<131072xf32, #tpu.memory_space<vmem_shared>> -> memref<131072xf32, #tpu.memory_space<vmem_shared>>
        tpu.wait_indirect_dma semaphore(%run_scoped3A : memref<!tpu.dma_semaphore, #tpu.memory_space<semaphore_mem>>) src(%arg10 : memref<12504xf32, #tpu.memory_space<vmem>>) dst(%dma_wait3A_50 : memref<131072xf32, #tpu.memory_space<vmem_shared>>)
        tpu.yield
      }) : () -> ()
    } else {
    }
    %eq3A_14 = arith.constant 0 : i32
    %eq3A_15 = arith.cmpi eq, %arg0, %eq3A_14 : i32
    %eq3A_16 = arith.constant 15 : i32
    %eq3A_17 = arith.cmpi eq, %arg1, %eq3A_16 : i32
    %and3A_18 = arith.andi %eq3A_15, %eq3A_17 : i1
    %convert_element_type3A_19 = arith.extui %and3A_18 : i1 to i32
    %cond3A_20 = arith.constant 0 : i32
    %cond3A_21 = arith.cmpi ne, %convert_element_type3A_19, %cond3A_20 : i32
    scf.if %cond3A_21 {
      "tpu.region"() ({
        %run_scoped3A = tpu.sem_alloc : memref<!tpu.dma_semaphore, #tpu.memory_space<semaphore_mem>>
        %dma_start3A = tpu.memref_slice %arg4[%mul3A_0] : memref<200000xi32, #tpu.memory_space<hbm>> -> memref<12440xi32, #tpu.memory_space<hbm>>
        %dma_start3A_49 = tpu.memref_slice %arg4[%mul3A_0] : memref<200000xi32, #tpu.memory_space<hbm>> -> memref<12440xi32, #tpu.memory_space<hbm>>
        tpu.enqueue_dma source(%dma_start3A_49 : memref<12440xi32, #tpu.memory_space<hbm>>) target(%arg11 : memref<12440xi32, #tpu.memory_space<vmem>>) target_semaphore(%run_scoped3A : memref<!tpu.dma_semaphore, #tpu.memory_space<semaphore_mem>>)
        %dma_wait3A = tpu.memref_slice %arg4[%mul3A_0] : memref<200000xi32, #tpu.memory_space<hbm>> -> memref<12440xi32, #tpu.memory_space<hbm>>
        %dma_wait3A_50 = tpu.memref_slice %arg4[%mul3A_0] : memref<200000xi32, #tpu.memory_space<hbm>> -> memref<12440xi32, #tpu.memory_space<hbm>>
        tpu.wait_dma2 semaphore(%run_scoped3A : memref<!tpu.dma_semaphore, #tpu.memory_space<semaphore_mem>>) src(%dma_wait3A_50 : memref<12440xi32, #tpu.memory_space<hbm>>) dst(%arg11 : memref<12440xi32, #tpu.memory_space<vmem>>)
        tpu.yield
      }) : () -> ()
      "tpu.region"() ({
        %run_scoped3A = tpu.sem_alloc : memref<!tpu.dma_semaphore, #tpu.memory_space<semaphore_mem>>
        %dma_start3A = tpu.memref_slice %arg2[%mul3A_0] : memref<200000xf32, #tpu.memory_space<hbm>> -> memref<12440xf32, #tpu.memory_space<hbm>>
        %dma_start3A_49 = tpu.memref_slice %arg2[%mul3A_0] : memref<200000xf32, #tpu.memory_space<hbm>> -> memref<12440xf32, #tpu.memory_space<hbm>>
        tpu.enqueue_dma source(%dma_start3A_49 : memref<12440xf32, #tpu.memory_space<hbm>>) target(%arg12 : memref<12440xf32, #tpu.memory_space<vmem>>) target_semaphore(%run_scoped3A : memref<!tpu.dma_semaphore, #tpu.memory_space<semaphore_mem>>)
        %dma_wait3A = tpu.memref_slice %arg2[%mul3A_0] : memref<200000xf32, #tpu.memory_space<hbm>> -> memref<12440xf32, #tpu.memory_space<hbm>>
        %dma_wait3A_50 = tpu.memref_slice %arg2[%mul3A_0] : memref<200000xf32, #tpu.memory_space<hbm>> -> memref<12440xf32, #tpu.memory_space<hbm>>
        tpu.wait_dma2 semaphore(%run_scoped3A : memref<!tpu.dma_semaphore, #tpu.memory_space<semaphore_mem>>) src(%dma_wait3A_50 : memref<12440xf32, #tpu.memory_space<hbm>>) dst(%arg12 : memref<12440xf32, #tpu.memory_space<vmem>>)
        tpu.yield
      }) : () -> ()
      "tpu.region"() ({
        %run_scoped3A = tpu.sem_alloc : memref<!tpu.dma_semaphore, #tpu.memory_space<semaphore_mem>>
        %dma_start3A = arith.constant 0 : i32
        %dma_start3A_49 = tpu.memref_slice %arg13[%dma_start3A] : memref<131072xf32, #tpu.memory_space<vmem_shared>> -> memref<131072xf32, #tpu.memory_space<vmem_shared>>
        tpu.enqueue_indirect_dma source(%arg12 : memref<12440xf32, #tpu.memory_space<vmem>>) target(%dma_start3A_49 : memref<131072xf32, #tpu.memory_space<vmem_shared>>) offsets(%arg11 : memref<12440xi32, #tpu.memory_space<vmem>>) semaphore(%run_scoped3A : memref<!tpu.dma_semaphore, #tpu.memory_space<semaphore_mem>>) {add = true}
        %dma_wait3A = arith.constant 0 : i32
        %dma_wait3A_50 = tpu.memref_slice %arg13[%dma_wait3A] : memref<131072xf32, #tpu.memory_space<vmem_shared>> -> memref<131072xf32, #tpu.memory_space<vmem_shared>>
        tpu.wait_indirect_dma semaphore(%run_scoped3A : memref<!tpu.dma_semaphore, #tpu.memory_space<semaphore_mem>>) src(%arg12 : memref<12440xf32, #tpu.memory_space<vmem>>) dst(%dma_wait3A_50 : memref<131072xf32, #tpu.memory_space<vmem_shared>>)
        tpu.yield
      }) : () -> ()
    } else {
    }
    %eq3A_22 = arith.constant 1 : i32
    %eq3A_23 = arith.cmpi eq, %arg0, %eq3A_22 : i32
    %lt3A_24 = arith.constant 15 : i32
    %lt3A_25 = arith.cmpi slt, %arg1, %lt3A_24 : i32
    %and3A_26 = arith.andi %eq3A_23, %lt3A_25 : i1
    %convert_element_type3A_27 = arith.extui %and3A_26 : i1 to i32
    %cond3A_28 = arith.constant 0 : i32
    %cond3A_29 = arith.cmpi ne, %convert_element_type3A_27, %cond3A_28 : i32
    scf.if %cond3A_29 {
      "tpu.region"() ({
        %run_scoped3A = tpu.sem_alloc : memref<!tpu.dma_semaphore, #tpu.memory_space<semaphore_mem>>
        %dma_start3A = tpu.memref_slice %arg5[%mul3A_0] : memref<200000xi32, #tpu.memory_space<hbm>> -> memref<12504xi32, #tpu.memory_space<hbm>>
        %dma_start3A_49 = tpu.memref_slice %arg5[%mul3A_0] : memref<200000xi32, #tpu.memory_space<hbm>> -> memref<12504xi32, #tpu.memory_space<hbm>>
        tpu.enqueue_dma source(%dma_start3A_49 : memref<12504xi32, #tpu.memory_space<hbm>>) target(%arg9 : memref<12504xi32, #tpu.memory_space<vmem>>) target_semaphore(%run_scoped3A : memref<!tpu.dma_semaphore, #tpu.memory_space<semaphore_mem>>)
        %dma_wait3A = tpu.memref_slice %arg5[%mul3A_0] : memref<200000xi32, #tpu.memory_space<hbm>> -> memref<12504xi32, #tpu.memory_space<hbm>>
        %dma_wait3A_50 = tpu.memref_slice %arg5[%mul3A_0] : memref<200000xi32, #tpu.memory_space<hbm>> -> memref<12504xi32, #tpu.memory_space<hbm>>
        tpu.wait_dma2 semaphore(%run_scoped3A : memref<!tpu.dma_semaphore, #tpu.memory_space<semaphore_mem>>) src(%dma_wait3A_50 : memref<12504xi32, #tpu.memory_space<hbm>>) dst(%arg9 : memref<12504xi32, #tpu.memory_space<vmem>>)
        tpu.yield
      }) : () -> ()
      "tpu.region"() ({
        %run_scoped3A = tpu.sem_alloc : memref<!tpu.dma_semaphore, #tpu.memory_space<semaphore_mem>>
        %dma_start3A = tpu.memref_slice %arg3[%mul3A_0] : memref<200000xf32, #tpu.memory_space<hbm>> -> memref<12504xf32, #tpu.memory_space<hbm>>
        %dma_start3A_49 = tpu.memref_slice %arg3[%mul3A_0] : memref<200000xf32, #tpu.memory_space<hbm>> -> memref<12504xf32, #tpu.memory_space<hbm>>
        tpu.enqueue_dma source(%dma_start3A_49 : memref<12504xf32, #tpu.memory_space<hbm>>) target(%arg10 : memref<12504xf32, #tpu.memory_space<vmem>>) target_semaphore(%run_scoped3A : memref<!tpu.dma_semaphore, #tpu.memory_space<semaphore_mem>>)
        %dma_wait3A = tpu.memref_slice %arg3[%mul3A_0] : memref<200000xf32, #tpu.memory_space<hbm>> -> memref<12504xf32, #tpu.memory_space<hbm>>
        %dma_wait3A_50 = tpu.memref_slice %arg3[%mul3A_0] : memref<200000xf32, #tpu.memory_space<hbm>> -> memref<12504xf32, #tpu.memory_space<hbm>>
        tpu.wait_dma2 semaphore(%run_scoped3A : memref<!tpu.dma_semaphore, #tpu.memory_space<semaphore_mem>>) src(%dma_wait3A_50 : memref<12504xf32, #tpu.memory_space<hbm>>) dst(%arg10 : memref<12504xf32, #tpu.memory_space<vmem>>)
        tpu.yield
      }) : () -> ()
      "tpu.region"() ({
        %run_scoped3A = tpu.sem_alloc : memref<!tpu.dma_semaphore, #tpu.memory_space<semaphore_mem>>
        %dma_start3A = arith.constant 0 : i32
        %dma_start3A_49 = tpu.memref_slice %arg14[%dma_start3A] : memref<262144xf32, #tpu.memory_space<vmem_shared>> -> memref<262144xf32, #tpu.memory_space<vmem_shared>>
        tpu.enqueue_indirect_dma source(%arg10 : memref<12504xf32, #tpu.memory_space<vmem>>) target(%dma_start3A_49 : memref<262144xf32, #tpu.memory_space<vmem_shared>>) offsets(%arg9 : memref<12504xi32, #tpu.memory_space<vmem>>) semaphore(%run_scoped3A : memref<!tpu.dma_semaphore, #tpu.memory_space<semaphore_mem>>) {add = true}
        %dma_wait3A = arith.constant 0 : i32
        %dma_wait3A_50 = tpu.memref_slice %arg14[%dma_wait3A] : memref<262144xf32, #tpu.memory_space<vmem_shared>> -> memref<262144xf32, #tpu.memory_space<vmem_shared>>
        tpu.wait_indirect_dma semaphore(%run_scoped3A : memref<!tpu.dma_semaphore, #tpu.memory_space<semaphore_mem>>) src(%arg10 : memref<12504xf32, #tpu.memory_space<vmem>>) dst(%dma_wait3A_50 : memref<262144xf32, #tpu.memory_space<vmem_shared>>)
        tpu.yield
      }) : () -> ()
    } else {
    }
    %eq3A_30 = arith.constant 1 : i32
    %eq3A_31 = arith.cmpi eq, %arg0, %eq3A_30 : i32
    %eq3A_32 = arith.constant 15 : i32
    %eq3A_33 = arith.cmpi eq, %arg1, %eq3A_32 : i32
    %and3A_34 = arith.andi %eq3A_31, %eq3A_33 : i1
    %convert_element_type3A_35 = arith.extui %and3A_34 : i1 to i32
    %cond3A_36 = arith.constant 0 : i32
    %cond3A_37 = arith.cmpi ne, %convert_element_type3A_35, %cond3A_36 : i32
    scf.if %cond3A_37 {
      "tpu.region"() ({
        %run_scoped3A = tpu.sem_alloc : memref<!tpu.dma_semaphore, #tpu.memory_space<semaphore_mem>>
        %dma_start3A = tpu.memref_slice %arg5[%mul3A_0] : memref<200000xi32, #tpu.memory_space<hbm>> -> memref<12440xi32, #tpu.memory_space<hbm>>
        %dma_start3A_49 = tpu.memref_slice %arg5[%mul3A_0] : memref<200000xi32, #tpu.memory_space<hbm>> -> memref<12440xi32, #tpu.memory_space<hbm>>
        tpu.enqueue_dma source(%dma_start3A_49 : memref<12440xi32, #tpu.memory_space<hbm>>) target(%arg11 : memref<12440xi32, #tpu.memory_space<vmem>>) target_semaphore(%run_scoped3A : memref<!tpu.dma_semaphore, #tpu.memory_space<semaphore_mem>>)
        %dma_wait3A = tpu.memref_slice %arg5[%mul3A_0] : memref<200000xi32, #tpu.memory_space<hbm>> -> memref<12440xi32, #tpu.memory_space<hbm>>
        %dma_wait3A_50 = tpu.memref_slice %arg5[%mul3A_0] : memref<200000xi32, #tpu.memory_space<hbm>> -> memref<12440xi32, #tpu.memory_space<hbm>>
        tpu.wait_dma2 semaphore(%run_scoped3A : memref<!tpu.dma_semaphore, #tpu.memory_space<semaphore_mem>>) src(%dma_wait3A_50 : memref<12440xi32, #tpu.memory_space<hbm>>) dst(%arg11 : memref<12440xi32, #tpu.memory_space<vmem>>)
        tpu.yield
      }) : () -> ()
      "tpu.region"() ({
        %run_scoped3A = tpu.sem_alloc : memref<!tpu.dma_semaphore, #tpu.memory_space<semaphore_mem>>
        %dma_start3A = tpu.memref_slice %arg3[%mul3A_0] : memref<200000xf32, #tpu.memory_space<hbm>> -> memref<12440xf32, #tpu.memory_space<hbm>>
        %dma_start3A_49 = tpu.memref_slice %arg3[%mul3A_0] : memref<200000xf32, #tpu.memory_space<hbm>> -> memref<12440xf32, #tpu.memory_space<hbm>>
        tpu.enqueue_dma source(%dma_start3A_49 : memref<12440xf32, #tpu.memory_space<hbm>>) target(%arg12 : memref<12440xf32, #tpu.memory_space<vmem>>) target_semaphore(%run_scoped3A : memref<!tpu.dma_semaphore, #tpu.memory_space<semaphore_mem>>)
        %dma_wait3A = tpu.memref_slice %arg3[%mul3A_0] : memref<200000xf32, #tpu.memory_space<hbm>> -> memref<12440xf32, #tpu.memory_space<hbm>>
        %dma_wait3A_50 = tpu.memref_slice %arg3[%mul3A_0] : memref<200000xf32, #tpu.memory_space<hbm>> -> memref<12440xf32, #tpu.memory_space<hbm>>
        tpu.wait_dma2 semaphore(%run_scoped3A : memref<!tpu.dma_semaphore, #tpu.memory_space<semaphore_mem>>) src(%dma_wait3A_50 : memref<12440xf32, #tpu.memory_space<hbm>>) dst(%arg12 : memref<12440xf32, #tpu.memory_space<vmem>>)
        tpu.yield
      }) : () -> ()
      "tpu.region"() ({
        %run_scoped3A = tpu.sem_alloc : memref<!tpu.dma_semaphore, #tpu.memory_space<semaphore_mem>>
        %dma_start3A = arith.constant 0 : i32
        %dma_start3A_49 = tpu.memref_slice %arg14[%dma_start3A] : memref<262144xf32, #tpu.memory_space<vmem_shared>> -> memref<262144xf32, #tpu.memory_space<vmem_shared>>
        tpu.enqueue_indirect_dma source(%arg12 : memref<12440xf32, #tpu.memory_space<vmem>>) target(%dma_start3A_49 : memref<262144xf32, #tpu.memory_space<vmem_shared>>) offsets(%arg11 : memref<12440xi32, #tpu.memory_space<vmem>>) semaphore(%run_scoped3A : memref<!tpu.dma_semaphore, #tpu.memory_space<semaphore_mem>>) {add = true}
        %dma_wait3A = arith.constant 0 : i32
        %dma_wait3A_50 = tpu.memref_slice %arg14[%dma_wait3A] : memref<262144xf32, #tpu.memory_space<vmem_shared>> -> memref<262144xf32, #tpu.memory_space<vmem_shared>>
        tpu.wait_indirect_dma semaphore(%run_scoped3A : memref<!tpu.dma_semaphore, #tpu.memory_space<semaphore_mem>>) src(%arg12 : memref<12440xf32, #tpu.memory_space<vmem>>) dst(%dma_wait3A_50 : memref<262144xf32, #tpu.memory_space<vmem_shared>>)
        tpu.yield
      }) : () -> ()
    } else {
    }
    %barrier3A_38 = arith.constant 0 : index
    tpu.barrier barrier_id(%barrier3A_38)
    %eq3A_39 = arith.constant 0 : i32
    %eq3A_40 = arith.cmpi eq, %arg0, %eq3A_39 : i32
    %convert_element_type3A_41 = arith.extui %eq3A_40 : i1 to i32
    %cond3A_42 = arith.constant 0 : i32
    %cond3A_43 = arith.cmpi ne, %convert_element_type3A_41, %cond3A_42 : i32
    scf.if %cond3A_43 {
      %mul3A_49 = arith.constant 8192 : i32
      %mul3A_50 = arith.muli %arg1, %mul3A_49 : i32
      %mul3A_51 = arith.constant 8192 : i32
      %mul3A_52 = arith.muli %arg1, %mul3A_51 : i32
      "tpu.region"() ({
        %run_scoped3A = tpu.sem_alloc : memref<!tpu.dma_semaphore, #tpu.memory_space<semaphore_mem>>
        %dma_start3A = tpu.memref_slice %arg7[%mul3A_52] : memref<131072xf32, #tpu.memory_space<hbm>> -> memref<8192xf32, #tpu.memory_space<hbm>>
        %dma_start3A_53 = tpu.memref_slice %arg13[%mul3A_50] : memref<131072xf32, #tpu.memory_space<vmem_shared>> -> memref<8192xf32, #tpu.memory_space<vmem_shared>>
        tpu.enqueue_dma source(%dma_start3A_53 : memref<8192xf32, #tpu.memory_space<vmem_shared>>) target(%dma_start3A : memref<8192xf32, #tpu.memory_space<hbm>>) target_semaphore(%run_scoped3A : memref<!tpu.dma_semaphore, #tpu.memory_space<semaphore_mem>>)
        %dma_wait3A = tpu.memref_slice %arg7[%mul3A_52] : memref<131072xf32, #tpu.memory_space<hbm>> -> memref<8192xf32, #tpu.memory_space<hbm>>
        %dma_wait3A_54 = tpu.memref_slice %arg13[%mul3A_50] : memref<131072xf32, #tpu.memory_space<vmem_shared>> -> memref<8192xf32, #tpu.memory_space<vmem_shared>>
        tpu.wait_dma2 semaphore(%run_scoped3A : memref<!tpu.dma_semaphore, #tpu.memory_space<semaphore_mem>>) src(%dma_wait3A_54 : memref<8192xf32, #tpu.memory_space<vmem_shared>>) dst(%dma_wait3A : memref<8192xf32, #tpu.memory_space<hbm>>)
        tpu.yield
      }) : () -> ()
    } else {
    }
    %eq3A_44 = arith.constant 1 : i32
    %eq3A_45 = arith.cmpi eq, %arg0, %eq3A_44 : i32
    %convert_element_type3A_46 = arith.extui %eq3A_45 : i1 to i32
    %cond3A_47 = arith.constant 0 : i32
    %cond3A_48 = arith.cmpi ne, %convert_element_type3A_46, %cond3A_47 : i32
    scf.if %cond3A_48 {
      %mul3A_49 = arith.constant 16384 : i32
      %mul3A_50 = arith.muli %arg1, %mul3A_49 : i32
      %mul3A_51 = arith.constant 16384 : i32
      %mul3A_52 = arith.muli %arg1, %mul3A_51 : i32
      "tpu.region"() ({
        %run_scoped3A = tpu.sem_alloc : memref<!tpu.dma_semaphore, #tpu.memory_space<semaphore_mem>>
        %dma_start3A = tpu.memref_slice %arg8[%mul3A_52] : memref<262144xf32, #tpu.memory_space<hbm>> -> memref<16384xf32, #tpu.memory_space<hbm>>
        %dma_start3A_53 = tpu.memref_slice %arg14[%mul3A_50] : memref<262144xf32, #tpu.memory_space<vmem_shared>> -> memref<16384xf32, #tpu.memory_space<vmem_shared>>
        tpu.enqueue_dma source(%dma_start3A_53 : memref<16384xf32, #tpu.memory_space<vmem_shared>>) target(%dma_start3A : memref<16384xf32, #tpu.memory_space<hbm>>) target_semaphore(%run_scoped3A : memref<!tpu.dma_semaphore, #tpu.memory_space<semaphore_mem>>)
        %dma_wait3A = tpu.memref_slice %arg8[%mul3A_52] : memref<262144xf32, #tpu.memory_space<hbm>> -> memref<16384xf32, #tpu.memory_space<hbm>>
        %dma_wait3A_54 = tpu.memref_slice %arg14[%mul3A_50] : memref<262144xf32, #tpu.memory_space<vmem_shared>> -> memref<16384xf32, #tpu.memory_space<vmem_shared>>
        tpu.wait_dma2 semaphore(%run_scoped3A : memref<!tpu.dma_semaphore, #tpu.memory_space<semaphore_mem>>) src(%dma_wait3A_54 : memref<16384xf32, #tpu.memory_space<vmem_shared>>) dst(%dma_wait3A : memref<16384xf32, #tpu.memory_space<hbm>>)
        tpu.yield
      }) : () -> ()
    } else {
    }
    return
  }
}

#map = affine_map<(d0, d1) -> (0)>
module attributes {stable_mosaic.version = 14 : i64} {
  func.func @gk(%arg0: i32, %arg1: i32, %arg2: memref<262144xf32, #tpu.memory_space<hbm>>, %arg3: memref<200000xi32, #tpu.memory_space<hbm>>, %arg4: memref<200000xf32, #tpu.memory_space<hbm>>, %arg5: memref<6256xi32, #tpu.memory_space<vmem>>, %arg6: memref<6256xf32, #tpu.memory_space<vmem>>, %arg7: memref<6064xi32, #tpu.memory_space<vmem>>, %arg8: memref<6064xf32, #tpu.memory_space<vmem>>, %arg9: memref<!tpu.dma_semaphore, #tpu.memory_space<semaphore_mem>>) attributes {dimension_semantics = [#tpu.dimension_semantics<core_parallel>, #tpu.dimension_semantics<subcore_parallel>], iteration_bounds = array<i64: 2, 16>, scalar_prefetch = 0 : i64, scratch_operands = 5 : i64, tpu.core_type = #tpu.core_type<sc_vector_subcore>, window_params = [{transform_indices = #map}, {transform_indices = #map}, {transform_indices = #map}]} {
    %mul3A = arith.constant 2 : i32
    %mul3A_0 = arith.muli %arg1, %mul3A : i32
    %add3A = arith.addi %mul3A_0, %arg0 : i32
    %mul3A_1 = arith.constant 6256 : i32
    %mul3A_2 = arith.muli %add3A, %mul3A_1 : i32
    %lt3A = arith.constant 31 : i32
    %lt3A_3 = arith.cmpi slt, %add3A, %lt3A : i32
    %convert_element_type3A = arith.extui %lt3A_3 : i1 to i32
    %cond3A = arith.constant 0 : i32
    %cond3A_4 = arith.cmpi ne, %convert_element_type3A, %cond3A : i32
    scf.if %cond3A_4 {
      "tpu.region"() ({
        %run_scoped3A = tpu.sem_alloc : memref<!tpu.dma_semaphore, #tpu.memory_space<semaphore_mem>>
        %dma_start3A_11 = tpu.memref_slice %arg3[%mul3A_2] : memref<200000xi32, #tpu.memory_space<hbm>> -> memref<6256xi32, #tpu.memory_space<hbm>>
        %dma_start3A_12 = tpu.memref_slice %arg3[%mul3A_2] : memref<200000xi32, #tpu.memory_space<hbm>> -> memref<6256xi32, #tpu.memory_space<hbm>>
        tpu.enqueue_dma source(%dma_start3A_12 : memref<6256xi32, #tpu.memory_space<hbm>>) target(%arg5 : memref<6256xi32, #tpu.memory_space<vmem>>) target_semaphore(%run_scoped3A : memref<!tpu.dma_semaphore, #tpu.memory_space<semaphore_mem>>)
        %dma_wait3A_13 = tpu.memref_slice %arg3[%mul3A_2] : memref<200000xi32, #tpu.memory_space<hbm>> -> memref<6256xi32, #tpu.memory_space<hbm>>
        %dma_wait3A_14 = tpu.memref_slice %arg3[%mul3A_2] : memref<200000xi32, #tpu.memory_space<hbm>> -> memref<6256xi32, #tpu.memory_space<hbm>>
        tpu.wait_dma2 semaphore(%run_scoped3A : memref<!tpu.dma_semaphore, #tpu.memory_space<semaphore_mem>>) src(%dma_wait3A_14 : memref<6256xi32, #tpu.memory_space<hbm>>) dst(%arg5 : memref<6256xi32, #tpu.memory_space<vmem>>)
        tpu.yield
      }) : () -> ()
      %dma_start3A = arith.constant 0 : i32
      %dma_start3A_9 = tpu.memref_slice %arg2[%dma_start3A] : memref<262144xf32, #tpu.memory_space<hbm>> -> memref<262144xf32, #tpu.memory_space<hbm>>
      tpu.enqueue_indirect_dma source(%dma_start3A_9 : memref<262144xf32, #tpu.memory_space<hbm>>) target(%arg6 : memref<6256xf32, #tpu.memory_space<vmem>>) offsets(%arg5 : memref<6256xi32, #tpu.memory_space<vmem>>) semaphore(%arg9 : memref<!tpu.dma_semaphore, #tpu.memory_space<semaphore_mem>>)
      %dma_wait3A = arith.constant 0 : i32
      %dma_wait3A_10 = tpu.memref_slice %arg2[%dma_wait3A] : memref<262144xf32, #tpu.memory_space<hbm>> -> memref<262144xf32, #tpu.memory_space<hbm>>
      tpu.wait_indirect_dma semaphore(%arg9 : memref<!tpu.dma_semaphore, #tpu.memory_space<semaphore_mem>>) src(%dma_wait3A_10 : memref<262144xf32, #tpu.memory_space<hbm>>) dst(%arg6 : memref<6256xf32, #tpu.memory_space<vmem>>)
      "tpu.region"() ({
        %run_scoped3A = tpu.sem_alloc : memref<!tpu.dma_semaphore, #tpu.memory_space<semaphore_mem>>
        %dma_start3A_11 = tpu.memref_slice %arg4[%mul3A_2] : memref<200000xf32, #tpu.memory_space<hbm>> -> memref<6256xf32, #tpu.memory_space<hbm>>
        %dma_start3A_12 = tpu.memref_slice %arg4[%mul3A_2] : memref<200000xf32, #tpu.memory_space<hbm>> -> memref<6256xf32, #tpu.memory_space<hbm>>
        tpu.enqueue_dma source(%arg6 : memref<6256xf32, #tpu.memory_space<vmem>>) target(%dma_start3A_12 : memref<6256xf32, #tpu.memory_space<hbm>>) target_semaphore(%run_scoped3A : memref<!tpu.dma_semaphore, #tpu.memory_space<semaphore_mem>>)
        %dma_wait3A_13 = tpu.memref_slice %arg4[%mul3A_2] : memref<200000xf32, #tpu.memory_space<hbm>> -> memref<6256xf32, #tpu.memory_space<hbm>>
        %dma_wait3A_14 = tpu.memref_slice %arg4[%mul3A_2] : memref<200000xf32, #tpu.memory_space<hbm>> -> memref<6256xf32, #tpu.memory_space<hbm>>
        tpu.wait_dma2 semaphore(%run_scoped3A : memref<!tpu.dma_semaphore, #tpu.memory_space<semaphore_mem>>) src(%arg6 : memref<6256xf32, #tpu.memory_space<vmem>>) dst(%dma_wait3A_14 : memref<6256xf32, #tpu.memory_space<hbm>>)
        tpu.yield
      }) : () -> ()
    } else {
    }
    %eq3A = arith.constant 31 : i32
    %eq3A_5 = arith.cmpi eq, %add3A, %eq3A : i32
    %convert_element_type3A_6 = arith.extui %eq3A_5 : i1 to i32
    %cond3A_7 = arith.constant 0 : i32
    %cond3A_8 = arith.cmpi ne, %convert_element_type3A_6, %cond3A_7 : i32
    scf.if %cond3A_8 {
      "tpu.region"() ({
        %run_scoped3A = tpu.sem_alloc : memref<!tpu.dma_semaphore, #tpu.memory_space<semaphore_mem>>
        %dma_start3A_11 = tpu.memref_slice %arg3[%mul3A_2] : memref<200000xi32, #tpu.memory_space<hbm>> -> memref<6064xi32, #tpu.memory_space<hbm>>
        %dma_start3A_12 = tpu.memref_slice %arg3[%mul3A_2] : memref<200000xi32, #tpu.memory_space<hbm>> -> memref<6064xi32, #tpu.memory_space<hbm>>
        tpu.enqueue_dma source(%dma_start3A_12 : memref<6064xi32, #tpu.memory_space<hbm>>) target(%arg7 : memref<6064xi32, #tpu.memory_space<vmem>>) target_semaphore(%run_scoped3A : memref<!tpu.dma_semaphore, #tpu.memory_space<semaphore_mem>>)
        %dma_wait3A_13 = tpu.memref_slice %arg3[%mul3A_2] : memref<200000xi32, #tpu.memory_space<hbm>> -> memref<6064xi32, #tpu.memory_space<hbm>>
        %dma_wait3A_14 = tpu.memref_slice %arg3[%mul3A_2] : memref<200000xi32, #tpu.memory_space<hbm>> -> memref<6064xi32, #tpu.memory_space<hbm>>
        tpu.wait_dma2 semaphore(%run_scoped3A : memref<!tpu.dma_semaphore, #tpu.memory_space<semaphore_mem>>) src(%dma_wait3A_14 : memref<6064xi32, #tpu.memory_space<hbm>>) dst(%arg7 : memref<6064xi32, #tpu.memory_space<vmem>>)
        tpu.yield
      }) : () -> ()
      %dma_start3A = arith.constant 0 : i32
      %dma_start3A_9 = tpu.memref_slice %arg2[%dma_start3A] : memref<262144xf32, #tpu.memory_space<hbm>> -> memref<262144xf32, #tpu.memory_space<hbm>>
      tpu.enqueue_indirect_dma source(%dma_start3A_9 : memref<262144xf32, #tpu.memory_space<hbm>>) target(%arg8 : memref<6064xf32, #tpu.memory_space<vmem>>) offsets(%arg7 : memref<6064xi32, #tpu.memory_space<vmem>>) semaphore(%arg9 : memref<!tpu.dma_semaphore, #tpu.memory_space<semaphore_mem>>)
      %dma_wait3A = arith.constant 0 : i32
      %dma_wait3A_10 = tpu.memref_slice %arg2[%dma_wait3A] : memref<262144xf32, #tpu.memory_space<hbm>> -> memref<262144xf32, #tpu.memory_space<hbm>>
      tpu.wait_indirect_dma semaphore(%arg9 : memref<!tpu.dma_semaphore, #tpu.memory_space<semaphore_mem>>) src(%dma_wait3A_10 : memref<262144xf32, #tpu.memory_space<hbm>>) dst(%arg8 : memref<6064xf32, #tpu.memory_space<vmem>>)
      "tpu.region"() ({
        %run_scoped3A = tpu.sem_alloc : memref<!tpu.dma_semaphore, #tpu.memory_space<semaphore_mem>>
        %dma_start3A_11 = tpu.memref_slice %arg4[%mul3A_2] : memref<200000xf32, #tpu.memory_space<hbm>> -> memref<6064xf32, #tpu.memory_space<hbm>>
        %dma_start3A_12 = tpu.memref_slice %arg4[%mul3A_2] : memref<200000xf32, #tpu.memory_space<hbm>> -> memref<6064xf32, #tpu.memory_space<hbm>>
        tpu.enqueue_dma source(%arg8 : memref<6064xf32, #tpu.memory_space<vmem>>) target(%dma_start3A_12 : memref<6064xf32, #tpu.memory_space<hbm>>) target_semaphore(%run_scoped3A : memref<!tpu.dma_semaphore, #tpu.memory_space<semaphore_mem>>)
        %dma_wait3A_13 = tpu.memref_slice %arg4[%mul3A_2] : memref<200000xf32, #tpu.memory_space<hbm>> -> memref<6064xf32, #tpu.memory_space<hbm>>
        %dma_wait3A_14 = tpu.memref_slice %arg4[%mul3A_2] : memref<200000xf32, #tpu.memory_space<hbm>> -> memref<6064xf32, #tpu.memory_space<hbm>>
        tpu.wait_dma2 semaphore(%run_scoped3A : memref<!tpu.dma_semaphore, #tpu.memory_space<semaphore_mem>>) src(%arg8 : memref<6064xf32, #tpu.memory_space<vmem>>) dst(%dma_wait3A_14 : memref<6064xf32, #tpu.memory_space<hbm>>)
        tpu.yield
      }) : () -> ()
    } else {
    }
    return
  }
}

module attributes {stable_mosaic.version = 14 : i64} {
  func.func @_score_grid_body(%arg0: i32, %arg1: i32, %arg2: memref<1x20x32x2048xf32, #tpu.memory_space<vmem>>, %arg3: memref<64x20xf32, #tpu.memory_space<vmem>>, %arg4: memref<1x64xf32, #tpu.memory_space<vmem>>, %arg5: memref<1x64xf32, #tpu.memory_space<vmem>>, %arg6: memref<1x1x32x2048xf32, #tpu.memory_space<vmem>>) attributes {dimension_semantics = [#tpu.dimension_semantics<parallel>, #tpu.dimension_semantics<parallel>], iteration_bounds = array<i64: 2, 2>, scalar_prefetch = 0 : i64, scratch_operands = 0 : i64, tpu.core_type = #tpu.core_type<tc>, window_params = [{transform_indices = @transform_0, window_bounds = array<i64: 1, 20, 32, 2048>}, {pipeline_mode = #tpu.pipeline_mode<synchronous>, transform_indices = @transform_1, window_bounds = array<i64: 64, 20>}, {pipeline_mode = #tpu.pipeline_mode<synchronous>, transform_indices = @transform_2, window_bounds = array<i64: 1, 64>}, {pipeline_mode = #tpu.pipeline_mode<synchronous>, transform_indices = @transform_3, window_bounds = array<i64: 1, 64>}, {transform_indices = @transform_4, window_bounds = array<i64: 1, 1, 32, 2048>}]} {
    %get3A = arith.constant 0 : index
    %get3A_0 = arith.constant 0 : index
    %get3A_1 = vector.load %arg4[%get3A, %get3A_0] : memref<1x64xf32, #tpu.memory_space<vmem>>, vector<1x64xf32>
    %get3A_2 = arith.constant 0 : index
    %get3A_3 = arith.constant 0 : index
    %get3A_4 = vector.load %arg3[%get3A_2, %get3A_3] : memref<64x20xf32, #tpu.memory_space<vmem>>, vector<64x20xf32>
    %dot_general3A = arith.constant dense<0.000000e+00> : vector<1x20xf32>
    %dot_general3A_5 = tpu.matmul %get3A_1, %get3A_4, %dot_general3A {dimension_numbers = #tpu.dot_dimension_numbers<[1], [0], [0], [1], [0, 0, 1, 1], [], []>, transpose_lhs_hint = false} : vector<1x64xf32>, vector<64x20xf32>, vector<1x20xf32> -> vector<1x20xf32>
    %get3A_6 = arith.constant 0 : index
    %get3A_7 = arith.constant 0 : index
    %get3A_8 = vector.load %arg4[%get3A_6, %get3A_7] : memref<1x64xf32, #tpu.memory_space<vmem>>, vector<1x64xf32>
    %get3A_9 = arith.constant 0 : index
    %get3A_10 = arith.constant 0 : index
    %get3A_11 = vector.load %arg5[%get3A_9, %get3A_10] : memref<1x64xf32, #tpu.memory_space<vmem>>, vector<1x64xf32>
    %mul3A = arith.mulf %get3A_8, %get3A_11 : vector<1x64xf32>
    %reduce_sum3A = vector.shape_cast %mul3A : vector<1x64xf32> to vector<1x1x64xf32>
    %reduce_sum3A_12 = arith.constant dense<0.000000e+00> : vector<1xf32>
    %reduce_sum3A_13 = vector.multi_reduction <add>, %reduce_sum3A, %reduce_sum3A_12 [1, 2] : vector<1x1x64xf32> to vector<1xf32>
    %reduce_sum3A_14 = vector.shape_cast %reduce_sum3A_13 : vector<1xf32> to vector<1x1x1xf32>
    %reduce_sum3A_15 = vector.extract %reduce_sum3A_14[0, 0, 0] : f32 from vector<1x1x1xf32>
    %get3A_16 = arith.constant 0 : index
    %get3A_17 = arith.constant 0 : index
    %get3A_18 = arith.constant 0 : index
    %get3A_19 = arith.constant 0 : index
    %get3A_20 = vector.load %arg2[%get3A_16, %get3A_17, %get3A_18, %get3A_19] : memref<1x20x32x2048xf32, #tpu.memory_space<vmem>>, vector<1x20x32x2048xf32>
    %get3A_21 = vector.shape_cast %get3A_20 : vector<1x20x32x2048xf32> to vector<20x32x2048xf32>
    %squeeze3A = vector.shape_cast %dot_general3A_5 : vector<1x20xf32> to vector<20xf32>
    %broadcast_in_dim3A = vector.shape_cast %squeeze3A : vector<20xf32> to vector<20x1x1xf32>
    %mul3A_22 = vector.broadcast %broadcast_in_dim3A : vector<20x1x1xf32> to vector<20x32x2048xf32>
    %mul3A_23 = arith.mulf %get3A_21, %mul3A_22 : vector<20x32x2048xf32>
    %reduce_sum3A_24 = arith.constant dense<0.000000e+00> : vector<32x2048xf32>
    %reduce_sum3A_25 = vector.multi_reduction <add>, %mul3A_23, %reduce_sum3A_24 [0] : vector<20x32x2048xf32> to vector<32x2048xf32>
    %add3A = vector.broadcast %reduce_sum3A_15 : f32 to vector<32x2048xf32>
    %add3A_26 = arith.addf %reduce_sum3A_25, %add3A : vector<32x2048xf32>
    %swap3A = arith.constant 0 : index
    %swap3A_27 = arith.constant 0 : index
    %swap3A_28 = arith.constant 0 : index
    %swap3A_29 = arith.constant 0 : index
    %swap3A_30 = vector.load %arg6[%swap3A, %swap3A_27, %swap3A_28, %swap3A_29] : memref<1x1x32x2048xf32, #tpu.memory_space<vmem>>, vector<1x1x32x2048xf32>
    %swap3A_31 = vector.shape_cast %swap3A_30 : vector<1x1x32x2048xf32> to vector<32x2048xf32>
    %swap3A_32 = vector.shape_cast %add3A_26 : vector<32x2048xf32> to vector<1x1x32x2048xf32>
    tpu.vector_store %arg6[%swap3A, %swap3A_27, %swap3A_28, %swap3A_29], %swap3A_32 {strides = array<i32>} : memref<1x1x32x2048xf32, #tpu.memory_space<vmem>>, vector<1x1x32x2048xf32>,
    return
  }
  func.func @transform_0(%arg0: i32, %arg1: i32) -> (i32, i32, i32, i32) {
    %c0_i32 = arith.constant 0 : i32
    %c0_i32_0 = arith.constant 0 : i32
    %c0_i32_1 = arith.constant 0 : i32
    return %arg0, %c0_i32, %arg1, %c0_i32_0 : i32, i32, i32, i32
  }
  func.func @transform_1(%arg0: i32, %arg1: i32) -> (i32, i32) {
    %c0_i32 = arith.constant 0 : i32
    %c0_i32_0 = arith.constant 0 : i32
    %c0_i32_1 = arith.constant 0 : i32
    return %c0_i32, %c0_i32_0 : i32, i32
  }
  func.func @transform_2(%arg0: i32, %arg1: i32) -> (i32, i32) {
    %c0_i32 = arith.constant 0 : i32
    %c0_i32_0 = arith.constant 0 : i32
    %c0_i32_1 = arith.constant 0 : i32
    return %c0_i32, %c0_i32_0 : i32, i32
  }
  func.func @transform_3(%arg0: i32, %arg1: i32) -> (i32, i32) {
    %c0_i32 = arith.constant 0 : i32
    %c0_i32_0 = arith.constant 0 : i32
    %c0_i32_1 = arith.constant 0 : i32
    return %c0_i32, %c0_i32_0 : i32, i32
  }
  func.func @transform_4(%arg0: i32, %arg1: i32) -> (i32, i32, i32, i32) {
    %c0_i32 = arith.constant 0 : i32
    %c0_i32_0 = arith.constant 0 : i32
    %c0_i32_1 = arith.constant 0 : i32
    return %arg0, %c0_i32, %arg1, %c0_i32_0 : i32, i32, i32, i32
  }
}

module attributes {stable_mosaic.version = 14 : i64} {
  func.func @_score_grid_body(%arg0: i32, %arg1: i32, %arg2: memref<1x64x64x256xf32, #tpu.memory_space<vmem>>, %arg3: memref<64x64xf32, #tpu.memory_space<vmem>>, %arg4: memref<1x64xf32, #tpu.memory_space<vmem>>, %arg5: memref<1x64xf32, #tpu.memory_space<vmem>>, %arg6: memref<1x1x64x256xf32, #tpu.memory_space<vmem>>) attributes {dimension_semantics = [#tpu.dimension_semantics<parallel>, #tpu.dimension_semantics<parallel>], iteration_bounds = array<i64: 2, 4>, scalar_prefetch = 0 : i64, scratch_operands = 0 : i64, tpu.core_type = #tpu.core_type<tc>, window_params = [{transform_indices = @transform_0, window_bounds = array<i64: 1, 64, 64, 256>}, {pipeline_mode = #tpu.pipeline_mode<synchronous>, transform_indices = @transform_1, window_bounds = array<i64: 64, 64>}, {pipeline_mode = #tpu.pipeline_mode<synchronous>, transform_indices = @transform_2, window_bounds = array<i64: 1, 64>}, {pipeline_mode = #tpu.pipeline_mode<synchronous>, transform_indices = @transform_3, window_bounds = array<i64: 1, 64>}, {transform_indices = @transform_4, window_bounds = array<i64: 1, 1, 64, 256>}]} {
    %get3A = arith.constant 0 : index
    %get3A_0 = arith.constant 0 : index
    %get3A_1 = vector.load %arg4[%get3A, %get3A_0] : memref<1x64xf32, #tpu.memory_space<vmem>>, vector<1x64xf32>
    %get3A_2 = arith.constant 0 : index
    %get3A_3 = arith.constant 0 : index
    %get3A_4 = vector.load %arg3[%get3A_2, %get3A_3] : memref<64x64xf32, #tpu.memory_space<vmem>>, vector<64x64xf32>
    %dot_general3A = arith.constant dense<0.000000e+00> : vector<1x64xf32>
    %dot_general3A_5 = tpu.matmul %get3A_1, %get3A_4, %dot_general3A {dimension_numbers = #tpu.dot_dimension_numbers<[1], [0], [0], [1], [0, 0, 1, 1], [], []>, transpose_lhs_hint = false} : vector<1x64xf32>, vector<64x64xf32>, vector<1x64xf32> -> vector<1x64xf32>
    %get3A_6 = arith.constant 0 : index
    %get3A_7 = arith.constant 0 : index
    %get3A_8 = vector.load %arg4[%get3A_6, %get3A_7] : memref<1x64xf32, #tpu.memory_space<vmem>>, vector<1x64xf32>
    %get3A_9 = arith.constant 0 : index
    %get3A_10 = arith.constant 0 : index
    %get3A_11 = vector.load %arg5[%get3A_9, %get3A_10] : memref<1x64xf32, #tpu.memory_space<vmem>>, vector<1x64xf32>
    %mul3A = arith.mulf %get3A_8, %get3A_11 : vector<1x64xf32>
    %reduce_sum3A = vector.shape_cast %mul3A : vector<1x64xf32> to vector<1x1x64xf32>
    %reduce_sum3A_12 = arith.constant dense<0.000000e+00> : vector<1xf32>
    %reduce_sum3A_13 = vector.multi_reduction <add>, %reduce_sum3A, %reduce_sum3A_12 [1, 2] : vector<1x1x64xf32> to vector<1xf32>
    %reduce_sum3A_14 = vector.shape_cast %reduce_sum3A_13 : vector<1xf32> to vector<1x1x1xf32>
    %reduce_sum3A_15 = vector.extract %reduce_sum3A_14[0, 0, 0] : f32 from vector<1x1x1xf32>
    %get3A_16 = arith.constant 0 : index
    %get3A_17 = arith.constant 0 : index
    %get3A_18 = arith.constant 0 : index
    %get3A_19 = arith.constant 0 : index
    %get3A_20 = vector.load %arg2[%get3A_16, %get3A_17, %get3A_18, %get3A_19] : memref<1x64x64x256xf32, #tpu.memory_space<vmem>>, vector<1x64x64x256xf32>
    %get3A_21 = vector.shape_cast %get3A_20 : vector<1x64x64x256xf32> to vector<64x64x256xf32>
    %squeeze3A = vector.shape_cast %dot_general3A_5 : vector<1x64xf32> to vector<64xf32>
    %broadcast_in_dim3A = vector.shape_cast %squeeze3A : vector<64xf32> to vector<64x1x1xf32>
    %mul3A_22 = vector.broadcast %broadcast_in_dim3A : vector<64x1x1xf32> to vector<64x64x256xf32>
    %mul3A_23 = arith.mulf %get3A_21, %mul3A_22 : vector<64x64x256xf32>
    %reduce_sum3A_24 = arith.constant dense<0.000000e+00> : vector<64x256xf32>
    %reduce_sum3A_25 = vector.multi_reduction <add>, %mul3A_23, %reduce_sum3A_24 [0] : vector<64x64x256xf32> to vector<64x256xf32>
    %add3A = vector.broadcast %reduce_sum3A_15 : f32 to vector<64x256xf32>
    %add3A_26 = arith.addf %reduce_sum3A_25, %add3A : vector<64x256xf32>
    %swap3A = arith.constant 0 : index
    %swap3A_27 = arith.constant 0 : index
    %swap3A_28 = arith.constant 0 : index
    %swap3A_29 = arith.constant 0 : index
    %swap3A_30 = vector.load %arg6[%swap3A, %swap3A_27, %swap3A_28, %swap3A_29] : memref<1x1x64x256xf32, #tpu.memory_space<vmem>>, vector<1x1x64x256xf32>
    %swap3A_31 = vector.shape_cast %swap3A_30 : vector<1x1x64x256xf32> to vector<64x256xf32>
    %swap3A_32 = vector.shape_cast %add3A_26 : vector<64x256xf32> to vector<1x1x64x256xf32>
    tpu.vector_store %arg6[%swap3A, %swap3A_27, %swap3A_28, %swap3A_29], %swap3A_32 {strides = array<i32>} : memref<1x1x64x256xf32, #tpu.memory_space<vmem>>, vector<1x1x64x256xf32>,
    return
  }
  func.func @transform_0(%arg0: i32, %arg1: i32) -> (i32, i32, i32, i32) {
    %c0_i32 = arith.constant 0 : i32
    %c0_i32_0 = arith.constant 0 : i32
    %c0_i32_1 = arith.constant 0 : i32
    return %arg0, %c0_i32, %arg1, %c0_i32_0 : i32, i32, i32, i32
  }
  func.func @transform_1(%arg0: i32, %arg1: i32) -> (i32, i32) {
    %c0_i32 = arith.constant 0 : i32
    %c0_i32_0 = arith.constant 0 : i32
    %c0_i32_1 = arith.constant 0 : i32
    return %c0_i32, %c0_i32_0 : i32, i32
  }
  func.func @transform_2(%arg0: i32, %arg1: i32) -> (i32, i32) {
    %c0_i32 = arith.constant 0 : i32
    %c0_i32_0 = arith.constant 0 : i32
    %c0_i32_1 = arith.constant 0 : i32
    return %c0_i32, %c0_i32_0 : i32, i32
  }
  func.func @transform_3(%arg0: i32, %arg1: i32) -> (i32, i32) {
    %c0_i32 = arith.constant 0 : i32
    %c0_i32_0 = arith.constant 0 : i32
    %c0_i32_1 = arith.constant 0 : i32
    return %c0_i32, %c0_i32_0 : i32, i32
  }
  func.func @transform_4(%arg0: i32, %arg1: i32) -> (i32, i32, i32, i32) {
    %c0_i32 = arith.constant 0 : i32
    %c0_i32_0 = arith.constant 0 : i32
    %c0_i32_1 = arith.constant 0 : i32
    return %arg0, %c0_i32, %arg1, %c0_i32_0 : i32, i32, i32, i32
  }
}

module attributes {stable_mosaic.version = 14 : i64} {
  func.func @_point_body(%arg0: i32, %arg1: i32, %arg2: memref<1x12544x128xf32, #tpu.memory_space<vmem>>, %arg3: memref<1x1x12544xf32, #tpu.memory_space<vmem>>, %arg4: memref<1x1x12544xf32, #tpu.memory_space<vmem>>, %arg5: memref<64x128xf32, #tpu.memory_space<vmem>>, %arg6: memref<64x1xf32, #tpu.memory_space<vmem>>, %arg7: memref<64x1xf32, #tpu.memory_space<vmem>>, %arg8: memref<1x64x12544xf32, #tpu.memory_space<vmem>>, %arg9: memref<1x1x12544xf32, #tpu.memory_space<vmem>>, %arg10: memref<1x1x12544xf32, #tpu.memory_space<vmem>>) attributes {dimension_semantics = [#tpu.dimension_semantics<parallel>, #tpu.dimension_semantics<parallel>], iteration_bounds = array<i64: 2, 8>, scalar_prefetch = 0 : i64, scratch_operands = 0 : i64, tpu.core_type = #tpu.core_type<tc>, window_params = [{transform_indices = @transform_0, window_bounds = array<i64: 1, 12544, 128>}, {transform_indices = @transform_1, window_bounds = array<i64: 1, 1, 12544>}, {transform_indices = @transform_2, window_bounds = array<i64: 1, 1, 12544>}, {pipeline_mode = #tpu.pipeline_mode<synchronous>, transform_indices = @transform_3, window_bounds = array<i64: 64, 128>}, {pipeline_mode = #tpu.pipeline_mode<synchronous>, transform_indices = @transform_4, window_bounds = array<i64: 64, 1>}, {pipeline_mode = #tpu.pipeline_mode<synchronous>, transform_indices = @transform_5, window_bounds = array<i64: 64, 1>}, {transform_indices = @transform_6, window_bounds = array<i64: 1, 64, 12544>}, {transform_indices = @transform_7, window_bounds = array<i64: 1, 1, 12544>}, {transform_indices = @transform_8, window_bounds = array<i64: 1, 1, 12544>}]} {
    %get3A = arith.constant 0 : index
    %get3A_0 = arith.constant 0 : index
    %get3A_1 = vector.load %arg5[%get3A, %get3A_0] : memref<64x128xf32, #tpu.memory_space<vmem>>, vector<64x128xf32>
    %get3A_2 = arith.constant 0 : index
    %get3A_3 = arith.constant 0 : index
    %get3A_4 = arith.constant 0 : index
    %get3A_5 = vector.load %arg2[%get3A_2, %get3A_3, %get3A_4] : memref<1x12544x128xf32, #tpu.memory_space<vmem>>, vector<1x12544x128xf32>
    %get3A_6 = vector.shape_cast %get3A_5 : vector<1x12544x128xf32> to vector<12544x128xf32>
    %dot_general3A = arith.constant dense<0.000000e+00> : vector<64x12544xf32>
    %dot_general3A_7 = tpu.matmul %get3A_1, %get3A_6, %dot_general3A {dimension_numbers = #tpu.dot_dimension_numbers<[1], [1], [0], [0], [0, 0, 1, 0], [], []>, transpose_lhs_hint = false} : vector<64x128xf32>, vector<12544x128xf32>, vector<64x12544xf32> -> vector<64x12544xf32>
    %get3A_8 = arith.constant 0 : index
    %get3A_9 = arith.constant 0 : index
    %get3A_10 = vector.load %arg6[%get3A_8, %get3A_9] : memref<64x1xf32, #tpu.memory_space<vmem>>, vector<64x1xf32>
    %add3A = vector.broadcast %get3A_10 : vector<64x1xf32> to vector<64x12544xf32>
    %add3A_11 = arith.addf %dot_general3A_7, %add3A : vector<64x12544xf32>
    %get3A_12 = arith.constant 0 : index
    %get3A_13 = arith.constant 0 : index
    %get3A_14 = vector.load %arg7[%get3A_12, %get3A_13] : memref<64x1xf32, #tpu.memory_space<vmem>>, vector<64x1xf32>
    %mul3A = vector.broadcast %get3A_14 : vector<64x1xf32> to vector<64x12544xf32>
    %mul3A_15 = arith.mulf %add3A_11, %mul3A : vector<64x12544xf32>
    %reduce_sum3A = arith.constant dense<0.000000e+00> : vector<12544xf32>
    %reduce_sum3A_16 = vector.multi_reduction <add>, %mul3A_15, %reduce_sum3A [0] : vector<64x12544xf32> to vector<12544xf32>
    %broadcast_in_dim3A = vector.shape_cast %reduce_sum3A_16 : vector<12544xf32> to vector<1x12544xf32>
    %get3A_17 = arith.constant 0 : index
    %get3A_18 = arith.constant 0 : index
    %get3A_19 = arith.constant 0 : index
    %get3A_20 = vector.load %arg3[%get3A_17, %get3A_18, %get3A_19] : memref<1x1x12544xf32, #tpu.memory_space<vmem>>, vector<1x1x12544xf32>
    %get3A_21 = vector.shape_cast %get3A_20 : vector<1x1x12544xf32> to vector<1x12544xf32>
    %get3A_22 = arith.constant 0 : index
    %get3A_23 = arith.constant 0 : index
    %get3A_24 = arith.constant 0 : index
    %get3A_25 = vector.load %arg4[%get3A_22, %get3A_23, %get3A_24] : memref<1x1x12544xf32, #tpu.memory_space<vmem>>, vector<1x1x12544xf32>
    %get3A_26 = vector.shape_cast %get3A_25 : vector<1x1x12544xf32> to vector<1x12544xf32>
    %max3A = arith.maximumf %get3A_21, %get3A_26 : vector<1x12544xf32>
    %max3A_27 = arith.maximumf %broadcast_in_dim3A, %max3A : vector<1x12544xf32>
    %sub3A = arith.subf %broadcast_in_dim3A, %max3A_27 : vector<1x12544xf32>
    %exp3A = math.exp %sub3A : vector<1x12544xf32>
    %sub3A_28 = arith.subf %get3A_21, %max3A_27 : vector<1x12544xf32>
    %exp3A_29 = math.exp %sub3A_28 : vector<1x12544xf32>
    %sub3A_30 = arith.subf %get3A_26, %max3A_27 : vector<1x12544xf32>
    %exp3A_31 = math.exp %sub3A_30 : vector<1x12544xf32>
    %add3A_32 = arith.addf %exp3A, %exp3A_29 : vector<1x12544xf32>
    %add3A_33 = arith.addf %add3A_32, %exp3A_31 : vector<1x12544xf32>
    %div3A = arith.constant 1.000000e+00 : f32
    %div3A_34 = vector.broadcast %div3A : f32 to vector<1x12544xf32>
    %div3A_35 = arith.divf %div3A_34, %add3A_33 : vector<1x12544xf32>
    %mul3A_36 = arith.mulf %exp3A, %div3A_35 : vector<1x12544xf32>
    %mul3A_37 = vector.broadcast %mul3A_36 : vector<1x12544xf32> to vector<64x12544xf32>
    %mul3A_38 = arith.mulf %add3A_11, %mul3A_37 : vector<64x12544xf32>
    %swap3A = arith.constant 0 : index
    %swap3A_39 = arith.constant 0 : index
    %swap3A_40 = arith.constant 0 : index
    %swap3A_41 = vector.load %arg8[%swap3A, %swap3A_39, %swap3A_40] : memref<1x64x12544xf32, #tpu.memory_space<vmem>>, vector<1x64x12544xf32>
    %swap3A_42 = vector.shape_cast %swap3A_41 : vector<1x64x12544xf32> to vector<64x12544xf32>
    %swap3A_43 = vector.shape_cast %mul3A_38 : vector<64x12544xf32> to vector<1x64x12544xf32>
    tpu.vector_store %arg8[%swap3A, %swap3A_39, %swap3A_40], %swap3A_43 {strides = array<i32>} : memref<1x64x12544xf32, #tpu.memory_space<vmem>>, vector<1x64x12544xf32>,
    %mul3A_44 = arith.mulf %exp3A_29, %div3A_35 : vector<1x12544xf32>
    %swap3A_45 = arith.constant 0 : index
    %swap3A_46 = arith.constant 0 : index
    %swap3A_47 = arith.constant 0 : index
    %swap3A_48 = vector.load %arg9[%swap3A_45, %swap3A_46, %swap3A_47] : memref<1x1x12544xf32, #tpu.memory_space<vmem>>, vector<1x1x12544xf32>
    %swap3A_49 = vector.shape_cast %swap3A_48 : vector<1x1x12544xf32> to vector<1x12544xf32>
    %swap3A_50 = vector.shape_cast %mul3A_44 : vector<1x12544xf32> to vector<1x1x12544xf32>
    tpu.vector_store %arg9[%swap3A_45, %swap3A_46, %swap3A_47], %swap3A_50 {strides = array<i32>} : memref<1x1x12544xf32, #tpu.memory_space<vmem>>, vector<1x1x12544xf32>,
    %mul3A_51 = arith.mulf %exp3A_31, %div3A_35 : vector<1x12544xf32>
    %swap3A_52 = arith.constant 0 : index
    %swap3A_53 = arith.constant 0 : index
    %swap3A_54 = arith.constant 0 : index
    %swap3A_55 = vector.load %arg10[%swap3A_52, %swap3A_53, %swap3A_54] : memref<1x1x12544xf32, #tpu.memory_space<vmem>>, vector<1x1x12544xf32>
    %swap3A_56 = vector.shape_cast %swap3A_55 : vector<1x1x12544xf32> to vector<1x12544xf32>
    %swap3A_57 = vector.shape_cast %mul3A_51 : vector<1x12544xf32> to vector<1x1x12544xf32>
    tpu.vector_store %arg10[%swap3A_52, %swap3A_53, %swap3A_54], %swap3A_57 {strides = array<i32>} : memref<1x1x12544xf32, #tpu.memory_space<vmem>>, vector<1x1x12544xf32>,
    return
  }
  func.func @transform_0(%arg0: i32, %arg1: i32) -> (i32, i32, i32) {
    %c0_i32 = arith.constant 0 : i32
    %c0_i32_0 = arith.constant 0 : i32
    return %arg0, %arg1, %c0_i32 : i32, i32, i32
  }
  func.func @transform_1(%arg0: i32, %arg1: i32) -> (i32, i32, i32) {
    %c0_i32 = arith.constant 0 : i32
    %c0_i32_0 = arith.constant 0 : i32
    return %arg0, %c0_i32, %arg1 : i32, i32, i32
  }
  func.func @transform_2(%arg0: i32, %arg1: i32) -> (i32, i32, i32) {
    %c0_i32 = arith.constant 0 : i32
    %c0_i32_0 = arith.constant 0 : i32
    return %arg0, %c0_i32, %arg1 : i32, i32, i32
  }
  func.func @transform_3(%arg0: i32, %arg1: i32) -> (i32, i32) {
    %c0_i32 = arith.constant 0 : i32
    %c0_i32_0 = arith.constant 0 : i32
    %c0_i32_1 = arith.constant 0 : i32
    return %c0_i32, %c0_i32_0 : i32, i32
  }
  func.func @transform_4(%arg0: i32, %arg1: i32) -> (i32, i32) {
    %c0_i32 = arith.constant 0 : i32
    %c0_i32_0 = arith.constant 0 : i32
    %c0_i32_1 = arith.constant 0 : i32
    return %c0_i32, %c0_i32_0 : i32, i32
  }
  func.func @transform_5(%arg0: i32, %arg1: i32) -> (i32, i32) {
    %c0_i32 = arith.constant 0 : i32
    %c0_i32_0 = arith.constant 0 : i32
    %c0_i32_1 = arith.constant 0 : i32
    return %c0_i32, %c0_i32_0 : i32, i32
  }
  func.func @transform_6(%arg0: i32, %arg1: i32) -> (i32, i32, i32) {
    %c0_i32 = arith.constant 0 : i32
    %c0_i32_0 = arith.constant 0 : i32
    return %arg0, %c0_i32, %arg1 : i32, i32, i32
  }
  func.func @transform_7(%arg0: i32, %arg1: i32) -> (i32, i32, i32) {
    %c0_i32 = arith.constant 0 : i32
    %c0_i32_0 = arith.constant 0 : i32
    return %arg0, %c0_i32, %arg1 : i32, i32, i32
  }
  func.func @transform_8(%arg0: i32, %arg1: i32) -> (i32, i32, i32) {
    %c0_i32 = arith.constant 0 : i32
    %c0_i32_0 = arith.constant 0 : i32
    return %arg0, %c0_i32, %arg1 : i32, i32, i32
  }
}

module attributes {stable_mosaic.version = 14 : i64} {
  func.func @_map_body(%arg0: i32, %arg1: i32, %arg2: memref<1x20x16x2048xf32, #tpu.memory_space<vmem>>, %arg3: memref<64x20xf32, #tpu.memory_space<vmem>>, %arg4: memref<64x1xf32, #tpu.memory_space<vmem>>, %arg5: memref<32768xf32, #tpu.memory_space<vmem>>, %arg6: memref<1x64x16x2048xf32, #tpu.memory_space<vmem>>) attributes {dimension_semantics = [#tpu.dimension_semantics<parallel>, #tpu.dimension_semantics<parallel>], iteration_bounds = array<i64: 2, 4>, scalar_prefetch = 0 : i64, scratch_operands = 0 : i64, tpu.core_type = #tpu.core_type<tc>, window_params = [{transform_indices = @transform_0, window_bounds = array<i64: 1, 20, 16, 2048>}, {pipeline_mode = #tpu.pipeline_mode<synchronous>, transform_indices = @transform_1, window_bounds = array<i64: 64, 20>}, {pipeline_mode = #tpu.pipeline_mode<synchronous>, transform_indices = @transform_2, window_bounds = array<i64: 64, 1>}, {transform_indices = @transform_3, window_bounds = array<i64: 32768>}, {transform_indices = @transform_4, window_bounds = array<i64: 1, 64, 16, 2048>}]} {
    %get3A = arith.constant 0 : index
    %get3A_0 = arith.constant 0 : index
    %get3A_1 = vector.load %arg3[%get3A, %get3A_0] : memref<64x20xf32, #tpu.memory_space<vmem>>, vector<64x20xf32>
    %get3A_2 = arith.constant 0 : index
    %get3A_3 = arith.constant 0 : index
    %get3A_4 = arith.constant 0 : index
    %get3A_5 = arith.constant 0 : index
    %get3A_6 = vector.load %arg2[%get3A_2, %get3A_3, %get3A_4, %get3A_5] : memref<1x20x16x2048xf32, #tpu.memory_space<vmem>>, vector<1x20x1x2048xf32>
    %get3A_7 = vector.shape_cast %get3A_6 : vector<1x20x1x2048xf32> to vector<20x2048xf32>
    %dot_general3A = arith.constant dense<0.000000e+00> : vector<64x2048xf32>
    %dot_general3A_8 = tpu.matmul %get3A_1, %get3A_7, %dot_general3A {dimension_numbers = #tpu.dot_dimension_numbers<[1], [0], [0], [1], [0, 0, 1, 1], [], []>, transpose_lhs_hint = false} : vector<64x20xf32>, vector<20x2048xf32>, vector<64x2048xf32> -> vector<64x2048xf32>
    %get3A_9 = arith.constant 0 : index
    %get3A_10 = arith.constant 0 : index
    %get3A_11 = vector.load %arg4[%get3A_9, %get3A_10] : memref<64x1xf32, #tpu.memory_space<vmem>>, vector<64x1xf32>
    %add3A = vector.broadcast %get3A_11 : vector<64x1xf32> to vector<64x2048xf32>
    %add3A_12 = arith.addf %dot_general3A_8, %add3A : vector<64x2048xf32>
    %get3A_13 = arith.constant 0 : index
    %get3A_14 = vector.load %arg5[%get3A_13] : memref<32768xf32, #tpu.memory_space<vmem>>, vector<2048xf32>
    %broadcast_in_dim3A = vector.shape_cast %get3A_14 : vector<2048xf32> to vector<1x2048xf32>
    %mul3A = vector.broadcast %broadcast_in_dim3A : vector<1x2048xf32> to vector<64x2048xf32>
    %mul3A_15 = arith.mulf %add3A_12, %mul3A : vector<64x2048xf32>
    %swap3A = arith.constant 0 : index
    %swap3A_16 = arith.constant 0 : index
    %swap3A_17 = arith.constant 0 : index
    %swap3A_18 = arith.constant 0 : index
    %swap3A_19 = vector.load %arg6[%swap3A, %swap3A_16, %swap3A_17, %swap3A_18] : memref<1x64x16x2048xf32, #tpu.memory_space<vmem>>, vector<1x64x1x2048xf32>
    %swap3A_20 = vector.shape_cast %swap3A_19 : vector<1x64x1x2048xf32> to vector<64x2048xf32>
    %swap3A_21 = vector.shape_cast %mul3A_15 : vector<64x2048xf32> to vector<1x64x1x2048xf32>
    tpu.vector_store %arg6[%swap3A, %swap3A_16, %swap3A_17, %swap3A_18], %swap3A_21 {strides = array<i32>} : memref<1x64x16x2048xf32, #tpu.memory_space<vmem>>, vector<1x64x1x2048xf32>,
    %get3A_22 = arith.constant 0 : index
    %get3A_23 = arith.constant 0 : index
    %get3A_24 = vector.load %arg3[%get3A_22, %get3A_23] : memref<64x20xf32, #tpu.memory_space<vmem>>, vector<64x20xf32>
    %get3A_25 = arith.constant 0 : index
    %get3A_26 = arith.constant 0 : index
    %get3A_27 = arith.constant 1 : index
    %get3A_28 = arith.constant 0 : index
    %get3A_29 = vector.load %arg2[%get3A_25, %get3A_26, %get3A_27, %get3A_28] : memref<1x20x16x2048xf32, #tpu.memory_space<vmem>>, vector<1x20x1x2048xf32>
    %get3A_30 = vector.shape_cast %get3A_29 : vector<1x20x1x2048xf32> to vector<20x2048xf32>
    %dot_general3A_31 = arith.constant dense<0.000000e+00> : vector<64x2048xf32>
    %dot_general3A_32 = tpu.matmul %get3A_24, %get3A_30, %dot_general3A_31 {dimension_numbers = #tpu.dot_dimension_numbers<[1], [0], [0], [1], [0, 0, 1, 1], [], []>, transpose_lhs_hint = false} : vector<64x20xf32>, vector<20x2048xf32>, vector<64x2048xf32> -> vector<64x2048xf32>
    %get3A_33 = arith.constant 0 : index
    %get3A_34 = arith.constant 0 : index
    %get3A_35 = vector.load %arg4[%get3A_33, %get3A_34] : memref<64x1xf32, #tpu.memory_space<vmem>>, vector<64x1xf32>
    %add3A_36 = vector.broadcast %get3A_35 : vector<64x1xf32> to vector<64x2048xf32>
    %add3A_37 = arith.addf %dot_general3A_32, %add3A_36 : vector<64x2048xf32>
    %get3A_38 = arith.constant 2048 : index
    %get3A_39 = vector.load %arg5[%get3A_38] : memref<32768xf32, #tpu.memory_space<vmem>>, vector<2048xf32>
    %broadcast_in_dim3A_40 = vector.shape_cast %get3A_39 : vector<2048xf32> to vector<1x2048xf32>
    %mul3A_41 = vector.broadcast %broadcast_in_dim3A_40 : vector<1x2048xf32> to vector<64x2048xf32>
    %mul3A_42 = arith.mulf %add3A_37, %mul3A_41 : vector<64x2048xf32>
    %swap3A_43 = arith.constant 0 : index
    %swap3A_44 = arith.constant 0 : index
    %swap3A_45 = arith.constant 1 : index
    %swap3A_46 = arith.constant 0 : index
    %swap3A_47 = vector.load %arg6[%swap3A_43, %swap3A_44, %swap3A_45, %swap3A_46] : memref<1x64x16x2048xf32, #tpu.memory_space<vmem>>, vector<1x64x1x2048xf32>
    %swap3A_48 = vector.shape_cast %swap3A_47 : vector<1x64x1x2048xf32> to vector<64x2048xf32>
    %swap3A_49 = vector.shape_cast %mul3A_42 : vector<64x2048xf32> to vector<1x64x1x2048xf32>
    tpu.vector_store %arg6[%swap3A_43, %swap3A_44, %swap3A_45, %swap3A_46], %swap3A_49 {strides = array<i32>} : memref<1x64x16x2048xf32, #tpu.memory_space<vmem>>, vector<1x64x1x2048xf32>,
    %get3A_50 = arith.constant 0 : index
    %get3A_51 = arith.constant 0 : index
    %get3A_52 = vector.load %arg3[%get3A_50, %get3A_51] : memref<64x20xf32, #tpu.memory_space<vmem>>, vector<64x20xf32>
    %get3A_53 = arith.constant 0 : index
    %get3A_54 = arith.constant 0 : index
    %get3A_55 = arith.constant 2 : index
    %get3A_56 = arith.constant 0 : index
    %get3A_57 = vector.load %arg2[%get3A_53, %get3A_54, %get3A_55, %get3A_56] : memref<1x20x16x2048xf32, #tpu.memory_space<vmem>>, vector<1x20x1x2048xf32>
    %get3A_58 = vector.shape_cast %get3A_57 : vector<1x20x1x2048xf32> to vector<20x2048xf32>
    %dot_general3A_59 = arith.constant dense<0.000000e+00> : vector<64x2048xf32>
    %dot_general3A_60 = tpu.matmul %get3A_52, %get3A_58, %dot_general3A_59 {dimension_numbers = #tpu.dot_dimension_numbers<[1], [0], [0], [1], [0, 0, 1, 1], [], []>, transpose_lhs_hint = false} : vector<64x20xf32>, vector<20x2048xf32>, vector<64x2048xf32> -> vector<64x2048xf32>
    %get3A_61 = arith.constant 0 : index
    %get3A_62 = arith.constant 0 : index
    %get3A_63 = vector.load %arg4[%get3A_61, %get3A_62] : memref<64x1xf32, #tpu.memory_space<vmem>>, vector<64x1xf32>
    %add3A_64 = vector.broadcast %get3A_63 : vector<64x1xf32> to vector<64x2048xf32>
    %add3A_65 = arith.addf %dot_general3A_60, %add3A_64 : vector<64x2048xf32>
    %get3A_66 = arith.constant 4096 : index
    %get3A_67 = vector.load %arg5[%get3A_66] : memref<32768xf32, #tpu.memory_space<vmem>>, vector<2048xf32>
    %broadcast_in_dim3A_68 = vector.shape_cast %get3A_67 : vector<2048xf32> to vector<1x2048xf32>
    %mul3A_69 = vector.broadcast %broadcast_in_dim3A_68 : vector<1x2048xf32> to vector<64x2048xf32>
    %mul3A_70 = arith.mulf %add3A_65, %mul3A_69 : vector<64x2048xf32>
    %swap3A_71 = arith.constant 0 : index
    %swap3A_72 = arith.constant 0 : index
    %swap3A_73 = arith.constant 2 : index
    %swap3A_74 = arith.constant 0 : index
    %swap3A_75 = vector.load %arg6[%swap3A_71, %swap3A_72, %swap3A_73, %swap3A_74] : memref<1x64x16x2048xf32, #tpu.memory_space<vmem>>, vector<1x64x1x2048xf32>
    %swap3A_76 = vector.shape_cast %swap3A_75 : vector<1x64x1x2048xf32> to vector<64x2048xf32>
    %swap3A_77 = vector.shape_cast %mul3A_70 : vector<64x2048xf32> to vector<1x64x1x2048xf32>
    tpu.vector_store %arg6[%swap3A_71, %swap3A_72, %swap3A_73, %swap3A_74], %swap3A_77 {strides = array<i32>} : memref<1x64x16x2048xf32, #tpu.memory_space<vmem>>, vector<1x64x1x2048xf32>,
    %get3A_78 = arith.constant 0 : index
    %get3A_79 = arith.constant 0 : index
    %get3A_80 = vector.load %arg3[%get3A_78, %get3A_79] : memref<64x20xf32, #tpu.memory_space<vmem>>, vector<64x20xf32>
    %get3A_81 = arith.constant 0 : index
    %get3A_82 = arith.constant 0 : index
    %get3A_83 = arith.constant 3 : index
    %get3A_84 = arith.constant 0 : index
    %get3A_85 = vector.load %arg2[%get3A_81, %get3A_82, %get3A_83, %get3A_84] : memref<1x20x16x2048xf32, #tpu.memory_space<vmem>>, vector<1x20x1x2048xf32>
    %get3A_86 = vector.shape_cast %get3A_85 : vector<1x20x1x2048xf32> to vector<20x2048xf32>
    %dot_general3A_87 = arith.constant dense<0.000000e+00> : vector<64x2048xf32>
    %dot_general3A_88 = tpu.matmul %get3A_80, %get3A_86, %dot_general3A_87 {dimension_numbers = #tpu.dot_dimension_numbers<[1], [0], [0], [1], [0, 0, 1, 1], [], []>, transpose_lhs_hint = false} : vector<64x20xf32>, vector<20x2048xf32>, vector<64x2048xf32> -> vector<64x2048xf32>
    %get3A_89 = arith.constant 0 : index
    %get3A_90 = arith.constant 0 : index
    %get3A_91 = vector.load %arg4[%get3A_89, %get3A_90] : memref<64x1xf32, #tpu.memory_space<vmem>>, vector<64x1xf32>
    %add3A_92 = vector.broadcast %get3A_91 : vector<64x1xf32> to vector<64x2048xf32>
    %add3A_93 = arith.addf %dot_general3A_88, %add3A_92 : vector<64x2048xf32>
    %get3A_94 = arith.constant 6144 : index
    %get3A_95 = vector.load %arg5[%get3A_94] : memref<32768xf32, #tpu.memory_space<vmem>>, vector<2048xf32>
    %broadcast_in_dim3A_96 = vector.shape_cast %get3A_95 : vector<2048xf32> to vector<1x2048xf32>
    %mul3A_97 = vector.broadcast %broadcast_in_dim3A_96 : vector<1x2048xf32> to vector<64x2048xf32>
    %mul3A_98 = arith.mulf %add3A_93, %mul3A_97 : vector<64x2048xf32>
    %swap3A_99 = arith.constant 0 : index
    %swap3A_100 = arith.constant 0 : index
    %swap3A_101 = arith.constant 3 : index
    %swap3A_102 = arith.constant 0 : index
    %swap3A_103 = vector.load %arg6[%swap3A_99, %swap3A_100, %swap3A_101, %swap3A_102] : memref<1x64x16x2048xf32, #tpu.memory_space<vmem>>, vector<1x64x1x2048xf32>
    %swap3A_104 = vector.shape_cast %swap3A_103 : vector<1x64x1x2048xf32> to vector<64x2048xf32>
    %swap3A_105 = vector.shape_cast %mul3A_98 : vector<64x2048xf32> to vector<1x64x1x2048xf32>
    tpu.vector_store %arg6[%swap3A_99, %swap3A_100, %swap3A_101, %swap3A_102], %swap3A_105 {strides = array<i32>} : memref<1x64x16x2048xf32, #tpu.memory_space<vmem>>, vector<1x64x1x2048xf32>,
    %get3A_106 = arith.constant 0 : index
    %get3A_107 = arith.constant 0 : index
    %get3A_108 = vector.load %arg3[%get3A_106, %get3A_107] : memref<64x20xf32, #tpu.memory_space<vmem>>, vector<64x20xf32>
    %get3A_109 = arith.constant 0 : index
    %get3A_110 = arith.constant 0 : index
    %get3A_111 = arith.constant 4 : index
    %get3A_112 = arith.constant 0 : index
    %get3A_113 = vector.load %arg2[%get3A_109, %get3A_110, %get3A_111, %get3A_112] : memref<1x20x16x2048xf32, #tpu.memory_space<vmem>>, vector<1x20x1x2048xf32>
    %get3A_114 = vector.shape_cast %get3A_113 : vector<1x20x1x2048xf32> to vector<20x2048xf32>
    %dot_general3A_115 = arith.constant dense<0.000000e+00> : vector<64x2048xf32>
    %dot_general3A_116 = tpu.matmul %get3A_108, %get3A_114, %dot_general3A_115 {dimension_numbers = #tpu.dot_dimension_numbers<[1], [0], [0], [1], [0, 0, 1, 1], [], []>, transpose_lhs_hint = false} : vector<64x20xf32>, vector<20x2048xf32>, vector<64x2048xf32> -> vector<64x2048xf32>
    %get3A_117 = arith.constant 0 : index
    %get3A_118 = arith.constant 0 : index
    %get3A_119 = vector.load %arg4[%get3A_117, %get3A_118] : memref<64x1xf32, #tpu.memory_space<vmem>>, vector<64x1xf32>
    %add3A_120 = vector.broadcast %get3A_119 : vector<64x1xf32> to vector<64x2048xf32>
    %add3A_121 = arith.addf %dot_general3A_116, %add3A_120 : vector<64x2048xf32>
    %get3A_122 = arith.constant 8192 : index
    %get3A_123 = vector.load %arg5[%get3A_122] : memref<32768xf32, #tpu.memory_space<vmem>>, vector<2048xf32>
    %broadcast_in_dim3A_124 = vector.shape_cast %get3A_123 : vector<2048xf32> to vector<1x2048xf32>
    %mul3A_125 = vector.broadcast %broadcast_in_dim3A_124 : vector<1x2048xf32> to vector<64x2048xf32>
    %mul3A_126 = arith.mulf %add3A_121, %mul3A_125 : vector<64x2048xf32>
    %swap3A_127 = arith.constant 0 : index
    %swap3A_128 = arith.constant 0 : index
    %swap3A_129 = arith.constant 4 : index
    %swap3A_130 = arith.constant 0 : index
    %swap3A_131 = vector.load %arg6[%swap3A_127, %swap3A_128, %swap3A_129, %swap3A_130] : memref<1x64x16x2048xf32, #tpu.memory_space<vmem>>, vector<1x64x1x2048xf32>
    %swap3A_132 = vector.shape_cast %swap3A_131 : vector<1x64x1x2048xf32> to vector<64x2048xf32>
    %swap3A_133 = vector.shape_cast %mul3A_126 : vector<64x2048xf32> to vector<1x64x1x2048xf32>
    tpu.vector_store %arg6[%swap3A_127, %swap3A_128, %swap3A_129, %swap3A_130], %swap3A_133 {strides = array<i32>} : memref<1x64x16x2048xf32, #tpu.memory_space<vmem>>, vector<1x64x1x2048xf32>,
    %get3A_134 = arith.constant 0 : index
    %get3A_135 = arith.constant 0 : index
    %get3A_136 = vector.load %arg3[%get3A_134, %get3A_135] : memref<64x20xf32, #tpu.memory_space<vmem>>, vector<64x20xf32>
    %get3A_137 = arith.constant 0 : index
    %get3A_138 = arith.constant 0 : index
    %get3A_139 = arith.constant 5 : index
    %get3A_140 = arith.constant 0 : index
    %get3A_141 = vector.load %arg2[%get3A_137, %get3A_138, %get3A_139, %get3A_140] : memref<1x20x16x2048xf32, #tpu.memory_space<vmem>>, vector<1x20x1x2048xf32>
    %get3A_142 = vector.shape_cast %get3A_141 : vector<1x20x1x2048xf32> to vector<20x2048xf32>
    %dot_general3A_143 = arith.constant dense<0.000000e+00> : vector<64x2048xf32>
    %dot_general3A_144 = tpu.matmul %get3A_136, %get3A_142, %dot_general3A_143 {dimension_numbers = #tpu.dot_dimension_numbers<[1], [0], [0], [1], [0, 0, 1, 1], [], []>, transpose_lhs_hint = false} : vector<64x20xf32>, vector<20x2048xf32>, vector<64x2048xf32> -> vector<64x2048xf32>
    %get3A_145 = arith.constant 0 : index
    %get3A_146 = arith.constant 0 : index
    %get3A_147 = vector.load %arg4[%get3A_145, %get3A_146] : memref<64x1xf32, #tpu.memory_space<vmem>>, vector<64x1xf32>
    %add3A_148 = vector.broadcast %get3A_147 : vector<64x1xf32> to vector<64x2048xf32>
    %add3A_149 = arith.addf %dot_general3A_144, %add3A_148 : vector<64x2048xf32>
    %get3A_150 = arith.constant 10240 : index
    %get3A_151 = vector.load %arg5[%get3A_150] : memref<32768xf32, #tpu.memory_space<vmem>>, vector<2048xf32>
    %broadcast_in_dim3A_152 = vector.shape_cast %get3A_151 : vector<2048xf32> to vector<1x2048xf32>
    %mul3A_153 = vector.broadcast %broadcast_in_dim3A_152 : vector<1x2048xf32> to vector<64x2048xf32>
    %mul3A_154 = arith.mulf %add3A_149, %mul3A_153 : vector<64x2048xf32>
    %swap3A_155 = arith.constant 0 : index
    %swap3A_156 = arith.constant 0 : index
    %swap3A_157 = arith.constant 5 : index
    %swap3A_158 = arith.constant 0 : index
    %swap3A_159 = vector.load %arg6[%swap3A_155, %swap3A_156, %swap3A_157, %swap3A_158] : memref<1x64x16x2048xf32, #tpu.memory_space<vmem>>, vector<1x64x1x2048xf32>
    %swap3A_160 = vector.shape_cast %swap3A_159 : vector<1x64x1x2048xf32> to vector<64x2048xf32>
    %swap3A_161 = vector.shape_cast %mul3A_154 : vector<64x2048xf32> to vector<1x64x1x2048xf32>
    tpu.vector_store %arg6[%swap3A_155, %swap3A_156, %swap3A_157, %swap3A_158], %swap3A_161 {strides = array<i32>} : memref<1x64x16x2048xf32, #tpu.memory_space<vmem>>, vector<1x64x1x2048xf32>,
    %get3A_162 = arith.constant 0 : index
    %get3A_163 = arith.constant 0 : index
    %get3A_164 = vector.load %arg3[%get3A_162, %get3A_163] : memref<64x20xf32, #tpu.memory_space<vmem>>, vector<64x20xf32>
    %get3A_165 = arith.constant 0 : index
    %get3A_166 = arith.constant 0 : index
    %get3A_167 = arith.constant 6 : index
    %get3A_168 = arith.constant 0 : index
    %get3A_169 = vector.load %arg2[%get3A_165, %get3A_166, %get3A_167, %get3A_168] : memref<1x20x16x2048xf32, #tpu.memory_space<vmem>>, vector<1x20x1x2048xf32>
    %get3A_170 = vector.shape_cast %get3A_169 : vector<1x20x1x2048xf32> to vector<20x2048xf32>
    %dot_general3A_171 = arith.constant dense<0.000000e+00> : vector<64x2048xf32>
    %dot_general3A_172 = tpu.matmul %get3A_164, %get3A_170, %dot_general3A_171 {dimension_numbers = #tpu.dot_dimension_numbers<[1], [0], [0], [1], [0, 0, 1, 1], [], []>, transpose_lhs_hint = false} : vector<64x20xf32>, vector<20x2048xf32>, vector<64x2048xf32> -> vector<64x2048xf32>
    %get3A_173 = arith.constant 0 : index
    %get3A_174 = arith.constant 0 : index
    %get3A_175 = vector.load %arg4[%get3A_173, %get3A_174] : memref<64x1xf32, #tpu.memory_space<vmem>>, vector<64x1xf32>
    %add3A_176 = vector.broadcast %get3A_175 : vector<64x1xf32> to vector<64x2048xf32>
    %add3A_177 = arith.addf %dot_general3A_172, %add3A_176 : vector<64x2048xf32>
    %get3A_178 = arith.constant 12288 : index
    %get3A_179 = vector.load %arg5[%get3A_178] : memref<32768xf32, #tpu.memory_space<vmem>>, vector<2048xf32>
    %broadcast_in_dim3A_180 = vector.shape_cast %get3A_179 : vector<2048xf32> to vector<1x2048xf32>
    %mul3A_181 = vector.broadcast %broadcast_in_dim3A_180 : vector<1x2048xf32> to vector<64x2048xf32>
    %mul3A_182 = arith.mulf %add3A_177, %mul3A_181 : vector<64x2048xf32>
    %swap3A_183 = arith.constant 0 : index
    %swap3A_184 = arith.constant 0 : index
    %swap3A_185 = arith.constant 6 : index
    %swap3A_186 = arith.constant 0 : index
    %swap3A_187 = vector.load %arg6[%swap3A_183, %swap3A_184, %swap3A_185, %swap3A_186] : memref<1x64x16x2048xf32, #tpu.memory_space<vmem>>, vector<1x64x1x2048xf32>
    %swap3A_188 = vector.shape_cast %swap3A_187 : vector<1x64x1x2048xf32> to vector<64x2048xf32>
    %swap3A_189 = vector.shape_cast %mul3A_182 : vector<64x2048xf32> to vector<1x64x1x2048xf32>
    tpu.vector_store %arg6[%swap3A_183, %swap3A_184, %swap3A_185, %swap3A_186], %swap3A_189 {strides = array<i32>} : memref<1x64x16x2048xf32, #tpu.memory_space<vmem>>, vector<1x64x1x2048xf32>,
    %get3A_190 = arith.constant 0 : index
    %get3A_191 = arith.constant 0 : index
    %get3A_192 = vector.load %arg3[%get3A_190, %get3A_191] : memref<64x20xf32, #tpu.memory_space<vmem>>, vector<64x20xf32>
    %get3A_193 = arith.constant 0 : index
    %get3A_194 = arith.constant 0 : index
    %get3A_195 = arith.constant 7 : index
    %get3A_196 = arith.constant 0 : index
    %get3A_197 = vector.load %arg2[%get3A_193, %get3A_194, %get3A_195, %get3A_196] : memref<1x20x16x2048xf32, #tpu.memory_space<vmem>>, vector<1x20x1x2048xf32>
    %get3A_198 = vector.shape_cast %get3A_197 : vector<1x20x1x2048xf32> to vector<20x2048xf32>
    %dot_general3A_199 = arith.constant dense<0.000000e+00> : vector<64x2048xf32>
    %dot_general3A_200 = tpu.matmul %get3A_192, %get3A_198, %dot_general3A_199 {dimension_numbers = #tpu.dot_dimension_numbers<[1], [0], [0], [1], [0, 0, 1, 1], [], []>, transpose_lhs_hint = false} : vector<64x20xf32>, vector<20x2048xf32>, vector<64x2048xf32> -> vector<64x2048xf32>
    %get3A_201 = arith.constant 0 : index
    %get3A_202 = arith.constant 0 : index
    %get3A_203 = vector.load %arg4[%get3A_201, %get3A_202] : memref<64x1xf32, #tpu.memory_space<vmem>>, vector<64x1xf32>
    %add3A_204 = vector.broadcast %get3A_203 : vector<64x1xf32> to vector<64x2048xf32>
    %add3A_205 = arith.addf %dot_general3A_200, %add3A_204 : vector<64x2048xf32>
    %get3A_206 = arith.constant 14336 : index
    %get3A_207 = vector.load %arg5[%get3A_206] : memref<32768xf32, #tpu.memory_space<vmem>>, vector<2048xf32>
    %broadcast_in_dim3A_208 = vector.shape_cast %get3A_207 : vector<2048xf32> to vector<1x2048xf32>
    %mul3A_209 = vector.broadcast %broadcast_in_dim3A_208 : vector<1x2048xf32> to vector<64x2048xf32>
    %mul3A_210 = arith.mulf %add3A_205, %mul3A_209 : vector<64x2048xf32>
    %swap3A_211 = arith.constant 0 : index
    %swap3A_212 = arith.constant 0 : index
    %swap3A_213 = arith.constant 7 : index
    %swap3A_214 = arith.constant 0 : index
    %swap3A_215 = vector.load %arg6[%swap3A_211, %swap3A_212, %swap3A_213, %swap3A_214] : memref<1x64x16x2048xf32, #tpu.memory_space<vmem>>, vector<1x64x1x2048xf32>
    %swap3A_216 = vector.shape_cast %swap3A_215 : vector<1x64x1x2048xf32> to vector<64x2048xf32>
    %swap3A_217 = vector.shape_cast %mul3A_210 : vector<64x2048xf32> to vector<1x64x1x2048xf32>
    tpu.vector_store %arg6[%swap3A_211, %swap3A_212, %swap3A_213, %swap3A_214], %swap3A_217 {strides = array<i32>} : memref<1x64x16x2048xf32, #tpu.memory_space<vmem>>, vector<1x64x1x2048xf32>,
    %get3A_218 = arith.constant 0 : index
    %get3A_219 = arith.constant 0 : index
    %get3A_220 = vector.load %arg3[%get3A_218, %get3A_219] : memref<64x20xf32, #tpu.memory_space<vmem>>, vector<64x20xf32>
    %get3A_221 = arith.constant 0 : index
    %get3A_222 = arith.constant 0 : index
    %get3A_223 = arith.constant 8 : index
    %get3A_224 = arith.constant 0 : index
    %get3A_225 = vector.load %arg2[%get3A_221, %get3A_222, %get3A_223, %get3A_224] : memref<1x20x16x2048xf32, #tpu.memory_space<vmem>>, vector<1x20x1x2048xf32>
    %get3A_226 = vector.shape_cast %get3A_225 : vector<1x20x1x2048xf32> to vector<20x2048xf32>
    %dot_general3A_227 = arith.constant dense<0.000000e+00> : vector<64x2048xf32>
    %dot_general3A_228 = tpu.matmul %get3A_220, %get3A_226, %dot_general3A_227 {dimension_numbers = #tpu.dot_dimension_numbers<[1], [0], [0], [1], [0, 0, 1, 1], [], []>, transpose_lhs_hint = false} : vector<64x20xf32>, vector<20x2048xf32>, vector<64x2048xf32> -> vector<64x2048xf32>
    %get3A_229 = arith.constant 0 : index
    %get3A_230 = arith.constant 0 : index
    %get3A_231 = vector.load %arg4[%get3A_229, %get3A_230] : memref<64x1xf32, #tpu.memory_space<vmem>>, vector<64x1xf32>
    %add3A_232 = vector.broadcast %get3A_231 : vector<64x1xf32> to vector<64x2048xf32>
    %add3A_233 = arith.addf %dot_general3A_228, %add3A_232 : vector<64x2048xf32>
    %get3A_234 = arith.constant 16384 : index
    %get3A_235 = vector.load %arg5[%get3A_234] : memref<32768xf32, #tpu.memory_space<vmem>>, vector<2048xf32>
    %broadcast_in_dim3A_236 = vector.shape_cast %get3A_235 : vector<2048xf32> to vector<1x2048xf32>
    %mul3A_237 = vector.broadcast %broadcast_in_dim3A_236 : vector<1x2048xf32> to vector<64x2048xf32>
    %mul3A_238 = arith.mulf %add3A_233, %mul3A_237 : vector<64x2048xf32>
    %swap3A_239 = arith.constant 0 : index
    %swap3A_240 = arith.constant 0 : index
    %swap3A_241 = arith.constant 8 : index
    %swap3A_242 = arith.constant 0 : index
    %swap3A_243 = vector.load %arg6[%swap3A_239, %swap3A_240, %swap3A_241, %swap3A_242] : memref<1x64x16x2048xf32, #tpu.memory_space<vmem>>, vector<1x64x1x2048xf32>
    %swap3A_244 = vector.shape_cast %swap3A_243 : vector<1x64x1x2048xf32> to vector<64x2048xf32>
    %swap3A_245 = vector.shape_cast %mul3A_238 : vector<64x2048xf32> to vector<1x64x1x2048xf32>
    tpu.vector_store %arg6[%swap3A_239, %swap3A_240, %swap3A_241, %swap3A_242], %swap3A_245 {strides = array<i32>} : memref<1x64x16x2048xf32, #tpu.memory_space<vmem>>, vector<1x64x1x2048xf32>,
    %get3A_246 = arith.constant 0 : index
    %get3A_247 = arith.constant 0 : index
    %get3A_248 = vector.load %arg3[%get3A_246, %get3A_247] : memref<64x20xf32, #tpu.memory_space<vmem>>, vector<64x20xf32>
    %get3A_249 = arith.constant 0 : index
    %get3A_250 = arith.constant 0 : index
    %get3A_251 = arith.constant 9 : index
    %get3A_252 = arith.constant 0 : index
    %get3A_253 = vector.load %arg2[%get3A_249, %get3A_250, %get3A_251, %get3A_252] : memref<1x20x16x2048xf32, #tpu.memory_space<vmem>>, vector<1x20x1x2048xf32>
    %get3A_254 = vector.shape_cast %get3A_253 : vector<1x20x1x2048xf32> to vector<20x2048xf32>
    %dot_general3A_255 = arith.constant dense<0.000000e+00> : vector<64x2048xf32>
    %dot_general3A_256 = tpu.matmul %get3A_248, %get3A_254, %dot_general3A_255 {dimension_numbers = #tpu.dot_dimension_numbers<[1], [0], [0], [1], [0, 0, 1, 1], [], []>, transpose_lhs_hint = false} : vector<64x20xf32>, vector<20x2048xf32>, vector<64x2048xf32> -> vector<64x2048xf32>
    %get3A_257 = arith.constant 0 : index
    %get3A_258 = arith.constant 0 : index
    %get3A_259 = vector.load %arg4[%get3A_257, %get3A_258] : memref<64x1xf32, #tpu.memory_space<vmem>>, vector<64x1xf32>
    %add3A_260 = vector.broadcast %get3A_259 : vector<64x1xf32> to vector<64x2048xf32>
    %add3A_261 = arith.addf %dot_general3A_256, %add3A_260 : vector<64x2048xf32>
    %get3A_262 = arith.constant 18432 : index
    %get3A_263 = vector.load %arg5[%get3A_262] : memref<32768xf32, #tpu.memory_space<vmem>>, vector<2048xf32>
    %broadcast_in_dim3A_264 = vector.shape_cast %get3A_263 : vector<2048xf32> to vector<1x2048xf32>
    %mul3A_265 = vector.broadcast %broadcast_in_dim3A_264 : vector<1x2048xf32> to vector<64x2048xf32>
    %mul3A_266 = arith.mulf %add3A_261, %mul3A_265 : vector<64x2048xf32>
    %swap3A_267 = arith.constant 0 : index
    %swap3A_268 = arith.constant 0 : index
    %swap3A_269 = arith.constant 9 : index
    %swap3A_270 = arith.constant 0 : index
    %swap3A_271 = vector.load %arg6[%swap3A_267, %swap3A_268, %swap3A_269, %swap3A_270] : memref<1x64x16x2048xf32, #tpu.memory_space<vmem>>, vector<1x64x1x2048xf32>
    %swap3A_272 = vector.shape_cast %swap3A_271 : vector<1x64x1x2048xf32> to vector<64x2048xf32>
    %swap3A_273 = vector.shape_cast %mul3A_266 : vector<64x2048xf32> to vector<1x64x1x2048xf32>
    tpu.vector_store %arg6[%swap3A_267, %swap3A_268, %swap3A_269, %swap3A_270], %swap3A_273 {strides = array<i32>} : memref<1x64x16x2048xf32, #tpu.memory_space<vmem>>, vector<1x64x1x2048xf32>,
    %get3A_274 = arith.constant 0 : index
    %get3A_275 = arith.constant 0 : index
    %get3A_276 = vector.load %arg3[%get3A_274, %get3A_275] : memref<64x20xf32, #tpu.memory_space<vmem>>, vector<64x20xf32>
    %get3A_277 = arith.constant 0 : index
    %get3A_278 = arith.constant 0 : index
    %get3A_279 = arith.constant 10 : index
    %get3A_280 = arith.constant 0 : index
    %get3A_281 = vector.load %arg2[%get3A_277, %get3A_278, %get3A_279, %get3A_280] : memref<1x20x16x2048xf32, #tpu.memory_space<vmem>>, vector<1x20x1x2048xf32>
    %get3A_282 = vector.shape_cast %get3A_281 : vector<1x20x1x2048xf32> to vector<20x2048xf32>
    %dot_general3A_283 = arith.constant dense<0.000000e+00> : vector<64x2048xf32>
    %dot_general3A_284 = tpu.matmul %get3A_276, %get3A_282, %dot_general3A_283 {dimension_numbers = #tpu.dot_dimension_numbers<[1], [0], [0], [1], [0, 0, 1, 1], [], []>, transpose_lhs_hint = false} : vector<64x20xf32>, vector<20x2048xf32>, vector<64x2048xf32> -> vector<64x2048xf32>
    %get3A_285 = arith.constant 0 : index
    %get3A_286 = arith.constant 0 : index
    %get3A_287 = vector.load %arg4[%get3A_285, %get3A_286] : memref<64x1xf32, #tpu.memory_space<vmem>>, vector<64x1xf32>
    %add3A_288 = vector.broadcast %get3A_287 : vector<64x1xf32> to vector<64x2048xf32>
    %add3A_289 = arith.addf %dot_general3A_284, %add3A_288 : vector<64x2048xf32>
    %get3A_290 = arith.constant 20480 : index
    %get3A_291 = vector.load %arg5[%get3A_290] : memref<32768xf32, #tpu.memory_space<vmem>>, vector<2048xf32>
    %broadcast_in_dim3A_292 = vector.shape_cast %get3A_291 : vector<2048xf32> to vector<1x2048xf32>
    %mul3A_293 = vector.broadcast %broadcast_in_dim3A_292 : vector<1x2048xf32> to vector<64x2048xf32>
    %mul3A_294 = arith.mulf %add3A_289, %mul3A_293 : vector<64x2048xf32>
    %swap3A_295 = arith.constant 0 : index
    %swap3A_296 = arith.constant 0 : index
    %swap3A_297 = arith.constant 10 : index
    %swap3A_298 = arith.constant 0 : index
    %swap3A_299 = vector.load %arg6[%swap3A_295, %swap3A_296, %swap3A_297, %swap3A_298] : memref<1x64x16x2048xf32, #tpu.memory_space<vmem>>, vector<1x64x1x2048xf32>
    %swap3A_300 = vector.shape_cast %swap3A_299 : vector<1x64x1x2048xf32> to vector<64x2048xf32>
    %swap3A_301 = vector.shape_cast %mul3A_294 : vector<64x2048xf32> to vector<1x64x1x2048xf32>
    tpu.vector_store %arg6[%swap3A_295, %swap3A_296, %swap3A_297, %swap3A_298], %swap3A_301 {strides = array<i32>} : memref<1x64x16x2048xf32, #tpu.memory_space<vmem>>, vector<1x64x1x2048xf32>,
    %get3A_302 = arith.constant 0 : index
    %get3A_303 = arith.constant 0 : index
    %get3A_304 = vector.load %arg3[%get3A_302, %get3A_303] : memref<64x20xf32, #tpu.memory_space<vmem>>, vector<64x20xf32>
    %get3A_305 = arith.constant 0 : index
    %get3A_306 = arith.constant 0 : index
    %get3A_307 = arith.constant 11 : index
    %get3A_308 = arith.constant 0 : index
    %get3A_309 = vector.load %arg2[%get3A_305, %get3A_306, %get3A_307, %get3A_308] : memref<1x20x16x2048xf32, #tpu.memory_space<vmem>>, vector<1x20x1x2048xf32>
    %get3A_310 = vector.shape_cast %get3A_309 : vector<1x20x1x2048xf32> to vector<20x2048xf32>
    %dot_general3A_311 = arith.constant dense<0.000000e+00> : vector<64x2048xf32>
    %dot_general3A_312 = tpu.matmul %get3A_304, %get3A_310, %dot_general3A_311 {dimension_numbers = #tpu.dot_dimension_numbers<[1], [0], [0], [1], [0, 0, 1, 1], [], []>, transpose_lhs_hint = false} : vector<64x20xf32>, vector<20x2048xf32>, vector<64x2048xf32> -> vector<64x2048xf32>
    %get3A_313 = arith.constant 0 : index
    %get3A_314 = arith.constant 0 : index
    %get3A_315 = vector.load %arg4[%get3A_313, %get3A_314] : memref<64x1xf32, #tpu.memory_space<vmem>>, vector<64x1xf32>
    %add3A_316 = vector.broadcast %get3A_315 : vector<64x1xf32> to vector<64x2048xf32>
    %add3A_317 = arith.addf %dot_general3A_312, %add3A_316 : vector<64x2048xf32>
    %get3A_318 = arith.constant 22528 : index
    %get3A_319 = vector.load %arg5[%get3A_318] : memref<32768xf32, #tpu.memory_space<vmem>>, vector<2048xf32>
    %broadcast_in_dim3A_320 = vector.shape_cast %get3A_319 : vector<2048xf32> to vector<1x2048xf32>
    %mul3A_321 = vector.broadcast %broadcast_in_dim3A_320 : vector<1x2048xf32> to vector<64x2048xf32>
    %mul3A_322 = arith.mulf %add3A_317, %mul3A_321 : vector<64x2048xf32>
    %swap3A_323 = arith.constant 0 : index
    %swap3A_324 = arith.constant 0 : index
    %swap3A_325 = arith.constant 11 : index
    %swap3A_326 = arith.constant 0 : index
    %swap3A_327 = vector.load %arg6[%swap3A_323, %swap3A_324, %swap3A_325, %swap3A_326] : memref<1x64x16x2048xf32, #tpu.memory_space<vmem>>, vector<1x64x1x2048xf32>
    %swap3A_328 = vector.shape_cast %swap3A_327 : vector<1x64x1x2048xf32> to vector<64x2048xf32>
    %swap3A_329 = vector.shape_cast %mul3A_322 : vector<64x2048xf32> to vector<1x64x1x2048xf32>
    tpu.vector_store %arg6[%swap3A_323, %swap3A_324, %swap3A_325, %swap3A_326], %swap3A_329 {strides = array<i32>} : memref<1x64x16x2048xf32, #tpu.memory_space<vmem>>, vector<1x64x1x2048xf32>,
    %get3A_330 = arith.constant 0 : index
    %get3A_331 = arith.constant 0 : index
    %get3A_332 = vector.load %arg3[%get3A_330, %get3A_331] : memref<64x20xf32, #tpu.memory_space<vmem>>, vector<64x20xf32>
    %get3A_333 = arith.constant 0 : index
    %get3A_334 = arith.constant 0 : index
    %get3A_335 = arith.constant 12 : index
    %get3A_336 = arith.constant 0 : index
    %get3A_337 = vector.load %arg2[%get3A_333, %get3A_334, %get3A_335, %get3A_336] : memref<1x20x16x2048xf32, #tpu.memory_space<vmem>>, vector<1x20x1x2048xf32>
    %get3A_338 = vector.shape_cast %get3A_337 : vector<1x20x1x2048xf32> to vector<20x2048xf32>
    %dot_general3A_339 = arith.constant dense<0.000000e+00> : vector<64x2048xf32>
    %dot_general3A_340 = tpu.matmul %get3A_332, %get3A_338, %dot_general3A_339 {dimension_numbers = #tpu.dot_dimension_numbers<[1], [0], [0], [1], [0, 0, 1, 1], [], []>, transpose_lhs_hint = false} : vector<64x20xf32>, vector<20x2048xf32>, vector<64x2048xf32> -> vector<64x2048xf32>
    %get3A_341 = arith.constant 0 : index
    %get3A_342 = arith.constant 0 : index
    %get3A_343 = vector.load %arg4[%get3A_341, %get3A_342] : memref<64x1xf32, #tpu.memory_space<vmem>>, vector<64x1xf32>
    %add3A_344 = vector.broadcast %get3A_343 : vector<64x1xf32> to vector<64x2048xf32>
    %add3A_345 = arith.addf %dot_general3A_340, %add3A_344 : vector<64x2048xf32>
    %get3A_346 = arith.constant 24576 : index
    %get3A_347 = vector.load %arg5[%get3A_346] : memref<32768xf32, #tpu.memory_space<vmem>>, vector<2048xf32>
    %broadcast_in_dim3A_348 = vector.shape_cast %get3A_347 : vector<2048xf32> to vector<1x2048xf32>
    %mul3A_349 = vector.broadcast %broadcast_in_dim3A_348 : vector<1x2048xf32> to vector<64x2048xf32>
    %mul3A_350 = arith.mulf %add3A_345, %mul3A_349 : vector<64x2048xf32>
    %swap3A_351 = arith.constant 0 : index
    %swap3A_352 = arith.constant 0 : index
    %swap3A_353 = arith.constant 12 : index
    %swap3A_354 = arith.constant 0 : index
    %swap3A_355 = vector.load %arg6[%swap3A_351, %swap3A_352, %swap3A_353, %swap3A_354] : memref<1x64x16x2048xf32, #tpu.memory_space<vmem>>, vector<1x64x1x2048xf32>
    %swap3A_356 = vector.shape_cast %swap3A_355 : vector<1x64x1x2048xf32> to vector<64x2048xf32>
    %swap3A_357 = vector.shape_cast %mul3A_350 : vector<64x2048xf32> to vector<1x64x1x2048xf32>
    tpu.vector_store %arg6[%swap3A_351, %swap3A_352, %swap3A_353, %swap3A_354], %swap3A_357 {strides = array<i32>} : memref<1x64x16x2048xf32, #tpu.memory_space<vmem>>, vector<1x64x1x2048xf32>,
    %get3A_358 = arith.constant 0 : index
    %get3A_359 = arith.constant 0 : index
    %get3A_360 = vector.load %arg3[%get3A_358, %get3A_359] : memref<64x20xf32, #tpu.memory_space<vmem>>, vector<64x20xf32>
    %get3A_361 = arith.constant 0 : index
    %get3A_362 = arith.constant 0 : index
    %get3A_363 = arith.constant 13 : index
    %get3A_364 = arith.constant 0 : index
    %get3A_365 = vector.load %arg2[%get3A_361, %get3A_362, %get3A_363, %get3A_364] : memref<1x20x16x2048xf32, #tpu.memory_space<vmem>>, vector<1x20x1x2048xf32>
    %get3A_366 = vector.shape_cast %get3A_365 : vector<1x20x1x2048xf32> to vector<20x2048xf32>
    %dot_general3A_367 = arith.constant dense<0.000000e+00> : vector<64x2048xf32>
    %dot_general3A_368 = tpu.matmul %get3A_360, %get3A_366, %dot_general3A_367 {dimension_numbers = #tpu.dot_dimension_numbers<[1], [0], [0], [1], [0, 0, 1, 1], [], []>, transpose_lhs_hint = false} : vector<64x20xf32>, vector<20x2048xf32>, vector<64x2048xf32> -> vector<64x2048xf32>
    %get3A_369 = arith.constant 0 : index
    %get3A_370 = arith.constant 0 : index
    %get3A_371 = vector.load %arg4[%get3A_369, %get3A_370] : memref<64x1xf32, #tpu.memory_space<vmem>>, vector<64x1xf32>
    %add3A_372 = vector.broadcast %get3A_371 : vector<64x1xf32> to vector<64x2048xf32>
    %add3A_373 = arith.addf %dot_general3A_368, %add3A_372 : vector<64x2048xf32>
    %get3A_374 = arith.constant 26624 : index
    %get3A_375 = vector.load %arg5[%get3A_374] : memref<32768xf32, #tpu.memory_space<vmem>>, vector<2048xf32>
    %broadcast_in_dim3A_376 = vector.shape_cast %get3A_375 : vector<2048xf32> to vector<1x2048xf32>
    %mul3A_377 = vector.broadcast %broadcast_in_dim3A_376 : vector<1x2048xf32> to vector<64x2048xf32>
    %mul3A_378 = arith.mulf %add3A_373, %mul3A_377 : vector<64x2048xf32>
    %swap3A_379 = arith.constant 0 : index
    %swap3A_380 = arith.constant 0 : index
    %swap3A_381 = arith.constant 13 : index
    %swap3A_382 = arith.constant 0 : index
    %swap3A_383 = vector.load %arg6[%swap3A_379, %swap3A_380, %swap3A_381, %swap3A_382] : memref<1x64x16x2048xf32, #tpu.memory_space<vmem>>, vector<1x64x1x2048xf32>
    %swap3A_384 = vector.shape_cast %swap3A_383 : vector<1x64x1x2048xf32> to vector<64x2048xf32>
    %swap3A_385 = vector.shape_cast %mul3A_378 : vector<64x2048xf32> to vector<1x64x1x2048xf32>
    tpu.vector_store %arg6[%swap3A_379, %swap3A_380, %swap3A_381, %swap3A_382], %swap3A_385 {strides = array<i32>} : memref<1x64x16x2048xf32, #tpu.memory_space<vmem>>, vector<1x64x1x2048xf32>,
    %get3A_386 = arith.constant 0 : index
    %get3A_387 = arith.constant 0 : index
    %get3A_388 = vector.load %arg3[%get3A_386, %get3A_387] : memref<64x20xf32, #tpu.memory_space<vmem>>, vector<64x20xf32>
    %get3A_389 = arith.constant 0 : index
    %get3A_390 = arith.constant 0 : index
    %get3A_391 = arith.constant 14 : index
    %get3A_392 = arith.constant 0 : index
    %get3A_393 = vector.load %arg2[%get3A_389, %get3A_390, %get3A_391, %get3A_392] : memref<1x20x16x2048xf32, #tpu.memory_space<vmem>>, vector<1x20x1x2048xf32>
    %get3A_394 = vector.shape_cast %get3A_393 : vector<1x20x1x2048xf32> to vector<20x2048xf32>
    %dot_general3A_395 = arith.constant dense<0.000000e+00> : vector<64x2048xf32>
    %dot_general3A_396 = tpu.matmul %get3A_388, %get3A_394, %dot_general3A_395 {dimension_numbers = #tpu.dot_dimension_numbers<[1], [0], [0], [1], [0, 0, 1, 1], [], []>, transpose_lhs_hint = false} : vector<64x20xf32>, vector<20x2048xf32>, vector<64x2048xf32> -> vector<64x2048xf32>
    %get3A_397 = arith.constant 0 : index
    %get3A_398 = arith.constant 0 : index
    %get3A_399 = vector.load %arg4[%get3A_397, %get3A_398] : memref<64x1xf32, #tpu.memory_space<vmem>>, vector<64x1xf32>
    %add3A_400 = vector.broadcast %get3A_399 : vector<64x1xf32> to vector<64x2048xf32>
    %add3A_401 = arith.addf %dot_general3A_396, %add3A_400 : vector<64x2048xf32>
    %get3A_402 = arith.constant 28672 : index
    %get3A_403 = vector.load %arg5[%get3A_402] : memref<32768xf32, #tpu.memory_space<vmem>>, vector<2048xf32>
    %broadcast_in_dim3A_404 = vector.shape_cast %get3A_403 : vector<2048xf32> to vector<1x2048xf32>
    %mul3A_405 = vector.broadcast %broadcast_in_dim3A_404 : vector<1x2048xf32> to vector<64x2048xf32>
    %mul3A_406 = arith.mulf %add3A_401, %mul3A_405 : vector<64x2048xf32>
    %swap3A_407 = arith.constant 0 : index
    %swap3A_408 = arith.constant 0 : index
    %swap3A_409 = arith.constant 14 : index
    %swap3A_410 = arith.constant 0 : index
    %swap3A_411 = vector.load %arg6[%swap3A_407, %swap3A_408, %swap3A_409, %swap3A_410] : memref<1x64x16x2048xf32, #tpu.memory_space<vmem>>, vector<1x64x1x2048xf32>
    %swap3A_412 = vector.shape_cast %swap3A_411 : vector<1x64x1x2048xf32> to vector<64x2048xf32>
    %swap3A_413 = vector.shape_cast %mul3A_406 : vector<64x2048xf32> to vector<1x64x1x2048xf32>
    tpu.vector_store %arg6[%swap3A_407, %swap3A_408, %swap3A_409, %swap3A_410], %swap3A_413 {strides = array<i32>} : memref<1x64x16x2048xf32, #tpu.memory_space<vmem>>, vector<1x64x1x2048xf32>,
    %get3A_414 = arith.constant 0 : index
    %get3A_415 = arith.constant 0 : index
    %get3A_416 = vector.load %arg3[%get3A_414, %get3A_415] : memref<64x20xf32, #tpu.memory_space<vmem>>, vector<64x20xf32>
    %get3A_417 = arith.constant 0 : index
    %get3A_418 = arith.constant 0 : index
    %get3A_419 = arith.constant 15 : index
    %get3A_420 = arith.constant 0 : index
    %get3A_421 = vector.load %arg2[%get3A_417, %get3A_418, %get3A_419, %get3A_420] : memref<1x20x16x2048xf32, #tpu.memory_space<vmem>>, vector<1x20x1x2048xf32>
    %get3A_422 = vector.shape_cast %get3A_421 : vector<1x20x1x2048xf32> to vector<20x2048xf32>
    %dot_general3A_423 = arith.constant dense<0.000000e+00> : vector<64x2048xf32>
    %dot_general3A_424 = tpu.matmul %get3A_416, %get3A_422, %dot_general3A_423 {dimension_numbers = #tpu.dot_dimension_numbers<[1], [0], [0], [1], [0, 0, 1, 1], [], []>, transpose_lhs_hint = false} : vector<64x20xf32>, vector<20x2048xf32>, vector<64x2048xf32> -> vector<64x2048xf32>
    %get3A_425 = arith.constant 0 : index
    %get3A_426 = arith.constant 0 : index
    %get3A_427 = vector.load %arg4[%get3A_425, %get3A_426] : memref<64x1xf32, #tpu.memory_space<vmem>>, vector<64x1xf32>
    %add3A_428 = vector.broadcast %get3A_427 : vector<64x1xf32> to vector<64x2048xf32>
    %add3A_429 = arith.addf %dot_general3A_424, %add3A_428 : vector<64x2048xf32>
    %get3A_430 = arith.constant 30720 : index
    %get3A_431 = vector.load %arg5[%get3A_430] : memref<32768xf32, #tpu.memory_space<vmem>>, vector<2048xf32>
    %broadcast_in_dim3A_432 = vector.shape_cast %get3A_431 : vector<2048xf32> to vector<1x2048xf32>
    %mul3A_433 = vector.broadcast %broadcast_in_dim3A_432 : vector<1x2048xf32> to vector<64x2048xf32>
    %mul3A_434 = arith.mulf %add3A_429, %mul3A_433 : vector<64x2048xf32>
    %swap3A_435 = arith.constant 0 : index
    %swap3A_436 = arith.constant 0 : index
    %swap3A_437 = arith.constant 15 : index
    %swap3A_438 = arith.constant 0 : index
    %swap3A_439 = vector.load %arg6[%swap3A_435, %swap3A_436, %swap3A_437, %swap3A_438] : memref<1x64x16x2048xf32, #tpu.memory_space<vmem>>, vector<1x64x1x2048xf32>
    %swap3A_440 = vector.shape_cast %swap3A_439 : vector<1x64x1x2048xf32> to vector<64x2048xf32>
    %swap3A_441 = vector.shape_cast %mul3A_434 : vector<64x2048xf32> to vector<1x64x1x2048xf32>
    tpu.vector_store %arg6[%swap3A_435, %swap3A_436, %swap3A_437, %swap3A_438], %swap3A_441 {strides = array<i32>} : memref<1x64x16x2048xf32, #tpu.memory_space<vmem>>, vector<1x64x1x2048xf32>,
    return
  }
  func.func @transform_0(%arg0: i32, %arg1: i32) -> (i32, i32, i32, i32) {
    %c0_i32 = arith.constant 0 : i32
    %c0_i32_0 = arith.constant 0 : i32
    %c0_i32_1 = arith.constant 0 : i32
    return %arg0, %c0_i32, %arg1, %c0_i32_0 : i32, i32, i32, i32
  }
  func.func @transform_1(%arg0: i32, %arg1: i32) -> (i32, i32) {
    %c0_i32 = arith.constant 0 : i32
    %c0_i32_0 = arith.constant 0 : i32
    %c0_i32_1 = arith.constant 0 : i32
    return %c0_i32, %c0_i32_0 : i32, i32
  }
  func.func @transform_2(%arg0: i32, %arg1: i32) -> (i32, i32) {
    %c0_i32 = arith.constant 0 : i32
    %c0_i32_0 = arith.constant 0 : i32
    %c0_i32_1 = arith.constant 0 : i32
    return %c0_i32, %c0_i32_0 : i32, i32
  }
  func.func @transform_3(%arg0: i32, %arg1: i32) -> i32 {
    %mul3A = arith.constant 4 : i32
    %mul3A_0 = arith.muli %arg0, %mul3A : i32
    %add3A = arith.addi %mul3A_0, %arg1 : i32
    %c0_i32 = arith.constant 0 : i32
    return %add3A : i32
  }
  func.func @transform_4(%arg0: i32, %arg1: i32) -> (i32, i32, i32, i32) {
    %c0_i32 = arith.constant 0 : i32
    %c0_i32_0 = arith.constant 0 : i32
    %c0_i32_1 = arith.constant 0 : i32
    return %arg0, %c0_i32, %arg1, %c0_i32_0 : i32, i32, i32, i32
  }
}

module attributes {stable_mosaic.version = 14 : i64} {
  func.func @_map_body(%arg0: i32, %arg1: i32, %arg2: memref<1x64x64x256xf32, #tpu.memory_space<vmem>>, %arg3: memref<64x64xf32, #tpu.memory_space<vmem>>, %arg4: memref<64x1xf32, #tpu.memory_space<vmem>>, %arg5: memref<16384xf32, #tpu.memory_space<vmem>>, %arg6: memref<1x64x64x256xf32, #tpu.memory_space<vmem>>) attributes {dimension_semantics = [#tpu.dimension_semantics<parallel>, #tpu.dimension_semantics<parallel>], iteration_bounds = array<i64: 2, 4>, scalar_prefetch = 0 : i64, scratch_operands = 0 : i64, tpu.core_type = #tpu.core_type<tc>, window_params = [{transform_indices = @transform_0, window_bounds = array<i64: 1, 64, 64, 256>}, {pipeline_mode = #tpu.pipeline_mode<synchronous>, transform_indices = @transform_1, window_bounds = array<i64: 64, 64>}, {pipeline_mode = #tpu.pipeline_mode<synchronous>, transform_indices = @transform_2, window_bounds = array<i64: 64, 1>}, {transform_indices = @transform_3, window_bounds = array<i64: 16384>}, {transform_indices = @transform_4, window_bounds = array<i64: 1, 64, 64, 256>}]} {
    %get3A = arith.constant 0 : index
    %get3A_0 = arith.constant 0 : index
    %get3A_1 = vector.load %arg3[%get3A, %get3A_0] : memref<64x64xf32, #tpu.memory_space<vmem>>, vector<64x64xf32>
    %get3A_2 = arith.constant 0 : index
    %get3A_3 = arith.constant 0 : index
    %get3A_4 = arith.constant 0 : index
    %get3A_5 = arith.constant 0 : index
    %get3A_6 = vector.load %arg2[%get3A_2, %get3A_3, %get3A_4, %get3A_5] : memref<1x64x64x256xf32, #tpu.memory_space<vmem>>, vector<1x64x1x256xf32>
    %get3A_7 = vector.shape_cast %get3A_6 : vector<1x64x1x256xf32> to vector<64x256xf32>
    %dot_general3A = arith.constant dense<0.000000e+00> : vector<64x256xf32>
    %dot_general3A_8 = tpu.matmul %get3A_1, %get3A_7, %dot_general3A {dimension_numbers = #tpu.dot_dimension_numbers<[1], [0], [0], [1], [0, 0, 1, 1], [], []>, transpose_lhs_hint = false} : vector<64x64xf32>, vector<64x256xf32>, vector<64x256xf32> -> vector<64x256xf32>
    %get3A_9 = arith.constant 0 : index
    %get3A_10 = arith.constant 0 : index
    %get3A_11 = vector.load %arg4[%get3A_9, %get3A_10] : memref<64x1xf32, #tpu.memory_space<vmem>>, vector<64x1xf32>
    %add3A = vector.broadcast %get3A_11 : vector<64x1xf32> to vector<64x256xf32>
    %add3A_12 = arith.addf %dot_general3A_8, %add3A : vector<64x256xf32>
    %get3A_13 = arith.constant 0 : index
    %get3A_14 = vector.load %arg5[%get3A_13] : memref<16384xf32, #tpu.memory_space<vmem>>, vector<256xf32>
    %broadcast_in_dim3A = vector.shape_cast %get3A_14 : vector<256xf32> to vector<1x256xf32>
    %mul3A = vector.broadcast %broadcast_in_dim3A : vector<1x256xf32> to vector<64x256xf32>
    %mul3A_15 = arith.mulf %add3A_12, %mul3A : vector<64x256xf32>
    %swap3A = arith.constant 0 : index
    %swap3A_16 = arith.constant 0 : index
    %swap3A_17 = arith.constant 0 : index
    %swap3A_18 = arith.constant 0 : index
    %swap3A_19 = vector.load %arg6[%swap3A, %swap3A_16, %swap3A_17, %swap3A_18] : memref<1x64x64x256xf32, #tpu.memory_space<vmem>>, vector<1x64x1x256xf32>
    %swap3A_20 = vector.shape_cast %swap3A_19 : vector<1x64x1x256xf32> to vector<64x256xf32>
    %swap3A_21 = vector.shape_cast %mul3A_15 : vector<64x256xf32> to vector<1x64x1x256xf32>
    tpu.vector_store %arg6[%swap3A, %swap3A_16, %swap3A_17, %swap3A_18], %swap3A_21 {strides = array<i32>} : memref<1x64x64x256xf32, #tpu.memory_space<vmem>>, vector<1x64x1x256xf32>,
    %get3A_22 = arith.constant 0 : index
    %get3A_23 = arith.constant 0 : index
    %get3A_24 = vector.load %arg3[%get3A_22, %get3A_23] : memref<64x64xf32, #tpu.memory_space<vmem>>, vector<64x64xf32>
    %get3A_25 = arith.constant 0 : index
    %get3A_26 = arith.constant 0 : index
    %get3A_27 = arith.constant 1 : index
    %get3A_28 = arith.constant 0 : index
    %get3A_29 = vector.load %arg2[%get3A_25, %get3A_26, %get3A_27, %get3A_28] : memref<1x64x64x256xf32, #tpu.memory_space<vmem>>, vector<1x64x1x256xf32>
    %get3A_30 = vector.shape_cast %get3A_29 : vector<1x64x1x256xf32> to vector<64x256xf32>
    %dot_general3A_31 = arith.constant dense<0.000000e+00> : vector<64x256xf32>
    %dot_general3A_32 = tpu.matmul %get3A_24, %get3A_30, %dot_general3A_31 {dimension_numbers = #tpu.dot_dimension_numbers<[1], [0], [0], [1], [0, 0, 1, 1], [], []>, transpose_lhs_hint = false} : vector<64x64xf32>, vector<64x256xf32>, vector<64x256xf32> -> vector<64x256xf32>
    %get3A_33 = arith.constant 0 : index
    %get3A_34 = arith.constant 0 : index
    %get3A_35 = vector.load %arg4[%get3A_33, %get3A_34] : memref<64x1xf32, #tpu.memory_space<vmem>>, vector<64x1xf32>
    %add3A_36 = vector.broadcast %get3A_35 : vector<64x1xf32> to vector<64x256xf32>
    %add3A_37 = arith.addf %dot_general3A_32, %add3A_36 : vector<64x256xf32>
    %get3A_38 = arith.constant 256 : index
    %get3A_39 = vector.load %arg5[%get3A_38] : memref<16384xf32, #tpu.memory_space<vmem>>, vector<256xf32>
    %broadcast_in_dim3A_40 = vector.shape_cast %get3A_39 : vector<256xf32> to vector<1x256xf32>
    %mul3A_41 = vector.broadcast %broadcast_in_dim3A_40 : vector<1x256xf32> to vector<64x256xf32>
    %mul3A_42 = arith.mulf %add3A_37, %mul3A_41 : vector<64x256xf32>
    %swap3A_43 = arith.constant 0 : index
    %swap3A_44 = arith.constant 0 : index
    %swap3A_45 = arith.constant 1 : index
    %swap3A_46 = arith.constant 0 : index
    %swap3A_47 = vector.load %arg6[%swap3A_43, %swap3A_44, %swap3A_45, %swap3A_46] : memref<1x64x64x256xf32, #tpu.memory_space<vmem>>, vector<1x64x1x256xf32>
    %swap3A_48 = vector.shape_cast %swap3A_47 : vector<1x64x1x256xf32> to vector<64x256xf32>
    %swap3A_49 = vector.shape_cast %mul3A_42 : vector<64x256xf32> to vector<1x64x1x256xf32>
    tpu.vector_store %arg6[%swap3A_43, %swap3A_44, %swap3A_45, %swap3A_46], %swap3A_49 {strides = array<i32>} : memref<1x64x64x256xf32, #tpu.memory_space<vmem>>, vector<1x64x1x256xf32>,
    %get3A_50 = arith.constant 0 : index
    %get3A_51 = arith.constant 0 : index
    %get3A_52 = vector.load %arg3[%get3A_50, %get3A_51] : memref<64x64xf32, #tpu.memory_space<vmem>>, vector<64x64xf32>
    %get3A_53 = arith.constant 0 : index
    %get3A_54 = arith.constant 0 : index
    %get3A_55 = arith.constant 2 : index
    %get3A_56 = arith.constant 0 : index
    %get3A_57 = vector.load %arg2[%get3A_53, %get3A_54, %get3A_55, %get3A_56] : memref<1x64x64x256xf32, #tpu.memory_space<vmem>>, vector<1x64x1x256xf32>
    %get3A_58 = vector.shape_cast %get3A_57 : vector<1x64x1x256xf32> to vector<64x256xf32>
    %dot_general3A_59 = arith.constant dense<0.000000e+00> : vector<64x256xf32>
    %dot_general3A_60 = tpu.matmul %get3A_52, %get3A_58, %dot_general3A_59 {dimension_numbers = #tpu.dot_dimension_numbers<[1], [0], [0], [1], [0, 0, 1, 1], [], []>, transpose_lhs_hint = false} : vector<64x64xf32>, vector<64x256xf32>, vector<64x256xf32> -> vector<64x256xf32>
    %get3A_61 = arith.constant 0 : index
    %get3A_62 = arith.constant 0 : index
    %get3A_63 = vector.load %arg4[%get3A_61, %get3A_62] : memref<64x1xf32, #tpu.memory_space<vmem>>, vector<64x1xf32>
    %add3A_64 = vector.broadcast %get3A_63 : vector<64x1xf32> to vector<64x256xf32>
    %add3A_65 = arith.addf %dot_general3A_60, %add3A_64 : vector<64x256xf32>
    %get3A_66 = arith.constant 512 : index
    %get3A_67 = vector.load %arg5[%get3A_66] : memref<16384xf32, #tpu.memory_space<vmem>>, vector<256xf32>
    %broadcast_in_dim3A_68 = vector.shape_cast %get3A_67 : vector<256xf32> to vector<1x256xf32>
    %mul3A_69 = vector.broadcast %broadcast_in_dim3A_68 : vector<1x256xf32> to vector<64x256xf32>
    %mul3A_70 = arith.mulf %add3A_65, %mul3A_69 : vector<64x256xf32>
    %swap3A_71 = arith.constant 0 : index
    %swap3A_72 = arith.constant 0 : index
    %swap3A_73 = arith.constant 2 : index
    %swap3A_74 = arith.constant 0 : index
    %swap3A_75 = vector.load %arg6[%swap3A_71, %swap3A_72, %swap3A_73, %swap3A_74] : memref<1x64x64x256xf32, #tpu.memory_space<vmem>>, vector<1x64x1x256xf32>
    %swap3A_76 = vector.shape_cast %swap3A_75 : vector<1x64x1x256xf32> to vector<64x256xf32>
    %swap3A_77 = vector.shape_cast %mul3A_70 : vector<64x256xf32> to vector<1x64x1x256xf32>
    tpu.vector_store %arg6[%swap3A_71, %swap3A_72, %swap3A_73, %swap3A_74], %swap3A_77 {strides = array<i32>} : memref<1x64x64x256xf32, #tpu.memory_space<vmem>>, vector<1x64x1x256xf32>,
    %get3A_78 = arith.constant 0 : index
    %get3A_79 = arith.constant 0 : index
    %get3A_80 = vector.load %arg3[%get3A_78, %get3A_79] : memref<64x64xf32, #tpu.memory_space<vmem>>, vector<64x64xf32>
    %get3A_81 = arith.constant 0 : index
    %get3A_82 = arith.constant 0 : index
    %get3A_83 = arith.constant 3 : index
    %get3A_84 = arith.constant 0 : index
    %get3A_85 = vector.load %arg2[%get3A_81, %get3A_82, %get3A_83, %get3A_84] : memref<1x64x64x256xf32, #tpu.memory_space<vmem>>, vector<1x64x1x256xf32>
    %get3A_86 = vector.shape_cast %get3A_85 : vector<1x64x1x256xf32> to vector<64x256xf32>
    %dot_general3A_87 = arith.constant dense<0.000000e+00> : vector<64x256xf32>
    %dot_general3A_88 = tpu.matmul %get3A_80, %get3A_86, %dot_general3A_87 {dimension_numbers = #tpu.dot_dimension_numbers<[1], [0], [0], [1], [0, 0, 1, 1], [], []>, transpose_lhs_hint = false} : vector<64x64xf32>, vector<64x256xf32>, vector<64x256xf32> -> vector<64x256xf32>
    %get3A_89 = arith.constant 0 : index
    %get3A_90 = arith.constant 0 : index
    %get3A_91 = vector.load %arg4[%get3A_89, %get3A_90] : memref<64x1xf32, #tpu.memory_space<vmem>>, vector<64x1xf32>
    %add3A_92 = vector.broadcast %get3A_91 : vector<64x1xf32> to vector<64x256xf32>
    %add3A_93 = arith.addf %dot_general3A_88, %add3A_92 : vector<64x256xf32>
    %get3A_94 = arith.constant 768 : index
    %get3A_95 = vector.load %arg5[%get3A_94] : memref<16384xf32, #tpu.memory_space<vmem>>, vector<256xf32>
    %broadcast_in_dim3A_96 = vector.shape_cast %get3A_95 : vector<256xf32> to vector<1x256xf32>
    %mul3A_97 = vector.broadcast %broadcast_in_dim3A_96 : vector<1x256xf32> to vector<64x256xf32>
    %mul3A_98 = arith.mulf %add3A_93, %mul3A_97 : vector<64x256xf32>
    %swap3A_99 = arith.constant 0 : index
    %swap3A_100 = arith.constant 0 : index
    %swap3A_101 = arith.constant 3 : index
    %swap3A_102 = arith.constant 0 : index
    %swap3A_103 = vector.load %arg6[%swap3A_99, %swap3A_100, %swap3A_101, %swap3A_102] : memref<1x64x64x256xf32, #tpu.memory_space<vmem>>, vector<1x64x1x256xf32>
    %swap3A_104 = vector.shape_cast %swap3A_103 : vector<1x64x1x256xf32> to vector<64x256xf32>
    %swap3A_105 = vector.shape_cast %mul3A_98 : vector<64x256xf32> to vector<1x64x1x256xf32>
    tpu.vector_store %arg6[%swap3A_99, %swap3A_100, %swap3A_101, %swap3A_102], %swap3A_105 {strides = array<i32>} : memref<1x64x64x256xf32, #tpu.memory_space<vmem>>, vector<1x64x1x256xf32>,
    %get3A_106 = arith.constant 0 : index
    %get3A_107 = arith.constant 0 : index
    %get3A_108 = vector.load %arg3[%get3A_106, %get3A_107] : memref<64x64xf32, #tpu.memory_space<vmem>>, vector<64x64xf32>
    %get3A_109 = arith.constant 0 : index
    %get3A_110 = arith.constant 0 : index
    %get3A_111 = arith.constant 4 : index
    %get3A_112 = arith.constant 0 : index
    %get3A_113 = vector.load %arg2[%get3A_109, %get3A_110, %get3A_111, %get3A_112] : memref<1x64x64x256xf32, #tpu.memory_space<vmem>>, vector<1x64x1x256xf32>
    %get3A_114 = vector.shape_cast %get3A_113 : vector<1x64x1x256xf32> to vector<64x256xf32>
    %dot_general3A_115 = arith.constant dense<0.000000e+00> : vector<64x256xf32>
    %dot_general3A_116 = tpu.matmul %get3A_108, %get3A_114, %dot_general3A_115 {dimension_numbers = #tpu.dot_dimension_numbers<[1], [0], [0], [1], [0, 0, 1, 1], [], []>, transpose_lhs_hint = false} : vector<64x64xf32>, vector<64x256xf32>, vector<64x256xf32> -> vector<64x256xf32>
    %get3A_117 = arith.constant 0 : index
    %get3A_118 = arith.constant 0 : index
    %get3A_119 = vector.load %arg4[%get3A_117, %get3A_118] : memref<64x1xf32, #tpu.memory_space<vmem>>, vector<64x1xf32>
    %add3A_120 = vector.broadcast %get3A_119 : vector<64x1xf32> to vector<64x256xf32>
    %add3A_121 = arith.addf %dot_general3A_116, %add3A_120 : vector<64x256xf32>
    %get3A_122 = arith.constant 1024 : index
    %get3A_123 = vector.load %arg5[%get3A_122] : memref<16384xf32, #tpu.memory_space<vmem>>, vector<256xf32>
    %broadcast_in_dim3A_124 = vector.shape_cast %get3A_123 : vector<256xf32> to vector<1x256xf32>
    %mul3A_125 = vector.broadcast %broadcast_in_dim3A_124 : vector<1x256xf32> to vector<64x256xf32>
    %mul3A_126 = arith.mulf %add3A_121, %mul3A_125 : vector<64x256xf32>
    %swap3A_127 = arith.constant 0 : index
    %swap3A_128 = arith.constant 0 : index
    %swap3A_129 = arith.constant 4 : index
    %swap3A_130 = arith.constant 0 : index
    %swap3A_131 = vector.load %arg6[%swap3A_127, %swap3A_128, %swap3A_129, %swap3A_130] : memref<1x64x64x256xf32, #tpu.memory_space<vmem>>, vector<1x64x1x256xf32>
    %swap3A_132 = vector.shape_cast %swap3A_131 : vector<1x64x1x256xf32> to vector<64x256xf32>
    %swap3A_133 = vector.shape_cast %mul3A_126 : vector<64x256xf32> to vector<1x64x1x256xf32>
    tpu.vector_store %arg6[%swap3A_127, %swap3A_128, %swap3A_129, %swap3A_130], %swap3A_133 {strides = array<i32>} : memref<1x64x64x256xf32, #tpu.memory_space<vmem>>, vector<1x64x1x256xf32>,
    %get3A_134 = arith.constant 0 : index
    %get3A_135 = arith.constant 0 : index
    %get3A_136 = vector.load %arg3[%get3A_134, %get3A_135] : memref<64x64xf32, #tpu.memory_space<vmem>>, vector<64x64xf32>
    %get3A_137 = arith.constant 0 : index
    %get3A_138 = arith.constant 0 : index
    %get3A_139 = arith.constant 5 : index
    %get3A_140 = arith.constant 0 : index
    %get3A_141 = vector.load %arg2[%get3A_137, %get3A_138, %get3A_139, %get3A_140] : memref<1x64x64x256xf32, #tpu.memory_space<vmem>>, vector<1x64x1x256xf32>
    %get3A_142 = vector.shape_cast %get3A_141 : vector<1x64x1x256xf32> to vector<64x256xf32>
    %dot_general3A_143 = arith.constant dense<0.000000e+00> : vector<64x256xf32>
    %dot_general3A_144 = tpu.matmul %get3A_136, %get3A_142, %dot_general3A_143 {dimension_numbers = #tpu.dot_dimension_numbers<[1], [0], [0], [1], [0, 0, 1, 1], [], []>, transpose_lhs_hint = false} : vector<64x64xf32>, vector<64x256xf32>, vector<64x256xf32> -> vector<64x256xf32>
    %get3A_145 = arith.constant 0 : index
    %get3A_146 = arith.constant 0 : index
    %get3A_147 = vector.load %arg4[%get3A_145, %get3A_146] : memref<64x1xf32, #tpu.memory_space<vmem>>, vector<64x1xf32>
    %add3A_148 = vector.broadcast %get3A_147 : vector<64x1xf32> to vector<64x256xf32>
    %add3A_149 = arith.addf %dot_general3A_144, %add3A_148 : vector<64x256xf32>
    %get3A_150 = arith.constant 1280 : index
    %get3A_151 = vector.load %arg5[%get3A_150] : memref<16384xf32, #tpu.memory_space<vmem>>, vector<256xf32>
    %broadcast_in_dim3A_152 = vector.shape_cast %get3A_151 : vector<256xf32> to vector<1x256xf32>
    %mul3A_153 = vector.broadcast %broadcast_in_dim3A_152 : vector<1x256xf32> to vector<64x256xf32>
    %mul3A_154 = arith.mulf %add3A_149, %mul3A_153 : vector<64x256xf32>
    %swap3A_155 = arith.constant 0 : index
    %swap3A_156 = arith.constant 0 : index
    %swap3A_157 = arith.constant 5 : index
    %swap3A_158 = arith.constant 0 : index
    %swap3A_159 = vector.load %arg6[%swap3A_155, %swap3A_156, %swap3A_157, %swap3A_158] : memref<1x64x64x256xf32, #tpu.memory_space<vmem>>, vector<1x64x1x256xf32>
    %swap3A_160 = vector.shape_cast %swap3A_159 : vector<1x64x1x256xf32> to vector<64x256xf32>
    %swap3A_161 = vector.shape_cast %mul3A_154 : vector<64x256xf32> to vector<1x64x1x256xf32>
    tpu.vector_store %arg6[%swap3A_155, %swap3A_156, %swap3A_157, %swap3A_158], %swap3A_161 {strides = array<i32>} : memref<1x64x64x256xf32, #tpu.memory_space<vmem>>, vector<1x64x1x256xf32>,
    %get3A_162 = arith.constant 0 : index
    %get3A_163 = arith.constant 0 : index
    %get3A_164 = vector.load %arg3[%get3A_162, %get3A_163] : memref<64x64xf32, #tpu.memory_space<vmem>>, vector<64x64xf32>
    %get3A_165 = arith.constant 0 : index
    %get3A_166 = arith.constant 0 : index
    %get3A_167 = arith.constant 6 : index
    %get3A_168 = arith.constant 0 : index
    %get3A_169 = vector.load %arg2[%get3A_165, %get3A_166, %get3A_167, %get3A_168] : memref<1x64x64x256xf32, #tpu.memory_space<vmem>>, vector<1x64x1x256xf32>
    %get3A_170 = vector.shape_cast %get3A_169 : vector<1x64x1x256xf32> to vector<64x256xf32>
    %dot_general3A_171 = arith.constant dense<0.000000e+00> : vector<64x256xf32>
    %dot_general3A_172 = tpu.matmul %get3A_164, %get3A_170, %dot_general3A_171 {dimension_numbers = #tpu.dot_dimension_numbers<[1], [0], [0], [1], [0, 0, 1, 1], [], []>, transpose_lhs_hint = false} : vector<64x64xf32>, vector<64x256xf32>, vector<64x256xf32> -> vector<64x256xf32>
    %get3A_173 = arith.constant 0 : index
    %get3A_174 = arith.constant 0 : index
    %get3A_175 = vector.load %arg4[%get3A_173, %get3A_174] : memref<64x1xf32, #tpu.memory_space<vmem>>, vector<64x1xf32>
    %add3A_176 = vector.broadcast %get3A_175 : vector<64x1xf32> to vector<64x256xf32>
    %add3A_177 = arith.addf %dot_general3A_172, %add3A_176 : vector<64x256xf32>
    %get3A_178 = arith.constant 1536 : index
    %get3A_179 = vector.load %arg5[%get3A_178] : memref<16384xf32, #tpu.memory_space<vmem>>, vector<256xf32>
    %broadcast_in_dim3A_180 = vector.shape_cast %get3A_179 : vector<256xf32> to vector<1x256xf32>
    %mul3A_181 = vector.broadcast %broadcast_in_dim3A_180 : vector<1x256xf32> to vector<64x256xf32>
    %mul3A_182 = arith.mulf %add3A_177, %mul3A_181 : vector<64x256xf32>
    %swap3A_183 = arith.constant 0 : index
    %swap3A_184 = arith.constant 0 : index
    %swap3A_185 = arith.constant 6 : index
    %swap3A_186 = arith.constant 0 : index
    %swap3A_187 = vector.load %arg6[%swap3A_183, %swap3A_184, %swap3A_185, %swap3A_186] : memref<1x64x64x256xf32, #tpu.memory_space<vmem>>, vector<1x64x1x256xf32>
    %swap3A_188 = vector.shape_cast %swap3A_187 : vector<1x64x1x256xf32> to vector<64x256xf32>
    %swap3A_189 = vector.shape_cast %mul3A_182 : vector<64x256xf32> to vector<1x64x1x256xf32>
    tpu.vector_store %arg6[%swap3A_183, %swap3A_184, %swap3A_185, %swap3A_186], %swap3A_189 {strides = array<i32>} : memref<1x64x64x256xf32, #tpu.memory_space<vmem>>, vector<1x64x1x256xf32>,
    %get3A_190 = arith.constant 0 : index
    %get3A_191 = arith.constant 0 : index
    %get3A_192 = vector.load %arg3[%get3A_190, %get3A_191] : memref<64x64xf32, #tpu.memory_space<vmem>>, vector<64x64xf32>
    %get3A_193 = arith.constant 0 : index
    %get3A_194 = arith.constant 0 : index
    %get3A_195 = arith.constant 7 : index
    %get3A_196 = arith.constant 0 : index
    %get3A_197 = vector.load %arg2[%get3A_193, %get3A_194, %get3A_195, %get3A_196] : memref<1x64x64x256xf32, #tpu.memory_space<vmem>>, vector<1x64x1x256xf32>
    %get3A_198 = vector.shape_cast %get3A_197 : vector<1x64x1x256xf32> to vector<64x256xf32>
    %dot_general3A_199 = arith.constant dense<0.000000e+00> : vector<64x256xf32>
    %dot_general3A_200 = tpu.matmul %get3A_192, %get3A_198, %dot_general3A_199 {dimension_numbers = #tpu.dot_dimension_numbers<[1], [0], [0], [1], [0, 0, 1, 1], [], []>, transpose_lhs_hint = false} : vector<64x64xf32>, vector<64x256xf32>, vector<64x256xf32> -> vector<64x256xf32>
    %get3A_201 = arith.constant 0 : index
    %get3A_202 = arith.constant 0 : index
    %get3A_203 = vector.load %arg4[%get3A_201, %get3A_202] : memref<64x1xf32, #tpu.memory_space<vmem>>, vector<64x1xf32>
    %add3A_204 = vector.broadcast %get3A_203 : vector<64x1xf32> to vector<64x256xf32>
    %add3A_205 = arith.addf %dot_general3A_200, %add3A_204 : vector<64x256xf32>
    %get3A_206 = arith.constant 1792 : index
    %get3A_207 = vector.load %arg5[%get3A_206] : memref<16384xf32, #tpu.memory_space<vmem>>, vector<256xf32>
    %broadcast_in_dim3A_208 = vector.shape_cast %get3A_207 : vector<256xf32> to vector<1x256xf32>
    %mul3A_209 = vector.broadcast %broadcast_in_dim3A_208 : vector<1x256xf32> to vector<64x256xf32>
    %mul3A_210 = arith.mulf %add3A_205, %mul3A_209 : vector<64x256xf32>
    %swap3A_211 = arith.constant 0 : index
    %swap3A_212 = arith.constant 0 : index
    %swap3A_213 = arith.constant 7 : index
    %swap3A_214 = arith.constant 0 : index
    %swap3A_215 = vector.load %arg6[%swap3A_211, %swap3A_212, %swap3A_213, %swap3A_214] : memref<1x64x64x256xf32, #tpu.memory_space<vmem>>, vector<1x64x1x256xf32>
    %swap3A_216 = vector.shape_cast %swap3A_215 : vector<1x64x1x256xf32> to vector<64x256xf32>
    %swap3A_217 = vector.shape_cast %mul3A_210 : vector<64x256xf32> to vector<1x64x1x256xf32>
    tpu.vector_store %arg6[%swap3A_211, %swap3A_212, %swap3A_213, %swap3A_214], %swap3A_217 {strides = array<i32>} : memref<1x64x64x256xf32, #tpu.memory_space<vmem>>, vector<1x64x1x256xf32>,
    %get3A_218 = arith.constant 0 : index
    %get3A_219 = arith.constant 0 : index
    %get3A_220 = vector.load %arg3[%get3A_218, %get3A_219] : memref<64x64xf32, #tpu.memory_space<vmem>>, vector<64x64xf32>
    %get3A_221 = arith.constant 0 : index
    %get3A_222 = arith.constant 0 : index
    %get3A_223 = arith.constant 8 : index
    %get3A_224 = arith.constant 0 : index
    %get3A_225 = vector.load %arg2[%get3A_221, %get3A_222, %get3A_223, %get3A_224] : memref<1x64x64x256xf32, #tpu.memory_space<vmem>>, vector<1x64x1x256xf32>
    %get3A_226 = vector.shape_cast %get3A_225 : vector<1x64x1x256xf32> to vector<64x256xf32>
    %dot_general3A_227 = arith.constant dense<0.000000e+00> : vector<64x256xf32>
    %dot_general3A_228 = tpu.matmul %get3A_220, %get3A_226, %dot_general3A_227 {dimension_numbers = #tpu.dot_dimension_numbers<[1], [0], [0], [1], [0, 0, 1, 1], [], []>, transpose_lhs_hint = false} : vector<64x64xf32>, vector<64x256xf32>, vector<64x256xf32> -> vector<64x256xf32>
    %get3A_229 = arith.constant 0 : index
    %get3A_230 = arith.constant 0 : index
    %get3A_231 = vector.load %arg4[%get3A_229, %get3A_230] : memref<64x1xf32, #tpu.memory_space<vmem>>, vector<64x1xf32>
    %add3A_232 = vector.broadcast %get3A_231 : vector<64x1xf32> to vector<64x256xf32>
    %add3A_233 = arith.addf %dot_general3A_228, %add3A_232 : vector<64x256xf32>
    %get3A_234 = arith.constant 2048 : index
    %get3A_235 = vector.load %arg5[%get3A_234] : memref<16384xf32, #tpu.memory_space<vmem>>, vector<256xf32>
    %broadcast_in_dim3A_236 = vector.shape_cast %get3A_235 : vector<256xf32> to vector<1x256xf32>
    %mul3A_237 = vector.broadcast %broadcast_in_dim3A_236 : vector<1x256xf32> to vector<64x256xf32>
    %mul3A_238 = arith.mulf %add3A_233, %mul3A_237 : vector<64x256xf32>
    %swap3A_239 = arith.constant 0 : index
    %swap3A_240 = arith.constant 0 : index
    %swap3A_241 = arith.constant 8 : index
    %swap3A_242 = arith.constant 0 : index
    %swap3A_243 = vector.load %arg6[%swap3A_239, %swap3A_240, %swap3A_241, %swap3A_242] : memref<1x64x64x256xf32, #tpu.memory_space<vmem>>, vector<1x64x1x256xf32>
    %swap3A_244 = vector.shape_cast %swap3A_243 : vector<1x64x1x256xf32> to vector<64x256xf32>
    %swap3A_245 = vector.shape_cast %mul3A_238 : vector<64x256xf32> to vector<1x64x1x256xf32>
    tpu.vector_store %arg6[%swap3A_239, %swap3A_240, %swap3A_241, %swap3A_242], %swap3A_245 {strides = array<i32>} : memref<1x64x64x256xf32, #tpu.memory_space<vmem>>, vector<1x64x1x256xf32>,
    %get3A_246 = arith.constant 0 : index
    %get3A_247 = arith.constant 0 : index
    %get3A_248 = vector.load %arg3[%get3A_246, %get3A_247] : memref<64x64xf32, #tpu.memory_space<vmem>>, vector<64x64xf32>
    %get3A_249 = arith.constant 0 : index
    %get3A_250 = arith.constant 0 : index
    %get3A_251 = arith.constant 9 : index
    %get3A_252 = arith.constant 0 : index
    %get3A_253 = vector.load %arg2[%get3A_249, %get3A_250, %get3A_251, %get3A_252] : memref<1x64x64x256xf32, #tpu.memory_space<vmem>>, vector<1x64x1x256xf32>
    %get3A_254 = vector.shape_cast %get3A_253 : vector<1x64x1x256xf32> to vector<64x256xf32>
    %dot_general3A_255 = arith.constant dense<0.000000e+00> : vector<64x256xf32>
    %dot_general3A_256 = tpu.matmul %get3A_248, %get3A_254, %dot_general3A_255 {dimension_numbers = #tpu.dot_dimension_numbers<[1], [0], [0], [1], [0, 0, 1, 1], [], []>, transpose_lhs_hint = false} : vector<64x64xf32>, vector<64x256xf32>, vector<64x256xf32> -> vector<64x256xf32>
    %get3A_257 = arith.constant 0 : index
    %get3A_258 = arith.constant 0 : index
    %get3A_259 = vector.load %arg4[%get3A_257, %get3A_258] : memref<64x1xf32, #tpu.memory_space<vmem>>, vector<64x1xf32>
    %add3A_260 = vector.broadcast %get3A_259 : vector<64x1xf32> to vector<64x256xf32>
    %add3A_261 = arith.addf %dot_general3A_256, %add3A_260 : vector<64x256xf32>
    %get3A_262 = arith.constant 2304 : index
    %get3A_263 = vector.load %arg5[%get3A_262] : memref<16384xf32, #tpu.memory_space<vmem>>, vector<256xf32>
    %broadcast_in_dim3A_264 = vector.shape_cast %get3A_263 : vector<256xf32> to vector<1x256xf32>
    %mul3A_265 = vector.broadcast %broadcast_in_dim3A_264 : vector<1x256xf32> to vector<64x256xf32>
    %mul3A_266 = arith.mulf %add3A_261, %mul3A_265 : vector<64x256xf32>
    %swap3A_267 = arith.constant 0 : index
    %swap3A_268 = arith.constant 0 : index
    %swap3A_269 = arith.constant 9 : index
    %swap3A_270 = arith.constant 0 : index
    %swap3A_271 = vector.load %arg6[%swap3A_267, %swap3A_268, %swap3A_269, %swap3A_270] : memref<1x64x64x256xf32, #tpu.memory_space<vmem>>, vector<1x64x1x256xf32>
    %swap3A_272 = vector.shape_cast %swap3A_271 : vector<1x64x1x256xf32> to vector<64x256xf32>
    %swap3A_273 = vector.shape_cast %mul3A_266 : vector<64x256xf32> to vector<1x64x1x256xf32>
    tpu.vector_store %arg6[%swap3A_267, %swap3A_268, %swap3A_269, %swap3A_270], %swap3A_273 {strides = array<i32>} : memref<1x64x64x256xf32, #tpu.memory_space<vmem>>, vector<1x64x1x256xf32>,
    %get3A_274 = arith.constant 0 : index
    %get3A_275 = arith.constant 0 : index
    %get3A_276 = vector.load %arg3[%get3A_274, %get3A_275] : memref<64x64xf32, #tpu.memory_space<vmem>>, vector<64x64xf32>
    %get3A_277 = arith.constant 0 : index
    %get3A_278 = arith.constant 0 : index
    %get3A_279 = arith.constant 10 : index
    %get3A_280 = arith.constant 0 : index
    %get3A_281 = vector.load %arg2[%get3A_277, %get3A_278, %get3A_279, %get3A_280] : memref<1x64x64x256xf32, #tpu.memory_space<vmem>>, vector<1x64x1x256xf32>
    %get3A_282 = vector.shape_cast %get3A_281 : vector<1x64x1x256xf32> to vector<64x256xf32>
    %dot_general3A_283 = arith.constant dense<0.000000e+00> : vector<64x256xf32>
    %dot_general3A_284 = tpu.matmul %get3A_276, %get3A_282, %dot_general3A_283 {dimension_numbers = #tpu.dot_dimension_numbers<[1], [0], [0], [1], [0, 0, 1, 1], [], []>, transpose_lhs_hint = false} : vector<64x64xf32>, vector<64x256xf32>, vector<64x256xf32> -> vector<64x256xf32>
    %get3A_285 = arith.constant 0 : index
    %get3A_286 = arith.constant 0 : index
    %get3A_287 = vector.load %arg4[%get3A_285, %get3A_286] : memref<64x1xf32, #tpu.memory_space<vmem>>, vector<64x1xf32>
    %add3A_288 = vector.broadcast %get3A_287 : vector<64x1xf32> to vector<64x256xf32>
    %add3A_289 = arith.addf %dot_general3A_284, %add3A_288 : vector<64x256xf32>
    %get3A_290 = arith.constant 2560 : index
    %get3A_291 = vector.load %arg5[%get3A_290] : memref<16384xf32, #tpu.memory_space<vmem>>, vector<256xf32>
    %broadcast_in_dim3A_292 = vector.shape_cast %get3A_291 : vector<256xf32> to vector<1x256xf32>
    %mul3A_293 = vector.broadcast %broadcast_in_dim3A_292 : vector<1x256xf32> to vector<64x256xf32>
    %mul3A_294 = arith.mulf %add3A_289, %mul3A_293 : vector<64x256xf32>
    %swap3A_295 = arith.constant 0 : index
    %swap3A_296 = arith.constant 0 : index
    %swap3A_297 = arith.constant 10 : index
    %swap3A_298 = arith.constant 0 : index
    %swap3A_299 = vector.load %arg6[%swap3A_295, %swap3A_296, %swap3A_297, %swap3A_298] : memref<1x64x64x256xf32, #tpu.memory_space<vmem>>, vector<1x64x1x256xf32>
    %swap3A_300 = vector.shape_cast %swap3A_299 : vector<1x64x1x256xf32> to vector<64x256xf32>
    %swap3A_301 = vector.shape_cast %mul3A_294 : vector<64x256xf32> to vector<1x64x1x256xf32>
    tpu.vector_store %arg6[%swap3A_295, %swap3A_296, %swap3A_297, %swap3A_298], %swap3A_301 {strides = array<i32>} : memref<1x64x64x256xf32, #tpu.memory_space<vmem>>, vector<1x64x1x256xf32>,
    %get3A_302 = arith.constant 0 : index
    %get3A_303 = arith.constant 0 : index
    %get3A_304 = vector.load %arg3[%get3A_302, %get3A_303] : memref<64x64xf32, #tpu.memory_space<vmem>>, vector<64x64xf32>
    %get3A_305 = arith.constant 0 : index
    %get3A_306 = arith.constant 0 : index
    %get3A_307 = arith.constant 11 : index
    %get3A_308 = arith.constant 0 : index
    %get3A_309 = vector.load %arg2[%get3A_305, %get3A_306, %get3A_307, %get3A_308] : memref<1x64x64x256xf32, #tpu.memory_space<vmem>>, vector<1x64x1x256xf32>
    %get3A_310 = vector.shape_cast %get3A_309 : vector<1x64x1x256xf32> to vector<64x256xf32>
    %dot_general3A_311 = arith.constant dense<0.000000e+00> : vector<64x256xf32>
    %dot_general3A_312 = tpu.matmul %get3A_304, %get3A_310, %dot_general3A_311 {dimension_numbers = #tpu.dot_dimension_numbers<[1], [0], [0], [1], [0, 0, 1, 1], [], []>, transpose_lhs_hint = false} : vector<64x64xf32>, vector<64x256xf32>, vector<64x256xf32> -> vector<64x256xf32>
    %get3A_313 = arith.constant 0 : index
    %get3A_314 = arith.constant 0 : index
    %get3A_315 = vector.load %arg4[%get3A_313, %get3A_314] : memref<64x1xf32, #tpu.memory_space<vmem>>, vector<64x1xf32>
    %add3A_316 = vector.broadcast %get3A_315 : vector<64x1xf32> to vector<64x256xf32>
    %add3A_317 = arith.addf %dot_general3A_312, %add3A_316 : vector<64x256xf32>
    %get3A_318 = arith.constant 2816 : index
    %get3A_319 = vector.load %arg5[%get3A_318] : memref<16384xf32, #tpu.memory_space<vmem>>, vector<256xf32>
    %broadcast_in_dim3A_320 = vector.shape_cast %get3A_319 : vector<256xf32> to vector<1x256xf32>
    %mul3A_321 = vector.broadcast %broadcast_in_dim3A_320 : vector<1x256xf32> to vector<64x256xf32>
    %mul3A_322 = arith.mulf %add3A_317, %mul3A_321 : vector<64x256xf32>
    %swap3A_323 = arith.constant 0 : index
    %swap3A_324 = arith.constant 0 : index
    %swap3A_325 = arith.constant 11 : index
    %swap3A_326 = arith.constant 0 : index
    %swap3A_327 = vector.load %arg6[%swap3A_323, %swap3A_324, %swap3A_325, %swap3A_326] : memref<1x64x64x256xf32, #tpu.memory_space<vmem>>, vector<1x64x1x256xf32>
    %swap3A_328 = vector.shape_cast %swap3A_327 : vector<1x64x1x256xf32> to vector<64x256xf32>
    %swap3A_329 = vector.shape_cast %mul3A_322 : vector<64x256xf32> to vector<1x64x1x256xf32>
    tpu.vector_store %arg6[%swap3A_323, %swap3A_324, %swap3A_325, %swap3A_326], %swap3A_329 {strides = array<i32>} : memref<1x64x64x256xf32, #tpu.memory_space<vmem>>, vector<1x64x1x256xf32>,
    %get3A_330 = arith.constant 0 : index
    %get3A_331 = arith.constant 0 : index
    %get3A_332 = vector.load %arg3[%get3A_330, %get3A_331] : memref<64x64xf32, #tpu.memory_space<vmem>>, vector<64x64xf32>
    %get3A_333 = arith.constant 0 : index
    %get3A_334 = arith.constant 0 : index
    %get3A_335 = arith.constant 12 : index
    %get3A_336 = arith.constant 0 : index
    %get3A_337 = vector.load %arg2[%get3A_333, %get3A_334, %get3A_335, %get3A_336] : memref<1x64x64x256xf32, #tpu.memory_space<vmem>>, vector<1x64x1x256xf32>
    %get3A_338 = vector.shape_cast %get3A_337 : vector<1x64x1x256xf32> to vector<64x256xf32>
    %dot_general3A_339 = arith.constant dense<0.000000e+00> : vector<64x256xf32>
    %dot_general3A_340 = tpu.matmul %get3A_332, %get3A_338, %dot_general3A_339 {dimension_numbers = #tpu.dot_dimension_numbers<[1], [0], [0], [1], [0, 0, 1, 1], [], []>, transpose_lhs_hint = false} : vector<64x64xf32>, vector<64x256xf32>, vector<64x256xf32> -> vector<64x256xf32>
    %get3A_341 = arith.constant 0 : index
    %get3A_342 = arith.constant 0 : index
    %get3A_343 = vector.load %arg4[%get3A_341, %get3A_342] : memref<64x1xf32, #tpu.memory_space<vmem>>, vector<64x1xf32>
    %add3A_344 = vector.broadcast %get3A_343 : vector<64x1xf32> to vector<64x256xf32>
    %add3A_345 = arith.addf %dot_general3A_340, %add3A_344 : vector<64x256xf32>
    %get3A_346 = arith.constant 3072 : index
    %get3A_347 = vector.load %arg5[%get3A_346] : memref<16384xf32, #tpu.memory_space<vmem>>, vector<256xf32>
    %broadcast_in_dim3A_348 = vector.shape_cast %get3A_347 : vector<256xf32> to vector<1x256xf32>
    %mul3A_349 = vector.broadcast %broadcast_in_dim3A_348 : vector<1x256xf32> to vector<64x256xf32>
    %mul3A_350 = arith.mulf %add3A_345, %mul3A_349 : vector<64x256xf32>
    %swap3A_351 = arith.constant 0 : index
    %swap3A_352 = arith.constant 0 : index
    %swap3A_353 = arith.constant 12 : index
    %swap3A_354 = arith.constant 0 : index
    %swap3A_355 = vector.load %arg6[%swap3A_351, %swap3A_352, %swap3A_353, %swap3A_354] : memref<1x64x64x256xf32, #tpu.memory_space<vmem>>, vector<1x64x1x256xf32>
    %swap3A_356 = vector.shape_cast %swap3A_355 : vector<1x64x1x256xf32> to vector<64x256xf32>
    %swap3A_357 = vector.shape_cast %mul3A_350 : vector<64x256xf32> to vector<1x64x1x256xf32>
    tpu.vector_store %arg6[%swap3A_351, %swap3A_352, %swap3A_353, %swap3A_354], %swap3A_357 {strides = array<i32>} : memref<1x64x64x256xf32, #tpu.memory_space<vmem>>, vector<1x64x1x256xf32>,
    %get3A_358 = arith.constant 0 : index
    %get3A_359 = arith.constant 0 : index
    %get3A_360 = vector.load %arg3[%get3A_358, %get3A_359] : memref<64x64xf32, #tpu.memory_space<vmem>>, vector<64x64xf32>
    %get3A_361 = arith.constant 0 : index
    %get3A_362 = arith.constant 0 : index
    %get3A_363 = arith.constant 13 : index
    %get3A_364 = arith.constant 0 : index
    %get3A_365 = vector.load %arg2[%get3A_361, %get3A_362, %get3A_363, %get3A_364] : memref<1x64x64x256xf32, #tpu.memory_space<vmem>>, vector<1x64x1x256xf32>
    %get3A_366 = vector.shape_cast %get3A_365 : vector<1x64x1x256xf32> to vector<64x256xf32>
    %dot_general3A_367 = arith.constant dense<0.000000e+00> : vector<64x256xf32>
    %dot_general3A_368 = tpu.matmul %get3A_360, %get3A_366, %dot_general3A_367 {dimension_numbers = #tpu.dot_dimension_numbers<[1], [0], [0], [1], [0, 0, 1, 1], [], []>, transpose_lhs_hint = false} : vector<64x64xf32>, vector<64x256xf32>, vector<64x256xf32> -> vector<64x256xf32>
    %get3A_369 = arith.constant 0 : index
    %get3A_370 = arith.constant 0 : index
    %get3A_371 = vector.load %arg4[%get3A_369, %get3A_370] : memref<64x1xf32, #tpu.memory_space<vmem>>, vector<64x1xf32>
    %add3A_372 = vector.broadcast %get3A_371 : vector<64x1xf32> to vector<64x256xf32>
    %add3A_373 = arith.addf %dot_general3A_368, %add3A_372 : vector<64x256xf32>
    %get3A_374 = arith.constant 3328 : index
    %get3A_375 = vector.load %arg5[%get3A_374] : memref<16384xf32, #tpu.memory_space<vmem>>, vector<256xf32>
    %broadcast_in_dim3A_376 = vector.shape_cast %get3A_375 : vector<256xf32> to vector<1x256xf32>
    %mul3A_377 = vector.broadcast %broadcast_in_dim3A_376 : vector<1x256xf32> to vector<64x256xf32>
    %mul3A_378 = arith.mulf %add3A_373, %mul3A_377 : vector<64x256xf32>
    %swap3A_379 = arith.constant 0 : index
    %swap3A_380 = arith.constant 0 : index
    %swap3A_381 = arith.constant 13 : index
    %swap3A_382 = arith.constant 0 : index
    %swap3A_383 = vector.load %arg6[%swap3A_379, %swap3A_380, %swap3A_381, %swap3A_382] : memref<1x64x64x256xf32, #tpu.memory_space<vmem>>, vector<1x64x1x256xf32>
    %swap3A_384 = vector.shape_cast %swap3A_383 : vector<1x64x1x256xf32> to vector<64x256xf32>
    %swap3A_385 = vector.shape_cast %mul3A_378 : vector<64x256xf32> to vector<1x64x1x256xf32>
    tpu.vector_store %arg6[%swap3A_379, %swap3A_380, %swap3A_381, %swap3A_382], %swap3A_385 {strides = array<i32>} : memref<1x64x64x256xf32, #tpu.memory_space<vmem>>, vector<1x64x1x256xf32>,
    %get3A_386 = arith.constant 0 : index
    %get3A_387 = arith.constant 0 : index
    %get3A_388 = vector.load %arg3[%get3A_386, %get3A_387] : memref<64x64xf32, #tpu.memory_space<vmem>>, vector<64x64xf32>
    %get3A_389 = arith.constant 0 : index
    %get3A_390 = arith.constant 0 : index
    %get3A_391 = arith.constant 14 : index
    %get3A_392 = arith.constant 0 : index
    %get3A_393 = vector.load %arg2[%get3A_389, %get3A_390, %get3A_391, %get3A_392] : memref<1x64x64x256xf32, #tpu.memory_space<vmem>>, vector<1x64x1x256xf32>
    %get3A_394 = vector.shape_cast %get3A_393 : vector<1x64x1x256xf32> to vector<64x256xf32>
    %dot_general3A_395 = arith.constant dense<0.000000e+00> : vector<64x256xf32>
    %dot_general3A_396 = tpu.matmul %get3A_388, %get3A_394, %dot_general3A_395 {dimension_numbers = #tpu.dot_dimension_numbers<[1], [0], [0], [1], [0, 0, 1, 1], [], []>, transpose_lhs_hint = false} : vector<64x64xf32>, vector<64x256xf32>, vector<64x256xf32> -> vector<64x256xf32>
    %get3A_397 = arith.constant 0 : index
    %get3A_398 = arith.constant 0 : index
    %get3A_399 = vector.load %arg4[%get3A_397, %get3A_398] : memref<64x1xf32, #tpu.memory_space<vmem>>, vector<64x1xf32>
    %add3A_400 = vector.broadcast %get3A_399 : vector<64x1xf32> to vector<64x256xf32>
    %add3A_401 = arith.addf %dot_general3A_396, %add3A_400 : vector<64x256xf32>
    %get3A_402 = arith.constant 3584 : index
    %get3A_403 = vector.load %arg5[%get3A_402] : memref<16384xf32, #tpu.memory_space<vmem>>, vector<256xf32>
    %broadcast_in_dim3A_404 = vector.shape_cast %get3A_403 : vector<256xf32> to vector<1x256xf32>
    %mul3A_405 = vector.broadcast %broadcast_in_dim3A_404 : vector<1x256xf32> to vector<64x256xf32>
    %mul3A_406 = arith.mulf %add3A_401, %mul3A_405 : vector<64x256xf32>
    %swap3A_407 = arith.constant 0 : index
    %swap3A_408 = arith.constant 0 : index
    %swap3A_409 = arith.constant 14 : index
    %swap3A_410 = arith.constant 0 : index
    %swap3A_411 = vector.load %arg6[%swap3A_407, %swap3A_408, %swap3A_409, %swap3A_410] : memref<1x64x64x256xf32, #tpu.memory_space<vmem>>, vector<1x64x1x256xf32>
    %swap3A_412 = vector.shape_cast %swap3A_411 : vector<1x64x1x256xf32> to vector<64x256xf32>
    %swap3A_413 = vector.shape_cast %mul3A_406 : vector<64x256xf32> to vector<1x64x1x256xf32>
    tpu.vector_store %arg6[%swap3A_407, %swap3A_408, %swap3A_409, %swap3A_410], %swap3A_413 {strides = array<i32>} : memref<1x64x64x256xf32, #tpu.memory_space<vmem>>, vector<1x64x1x256xf32>,
    %get3A_414 = arith.constant 0 : index
    %get3A_415 = arith.constant 0 : index
    %get3A_416 = vector.load %arg3[%get3A_414, %get3A_415] : memref<64x64xf32, #tpu.memory_space<vmem>>, vector<64x64xf32>
    %get3A_417 = arith.constant 0 : index
    %get3A_418 = arith.constant 0 : index
    %get3A_419 = arith.constant 15 : index
    %get3A_420 = arith.constant 0 : index
    %get3A_421 = vector.load %arg2[%get3A_417, %get3A_418, %get3A_419, %get3A_420] : memref<1x64x64x256xf32, #tpu.memory_space<vmem>>, vector<1x64x1x256xf32>
    %get3A_422 = vector.shape_cast %get3A_421 : vector<1x64x1x256xf32> to vector<64x256xf32>
    %dot_general3A_423 = arith.constant dense<0.000000e+00> : vector<64x256xf32>
    %dot_general3A_424 = tpu.matmul %get3A_416, %get3A_422, %dot_general3A_423 {dimension_numbers = #tpu.dot_dimension_numbers<[1], [0], [0], [1], [0, 0, 1, 1], [], []>, transpose_lhs_hint = false} : vector<64x64xf32>, vector<64x256xf32>, vector<64x256xf32> -> vector<64x256xf32>
    %get3A_425 = arith.constant 0 : index
    %get3A_426 = arith.constant 0 : index
    %get3A_427 = vector.load %arg4[%get3A_425, %get3A_426] : memref<64x1xf32, #tpu.memory_space<vmem>>, vector<64x1xf32>
    %add3A_428 = vector.broadcast %get3A_427 : vector<64x1xf32> to vector<64x256xf32>
    %add3A_429 = arith.addf %dot_general3A_424, %add3A_428 : vector<64x256xf32>
    %get3A_430 = arith.constant 3840 : index
    %get3A_431 = vector.load %arg5[%get3A_430] : memref<16384xf32, #tpu.memory_space<vmem>>, vector<256xf32>
    %broadcast_in_dim3A_432 = vector.shape_cast %get3A_431 : vector<256xf32> to vector<1x256xf32>
    %mul3A_433 = vector.broadcast %broadcast_in_dim3A_432 : vector<1x256xf32> to vector<64x256xf32>
    %mul3A_434 = arith.mulf %add3A_429, %mul3A_433 : vector<64x256xf32>
    %swap3A_435 = arith.constant 0 : index
    %swap3A_436 = arith.constant 0 : index
    %swap3A_437 = arith.constant 15 : index
    %swap3A_438 = arith.constant 0 : index
    %swap3A_439 = vector.load %arg6[%swap3A_435, %swap3A_436, %swap3A_437, %swap3A_438] : memref<1x64x64x256xf32, #tpu.memory_space<vmem>>, vector<1x64x1x256xf32>
    %swap3A_440 = vector.shape_cast %swap3A_439 : vector<1x64x1x256xf32> to vector<64x256xf32>
    %swap3A_441 = vector.shape_cast %mul3A_434 : vector<64x256xf32> to vector<1x64x1x256xf32>
    tpu.vector_store %arg6[%swap3A_435, %swap3A_436, %swap3A_437, %swap3A_438], %swap3A_441 {strides = array<i32>} : memref<1x64x64x256xf32, #tpu.memory_space<vmem>>, vector<1x64x1x256xf32>,
    %get3A_442 = arith.constant 0 : index
    %get3A_443 = arith.constant 0 : index
    %get3A_444 = vector.load %arg3[%get3A_442, %get3A_443] : memref<64x64xf32, #tpu.memory_space<vmem>>, vector<64x64xf32>
    %get3A_445 = arith.constant 0 : index
    %get3A_446 = arith.constant 0 : index
    %get3A_447 = arith.constant 16 : index
    %get3A_448 = arith.constant 0 : index
    %get3A_449 = vector.load %arg2[%get3A_445, %get3A_446, %get3A_447, %get3A_448] : memref<1x64x64x256xf32, #tpu.memory_space<vmem>>, vector<1x64x1x256xf32>
    %get3A_450 = vector.shape_cast %get3A_449 : vector<1x64x1x256xf32> to vector<64x256xf32>
    %dot_general3A_451 = arith.constant dense<0.000000e+00> : vector<64x256xf32>
    %dot_general3A_452 = tpu.matmul %get3A_444, %get3A_450, %dot_general3A_451 {dimension_numbers = #tpu.dot_dimension_numbers<[1], [0], [0], [1], [0, 0, 1, 1], [], []>, transpose_lhs_hint = false} : vector<64x64xf32>, vector<64x256xf32>, vector<64x256xf32> -> vector<64x256xf32>
    %get3A_453 = arith.constant 0 : index
    %get3A_454 = arith.constant 0 : index
    %get3A_455 = vector.load %arg4[%get3A_453, %get3A_454] : memref<64x1xf32, #tpu.memory_space<vmem>>, vector<64x1xf32>
    %add3A_456 = vector.broadcast %get3A_455 : vector<64x1xf32> to vector<64x256xf32>
    %add3A_457 = arith.addf %dot_general3A_452, %add3A_456 : vector<64x256xf32>
    %get3A_458 = arith.constant 4096 : index
    %get3A_459 = vector.load %arg5[%get3A_458] : memref<16384xf32, #tpu.memory_space<vmem>>, vector<256xf32>
    %broadcast_in_dim3A_460 = vector.shape_cast %get3A_459 : vector<256xf32> to vector<1x256xf32>
    %mul3A_461 = vector.broadcast %broadcast_in_dim3A_460 : vector<1x256xf32> to vector<64x256xf32>
    %mul3A_462 = arith.mulf %add3A_457, %mul3A_461 : vector<64x256xf32>
    %swap3A_463 = arith.constant 0 : index
    %swap3A_464 = arith.constant 0 : index
    %swap3A_465 = arith.constant 16 : index
    %swap3A_466 = arith.constant 0 : index
    %swap3A_467 = vector.load %arg6[%swap3A_463, %swap3A_464, %swap3A_465, %swap3A_466] : memref<1x64x64x256xf32, #tpu.memory_space<vmem>>, vector<1x64x1x256xf32>
    %swap3A_468 = vector.shape_cast %swap3A_467 : vector<1x64x1x256xf32> to vector<64x256xf32>
    %swap3A_469 = vector.shape_cast %mul3A_462 : vector<64x256xf32> to vector<1x64x1x256xf32>
    tpu.vector_store %arg6[%swap3A_463, %swap3A_464, %swap3A_465, %swap3A_466], %swap3A_469 {strides = array<i32>} : memref<1x64x64x256xf32, #tpu.memory_space<vmem>>, vector<1x64x1x256xf32>,
    %get3A_470 = arith.constant 0 : index
    %get3A_471 = arith.constant 0 : index
    %get3A_472 = vector.load %arg3[%get3A_470, %get3A_471] : memref<64x64xf32, #tpu.memory_space<vmem>>, vector<64x64xf32>
    %get3A_473 = arith.constant 0 : index
    %get3A_474 = arith.constant 0 : index
    %get3A_475 = arith.constant 17 : index
    %get3A_476 = arith.constant 0 : index
    %get3A_477 = vector.load %arg2[%get3A_473, %get3A_474, %get3A_475, %get3A_476] : memref<1x64x64x256xf32, #tpu.memory_space<vmem>>, vector<1x64x1x256xf32>
    %get3A_478 = vector.shape_cast %get3A_477 : vector<1x64x1x256xf32> to vector<64x256xf32>
    %dot_general3A_479 = arith.constant dense<0.000000e+00> : vector<64x256xf32>
    %dot_general3A_480 = tpu.matmul %get3A_472, %get3A_478, %dot_general3A_479 {dimension_numbers = #tpu.dot_dimension_numbers<[1], [0], [0], [1], [0, 0, 1, 1], [], []>, transpose_lhs_hint = false} : vector<64x64xf32>, vector<64x256xf32>, vector<64x256xf32> -> vector<64x256xf32>
    %get3A_481 = arith.constant 0 : index
    %get3A_482 = arith.constant 0 : index
    %get3A_483 = vector.load %arg4[%get3A_481, %get3A_482] : memref<64x1xf32, #tpu.memory_space<vmem>>, vector<64x1xf32>
    %add3A_484 = vector.broadcast %get3A_483 : vector<64x1xf32> to vector<64x256xf32>
    %add3A_485 = arith.addf %dot_general3A_480, %add3A_484 : vector<64x256xf32>
    %get3A_486 = arith.constant 4352 : index
    %get3A_487 = vector.load %arg5[%get3A_486] : memref<16384xf32, #tpu.memory_space<vmem>>, vector<256xf32>
    %broadcast_in_dim3A_488 = vector.shape_cast %get3A_487 : vector<256xf32> to vector<1x256xf32>
    %mul3A_489 = vector.broadcast %broadcast_in_dim3A_488 : vector<1x256xf32> to vector<64x256xf32>
    %mul3A_490 = arith.mulf %add3A_485, %mul3A_489 : vector<64x256xf32>
    %swap3A_491 = arith.constant 0 : index
    %swap3A_492 = arith.constant 0 : index
    %swap3A_493 = arith.constant 17 : index
    %swap3A_494 = arith.constant 0 : index
    %swap3A_495 = vector.load %arg6[%swap3A_491, %swap3A_492, %swap3A_493, %swap3A_494] : memref<1x64x64x256xf32, #tpu.memory_space<vmem>>, vector<1x64x1x256xf32>
    %swap3A_496 = vector.shape_cast %swap3A_495 : vector<1x64x1x256xf32> to vector<64x256xf32>
    %swap3A_497 = vector.shape_cast %mul3A_490 : vector<64x256xf32> to vector<1x64x1x256xf32>
    tpu.vector_store %arg6[%swap3A_491, %swap3A_492, %swap3A_493, %swap3A_494], %swap3A_497 {strides = array<i32>} : memref<1x64x64x256xf32, #tpu.memory_space<vmem>>, vector<1x64x1x256xf32>,
    %get3A_498 = arith.constant 0 : index
    %get3A_499 = arith.constant 0 : index
    %get3A_500 = vector.load %arg3[%get3A_498, %get3A_499] : memref<64x64xf32, #tpu.memory_space<vmem>>, vector<64x64xf32>
    %get3A_501 = arith.constant 0 : index
    %get3A_502 = arith.constant 0 : index
    %get3A_503 = arith.constant 18 : index
    %get3A_504 = arith.constant 0 : index
    %get3A_505 = vector.load %arg2[%get3A_501, %get3A_502, %get3A_503, %get3A_504] : memref<1x64x64x256xf32, #tpu.memory_space<vmem>>, vector<1x64x1x256xf32>
    %get3A_506 = vector.shape_cast %get3A_505 : vector<1x64x1x256xf32> to vector<64x256xf32>
    %dot_general3A_507 = arith.constant dense<0.000000e+00> : vector<64x256xf32>
    %dot_general3A_508 = tpu.matmul %get3A_500, %get3A_506, %dot_general3A_507 {dimension_numbers = #tpu.dot_dimension_numbers<[1], [0], [0], [1], [0, 0, 1, 1], [], []>, transpose_lhs_hint = false} : vector<64x64xf32>, vector<64x256xf32>, vector<64x256xf32> -> vector<64x256xf32>
    %get3A_509 = arith.constant 0 : index
    %get3A_510 = arith.constant 0 : index
    %get3A_511 = vector.load %arg4[%get3A_509, %get3A_510] : memref<64x1xf32, #tpu.memory_space<vmem>>, vector<64x1xf32>
    %add3A_512 = vector.broadcast %get3A_511 : vector<64x1xf32> to vector<64x256xf32>
    %add3A_513 = arith.addf %dot_general3A_508, %add3A_512 : vector<64x256xf32>
    %get3A_514 = arith.constant 4608 : index
    %get3A_515 = vector.load %arg5[%get3A_514] : memref<16384xf32, #tpu.memory_space<vmem>>, vector<256xf32>
    %broadcast_in_dim3A_516 = vector.shape_cast %get3A_515 : vector<256xf32> to vector<1x256xf32>
    %mul3A_517 = vector.broadcast %broadcast_in_dim3A_516 : vector<1x256xf32> to vector<64x256xf32>
    %mul3A_518 = arith.mulf %add3A_513, %mul3A_517 : vector<64x256xf32>
    %swap3A_519 = arith.constant 0 : index
    %swap3A_520 = arith.constant 0 : index
    %swap3A_521 = arith.constant 18 : index
    %swap3A_522 = arith.constant 0 : index
    %swap3A_523 = vector.load %arg6[%swap3A_519, %swap3A_520, %swap3A_521, %swap3A_522] : memref<1x64x64x256xf32, #tpu.memory_space<vmem>>, vector<1x64x1x256xf32>
    %swap3A_524 = vector.shape_cast %swap3A_523 : vector<1x64x1x256xf32> to vector<64x256xf32>
    %swap3A_525 = vector.shape_cast %mul3A_518 : vector<64x256xf32> to vector<1x64x1x256xf32>
    tpu.vector_store %arg6[%swap3A_519, %swap3A_520, %swap3A_521, %swap3A_522], %swap3A_525 {strides = array<i32>} : memref<1x64x64x256xf32, #tpu.memory_space<vmem>>, vector<1x64x1x256xf32>,
    %get3A_526 = arith.constant 0 : index
    %get3A_527 = arith.constant 0 : index
    %get3A_528 = vector.load %arg3[%get3A_526, %get3A_527] : memref<64x64xf32, #tpu.memory_space<vmem>>, vector<64x64xf32>
    %get3A_529 = arith.constant 0 : index
    %get3A_530 = arith.constant 0 : index
    %get3A_531 = arith.constant 19 : index
    %get3A_532 = arith.constant 0 : index
    %get3A_533 = vector.load %arg2[%get3A_529, %get3A_530, %get3A_531, %get3A_532] : memref<1x64x64x256xf32, #tpu.memory_space<vmem>>, vector<1x64x1x256xf32>
    %get3A_534 = vector.shape_cast %get3A_533 : vector<1x64x1x256xf32> to vector<64x256xf32>
    %dot_general3A_535 = arith.constant dense<0.000000e+00> : vector<64x256xf32>
    %dot_general3A_536 = tpu.matmul %get3A_528, %get3A_534, %dot_general3A_535 {dimension_numbers = #tpu.dot_dimension_numbers<[1], [0], [0], [1], [0, 0, 1, 1], [], []>, transpose_lhs_hint = false} : vector<64x64xf32>, vector<64x256xf32>, vector<64x256xf32> -> vector<64x256xf32>
    %get3A_537 = arith.constant 0 : index
    %get3A_538 = arith.constant 0 : index
    %get3A_539 = vector.load %arg4[%get3A_537, %get3A_538] : memref<64x1xf32, #tpu.memory_space<vmem>>, vector<64x1xf32>
    %add3A_540 = vector.broadcast %get3A_539 : vector<64x1xf32> to vector<64x256xf32>
    %add3A_541 = arith.addf %dot_general3A_536, %add3A_540 : vector<64x256xf32>
    %get3A_542 = arith.constant 4864 : index
    %get3A_543 = vector.load %arg5[%get3A_542] : memref<16384xf32, #tpu.memory_space<vmem>>, vector<256xf32>
    %broadcast_in_dim3A_544 = vector.shape_cast %get3A_543 : vector<256xf32> to vector<1x256xf32>
    %mul3A_545 = vector.broadcast %broadcast_in_dim3A_544 : vector<1x256xf32> to vector<64x256xf32>
    %mul3A_546 = arith.mulf %add3A_541, %mul3A_545 : vector<64x256xf32>
    %swap3A_547 = arith.constant 0 : index
    %swap3A_548 = arith.constant 0 : index
    %swap3A_549 = arith.constant 19 : index
    %swap3A_550 = arith.constant 0 : index
    %swap3A_551 = vector.load %arg6[%swap3A_547, %swap3A_548, %swap3A_549, %swap3A_550] : memref<1x64x64x256xf32, #tpu.memory_space<vmem>>, vector<1x64x1x256xf32>
    %swap3A_552 = vector.shape_cast %swap3A_551 : vector<1x64x1x256xf32> to vector<64x256xf32>
    %swap3A_553 = vector.shape_cast %mul3A_546 : vector<64x256xf32> to vector<1x64x1x256xf32>
    tpu.vector_store %arg6[%swap3A_547, %swap3A_548, %swap3A_549, %swap3A_550], %swap3A_553 {strides = array<i32>} : memref<1x64x64x256xf32, #tpu.memory_space<vmem>>, vector<1x64x1x256xf32>,
    %get3A_554 = arith.constant 0 : index
    %get3A_555 = arith.constant 0 : index
    %get3A_556 = vector.load %arg3[%get3A_554, %get3A_555] : memref<64x64xf32, #tpu.memory_space<vmem>>, vector<64x64xf32>
    %get3A_557 = arith.constant 0 : index
    %get3A_558 = arith.constant 0 : index
    %get3A_559 = arith.constant 20 : index
    %get3A_560 = arith.constant 0 : index
    %get3A_561 = vector.load %arg2[%get3A_557, %get3A_558, %get3A_559, %get3A_560] : memref<1x64x64x256xf32, #tpu.memory_space<vmem>>, vector<1x64x1x256xf32>
    %get3A_562 = vector.shape_cast %get3A_561 : vector<1x64x1x256xf32> to vector<64x256xf32>
    %dot_general3A_563 = arith.constant dense<0.000000e+00> : vector<64x256xf32>
    %dot_general3A_564 = tpu.matmul %get3A_556, %get3A_562, %dot_general3A_563 {dimension_numbers = #tpu.dot_dimension_numbers<[1], [0], [0], [1], [0, 0, 1, 1], [], []>, transpose_lhs_hint = false} : vector<64x64xf32>, vector<64x256xf32>, vector<64x256xf32> -> vector<64x256xf32>
    %get3A_565 = arith.constant 0 : index
    %get3A_566 = arith.constant 0 : index
    %get3A_567 = vector.load %arg4[%get3A_565, %get3A_566] : memref<64x1xf32, #tpu.memory_space<vmem>>, vector<64x1xf32>
    %add3A_568 = vector.broadcast %get3A_567 : vector<64x1xf32> to vector<64x256xf32>
    %add3A_569 = arith.addf %dot_general3A_564, %add3A_568 : vector<64x256xf32>
    %get3A_570 = arith.constant 5120 : index
    %get3A_571 = vector.load %arg5[%get3A_570] : memref<16384xf32, #tpu.memory_space<vmem>>, vector<256xf32>
    %broadcast_in_dim3A_572 = vector.shape_cast %get3A_571 : vector<256xf32> to vector<1x256xf32>
    %mul3A_573 = vector.broadcast %broadcast_in_dim3A_572 : vector<1x256xf32> to vector<64x256xf32>
    %mul3A_574 = arith.mulf %add3A_569, %mul3A_573 : vector<64x256xf32>
    %swap3A_575 = arith.constant 0 : index
    %swap3A_576 = arith.constant 0 : index
    %swap3A_577 = arith.constant 20 : index
    %swap3A_578 = arith.constant 0 : index
    %swap3A_579 = vector.load %arg6[%swap3A_575, %swap3A_576, %swap3A_577, %swap3A_578] : memref<1x64x64x256xf32, #tpu.memory_space<vmem>>, vector<1x64x1x256xf32>
    %swap3A_580 = vector.shape_cast %swap3A_579 : vector<1x64x1x256xf32> to vector<64x256xf32>
    %swap3A_581 = vector.shape_cast %mul3A_574 : vector<64x256xf32> to vector<1x64x1x256xf32>
    tpu.vector_store %arg6[%swap3A_575, %swap3A_576, %swap3A_577, %swap3A_578], %swap3A_581 {strides = array<i32>} : memref<1x64x64x256xf32, #tpu.memory_space<vmem>>, vector<1x64x1x256xf32>,
    %get3A_582 = arith.constant 0 : index
    %get3A_583 = arith.constant 0 : index
    %get3A_584 = vector.load %arg3[%get3A_582, %get3A_583] : memref<64x64xf32, #tpu.memory_space<vmem>>, vector<64x64xf32>
    %get3A_585 = arith.constant 0 : index
    %get3A_586 = arith.constant 0 : index
    %get3A_587 = arith.constant 21 : index
    %get3A_588 = arith.constant 0 : index
    %get3A_589 = vector.load %arg2[%get3A_585, %get3A_586, %get3A_587, %get3A_588] : memref<1x64x64x256xf32, #tpu.memory_space<vmem>>, vector<1x64x1x256xf32>
    %get3A_590 = vector.shape_cast %get3A_589 : vector<1x64x1x256xf32> to vector<64x256xf32>
    %dot_general3A_591 = arith.constant dense<0.000000e+00> : vector<64x256xf32>
    %dot_general3A_592 = tpu.matmul %get3A_584, %get3A_590, %dot_general3A_591 {dimension_numbers = #tpu.dot_dimension_numbers<[1], [0], [0], [1], [0, 0, 1, 1], [], []>, transpose_lhs_hint = false} : vector<64x64xf32>, vector<64x256xf32>, vector<64x256xf32> -> vector<64x256xf32>
    %get3A_593 = arith.constant 0 : index
    %get3A_594 = arith.constant 0 : index
    %get3A_595 = vector.load %arg4[%get3A_593, %get3A_594] : memref<64x1xf32, #tpu.memory_space<vmem>>, vector<64x1xf32>
    %add3A_596 = vector.broadcast %get3A_595 : vector<64x1xf32> to vector<64x256xf32>
    %add3A_597 = arith.addf %dot_general3A_592, %add3A_596 : vector<64x256xf32>
    %get3A_598 = arith.constant 5376 : index
    %get3A_599 = vector.load %arg5[%get3A_598] : memref<16384xf32, #tpu.memory_space<vmem>>, vector<256xf32>
    %broadcast_in_dim3A_600 = vector.shape_cast %get3A_599 : vector<256xf32> to vector<1x256xf32>
    %mul3A_601 = vector.broadcast %broadcast_in_dim3A_600 : vector<1x256xf32> to vector<64x256xf32>
    %mul3A_602 = arith.mulf %add3A_597, %mul3A_601 : vector<64x256xf32>
    %swap3A_603 = arith.constant 0 : index
    %swap3A_604 = arith.constant 0 : index
    %swap3A_605 = arith.constant 21 : index
    %swap3A_606 = arith.constant 0 : index
    %swap3A_607 = vector.load %arg6[%swap3A_603, %swap3A_604, %swap3A_605, %swap3A_606] : memref<1x64x64x256xf32, #tpu.memory_space<vmem>>, vector<1x64x1x256xf32>
    %swap3A_608 = vector.shape_cast %swap3A_607 : vector<1x64x1x256xf32> to vector<64x256xf32>
    %swap3A_609 = vector.shape_cast %mul3A_602 : vector<64x256xf32> to vector<1x64x1x256xf32>
    tpu.vector_store %arg6[%swap3A_603, %swap3A_604, %swap3A_605, %swap3A_606], %swap3A_609 {strides = array<i32>} : memref<1x64x64x256xf32, #tpu.memory_space<vmem>>, vector<1x64x1x256xf32>,
    %get3A_610 = arith.constant 0 : index
    %get3A_611 = arith.constant 0 : index
    %get3A_612 = vector.load %arg3[%get3A_610, %get3A_611] : memref<64x64xf32, #tpu.memory_space<vmem>>, vector<64x64xf32>
    %get3A_613 = arith.constant 0 : index
    %get3A_614 = arith.constant 0 : index
    %get3A_615 = arith.constant 22 : index
    %get3A_616 = arith.constant 0 : index
    %get3A_617 = vector.load %arg2[%get3A_613, %get3A_614, %get3A_615, %get3A_616] : memref<1x64x64x256xf32, #tpu.memory_space<vmem>>, vector<1x64x1x256xf32>
    %get3A_618 = vector.shape_cast %get3A_617 : vector<1x64x1x256xf32> to vector<64x256xf32>
    %dot_general3A_619 = arith.constant dense<0.000000e+00> : vector<64x256xf32>
    %dot_general3A_620 = tpu.matmul %get3A_612, %get3A_618, %dot_general3A_619 {dimension_numbers = #tpu.dot_dimension_numbers<[1], [0], [0], [1], [0, 0, 1, 1], [], []>, transpose_lhs_hint = false} : vector<64x64xf32>, vector<64x256xf32>, vector<64x256xf32> -> vector<64x256xf32>
    %get3A_621 = arith.constant 0 : index
    %get3A_622 = arith.constant 0 : index
    %get3A_623 = vector.load %arg4[%get3A_621, %get3A_622] : memref<64x1xf32, #tpu.memory_space<vmem>>, vector<64x1xf32>
    %add3A_624 = vector.broadcast %get3A_623 : vector<64x1xf32> to vector<64x256xf32>
    %add3A_625 = arith.addf %dot_general3A_620, %add3A_624 : vector<64x256xf32>
    %get3A_626 = arith.constant 5632 : index
    %get3A_627 = vector.load %arg5[%get3A_626] : memref<16384xf32, #tpu.memory_space<vmem>>, vector<256xf32>
    %broadcast_in_dim3A_628 = vector.shape_cast %get3A_627 : vector<256xf32> to vector<1x256xf32>
    %mul3A_629 = vector.broadcast %broadcast_in_dim3A_628 : vector<1x256xf32> to vector<64x256xf32>
    %mul3A_630 = arith.mulf %add3A_625, %mul3A_629 : vector<64x256xf32>
    %swap3A_631 = arith.constant 0 : index
    %swap3A_632 = arith.constant 0 : index
    %swap3A_633 = arith.constant 22 : index
    %swap3A_634 = arith.constant 0 : index
    %swap3A_635 = vector.load %arg6[%swap3A_631, %swap3A_632, %swap3A_633, %swap3A_634] : memref<1x64x64x256xf32, #tpu.memory_space<vmem>>, vector<1x64x1x256xf32>
    %swap3A_636 = vector.shape_cast %swap3A_635 : vector<1x64x1x256xf32> to vector<64x256xf32>
    %swap3A_637 = vector.shape_cast %mul3A_630 : vector<64x256xf32> to vector<1x64x1x256xf32>
    tpu.vector_store %arg6[%swap3A_631, %swap3A_632, %swap3A_633, %swap3A_634], %swap3A_637 {strides = array<i32>} : memref<1x64x64x256xf32, #tpu.memory_space<vmem>>, vector<1x64x1x256xf32>,
    %get3A_638 = arith.constant 0 : index
    %get3A_639 = arith.constant 0 : index
    %get3A_640 = vector.load %arg3[%get3A_638, %get3A_639] : memref<64x64xf32, #tpu.memory_space<vmem>>, vector<64x64xf32>
    %get3A_641 = arith.constant 0 : index
    %get3A_642 = arith.constant 0 : index
    %get3A_643 = arith.constant 23 : index
    %get3A_644 = arith.constant 0 : index
    %get3A_645 = vector.load %arg2[%get3A_641, %get3A_642, %get3A_643, %get3A_644] : memref<1x64x64x256xf32, #tpu.memory_space<vmem>>, vector<1x64x1x256xf32>
    %get3A_646 = vector.shape_cast %get3A_645 : vector<1x64x1x256xf32> to vector<64x256xf32>
    %dot_general3A_647 = arith.constant dense<0.000000e+00> : vector<64x256xf32>
    %dot_general3A_648 = tpu.matmul %get3A_640, %get3A_646, %dot_general3A_647 {dimension_numbers = #tpu.dot_dimension_numbers<[1], [0], [0], [1], [0, 0, 1, 1], [], []>, transpose_lhs_hint = false} : vector<64x64xf32>, vector<64x256xf32>, vector<64x256xf32> -> vector<64x256xf32>
    %get3A_649 = arith.constant 0 : index
    %get3A_650 = arith.constant 0 : index
    %get3A_651 = vector.load %arg4[%get3A_649, %get3A_650] : memref<64x1xf32, #tpu.memory_space<vmem>>, vector<64x1xf32>
    %add3A_652 = vector.broadcast %get3A_651 : vector<64x1xf32> to vector<64x256xf32>
    %add3A_653 = arith.addf %dot_general3A_648, %add3A_652 : vector<64x256xf32>
    %get3A_654 = arith.constant 5888 : index
    %get3A_655 = vector.load %arg5[%get3A_654] : memref<16384xf32, #tpu.memory_space<vmem>>, vector<256xf32>
    %broadcast_in_dim3A_656 = vector.shape_cast %get3A_655 : vector<256xf32> to vector<1x256xf32>
    %mul3A_657 = vector.broadcast %broadcast_in_dim3A_656 : vector<1x256xf32> to vector<64x256xf32>
    %mul3A_658 = arith.mulf %add3A_653, %mul3A_657 : vector<64x256xf32>
    %swap3A_659 = arith.constant 0 : index
    %swap3A_660 = arith.constant 0 : index
    %swap3A_661 = arith.constant 23 : index
    %swap3A_662 = arith.constant 0 : index
    %swap3A_663 = vector.load %arg6[%swap3A_659, %swap3A_660, %swap3A_661, %swap3A_662] : memref<1x64x64x256xf32, #tpu.memory_space<vmem>>, vector<1x64x1x256xf32>
    %swap3A_664 = vector.shape_cast %swap3A_663 : vector<1x64x1x256xf32> to vector<64x256xf32>
    %swap3A_665 = vector.shape_cast %mul3A_658 : vector<64x256xf32> to vector<1x64x1x256xf32>
    tpu.vector_store %arg6[%swap3A_659, %swap3A_660, %swap3A_661, %swap3A_662], %swap3A_665 {strides = array<i32>} : memref<1x64x64x256xf32, #tpu.memory_space<vmem>>, vector<1x64x1x256xf32>,
    %get3A_666 = arith.constant 0 : index
    %get3A_667 = arith.constant 0 : index
    %get3A_668 = vector.load %arg3[%get3A_666, %get3A_667] : memref<64x64xf32, #tpu.memory_space<vmem>>, vector<64x64xf32>
    %get3A_669 = arith.constant 0 : index
    %get3A_670 = arith.constant 0 : index
    %get3A_671 = arith.constant 24 : index
    %get3A_672 = arith.constant 0 : index
    %get3A_673 = vector.load %arg2[%get3A_669, %get3A_670, %get3A_671, %get3A_672] : memref<1x64x64x256xf32, #tpu.memory_space<vmem>>, vector<1x64x1x256xf32>
    %get3A_674 = vector.shape_cast %get3A_673 : vector<1x64x1x256xf32> to vector<64x256xf32>
    %dot_general3A_675 = arith.constant dense<0.000000e+00> : vector<64x256xf32>
    %dot_general3A_676 = tpu.matmul %get3A_668, %get3A_674, %dot_general3A_675 {dimension_numbers = #tpu.dot_dimension_numbers<[1], [0], [0], [1], [0, 0, 1, 1], [], []>, transpose_lhs_hint = false} : vector<64x64xf32>, vector<64x256xf32>, vector<64x256xf32> -> vector<64x256xf32>
    %get3A_677 = arith.constant 0 : index
    %get3A_678 = arith.constant 0 : index
    %get3A_679 = vector.load %arg4[%get3A_677, %get3A_678] : memref<64x1xf32, #tpu.memory_space<vmem>>, vector<64x1xf32>
    %add3A_680 = vector.broadcast %get3A_679 : vector<64x1xf32> to vector<64x256xf32>
    %add3A_681 = arith.addf %dot_general3A_676, %add3A_680 : vector<64x256xf32>
    %get3A_682 = arith.constant 6144 : index
    %get3A_683 = vector.load %arg5[%get3A_682] : memref<16384xf32, #tpu.memory_space<vmem>>, vector<256xf32>
    %broadcast_in_dim3A_684 = vector.shape_cast %get3A_683 : vector<256xf32> to vector<1x256xf32>
    %mul3A_685 = vector.broadcast %broadcast_in_dim3A_684 : vector<1x256xf32> to vector<64x256xf32>
    %mul3A_686 = arith.mulf %add3A_681, %mul3A_685 : vector<64x256xf32>
    %swap3A_687 = arith.constant 0 : index
    %swap3A_688 = arith.constant 0 : index
    %swap3A_689 = arith.constant 24 : index
    %swap3A_690 = arith.constant 0 : index
    %swap3A_691 = vector.load %arg6[%swap3A_687, %swap3A_688, %swap3A_689, %swap3A_690] : memref<1x64x64x256xf32, #tpu.memory_space<vmem>>, vector<1x64x1x256xf32>
    %swap3A_692 = vector.shape_cast %swap3A_691 : vector<1x64x1x256xf32> to vector<64x256xf32>
    %swap3A_693 = vector.shape_cast %mul3A_686 : vector<64x256xf32> to vector<1x64x1x256xf32>
    tpu.vector_store %arg6[%swap3A_687, %swap3A_688, %swap3A_689, %swap3A_690], %swap3A_693 {strides = array<i32>} : memref<1x64x64x256xf32, #tpu.memory_space<vmem>>, vector<1x64x1x256xf32>,
    %get3A_694 = arith.constant 0 : index
    %get3A_695 = arith.constant 0 : index
    %get3A_696 = vector.load %arg3[%get3A_694, %get3A_695] : memref<64x64xf32, #tpu.memory_space<vmem>>, vector<64x64xf32>
    %get3A_697 = arith.constant 0 : index
    %get3A_698 = arith.constant 0 : index
    %get3A_699 = arith.constant 25 : index
    %get3A_700 = arith.constant 0 : index
    %get3A_701 = vector.load %arg2[%get3A_697, %get3A_698, %get3A_699, %get3A_700] : memref<1x64x64x256xf32, #tpu.memory_space<vmem>>, vector<1x64x1x256xf32>
    %get3A_702 = vector.shape_cast %get3A_701 : vector<1x64x1x256xf32> to vector<64x256xf32>
    %dot_general3A_703 = arith.constant dense<0.000000e+00> : vector<64x256xf32>
    %dot_general3A_704 = tpu.matmul %get3A_696, %get3A_702, %dot_general3A_703 {dimension_numbers = #tpu.dot_dimension_numbers<[1], [0], [0], [1], [0, 0, 1, 1], [], []>, transpose_lhs_hint = false} : vector<64x64xf32>, vector<64x256xf32>, vector<64x256xf32> -> vector<64x256xf32>
    %get3A_705 = arith.constant 0 : index
    %get3A_706 = arith.constant 0 : index
    %get3A_707 = vector.load %arg4[%get3A_705, %get3A_706] : memref<64x1xf32, #tpu.memory_space<vmem>>, vector<64x1xf32>
    %add3A_708 = vector.broadcast %get3A_707 : vector<64x1xf32> to vector<64x256xf32>
    %add3A_709 = arith.addf %dot_general3A_704, %add3A_708 : vector<64x256xf32>
    %get3A_710 = arith.constant 6400 : index
    %get3A_711 = vector.load %arg5[%get3A_710] : memref<16384xf32, #tpu.memory_space<vmem>>, vector<256xf32>
    %broadcast_in_dim3A_712 = vector.shape_cast %get3A_711 : vector<256xf32> to vector<1x256xf32>
    %mul3A_713 = vector.broadcast %broadcast_in_dim3A_712 : vector<1x256xf32> to vector<64x256xf32>
    %mul3A_714 = arith.mulf %add3A_709, %mul3A_713 : vector<64x256xf32>
    %swap3A_715 = arith.constant 0 : index
    %swap3A_716 = arith.constant 0 : index
    %swap3A_717 = arith.constant 25 : index
    %swap3A_718 = arith.constant 0 : index
    %swap3A_719 = vector.load %arg6[%swap3A_715, %swap3A_716, %swap3A_717, %swap3A_718] : memref<1x64x64x256xf32, #tpu.memory_space<vmem>>, vector<1x64x1x256xf32>
    %swap3A_720 = vector.shape_cast %swap3A_719 : vector<1x64x1x256xf32> to vector<64x256xf32>
    %swap3A_721 = vector.shape_cast %mul3A_714 : vector<64x256xf32> to vector<1x64x1x256xf32>
    tpu.vector_store %arg6[%swap3A_715, %swap3A_716, %swap3A_717, %swap3A_718], %swap3A_721 {strides = array<i32>} : memref<1x64x64x256xf32, #tpu.memory_space<vmem>>, vector<1x64x1x256xf32>,
    %get3A_722 = arith.constant 0 : index
    %get3A_723 = arith.constant 0 : index
    %get3A_724 = vector.load %arg3[%get3A_722, %get3A_723] : memref<64x64xf32, #tpu.memory_space<vmem>>, vector<64x64xf32>
    %get3A_725 = arith.constant 0 : index
    %get3A_726 = arith.constant 0 : index
    %get3A_727 = arith.constant 26 : index
    %get3A_728 = arith.constant 0 : index
    %get3A_729 = vector.load %arg2[%get3A_725, %get3A_726, %get3A_727, %get3A_728] : memref<1x64x64x256xf32, #tpu.memory_space<vmem>>, vector<1x64x1x256xf32>
    %get3A_730 = vector.shape_cast %get3A_729 : vector<1x64x1x256xf32> to vector<64x256xf32>
    %dot_general3A_731 = arith.constant dense<0.000000e+00> : vector<64x256xf32>
    %dot_general3A_732 = tpu.matmul %get3A_724, %get3A_730, %dot_general3A_731 {dimension_numbers = #tpu.dot_dimension_numbers<[1], [0], [0], [1], [0, 0, 1, 1], [], []>, transpose_lhs_hint = false} : vector<64x64xf32>, vector<64x256xf32>, vector<64x256xf32> -> vector<64x256xf32>
    %get3A_733 = arith.constant 0 : index
    %get3A_734 = arith.constant 0 : index
    %get3A_735 = vector.load %arg4[%get3A_733, %get3A_734] : memref<64x1xf32, #tpu.memory_space<vmem>>, vector<64x1xf32>
    %add3A_736 = vector.broadcast %get3A_735 : vector<64x1xf32> to vector<64x256xf32>
    %add3A_737 = arith.addf %dot_general3A_732, %add3A_736 : vector<64x256xf32>
    %get3A_738 = arith.constant 6656 : index
    %get3A_739 = vector.load %arg5[%get3A_738] : memref<16384xf32, #tpu.memory_space<vmem>>, vector<256xf32>
    %broadcast_in_dim3A_740 = vector.shape_cast %get3A_739 : vector<256xf32> to vector<1x256xf32>
    %mul3A_741 = vector.broadcast %broadcast_in_dim3A_740 : vector<1x256xf32> to vector<64x256xf32>
    %mul3A_742 = arith.mulf %add3A_737, %mul3A_741 : vector<64x256xf32>
    %swap3A_743 = arith.constant 0 : index
    %swap3A_744 = arith.constant 0 : index
    %swap3A_745 = arith.constant 26 : index
    %swap3A_746 = arith.constant 0 : index
    %swap3A_747 = vector.load %arg6[%swap3A_743, %swap3A_744, %swap3A_745, %swap3A_746] : memref<1x64x64x256xf32, #tpu.memory_space<vmem>>, vector<1x64x1x256xf32>
    %swap3A_748 = vector.shape_cast %swap3A_747 : vector<1x64x1x256xf32> to vector<64x256xf32>
    %swap3A_749 = vector.shape_cast %mul3A_742 : vector<64x256xf32> to vector<1x64x1x256xf32>
    tpu.vector_store %arg6[%swap3A_743, %swap3A_744, %swap3A_745, %swap3A_746], %swap3A_749 {strides = array<i32>} : memref<1x64x64x256xf32, #tpu.memory_space<vmem>>, vector<1x64x1x256xf32>,
    %get3A_750 = arith.constant 0 : index
    %get3A_751 = arith.constant 0 : index
    %get3A_752 = vector.load %arg3[%get3A_750, %get3A_751] : memref<64x64xf32, #tpu.memory_space<vmem>>, vector<64x64xf32>
    %get3A_753 = arith.constant 0 : index
    %get3A_754 = arith.constant 0 : index
    %get3A_755 = arith.constant 27 : index
    %get3A_756 = arith.constant 0 : index
    %get3A_757 = vector.load %arg2[%get3A_753, %get3A_754, %get3A_755, %get3A_756] : memref<1x64x64x256xf32, #tpu.memory_space<vmem>>, vector<1x64x1x256xf32>
    %get3A_758 = vector.shape_cast %get3A_757 : vector<1x64x1x256xf32> to vector<64x256xf32>
    %dot_general3A_759 = arith.constant dense<0.000000e+00> : vector<64x256xf32>
    %dot_general3A_760 = tpu.matmul %get3A_752, %get3A_758, %dot_general3A_759 {dimension_numbers = #tpu.dot_dimension_numbers<[1], [0], [0], [1], [0, 0, 1, 1], [], []>, transpose_lhs_hint = false} : vector<64x64xf32>, vector<64x256xf32>, vector<64x256xf32> -> vector<64x256xf32>
    %get3A_761 = arith.constant 0 : index
    %get3A_762 = arith.constant 0 : index
    %get3A_763 = vector.load %arg4[%get3A_761, %get3A_762] : memref<64x1xf32, #tpu.memory_space<vmem>>, vector<64x1xf32>
    %add3A_764 = vector.broadcast %get3A_763 : vector<64x1xf32> to vector<64x256xf32>
    %add3A_765 = arith.addf %dot_general3A_760, %add3A_764 : vector<64x256xf32>
    %get3A_766 = arith.constant 6912 : index
    %get3A_767 = vector.load %arg5[%get3A_766] : memref<16384xf32, #tpu.memory_space<vmem>>, vector<256xf32>
    %broadcast_in_dim3A_768 = vector.shape_cast %get3A_767 : vector<256xf32> to vector<1x256xf32>
    %mul3A_769 = vector.broadcast %broadcast_in_dim3A_768 : vector<1x256xf32> to vector<64x256xf32>
    %mul3A_770 = arith.mulf %add3A_765, %mul3A_769 : vector<64x256xf32>
    %swap3A_771 = arith.constant 0 : index
    %swap3A_772 = arith.constant 0 : index
    %swap3A_773 = arith.constant 27 : index
    %swap3A_774 = arith.constant 0 : index
    %swap3A_775 = vector.load %arg6[%swap3A_771, %swap3A_772, %swap3A_773, %swap3A_774] : memref<1x64x64x256xf32, #tpu.memory_space<vmem>>, vector<1x64x1x256xf32>
    %swap3A_776 = vector.shape_cast %swap3A_775 : vector<1x64x1x256xf32> to vector<64x256xf32>
    %swap3A_777 = vector.shape_cast %mul3A_770 : vector<64x256xf32> to vector<1x64x1x256xf32>
    tpu.vector_store %arg6[%swap3A_771, %swap3A_772, %swap3A_773, %swap3A_774], %swap3A_777 {strides = array<i32>} : memref<1x64x64x256xf32, #tpu.memory_space<vmem>>, vector<1x64x1x256xf32>,
    %get3A_778 = arith.constant 0 : index
    %get3A_779 = arith.constant 0 : index
    %get3A_780 = vector.load %arg3[%get3A_778, %get3A_779] : memref<64x64xf32, #tpu.memory_space<vmem>>, vector<64x64xf32>
    %get3A_781 = arith.constant 0 : index
    %get3A_782 = arith.constant 0 : index
    %get3A_783 = arith.constant 28 : index
    %get3A_784 = arith.constant 0 : index
    %get3A_785 = vector.load %arg2[%get3A_781, %get3A_782, %get3A_783, %get3A_784] : memref<1x64x64x256xf32, #tpu.memory_space<vmem>>, vector<1x64x1x256xf32>
    %get3A_786 = vector.shape_cast %get3A_785 : vector<1x64x1x256xf32> to vector<64x256xf32>
    %dot_general3A_787 = arith.constant dense<0.000000e+00> : vector<64x256xf32>
    %dot_general3A_788 = tpu.matmul %get3A_780, %get3A_786, %dot_general3A_787 {dimension_numbers = #tpu.dot_dimension_numbers<[1], [0], [0], [1], [0, 0, 1, 1], [], []>, transpose_lhs_hint = false} : vector<64x64xf32>, vector<64x256xf32>, vector<64x256xf32> -> vector<64x256xf32>
    %get3A_789 = arith.constant 0 : index
    %get3A_790 = arith.constant 0 : index
    %get3A_791 = vector.load %arg4[%get3A_789, %get3A_790] : memref<64x1xf32, #tpu.memory_space<vmem>>, vector<64x1xf32>
    %add3A_792 = vector.broadcast %get3A_791 : vector<64x1xf32> to vector<64x256xf32>
    %add3A_793 = arith.addf %dot_general3A_788, %add3A_792 : vector<64x256xf32>
    %get3A_794 = arith.constant 7168 : index
    %get3A_795 = vector.load %arg5[%get3A_794] : memref<16384xf32, #tpu.memory_space<vmem>>, vector<256xf32>
    %broadcast_in_dim3A_796 = vector.shape_cast %get3A_795 : vector<256xf32> to vector<1x256xf32>
    %mul3A_797 = vector.broadcast %broadcast_in_dim3A_796 : vector<1x256xf32> to vector<64x256xf32>
    %mul3A_798 = arith.mulf %add3A_793, %mul3A_797 : vector<64x256xf32>
    %swap3A_799 = arith.constant 0 : index
    %swap3A_800 = arith.constant 0 : index
    %swap3A_801 = arith.constant 28 : index
    %swap3A_802 = arith.constant 0 : index
    %swap3A_803 = vector.load %arg6[%swap3A_799, %swap3A_800, %swap3A_801, %swap3A_802] : memref<1x64x64x256xf32, #tpu.memory_space<vmem>>, vector<1x64x1x256xf32>
    %swap3A_804 = vector.shape_cast %swap3A_803 : vector<1x64x1x256xf32> to vector<64x256xf32>
    %swap3A_805 = vector.shape_cast %mul3A_798 : vector<64x256xf32> to vector<1x64x1x256xf32>
    tpu.vector_store %arg6[%swap3A_799, %swap3A_800, %swap3A_801, %swap3A_802], %swap3A_805 {strides = array<i32>} : memref<1x64x64x256xf32, #tpu.memory_space<vmem>>, vector<1x64x1x256xf32>,
    %get3A_806 = arith.constant 0 : index
    %get3A_807 = arith.constant 0 : index
    %get3A_808 = vector.load %arg3[%get3A_806, %get3A_807] : memref<64x64xf32, #tpu.memory_space<vmem>>, vector<64x64xf32>
    %get3A_809 = arith.constant 0 : index
    %get3A_810 = arith.constant 0 : index
    %get3A_811 = arith.constant 29 : index
    %get3A_812 = arith.constant 0 : index
    %get3A_813 = vector.load %arg2[%get3A_809, %get3A_810, %get3A_811, %get3A_812] : memref<1x64x64x256xf32, #tpu.memory_space<vmem>>, vector<1x64x1x256xf32>
    %get3A_814 = vector.shape_cast %get3A_813 : vector<1x64x1x256xf32> to vector<64x256xf32>
    %dot_general3A_815 = arith.constant dense<0.000000e+00> : vector<64x256xf32>
    %dot_general3A_816 = tpu.matmul %get3A_808, %get3A_814, %dot_general3A_815 {dimension_numbers = #tpu.dot_dimension_numbers<[1], [0], [0], [1], [0, 0, 1, 1], [], []>, transpose_lhs_hint = false} : vector<64x64xf32>, vector<64x256xf32>, vector<64x256xf32> -> vector<64x256xf32>
    %get3A_817 = arith.constant 0 : index
    %get3A_818 = arith.constant 0 : index
    %get3A_819 = vector.load %arg4[%get3A_817, %get3A_818] : memref<64x1xf32, #tpu.memory_space<vmem>>, vector<64x1xf32>
    %add3A_820 = vector.broadcast %get3A_819 : vector<64x1xf32> to vector<64x256xf32>
    %add3A_821 = arith.addf %dot_general3A_816, %add3A_820 : vector<64x256xf32>
    %get3A_822 = arith.constant 7424 : index
    %get3A_823 = vector.load %arg5[%get3A_822] : memref<16384xf32, #tpu.memory_space<vmem>>, vector<256xf32>
    %broadcast_in_dim3A_824 = vector.shape_cast %get3A_823 : vector<256xf32> to vector<1x256xf32>
    %mul3A_825 = vector.broadcast %broadcast_in_dim3A_824 : vector<1x256xf32> to vector<64x256xf32>
    %mul3A_826 = arith.mulf %add3A_821, %mul3A_825 : vector<64x256xf32>
    %swap3A_827 = arith.constant 0 : index
    %swap3A_828 = arith.constant 0 : index
    %swap3A_829 = arith.constant 29 : index
    %swap3A_830 = arith.constant 0 : index
    %swap3A_831 = vector.load %arg6[%swap3A_827, %swap3A_828, %swap3A_829, %swap3A_830] : memref<1x64x64x256xf32, #tpu.memory_space<vmem>>, vector<1x64x1x256xf32>
    %swap3A_832 = vector.shape_cast %swap3A_831 : vector<1x64x1x256xf32> to vector<64x256xf32>
    %swap3A_833 = vector.shape_cast %mul3A_826 : vector<64x256xf32> to vector<1x64x1x256xf32>
    tpu.vector_store %arg6[%swap3A_827, %swap3A_828, %swap3A_829, %swap3A_830], %swap3A_833 {strides = array<i32>} : memref<1x64x64x256xf32, #tpu.memory_space<vmem>>, vector<1x64x1x256xf32>,
    %get3A_834 = arith.constant 0 : index
    %get3A_835 = arith.constant 0 : index
    %get3A_836 = vector.load %arg3[%get3A_834, %get3A_835] : memref<64x64xf32, #tpu.memory_space<vmem>>, vector<64x64xf32>
    %get3A_837 = arith.constant 0 : index
    %get3A_838 = arith.constant 0 : index
    %get3A_839 = arith.constant 30 : index
    %get3A_840 = arith.constant 0 : index
    %get3A_841 = vector.load %arg2[%get3A_837, %get3A_838, %get3A_839, %get3A_840] : memref<1x64x64x256xf32, #tpu.memory_space<vmem>>, vector<1x64x1x256xf32>
    %get3A_842 = vector.shape_cast %get3A_841 : vector<1x64x1x256xf32> to vector<64x256xf32>
    %dot_general3A_843 = arith.constant dense<0.000000e+00> : vector<64x256xf32>
    %dot_general3A_844 = tpu.matmul %get3A_836, %get3A_842, %dot_general3A_843 {dimension_numbers = #tpu.dot_dimension_numbers<[1], [0], [0], [1], [0, 0, 1, 1], [], []>, transpose_lhs_hint = false} : vector<64x64xf32>, vector<64x256xf32>, vector<64x256xf32> -> vector<64x256xf32>
    %get3A_845 = arith.constant 0 : index
    %get3A_846 = arith.constant 0 : index
    %get3A_847 = vector.load %arg4[%get3A_845, %get3A_846] : memref<64x1xf32, #tpu.memory_space<vmem>>, vector<64x1xf32>
    %add3A_848 = vector.broadcast %get3A_847 : vector<64x1xf32> to vector<64x256xf32>
    %add3A_849 = arith.addf %dot_general3A_844, %add3A_848 : vector<64x256xf32>
    %get3A_850 = arith.constant 7680 : index
    %get3A_851 = vector.load %arg5[%get3A_850] : memref<16384xf32, #tpu.memory_space<vmem>>, vector<256xf32>
    %broadcast_in_dim3A_852 = vector.shape_cast %get3A_851 : vector<256xf32> to vector<1x256xf32>
    %mul3A_853 = vector.broadcast %broadcast_in_dim3A_852 : vector<1x256xf32> to vector<64x256xf32>
    %mul3A_854 = arith.mulf %add3A_849, %mul3A_853 : vector<64x256xf32>
    %swap3A_855 = arith.constant 0 : index
    %swap3A_856 = arith.constant 0 : index
    %swap3A_857 = arith.constant 30 : index
    %swap3A_858 = arith.constant 0 : index
    %swap3A_859 = vector.load %arg6[%swap3A_855, %swap3A_856, %swap3A_857, %swap3A_858] : memref<1x64x64x256xf32, #tpu.memory_space<vmem>>, vector<1x64x1x256xf32>
    %swap3A_860 = vector.shape_cast %swap3A_859 : vector<1x64x1x256xf32> to vector<64x256xf32>
    %swap3A_861 = vector.shape_cast %mul3A_854 : vector<64x256xf32> to vector<1x64x1x256xf32>
    tpu.vector_store %arg6[%swap3A_855, %swap3A_856, %swap3A_857, %swap3A_858], %swap3A_861 {strides = array<i32>} : memref<1x64x64x256xf32, #tpu.memory_space<vmem>>, vector<1x64x1x256xf32>,
    %get3A_862 = arith.constant 0 : index
    %get3A_863 = arith.constant 0 : index
    %get3A_864 = vector.load %arg3[%get3A_862, %get3A_863] : memref<64x64xf32, #tpu.memory_space<vmem>>, vector<64x64xf32>
    %get3A_865 = arith.constant 0 : index
    %get3A_866 = arith.constant 0 : index
    %get3A_867 = arith.constant 31 : index
    %get3A_868 = arith.constant 0 : index
    %get3A_869 = vector.load %arg2[%get3A_865, %get3A_866, %get3A_867, %get3A_868] : memref<1x64x64x256xf32, #tpu.memory_space<vmem>>, vector<1x64x1x256xf32>
    %get3A_870 = vector.shape_cast %get3A_869 : vector<1x64x1x256xf32> to vector<64x256xf32>
    %dot_general3A_871 = arith.constant dense<0.000000e+00> : vector<64x256xf32>
    %dot_general3A_872 = tpu.matmul %get3A_864, %get3A_870, %dot_general3A_871 {dimension_numbers = #tpu.dot_dimension_numbers<[1], [0], [0], [1], [0, 0, 1, 1], [], []>, transpose_lhs_hint = false} : vector<64x64xf32>, vector<64x256xf32>, vector<64x256xf32> -> vector<64x256xf32>
    %get3A_873 = arith.constant 0 : index
    %get3A_874 = arith.constant 0 : index
    %get3A_875 = vector.load %arg4[%get3A_873, %get3A_874] : memref<64x1xf32, #tpu.memory_space<vmem>>, vector<64x1xf32>
    %add3A_876 = vector.broadcast %get3A_875 : vector<64x1xf32> to vector<64x256xf32>
    %add3A_877 = arith.addf %dot_general3A_872, %add3A_876 : vector<64x256xf32>
    %get3A_878 = arith.constant 7936 : index
    %get3A_879 = vector.load %arg5[%get3A_878] : memref<16384xf32, #tpu.memory_space<vmem>>, vector<256xf32>
    %broadcast_in_dim3A_880 = vector.shape_cast %get3A_879 : vector<256xf32> to vector<1x256xf32>
    %mul3A_881 = vector.broadcast %broadcast_in_dim3A_880 : vector<1x256xf32> to vector<64x256xf32>
    %mul3A_882 = arith.mulf %add3A_877, %mul3A_881 : vector<64x256xf32>
    %swap3A_883 = arith.constant 0 : index
    %swap3A_884 = arith.constant 0 : index
    %swap3A_885 = arith.constant 31 : index
    %swap3A_886 = arith.constant 0 : index
    %swap3A_887 = vector.load %arg6[%swap3A_883, %swap3A_884, %swap3A_885, %swap3A_886] : memref<1x64x64x256xf32, #tpu.memory_space<vmem>>, vector<1x64x1x256xf32>
    %swap3A_888 = vector.shape_cast %swap3A_887 : vector<1x64x1x256xf32> to vector<64x256xf32>
    %swap3A_889 = vector.shape_cast %mul3A_882 : vector<64x256xf32> to vector<1x64x1x256xf32>
    tpu.vector_store %arg6[%swap3A_883, %swap3A_884, %swap3A_885, %swap3A_886], %swap3A_889 {strides = array<i32>} : memref<1x64x64x256xf32, #tpu.memory_space<vmem>>, vector<1x64x1x256xf32>,
    %get3A_890 = arith.constant 0 : index
    %get3A_891 = arith.constant 0 : index
    %get3A_892 = vector.load %arg3[%get3A_890, %get3A_891] : memref<64x64xf32, #tpu.memory_space<vmem>>, vector<64x64xf32>
    %get3A_893 = arith.constant 0 : index
    %get3A_894 = arith.constant 0 : index
    %get3A_895 = arith.constant 32 : index
    %get3A_896 = arith.constant 0 : index
    %get3A_897 = vector.load %arg2[%get3A_893, %get3A_894, %get3A_895, %get3A_896] : memref<1x64x64x256xf32, #tpu.memory_space<vmem>>, vector<1x64x1x256xf32>
    %get3A_898 = vector.shape_cast %get3A_897 : vector<1x64x1x256xf32> to vector<64x256xf32>
    %dot_general3A_899 = arith.constant dense<0.000000e+00> : vector<64x256xf32>
    %dot_general3A_900 = tpu.matmul %get3A_892, %get3A_898, %dot_general3A_899 {dimension_numbers = #tpu.dot_dimension_numbers<[1], [0], [0], [1], [0, 0, 1, 1], [], []>, transpose_lhs_hint = false} : vector<64x64xf32>, vector<64x256xf32>, vector<64x256xf32> -> vector<64x256xf32>
    %get3A_901 = arith.constant 0 : index
    %get3A_902 = arith.constant 0 : index
    %get3A_903 = vector.load %arg4[%get3A_901, %get3A_902] : memref<64x1xf32, #tpu.memory_space<vmem>>, vector<64x1xf32>
    %add3A_904 = vector.broadcast %get3A_903 : vector<64x1xf32> to vector<64x256xf32>
    %add3A_905 = arith.addf %dot_general3A_900, %add3A_904 : vector<64x256xf32>
    %get3A_906 = arith.constant 8192 : index
    %get3A_907 = vector.load %arg5[%get3A_906] : memref<16384xf32, #tpu.memory_space<vmem>>, vector<256xf32>
    %broadcast_in_dim3A_908 = vector.shape_cast %get3A_907 : vector<256xf32> to vector<1x256xf32>
    %mul3A_909 = vector.broadcast %broadcast_in_dim3A_908 : vector<1x256xf32> to vector<64x256xf32>
    %mul3A_910 = arith.mulf %add3A_905, %mul3A_909 : vector<64x256xf32>
    %swap3A_911 = arith.constant 0 : index
    %swap3A_912 = arith.constant 0 : index
    %swap3A_913 = arith.constant 32 : index
    %swap3A_914 = arith.constant 0 : index
    %swap3A_915 = vector.load %arg6[%swap3A_911, %swap3A_912, %swap3A_913, %swap3A_914] : memref<1x64x64x256xf32, #tpu.memory_space<vmem>>, vector<1x64x1x256xf32>
    %swap3A_916 = vector.shape_cast %swap3A_915 : vector<1x64x1x256xf32> to vector<64x256xf32>
    %swap3A_917 = vector.shape_cast %mul3A_910 : vector<64x256xf32> to vector<1x64x1x256xf32>
    tpu.vector_store %arg6[%swap3A_911, %swap3A_912, %swap3A_913, %swap3A_914], %swap3A_917 {strides = array<i32>} : memref<1x64x64x256xf32, #tpu.memory_space<vmem>>, vector<1x64x1x256xf32>,
    %get3A_918 = arith.constant 0 : index
    %get3A_919 = arith.constant 0 : index
    %get3A_920 = vector.load %arg3[%get3A_918, %get3A_919] : memref<64x64xf32, #tpu.memory_space<vmem>>, vector<64x64xf32>
    %get3A_921 = arith.constant 0 : index
    %get3A_922 = arith.constant 0 : index
    %get3A_923 = arith.constant 33 : index
    %get3A_924 = arith.constant 0 : index
    %get3A_925 = vector.load %arg2[%get3A_921, %get3A_922, %get3A_923, %get3A_924] : memref<1x64x64x256xf32, #tpu.memory_space<vmem>>, vector<1x64x1x256xf32>
    %get3A_926 = vector.shape_cast %get3A_925 : vector<1x64x1x256xf32> to vector<64x256xf32>
    %dot_general3A_927 = arith.constant dense<0.000000e+00> : vector<64x256xf32>
    %dot_general3A_928 = tpu.matmul %get3A_920, %get3A_926, %dot_general3A_927 {dimension_numbers = #tpu.dot_dimension_numbers<[1], [0], [0], [1], [0, 0, 1, 1], [], []>, transpose_lhs_hint = false} : vector<64x64xf32>, vector<64x256xf32>, vector<64x256xf32> -> vector<64x256xf32>
    %get3A_929 = arith.constant 0 : index
    %get3A_930 = arith.constant 0 : index
    %get3A_931 = vector.load %arg4[%get3A_929, %get3A_930] : memref<64x1xf32, #tpu.memory_space<vmem>>, vector<64x1xf32>
    %add3A_932 = vector.broadcast %get3A_931 : vector<64x1xf32> to vector<64x256xf32>
    %add3A_933 = arith.addf %dot_general3A_928, %add3A_932 : vector<64x256xf32>
    %get3A_934 = arith.constant 8448 : index
    %get3A_935 = vector.load %arg5[%get3A_934] : memref<16384xf32, #tpu.memory_space<vmem>>, vector<256xf32>
    %broadcast_in_dim3A_936 = vector.shape_cast %get3A_935 : vector<256xf32> to vector<1x256xf32>
    %mul3A_937 = vector.broadcast %broadcast_in_dim3A_936 : vector<1x256xf32> to vector<64x256xf32>
    %mul3A_938 = arith.mulf %add3A_933, %mul3A_937 : vector<64x256xf32>
    %swap3A_939 = arith.constant 0 : index
    %swap3A_940 = arith.constant 0 : index
    %swap3A_941 = arith.constant 33 : index
    %swap3A_942 = arith.constant 0 : index
    %swap3A_943 = vector.load %arg6[%swap3A_939, %swap3A_940, %swap3A_941, %swap3A_942] : memref<1x64x64x256xf32, #tpu.memory_space<vmem>>, vector<1x64x1x256xf32>
    %swap3A_944 = vector.shape_cast %swap3A_943 : vector<1x64x1x256xf32> to vector<64x256xf32>
    %swap3A_945 = vector.shape_cast %mul3A_938 : vector<64x256xf32> to vector<1x64x1x256xf32>
    tpu.vector_store %arg6[%swap3A_939, %swap3A_940, %swap3A_941, %swap3A_942], %swap3A_945 {strides = array<i32>} : memref<1x64x64x256xf32, #tpu.memory_space<vmem>>, vector<1x64x1x256xf32>,
    %get3A_946 = arith.constant 0 : index
    %get3A_947 = arith.constant 0 : index
    %get3A_948 = vector.load %arg3[%get3A_946, %get3A_947] : memref<64x64xf32, #tpu.memory_space<vmem>>, vector<64x64xf32>
    %get3A_949 = arith.constant 0 : index
    %get3A_950 = arith.constant 0 : index
    %get3A_951 = arith.constant 34 : index
    %get3A_952 = arith.constant 0 : index
    %get3A_953 = vector.load %arg2[%get3A_949, %get3A_950, %get3A_951, %get3A_952] : memref<1x64x64x256xf32, #tpu.memory_space<vmem>>, vector<1x64x1x256xf32>
    %get3A_954 = vector.shape_cast %get3A_953 : vector<1x64x1x256xf32> to vector<64x256xf32>
    %dot_general3A_955 = arith.constant dense<0.000000e+00> : vector<64x256xf32>
    %dot_general3A_956 = tpu.matmul %get3A_948, %get3A_954, %dot_general3A_955 {dimension_numbers = #tpu.dot_dimension_numbers<[1], [0], [0], [1], [0, 0, 1, 1], [], []>, transpose_lhs_hint = false} : vector<64x64xf32>, vector<64x256xf32>, vector<64x256xf32> -> vector<64x256xf32>
    %get3A_957 = arith.constant 0 : index
    %get3A_958 = arith.constant 0 : index
    %get3A_959 = vector.load %arg4[%get3A_957, %get3A_958] : memref<64x1xf32, #tpu.memory_space<vmem>>, vector<64x1xf32>
    %add3A_960 = vector.broadcast %get3A_959 : vector<64x1xf32> to vector<64x256xf32>
    %add3A_961 = arith.addf %dot_general3A_956, %add3A_960 : vector<64x256xf32>
    %get3A_962 = arith.constant 8704 : index
    %get3A_963 = vector.load %arg5[%get3A_962] : memref<16384xf32, #tpu.memory_space<vmem>>, vector<256xf32>
    %broadcast_in_dim3A_964 = vector.shape_cast %get3A_963 : vector<256xf32> to vector<1x256xf32>
    %mul3A_965 = vector.broadcast %broadcast_in_dim3A_964 : vector<1x256xf32> to vector<64x256xf32>
    %mul3A_966 = arith.mulf %add3A_961, %mul3A_965 : vector<64x256xf32>
    %swap3A_967 = arith.constant 0 : index
    %swap3A_968 = arith.constant 0 : index
    %swap3A_969 = arith.constant 34 : index
    %swap3A_970 = arith.constant 0 : index
    %swap3A_971 = vector.load %arg6[%swap3A_967, %swap3A_968, %swap3A_969, %swap3A_970] : memref<1x64x64x256xf32, #tpu.memory_space<vmem>>, vector<1x64x1x256xf32>
    %swap3A_972 = vector.shape_cast %swap3A_971 : vector<1x64x1x256xf32> to vector<64x256xf32>
    %swap3A_973 = vector.shape_cast %mul3A_966 : vector<64x256xf32> to vector<1x64x1x256xf32>
    tpu.vector_store %arg6[%swap3A_967, %swap3A_968, %swap3A_969, %swap3A_970], %swap3A_973 {strides = array<i32>} : memref<1x64x64x256xf32, #tpu.memory_space<vmem>>, vector<1x64x1x256xf32>,
    %get3A_974 = arith.constant 0 : index
    %get3A_975 = arith.constant 0 : index
    %get3A_976 = vector.load %arg3[%get3A_974, %get3A_975] : memref<64x64xf32, #tpu.memory_space<vmem>>, vector<64x64xf32>
    %get3A_977 = arith.constant 0 : index
    %get3A_978 = arith.constant 0 : index
    %get3A_979 = arith.constant 35 : index
    %get3A_980 = arith.constant 0 : index
    %get3A_981 = vector.load %arg2[%get3A_977, %get3A_978, %get3A_979, %get3A_980] : memref<1x64x64x256xf32, #tpu.memory_space<vmem>>, vector<1x64x1x256xf32>
    %get3A_982 = vector.shape_cast %get3A_981 : vector<1x64x1x256xf32> to vector<64x256xf32>
    %dot_general3A_983 = arith.constant dense<0.000000e+00> : vector<64x256xf32>
    %dot_general3A_984 = tpu.matmul %get3A_976, %get3A_982, %dot_general3A_983 {dimension_numbers = #tpu.dot_dimension_numbers<[1], [0], [0], [1], [0, 0, 1, 1], [], []>, transpose_lhs_hint = false} : vector<64x64xf32>, vector<64x256xf32>, vector<64x256xf32> -> vector<64x256xf32>
    %get3A_985 = arith.constant 0 : index
    %get3A_986 = arith.constant 0 : index
    %get3A_987 = vector.load %arg4[%get3A_985, %get3A_986] : memref<64x1xf32, #tpu.memory_space<vmem>>, vector<64x1xf32>
    %add3A_988 = vector.broadcast %get3A_987 : vector<64x1xf32> to vector<64x256xf32>
    %add3A_989 = arith.addf %dot_general3A_984, %add3A_988 : vector<64x256xf32>
    %get3A_990 = arith.constant 8960 : index
    %get3A_991 = vector.load %arg5[%get3A_990] : memref<16384xf32, #tpu.memory_space<vmem>>, vector<256xf32>
    %broadcast_in_dim3A_992 = vector.shape_cast %get3A_991 : vector<256xf32> to vector<1x256xf32>
    %mul3A_993 = vector.broadcast %broadcast_in_dim3A_992 : vector<1x256xf32> to vector<64x256xf32>
    %mul3A_994 = arith.mulf %add3A_989, %mul3A_993 : vector<64x256xf32>
    %swap3A_995 = arith.constant 0 : index
    %swap3A_996 = arith.constant 0 : index
    %swap3A_997 = arith.constant 35 : index
    %swap3A_998 = arith.constant 0 : index
    %swap3A_999 = vector.load %arg6[%swap3A_995, %swap3A_996, %swap3A_997, %swap3A_998] : memref<1x64x64x256xf32, #tpu.memory_space<vmem>>, vector<1x64x1x256xf32>
    %swap3A_1000 = vector.shape_cast %swap3A_999 : vector<1x64x1x256xf32> to vector<64x256xf32>
    %swap3A_1001 = vector.shape_cast %mul3A_994 : vector<64x256xf32> to vector<1x64x1x256xf32>
    tpu.vector_store %arg6[%swap3A_995, %swap3A_996, %swap3A_997, %swap3A_998], %swap3A_1001 {strides = array<i32>} : memref<1x64x64x256xf32, #tpu.memory_space<vmem>>, vector<1x64x1x256xf32>,
    %get3A_1002 = arith.constant 0 : index
    %get3A_1003 = arith.constant 0 : index
    %get3A_1004 = vector.load %arg3[%get3A_1002, %get3A_1003] : memref<64x64xf32, #tpu.memory_space<vmem>>, vector<64x64xf32>
    %get3A_1005 = arith.constant 0 : index
    %get3A_1006 = arith.constant 0 : index
    %get3A_1007 = arith.constant 36 : index
    %get3A_1008 = arith.constant 0 : index
    %get3A_1009 = vector.load %arg2[%get3A_1005, %get3A_1006, %get3A_1007, %get3A_1008] : memref<1x64x64x256xf32, #tpu.memory_space<vmem>>, vector<1x64x1x256xf32>
    %get3A_1010 = vector.shape_cast %get3A_1009 : vector<1x64x1x256xf32> to vector<64x256xf32>
    %dot_general3A_1011 = arith.constant dense<0.000000e+00> : vector<64x256xf32>
    %dot_general3A_1012 = tpu.matmul %get3A_1004, %get3A_1010, %dot_general3A_1011 {dimension_numbers = #tpu.dot_dimension_numbers<[1], [0], [0], [1], [0, 0, 1, 1], [], []>, transpose_lhs_hint = false} : vector<64x64xf32>, vector<64x256xf32>, vector<64x256xf32> -> vector<64x256xf32>
    %get3A_1013 = arith.constant 0 : index
    %get3A_1014 = arith.constant 0 : index
    %get3A_1015 = vector.load %arg4[%get3A_1013, %get3A_1014] : memref<64x1xf32, #tpu.memory_space<vmem>>, vector<64x1xf32>
    %add3A_1016 = vector.broadcast %get3A_1015 : vector<64x1xf32> to vector<64x256xf32>
    %add3A_1017 = arith.addf %dot_general3A_1012, %add3A_1016 : vector<64x256xf32>
    %get3A_1018 = arith.constant 9216 : index
    %get3A_1019 = vector.load %arg5[%get3A_1018] : memref<16384xf32, #tpu.memory_space<vmem>>, vector<256xf32>
    %broadcast_in_dim3A_1020 = vector.shape_cast %get3A_1019 : vector<256xf32> to vector<1x256xf32>
    %mul3A_1021 = vector.broadcast %broadcast_in_dim3A_1020 : vector<1x256xf32> to vector<64x256xf32>
    %mul3A_1022 = arith.mulf %add3A_1017, %mul3A_1021 : vector<64x256xf32>
    %swap3A_1023 = arith.constant 0 : index
    %swap3A_1024 = arith.constant 0 : index
    %swap3A_1025 = arith.constant 36 : index
    %swap3A_1026 = arith.constant 0 : index
    %swap3A_1027 = vector.load %arg6[%swap3A_1023, %swap3A_1024, %swap3A_1025, %swap3A_1026] : memref<1x64x64x256xf32, #tpu.memory_space<vmem>>, vector<1x64x1x256xf32>
    %swap3A_1028 = vector.shape_cast %swap3A_1027 : vector<1x64x1x256xf32> to vector<64x256xf32>
    %swap3A_1029 = vector.shape_cast %mul3A_1022 : vector<64x256xf32> to vector<1x64x1x256xf32>
    tpu.vector_store %arg6[%swap3A_1023, %swap3A_1024, %swap3A_1025, %swap3A_1026], %swap3A_1029 {strides = array<i32>} : memref<1x64x64x256xf32, #tpu.memory_space<vmem>>, vector<1x64x1x256xf32>,
    %get3A_1030 = arith.constant 0 : index
    %get3A_1031 = arith.constant 0 : index
    %get3A_1032 = vector.load %arg3[%get3A_1030, %get3A_1031] : memref<64x64xf32, #tpu.memory_space<vmem>>, vector<64x64xf32>
    %get3A_1033 = arith.constant 0 : index
    %get3A_1034 = arith.constant 0 : index
    %get3A_1035 = arith.constant 37 : index
    %get3A_1036 = arith.constant 0 : index
    %get3A_1037 = vector.load %arg2[%get3A_1033, %get3A_1034, %get3A_1035, %get3A_1036] : memref<1x64x64x256xf32, #tpu.memory_space<vmem>>, vector<1x64x1x256xf32>
    %get3A_1038 = vector.shape_cast %get3A_1037 : vector<1x64x1x256xf32> to vector<64x256xf32>
    %dot_general3A_1039 = arith.constant dense<0.000000e+00> : vector<64x256xf32>
    %dot_general3A_1040 = tpu.matmul %get3A_1032, %get3A_1038, %dot_general3A_1039 {dimension_numbers = #tpu.dot_dimension_numbers<[1], [0], [0], [1], [0, 0, 1, 1], [], []>, transpose_lhs_hint = false} : vector<64x64xf32>, vector<64x256xf32>, vector<64x256xf32> -> vector<64x256xf32>
    %get3A_1041 = arith.constant 0 : index
    %get3A_1042 = arith.constant 0 : index
    %get3A_1043 = vector.load %arg4[%get3A_1041, %get3A_1042] : memref<64x1xf32, #tpu.memory_space<vmem>>, vector<64x1xf32>
    %add3A_1044 = vector.broadcast %get3A_1043 : vector<64x1xf32> to vector<64x256xf32>
    %add3A_1045 = arith.addf %dot_general3A_1040, %add3A_1044 : vector<64x256xf32>
    %get3A_1046 = arith.constant 9472 : index
    %get3A_1047 = vector.load %arg5[%get3A_1046] : memref<16384xf32, #tpu.memory_space<vmem>>, vector<256xf32>
    %broadcast_in_dim3A_1048 = vector.shape_cast %get3A_1047 : vector<256xf32> to vector<1x256xf32>
    %mul3A_1049 = vector.broadcast %broadcast_in_dim3A_1048 : vector<1x256xf32> to vector<64x256xf32>
    %mul3A_1050 = arith.mulf %add3A_1045, %mul3A_1049 : vector<64x256xf32>
    %swap3A_1051 = arith.constant 0 : index
    %swap3A_1052 = arith.constant 0 : index
    %swap3A_1053 = arith.constant 37 : index
    %swap3A_1054 = arith.constant 0 : index
    %swap3A_1055 = vector.load %arg6[%swap3A_1051, %swap3A_1052, %swap3A_1053, %swap3A_1054] : memref<1x64x64x256xf32, #tpu.memory_space<vmem>>, vector<1x64x1x256xf32>
    %swap3A_1056 = vector.shape_cast %swap3A_1055 : vector<1x64x1x256xf32> to vector<64x256xf32>
    %swap3A_1057 = vector.shape_cast %mul3A_1050 : vector<64x256xf32> to vector<1x64x1x256xf32>
    tpu.vector_store %arg6[%swap3A_1051, %swap3A_1052, %swap3A_1053, %swap3A_1054], %swap3A_1057 {strides = array<i32>} : memref<1x64x64x256xf32, #tpu.memory_space<vmem>>, vector<1x64x1x256xf32>,
    %get3A_1058 = arith.constant 0 : index
    %get3A_1059 = arith.constant 0 : index
    %get3A_1060 = vector.load %arg3[%get3A_1058, %get3A_1059] : memref<64x64xf32, #tpu.memory_space<vmem>>, vector<64x64xf32>
    %get3A_1061 = arith.constant 0 : index
    %get3A_1062 = arith.constant 0 : index
    %get3A_1063 = arith.constant 38 : index
    %get3A_1064 = arith.constant 0 : index
    %get3A_1065 = vector.load %arg2[%get3A_1061, %get3A_1062, %get3A_1063, %get3A_1064] : memref<1x64x64x256xf32, #tpu.memory_space<vmem>>, vector<1x64x1x256xf32>
    %get3A_1066 = vector.shape_cast %get3A_1065 : vector<1x64x1x256xf32> to vector<64x256xf32>
    %dot_general3A_1067 = arith.constant dense<0.000000e+00> : vector<64x256xf32>
    %dot_general3A_1068 = tpu.matmul %get3A_1060, %get3A_1066, %dot_general3A_1067 {dimension_numbers = #tpu.dot_dimension_numbers<[1], [0], [0], [1], [0, 0, 1, 1], [], []>, transpose_lhs_hint = false} : vector<64x64xf32>, vector<64x256xf32>, vector<64x256xf32> -> vector<64x256xf32>
    %get3A_1069 = arith.constant 0 : index
    %get3A_1070 = arith.constant 0 : index
    %get3A_1071 = vector.load %arg4[%get3A_1069, %get3A_1070] : memref<64x1xf32, #tpu.memory_space<vmem>>, vector<64x1xf32>
    %add3A_1072 = vector.broadcast %get3A_1071 : vector<64x1xf32> to vector<64x256xf32>
    %add3A_1073 = arith.addf %dot_general3A_1068, %add3A_1072 : vector<64x256xf32>
    %get3A_1074 = arith.constant 9728 : index
    %get3A_1075 = vector.load %arg5[%get3A_1074] : memref<16384xf32, #tpu.memory_space<vmem>>, vector<256xf32>
    %broadcast_in_dim3A_1076 = vector.shape_cast %get3A_1075 : vector<256xf32> to vector<1x256xf32>
    %mul3A_1077 = vector.broadcast %broadcast_in_dim3A_1076 : vector<1x256xf32> to vector<64x256xf32>
    %mul3A_1078 = arith.mulf %add3A_1073, %mul3A_1077 : vector<64x256xf32>
    %swap3A_1079 = arith.constant 0 : index
    %swap3A_1080 = arith.constant 0 : index
    %swap3A_1081 = arith.constant 38 : index
    %swap3A_1082 = arith.constant 0 : index
    %swap3A_1083 = vector.load %arg6[%swap3A_1079, %swap3A_1080, %swap3A_1081, %swap3A_1082] : memref<1x64x64x256xf32, #tpu.memory_space<vmem>>, vector<1x64x1x256xf32>
    %swap3A_1084 = vector.shape_cast %swap3A_1083 : vector<1x64x1x256xf32> to vector<64x256xf32>
    %swap3A_1085 = vector.shape_cast %mul3A_1078 : vector<64x256xf32> to vector<1x64x1x256xf32>
    tpu.vector_store %arg6[%swap3A_1079, %swap3A_1080, %swap3A_1081, %swap3A_1082], %swap3A_1085 {strides = array<i32>} : memref<1x64x64x256xf32, #tpu.memory_space<vmem>>, vector<1x64x1x256xf32>,
    %get3A_1086 = arith.constant 0 : index
    %get3A_1087 = arith.constant 0 : index
    %get3A_1088 = vector.load %arg3[%get3A_1086, %get3A_1087] : memref<64x64xf32, #tpu.memory_space<vmem>>, vector<64x64xf32>
    %get3A_1089 = arith.constant 0 : index
    %get3A_1090 = arith.constant 0 : index
    %get3A_1091 = arith.constant 39 : index
    %get3A_1092 = arith.constant 0 : index
    %get3A_1093 = vector.load %arg2[%get3A_1089, %get3A_1090, %get3A_1091, %get3A_1092] : memref<1x64x64x256xf32, #tpu.memory_space<vmem>>, vector<1x64x1x256xf32>
    %get3A_1094 = vector.shape_cast %get3A_1093 : vector<1x64x1x256xf32> to vector<64x256xf32>
    %dot_general3A_1095 = arith.constant dense<0.000000e+00> : vector<64x256xf32>
    %dot_general3A_1096 = tpu.matmul %get3A_1088, %get3A_1094, %dot_general3A_1095 {dimension_numbers = #tpu.dot_dimension_numbers<[1], [0], [0], [1], [0, 0, 1, 1], [], []>, transpose_lhs_hint = false} : vector<64x64xf32>, vector<64x256xf32>, vector<64x256xf32> -> vector<64x256xf32>
    %get3A_1097 = arith.constant 0 : index
    %get3A_1098 = arith.constant 0 : index
    %get3A_1099 = vector.load %arg4[%get3A_1097, %get3A_1098] : memref<64x1xf32, #tpu.memory_space<vmem>>, vector<64x1xf32>
    %add3A_1100 = vector.broadcast %get3A_1099 : vector<64x1xf32> to vector<64x256xf32>
    %add3A_1101 = arith.addf %dot_general3A_1096, %add3A_1100 : vector<64x256xf32>
    %get3A_1102 = arith.constant 9984 : index
    %get3A_1103 = vector.load %arg5[%get3A_1102] : memref<16384xf32, #tpu.memory_space<vmem>>, vector<256xf32>
    %broadcast_in_dim3A_1104 = vector.shape_cast %get3A_1103 : vector<256xf32> to vector<1x256xf32>
    %mul3A_1105 = vector.broadcast %broadcast_in_dim3A_1104 : vector<1x256xf32> to vector<64x256xf32>
    %mul3A_1106 = arith.mulf %add3A_1101, %mul3A_1105 : vector<64x256xf32>
    %swap3A_1107 = arith.constant 0 : index
    %swap3A_1108 = arith.constant 0 : index
    %swap3A_1109 = arith.constant 39 : index
    %swap3A_1110 = arith.constant 0 : index
    %swap3A_1111 = vector.load %arg6[%swap3A_1107, %swap3A_1108, %swap3A_1109, %swap3A_1110] : memref<1x64x64x256xf32, #tpu.memory_space<vmem>>, vector<1x64x1x256xf32>
    %swap3A_1112 = vector.shape_cast %swap3A_1111 : vector<1x64x1x256xf32> to vector<64x256xf32>
    %swap3A_1113 = vector.shape_cast %mul3A_1106 : vector<64x256xf32> to vector<1x64x1x256xf32>
    tpu.vector_store %arg6[%swap3A_1107, %swap3A_1108, %swap3A_1109, %swap3A_1110], %swap3A_1113 {strides = array<i32>} : memref<1x64x64x256xf32, #tpu.memory_space<vmem>>, vector<1x64x1x256xf32>,
    %get3A_1114 = arith.constant 0 : index
    %get3A_1115 = arith.constant 0 : index
    %get3A_1116 = vector.load %arg3[%get3A_1114, %get3A_1115] : memref<64x64xf32, #tpu.memory_space<vmem>>, vector<64x64xf32>
    %get3A_1117 = arith.constant 0 : index
    %get3A_1118 = arith.constant 0 : index
    %get3A_1119 = arith.constant 40 : index
    %get3A_1120 = arith.constant 0 : index
    %get3A_1121 = vector.load %arg2[%get3A_1117, %get3A_1118, %get3A_1119, %get3A_1120] : memref<1x64x64x256xf32, #tpu.memory_space<vmem>>, vector<1x64x1x256xf32>
    %get3A_1122 = vector.shape_cast %get3A_1121 : vector<1x64x1x256xf32> to vector<64x256xf32>
    %dot_general3A_1123 = arith.constant dense<0.000000e+00> : vector<64x256xf32>
    %dot_general3A_1124 = tpu.matmul %get3A_1116, %get3A_1122, %dot_general3A_1123 {dimension_numbers = #tpu.dot_dimension_numbers<[1], [0], [0], [1], [0, 0, 1, 1], [], []>, transpose_lhs_hint = false} : vector<64x64xf32>, vector<64x256xf32>, vector<64x256xf32> -> vector<64x256xf32>
    %get3A_1125 = arith.constant 0 : index
    %get3A_1126 = arith.constant 0 : index
    %get3A_1127 = vector.load %arg4[%get3A_1125, %get3A_1126] : memref<64x1xf32, #tpu.memory_space<vmem>>, vector<64x1xf32>
    %add3A_1128 = vector.broadcast %get3A_1127 : vector<64x1xf32> to vector<64x256xf32>
    %add3A_1129 = arith.addf %dot_general3A_1124, %add3A_1128 : vector<64x256xf32>
    %get3A_1130 = arith.constant 10240 : index
    %get3A_1131 = vector.load %arg5[%get3A_1130] : memref<16384xf32, #tpu.memory_space<vmem>>, vector<256xf32>
    %broadcast_in_dim3A_1132 = vector.shape_cast %get3A_1131 : vector<256xf32> to vector<1x256xf32>
    %mul3A_1133 = vector.broadcast %broadcast_in_dim3A_1132 : vector<1x256xf32> to vector<64x256xf32>
    %mul3A_1134 = arith.mulf %add3A_1129, %mul3A_1133 : vector<64x256xf32>
    %swap3A_1135 = arith.constant 0 : index
    %swap3A_1136 = arith.constant 0 : index
    %swap3A_1137 = arith.constant 40 : index
    %swap3A_1138 = arith.constant 0 : index
    %swap3A_1139 = vector.load %arg6[%swap3A_1135, %swap3A_1136, %swap3A_1137, %swap3A_1138] : memref<1x64x64x256xf32, #tpu.memory_space<vmem>>, vector<1x64x1x256xf32>
    %swap3A_1140 = vector.shape_cast %swap3A_1139 : vector<1x64x1x256xf32> to vector<64x256xf32>
    %swap3A_1141 = vector.shape_cast %mul3A_1134 : vector<64x256xf32> to vector<1x64x1x256xf32>
    tpu.vector_store %arg6[%swap3A_1135, %swap3A_1136, %swap3A_1137, %swap3A_1138], %swap3A_1141 {strides = array<i32>} : memref<1x64x64x256xf32, #tpu.memory_space<vmem>>, vector<1x64x1x256xf32>,
    %get3A_1142 = arith.constant 0 : index
    %get3A_1143 = arith.constant 0 : index
    %get3A_1144 = vector.load %arg3[%get3A_1142, %get3A_1143] : memref<64x64xf32, #tpu.memory_space<vmem>>, vector<64x64xf32>
    %get3A_1145 = arith.constant 0 : index
    %get3A_1146 = arith.constant 0 : index
    %get3A_1147 = arith.constant 41 : index
    %get3A_1148 = arith.constant 0 : index
    %get3A_1149 = vector.load %arg2[%get3A_1145, %get3A_1146, %get3A_1147, %get3A_1148] : memref<1x64x64x256xf32, #tpu.memory_space<vmem>>, vector<1x64x1x256xf32>
    %get3A_1150 = vector.shape_cast %get3A_1149 : vector<1x64x1x256xf32> to vector<64x256xf32>
    %dot_general3A_1151 = arith.constant dense<0.000000e+00> : vector<64x256xf32>
    %dot_general3A_1152 = tpu.matmul %get3A_1144, %get3A_1150, %dot_general3A_1151 {dimension_numbers = #tpu.dot_dimension_numbers<[1], [0], [0], [1], [0, 0, 1, 1], [], []>, transpose_lhs_hint = false} : vector<64x64xf32>, vector<64x256xf32>, vector<64x256xf32> -> vector<64x256xf32>
    %get3A_1153 = arith.constant 0 : index
    %get3A_1154 = arith.constant 0 : index
    %get3A_1155 = vector.load %arg4[%get3A_1153, %get3A_1154] : memref<64x1xf32, #tpu.memory_space<vmem>>, vector<64x1xf32>
    %add3A_1156 = vector.broadcast %get3A_1155 : vector<64x1xf32> to vector<64x256xf32>
    %add3A_1157 = arith.addf %dot_general3A_1152, %add3A_1156 : vector<64x256xf32>
    %get3A_1158 = arith.constant 10496 : index
    %get3A_1159 = vector.load %arg5[%get3A_1158] : memref<16384xf32, #tpu.memory_space<vmem>>, vector<256xf32>
    %broadcast_in_dim3A_1160 = vector.shape_cast %get3A_1159 : vector<256xf32> to vector<1x256xf32>
    %mul3A_1161 = vector.broadcast %broadcast_in_dim3A_1160 : vector<1x256xf32> to vector<64x256xf32>
    %mul3A_1162 = arith.mulf %add3A_1157, %mul3A_1161 : vector<64x256xf32>
    %swap3A_1163 = arith.constant 0 : index
    %swap3A_1164 = arith.constant 0 : index
    %swap3A_1165 = arith.constant 41 : index
    %swap3A_1166 = arith.constant 0 : index
    %swap3A_1167 = vector.load %arg6[%swap3A_1163, %swap3A_1164, %swap3A_1165, %swap3A_1166] : memref<1x64x64x256xf32, #tpu.memory_space<vmem>>, vector<1x64x1x256xf32>
    %swap3A_1168 = vector.shape_cast %swap3A_1167 : vector<1x64x1x256xf32> to vector<64x256xf32>
    %swap3A_1169 = vector.shape_cast %mul3A_1162 : vector<64x256xf32> to vector<1x64x1x256xf32>
    tpu.vector_store %arg6[%swap3A_1163, %swap3A_1164, %swap3A_1165, %swap3A_1166], %swap3A_1169 {strides = array<i32>} : memref<1x64x64x256xf32, #tpu.memory_space<vmem>>, vector<1x64x1x256xf32>,
    %get3A_1170 = arith.constant 0 : index
    %get3A_1171 = arith.constant 0 : index
    %get3A_1172 = vector.load %arg3[%get3A_1170, %get3A_1171] : memref<64x64xf32, #tpu.memory_space<vmem>>, vector<64x64xf32>
    %get3A_1173 = arith.constant 0 : index
    %get3A_1174 = arith.constant 0 : index
    %get3A_1175 = arith.constant 42 : index
    %get3A_1176 = arith.constant 0 : index
    %get3A_1177 = vector.load %arg2[%get3A_1173, %get3A_1174, %get3A_1175, %get3A_1176] : memref<1x64x64x256xf32, #tpu.memory_space<vmem>>, vector<1x64x1x256xf32>
    %get3A_1178 = vector.shape_cast %get3A_1177 : vector<1x64x1x256xf32> to vector<64x256xf32>
    %dot_general3A_1179 = arith.constant dense<0.000000e+00> : vector<64x256xf32>
    %dot_general3A_1180 = tpu.matmul %get3A_1172, %get3A_1178, %dot_general3A_1179 {dimension_numbers = #tpu.dot_dimension_numbers<[1], [0], [0], [1], [0, 0, 1, 1], [], []>, transpose_lhs_hint = false} : vector<64x64xf32>, vector<64x256xf32>, vector<64x256xf32> -> vector<64x256xf32>
    %get3A_1181 = arith.constant 0 : index
    %get3A_1182 = arith.constant 0 : index
    %get3A_1183 = vector.load %arg4[%get3A_1181, %get3A_1182] : memref<64x1xf32, #tpu.memory_space<vmem>>, vector<64x1xf32>
    %add3A_1184 = vector.broadcast %get3A_1183 : vector<64x1xf32> to vector<64x256xf32>
    %add3A_1185 = arith.addf %dot_general3A_1180, %add3A_1184 : vector<64x256xf32>
    %get3A_1186 = arith.constant 10752 : index
    %get3A_1187 = vector.load %arg5[%get3A_1186] : memref<16384xf32, #tpu.memory_space<vmem>>, vector<256xf32>
    %broadcast_in_dim3A_1188 = vector.shape_cast %get3A_1187 : vector<256xf32> to vector<1x256xf32>
    %mul3A_1189 = vector.broadcast %broadcast_in_dim3A_1188 : vector<1x256xf32> to vector<64x256xf32>
    %mul3A_1190 = arith.mulf %add3A_1185, %mul3A_1189 : vector<64x256xf32>
    %swap3A_1191 = arith.constant 0 : index
    %swap3A_1192 = arith.constant 0 : index
    %swap3A_1193 = arith.constant 42 : index
    %swap3A_1194 = arith.constant 0 : index
    %swap3A_1195 = vector.load %arg6[%swap3A_1191, %swap3A_1192, %swap3A_1193, %swap3A_1194] : memref<1x64x64x256xf32, #tpu.memory_space<vmem>>, vector<1x64x1x256xf32>
    %swap3A_1196 = vector.shape_cast %swap3A_1195 : vector<1x64x1x256xf32> to vector<64x256xf32>
    %swap3A_1197 = vector.shape_cast %mul3A_1190 : vector<64x256xf32> to vector<1x64x1x256xf32>
    tpu.vector_store %arg6[%swap3A_1191, %swap3A_1192, %swap3A_1193, %swap3A_1194], %swap3A_1197 {strides = array<i32>} : memref<1x64x64x256xf32, #tpu.memory_space<vmem>>, vector<1x64x1x256xf32>,
    %get3A_1198 = arith.constant 0 : index
    %get3A_1199 = arith.constant 0 : index
    %get3A_1200 = vector.load %arg3[%get3A_1198, %get3A_1199] : memref<64x64xf32, #tpu.memory_space<vmem>>, vector<64x64xf32>
    %get3A_1201 = arith.constant 0 : index
    %get3A_1202 = arith.constant 0 : index
    %get3A_1203 = arith.constant 43 : index
    %get3A_1204 = arith.constant 0 : index
    %get3A_1205 = vector.load %arg2[%get3A_1201, %get3A_1202, %get3A_1203, %get3A_1204] : memref<1x64x64x256xf32, #tpu.memory_space<vmem>>, vector<1x64x1x256xf32>
    %get3A_1206 = vector.shape_cast %get3A_1205 : vector<1x64x1x256xf32> to vector<64x256xf32>
    %dot_general3A_1207 = arith.constant dense<0.000000e+00> : vector<64x256xf32>
    %dot_general3A_1208 = tpu.matmul %get3A_1200, %get3A_1206, %dot_general3A_1207 {dimension_numbers = #tpu.dot_dimension_numbers<[1], [0], [0], [1], [0, 0, 1, 1], [], []>, transpose_lhs_hint = false} : vector<64x64xf32>, vector<64x256xf32>, vector<64x256xf32> -> vector<64x256xf32>
    %get3A_1209 = arith.constant 0 : index
    %get3A_1210 = arith.constant 0 : index
    %get3A_1211 = vector.load %arg4[%get3A_1209, %get3A_1210] : memref<64x1xf32, #tpu.memory_space<vmem>>, vector<64x1xf32>
    %add3A_1212 = vector.broadcast %get3A_1211 : vector<64x1xf32> to vector<64x256xf32>
    %add3A_1213 = arith.addf %dot_general3A_1208, %add3A_1212 : vector<64x256xf32>
    %get3A_1214 = arith.constant 11008 : index
    %get3A_1215 = vector.load %arg5[%get3A_1214] : memref<16384xf32, #tpu.memory_space<vmem>>, vector<256xf32>
    %broadcast_in_dim3A_1216 = vector.shape_cast %get3A_1215 : vector<256xf32> to vector<1x256xf32>
    %mul3A_1217 = vector.broadcast %broadcast_in_dim3A_1216 : vector<1x256xf32> to vector<64x256xf32>
    %mul3A_1218 = arith.mulf %add3A_1213, %mul3A_1217 : vector<64x256xf32>
    %swap3A_1219 = arith.constant 0 : index
    %swap3A_1220 = arith.constant 0 : index
    %swap3A_1221 = arith.constant 43 : index
    %swap3A_1222 = arith.constant 0 : index
    %swap3A_1223 = vector.load %arg6[%swap3A_1219, %swap3A_1220, %swap3A_1221, %swap3A_1222] : memref<1x64x64x256xf32, #tpu.memory_space<vmem>>, vector<1x64x1x256xf32>
    %swap3A_1224 = vector.shape_cast %swap3A_1223 : vector<1x64x1x256xf32> to vector<64x256xf32>
    %swap3A_1225 = vector.shape_cast %mul3A_1218 : vector<64x256xf32> to vector<1x64x1x256xf32>
    tpu.vector_store %arg6[%swap3A_1219, %swap3A_1220, %swap3A_1221, %swap3A_1222], %swap3A_1225 {strides = array<i32>} : memref<1x64x64x256xf32, #tpu.memory_space<vmem>>, vector<1x64x1x256xf32>,
    %get3A_1226 = arith.constant 0 : index
    %get3A_1227 = arith.constant 0 : index
    %get3A_1228 = vector.load %arg3[%get3A_1226, %get3A_1227] : memref<64x64xf32, #tpu.memory_space<vmem>>, vector<64x64xf32>
    %get3A_1229 = arith.constant 0 : index
    %get3A_1230 = arith.constant 0 : index
    %get3A_1231 = arith.constant 44 : index
    %get3A_1232 = arith.constant 0 : index
    %get3A_1233 = vector.load %arg2[%get3A_1229, %get3A_1230, %get3A_1231, %get3A_1232] : memref<1x64x64x256xf32, #tpu.memory_space<vmem>>, vector<1x64x1x256xf32>
    %get3A_1234 = vector.shape_cast %get3A_1233 : vector<1x64x1x256xf32> to vector<64x256xf32>
    %dot_general3A_1235 = arith.constant dense<0.000000e+00> : vector<64x256xf32>
    %dot_general3A_1236 = tpu.matmul %get3A_1228, %get3A_1234, %dot_general3A_1235 {dimension_numbers = #tpu.dot_dimension_numbers<[1], [0], [0], [1], [0, 0, 1, 1], [], []>, transpose_lhs_hint = false} : vector<64x64xf32>, vector<64x256xf32>, vector<64x256xf32> -> vector<64x256xf32>
    %get3A_1237 = arith.constant 0 : index
    %get3A_1238 = arith.constant 0 : index
    %get3A_1239 = vector.load %arg4[%get3A_1237, %get3A_1238] : memref<64x1xf32, #tpu.memory_space<vmem>>, vector<64x1xf32>
    %add3A_1240 = vector.broadcast %get3A_1239 : vector<64x1xf32> to vector<64x256xf32>
    %add3A_1241 = arith.addf %dot_general3A_1236, %add3A_1240 : vector<64x256xf32>
    %get3A_1242 = arith.constant 11264 : index
    %get3A_1243 = vector.load %arg5[%get3A_1242] : memref<16384xf32, #tpu.memory_space<vmem>>, vector<256xf32>
    %broadcast_in_dim3A_1244 = vector.shape_cast %get3A_1243 : vector<256xf32> to vector<1x256xf32>
    %mul3A_1245 = vector.broadcast %broadcast_in_dim3A_1244 : vector<1x256xf32> to vector<64x256xf32>
    %mul3A_1246 = arith.mulf %add3A_1241, %mul3A_1245 : vector<64x256xf32>
    %swap3A_1247 = arith.constant 0 : index
    %swap3A_1248 = arith.constant 0 : index
    %swap3A_1249 = arith.constant 44 : index
    %swap3A_1250 = arith.constant 0 : index
    %swap3A_1251 = vector.load %arg6[%swap3A_1247, %swap3A_1248, %swap3A_1249, %swap3A_1250] : memref<1x64x64x256xf32, #tpu.memory_space<vmem>>, vector<1x64x1x256xf32>
    %swap3A_1252 = vector.shape_cast %swap3A_1251 : vector<1x64x1x256xf32> to vector<64x256xf32>
    %swap3A_1253 = vector.shape_cast %mul3A_1246 : vector<64x256xf32> to vector<1x64x1x256xf32>
    tpu.vector_store %arg6[%swap3A_1247, %swap3A_1248, %swap3A_1249, %swap3A_1250], %swap3A_1253 {strides = array<i32>} : memref<1x64x64x256xf32, #tpu.memory_space<vmem>>, vector<1x64x1x256xf32>,
    %get3A_1254 = arith.constant 0 : index
    %get3A_1255 = arith.constant 0 : index
    %get3A_1256 = vector.load %arg3[%get3A_1254, %get3A_1255] : memref<64x64xf32, #tpu.memory_space<vmem>>, vector<64x64xf32>
    %get3A_1257 = arith.constant 0 : index
    %get3A_1258 = arith.constant 0 : index
    %get3A_1259 = arith.constant 45 : index
    %get3A_1260 = arith.constant 0 : index
    %get3A_1261 = vector.load %arg2[%get3A_1257, %get3A_1258, %get3A_1259, %get3A_1260] : memref<1x64x64x256xf32, #tpu.memory_space<vmem>>, vector<1x64x1x256xf32>
    %get3A_1262 = vector.shape_cast %get3A_1261 : vector<1x64x1x256xf32> to vector<64x256xf32>
    %dot_general3A_1263 = arith.constant dense<0.000000e+00> : vector<64x256xf32>
    %dot_general3A_1264 = tpu.matmul %get3A_1256, %get3A_1262, %dot_general3A_1263 {dimension_numbers = #tpu.dot_dimension_numbers<[1], [0], [0], [1], [0, 0, 1, 1], [], []>, transpose_lhs_hint = false} : vector<64x64xf32>, vector<64x256xf32>, vector<64x256xf32> -> vector<64x256xf32>
    %get3A_1265 = arith.constant 0 : index
    %get3A_1266 = arith.constant 0 : index
    %get3A_1267 = vector.load %arg4[%get3A_1265, %get3A_1266] : memref<64x1xf32, #tpu.memory_space<vmem>>, vector<64x1xf32>
    %add3A_1268 = vector.broadcast %get3A_1267 : vector<64x1xf32> to vector<64x256xf32>
    %add3A_1269 = arith.addf %dot_general3A_1264, %add3A_1268 : vector<64x256xf32>
    %get3A_1270 = arith.constant 11520 : index
    %get3A_1271 = vector.load %arg5[%get3A_1270] : memref<16384xf32, #tpu.memory_space<vmem>>, vector<256xf32>
    %broadcast_in_dim3A_1272 = vector.shape_cast %get3A_1271 : vector<256xf32> to vector<1x256xf32>
    %mul3A_1273 = vector.broadcast %broadcast_in_dim3A_1272 : vector<1x256xf32> to vector<64x256xf32>
    %mul3A_1274 = arith.mulf %add3A_1269, %mul3A_1273 : vector<64x256xf32>
    %swap3A_1275 = arith.constant 0 : index
    %swap3A_1276 = arith.constant 0 : index
    %swap3A_1277 = arith.constant 45 : index
    %swap3A_1278 = arith.constant 0 : index
    %swap3A_1279 = vector.load %arg6[%swap3A_1275, %swap3A_1276, %swap3A_1277, %swap3A_1278] : memref<1x64x64x256xf32, #tpu.memory_space<vmem>>, vector<1x64x1x256xf32>
    %swap3A_1280 = vector.shape_cast %swap3A_1279 : vector<1x64x1x256xf32> to vector<64x256xf32>
    %swap3A_1281 = vector.shape_cast %mul3A_1274 : vector<64x256xf32> to vector<1x64x1x256xf32>
    tpu.vector_store %arg6[%swap3A_1275, %swap3A_1276, %swap3A_1277, %swap3A_1278], %swap3A_1281 {strides = array<i32>} : memref<1x64x64x256xf32, #tpu.memory_space<vmem>>, vector<1x64x1x256xf32>,
    %get3A_1282 = arith.constant 0 : index
    %get3A_1283 = arith.constant 0 : index
    %get3A_1284 = vector.load %arg3[%get3A_1282, %get3A_1283] : memref<64x64xf32, #tpu.memory_space<vmem>>, vector<64x64xf32>
    %get3A_1285 = arith.constant 0 : index
    %get3A_1286 = arith.constant 0 : index
    %get3A_1287 = arith.constant 46 : index
    %get3A_1288 = arith.constant 0 : index
    %get3A_1289 = vector.load %arg2[%get3A_1285, %get3A_1286, %get3A_1287, %get3A_1288] : memref<1x64x64x256xf32, #tpu.memory_space<vmem>>, vector<1x64x1x256xf32>
    %get3A_1290 = vector.shape_cast %get3A_1289 : vector<1x64x1x256xf32> to vector<64x256xf32>
    %dot_general3A_1291 = arith.constant dense<0.000000e+00> : vector<64x256xf32>
    %dot_general3A_1292 = tpu.matmul %get3A_1284, %get3A_1290, %dot_general3A_1291 {dimension_numbers = #tpu.dot_dimension_numbers<[1], [0], [0], [1], [0, 0, 1, 1], [], []>, transpose_lhs_hint = false} : vector<64x64xf32>, vector<64x256xf32>, vector<64x256xf32> -> vector<64x256xf32>
    %get3A_1293 = arith.constant 0 : index
    %get3A_1294 = arith.constant 0 : index
    %get3A_1295 = vector.load %arg4[%get3A_1293, %get3A_1294] : memref<64x1xf32, #tpu.memory_space<vmem>>, vector<64x1xf32>
    %add3A_1296 = vector.broadcast %get3A_1295 : vector<64x1xf32> to vector<64x256xf32>
    %add3A_1297 = arith.addf %dot_general3A_1292, %add3A_1296 : vector<64x256xf32>
    %get3A_1298 = arith.constant 11776 : index
    %get3A_1299 = vector.load %arg5[%get3A_1298] : memref<16384xf32, #tpu.memory_space<vmem>>, vector<256xf32>
    %broadcast_in_dim3A_1300 = vector.shape_cast %get3A_1299 : vector<256xf32> to vector<1x256xf32>
    %mul3A_1301 = vector.broadcast %broadcast_in_dim3A_1300 : vector<1x256xf32> to vector<64x256xf32>
    %mul3A_1302 = arith.mulf %add3A_1297, %mul3A_1301 : vector<64x256xf32>
    %swap3A_1303 = arith.constant 0 : index
    %swap3A_1304 = arith.constant 0 : index
    %swap3A_1305 = arith.constant 46 : index
    %swap3A_1306 = arith.constant 0 : index
    %swap3A_1307 = vector.load %arg6[%swap3A_1303, %swap3A_1304, %swap3A_1305, %swap3A_1306] : memref<1x64x64x256xf32, #tpu.memory_space<vmem>>, vector<1x64x1x256xf32>
    %swap3A_1308 = vector.shape_cast %swap3A_1307 : vector<1x64x1x256xf32> to vector<64x256xf32>
    %swap3A_1309 = vector.shape_cast %mul3A_1302 : vector<64x256xf32> to vector<1x64x1x256xf32>
    tpu.vector_store %arg6[%swap3A_1303, %swap3A_1304, %swap3A_1305, %swap3A_1306], %swap3A_1309 {strides = array<i32>} : memref<1x64x64x256xf32, #tpu.memory_space<vmem>>, vector<1x64x1x256xf32>,
    %get3A_1310 = arith.constant 0 : index
    %get3A_1311 = arith.constant 0 : index
    %get3A_1312 = vector.load %arg3[%get3A_1310, %get3A_1311] : memref<64x64xf32, #tpu.memory_space<vmem>>, vector<64x64xf32>
    %get3A_1313 = arith.constant 0 : index
    %get3A_1314 = arith.constant 0 : index
    %get3A_1315 = arith.constant 47 : index
    %get3A_1316 = arith.constant 0 : index
    %get3A_1317 = vector.load %arg2[%get3A_1313, %get3A_1314, %get3A_1315, %get3A_1316] : memref<1x64x64x256xf32, #tpu.memory_space<vmem>>, vector<1x64x1x256xf32>
    %get3A_1318 = vector.shape_cast %get3A_1317 : vector<1x64x1x256xf32> to vector<64x256xf32>
    %dot_general3A_1319 = arith.constant dense<0.000000e+00> : vector<64x256xf32>
    %dot_general3A_1320 = tpu.matmul %get3A_1312, %get3A_1318, %dot_general3A_1319 {dimension_numbers = #tpu.dot_dimension_numbers<[1], [0], [0], [1], [0, 0, 1, 1], [], []>, transpose_lhs_hint = false} : vector<64x64xf32>, vector<64x256xf32>, vector<64x256xf32> -> vector<64x256xf32>
    %get3A_1321 = arith.constant 0 : index
    %get3A_1322 = arith.constant 0 : index
    %get3A_1323 = vector.load %arg4[%get3A_1321, %get3A_1322] : memref<64x1xf32, #tpu.memory_space<vmem>>, vector<64x1xf32>
    %add3A_1324 = vector.broadcast %get3A_1323 : vector<64x1xf32> to vector<64x256xf32>
    %add3A_1325 = arith.addf %dot_general3A_1320, %add3A_1324 : vector<64x256xf32>
    %get3A_1326 = arith.constant 12032 : index
    %get3A_1327 = vector.load %arg5[%get3A_1326] : memref<16384xf32, #tpu.memory_space<vmem>>, vector<256xf32>
    %broadcast_in_dim3A_1328 = vector.shape_cast %get3A_1327 : vector<256xf32> to vector<1x256xf32>
    %mul3A_1329 = vector.broadcast %broadcast_in_dim3A_1328 : vector<1x256xf32> to vector<64x256xf32>
    %mul3A_1330 = arith.mulf %add3A_1325, %mul3A_1329 : vector<64x256xf32>
    %swap3A_1331 = arith.constant 0 : index
    %swap3A_1332 = arith.constant 0 : index
    %swap3A_1333 = arith.constant 47 : index
    %swap3A_1334 = arith.constant 0 : index
    %swap3A_1335 = vector.load %arg6[%swap3A_1331, %swap3A_1332, %swap3A_1333, %swap3A_1334] : memref<1x64x64x256xf32, #tpu.memory_space<vmem>>, vector<1x64x1x256xf32>
    %swap3A_1336 = vector.shape_cast %swap3A_1335 : vector<1x64x1x256xf32> to vector<64x256xf32>
    %swap3A_1337 = vector.shape_cast %mul3A_1330 : vector<64x256xf32> to vector<1x64x1x256xf32>
    tpu.vector_store %arg6[%swap3A_1331, %swap3A_1332, %swap3A_1333, %swap3A_1334], %swap3A_1337 {strides = array<i32>} : memref<1x64x64x256xf32, #tpu.memory_space<vmem>>, vector<1x64x1x256xf32>,
    %get3A_1338 = arith.constant 0 : index
    %get3A_1339 = arith.constant 0 : index
    %get3A_1340 = vector.load %arg3[%get3A_1338, %get3A_1339] : memref<64x64xf32, #tpu.memory_space<vmem>>, vector<64x64xf32>
    %get3A_1341 = arith.constant 0 : index
    %get3A_1342 = arith.constant 0 : index
    %get3A_1343 = arith.constant 48 : index
    %get3A_1344 = arith.constant 0 : index
    %get3A_1345 = vector.load %arg2[%get3A_1341, %get3A_1342, %get3A_1343, %get3A_1344] : memref<1x64x64x256xf32, #tpu.memory_space<vmem>>, vector<1x64x1x256xf32>
    %get3A_1346 = vector.shape_cast %get3A_1345 : vector<1x64x1x256xf32> to vector<64x256xf32>
    %dot_general3A_1347 = arith.constant dense<0.000000e+00> : vector<64x256xf32>
    %dot_general3A_1348 = tpu.matmul %get3A_1340, %get3A_1346, %dot_general3A_1347 {dimension_numbers = #tpu.dot_dimension_numbers<[1], [0], [0], [1], [0, 0, 1, 1], [], []>, transpose_lhs_hint = false} : vector<64x64xf32>, vector<64x256xf32>, vector<64x256xf32> -> vector<64x256xf32>
    %get3A_1349 = arith.constant 0 : index
    %get3A_1350 = arith.constant 0 : index
    %get3A_1351 = vector.load %arg4[%get3A_1349, %get3A_1350] : memref<64x1xf32, #tpu.memory_space<vmem>>, vector<64x1xf32>
    %add3A_1352 = vector.broadcast %get3A_1351 : vector<64x1xf32> to vector<64x256xf32>
    %add3A_1353 = arith.addf %dot_general3A_1348, %add3A_1352 : vector<64x256xf32>
    %get3A_1354 = arith.constant 12288 : index
    %get3A_1355 = vector.load %arg5[%get3A_1354] : memref<16384xf32, #tpu.memory_space<vmem>>, vector<256xf32>
    %broadcast_in_dim3A_1356 = vector.shape_cast %get3A_1355 : vector<256xf32> to vector<1x256xf32>
    %mul3A_1357 = vector.broadcast %broadcast_in_dim3A_1356 : vector<1x256xf32> to vector<64x256xf32>
    %mul3A_1358 = arith.mulf %add3A_1353, %mul3A_1357 : vector<64x256xf32>
    %swap3A_1359 = arith.constant 0 : index
    %swap3A_1360 = arith.constant 0 : index
    %swap3A_1361 = arith.constant 48 : index
    %swap3A_1362 = arith.constant 0 : index
    %swap3A_1363 = vector.load %arg6[%swap3A_1359, %swap3A_1360, %swap3A_1361, %swap3A_1362] : memref<1x64x64x256xf32, #tpu.memory_space<vmem>>, vector<1x64x1x256xf32>
    %swap3A_1364 = vector.shape_cast %swap3A_1363 : vector<1x64x1x256xf32> to vector<64x256xf32>
    %swap3A_1365 = vector.shape_cast %mul3A_1358 : vector<64x256xf32> to vector<1x64x1x256xf32>
    tpu.vector_store %arg6[%swap3A_1359, %swap3A_1360, %swap3A_1361, %swap3A_1362], %swap3A_1365 {strides = array<i32>} : memref<1x64x64x256xf32, #tpu.memory_space<vmem>>, vector<1x64x1x256xf32>,
    %get3A_1366 = arith.constant 0 : index
    %get3A_1367 = arith.constant 0 : index
    %get3A_1368 = vector.load %arg3[%get3A_1366, %get3A_1367] : memref<64x64xf32, #tpu.memory_space<vmem>>, vector<64x64xf32>
    %get3A_1369 = arith.constant 0 : index
    %get3A_1370 = arith.constant 0 : index
    %get3A_1371 = arith.constant 49 : index
    %get3A_1372 = arith.constant 0 : index
    %get3A_1373 = vector.load %arg2[%get3A_1369, %get3A_1370, %get3A_1371, %get3A_1372] : memref<1x64x64x256xf32, #tpu.memory_space<vmem>>, vector<1x64x1x256xf32>
    %get3A_1374 = vector.shape_cast %get3A_1373 : vector<1x64x1x256xf32> to vector<64x256xf32>
    %dot_general3A_1375 = arith.constant dense<0.000000e+00> : vector<64x256xf32>
    %dot_general3A_1376 = tpu.matmul %get3A_1368, %get3A_1374, %dot_general3A_1375 {dimension_numbers = #tpu.dot_dimension_numbers<[1], [0], [0], [1], [0, 0, 1, 1], [], []>, transpose_lhs_hint = false} : vector<64x64xf32>, vector<64x256xf32>, vector<64x256xf32> -> vector<64x256xf32>
    %get3A_1377 = arith.constant 0 : index
    %get3A_1378 = arith.constant 0 : index
    %get3A_1379 = vector.load %arg4[%get3A_1377, %get3A_1378] : memref<64x1xf32, #tpu.memory_space<vmem>>, vector<64x1xf32>
    %add3A_1380 = vector.broadcast %get3A_1379 : vector<64x1xf32> to vector<64x256xf32>
    %add3A_1381 = arith.addf %dot_general3A_1376, %add3A_1380 : vector<64x256xf32>
    %get3A_1382 = arith.constant 12544 : index
    %get3A_1383 = vector.load %arg5[%get3A_1382] : memref<16384xf32, #tpu.memory_space<vmem>>, vector<256xf32>
    %broadcast_in_dim3A_1384 = vector.shape_cast %get3A_1383 : vector<256xf32> to vector<1x256xf32>
    %mul3A_1385 = vector.broadcast %broadcast_in_dim3A_1384 : vector<1x256xf32> to vector<64x256xf32>
    %mul3A_1386 = arith.mulf %add3A_1381, %mul3A_1385 : vector<64x256xf32>
    %swap3A_1387 = arith.constant 0 : index
    %swap3A_1388 = arith.constant 0 : index
    %swap3A_1389 = arith.constant 49 : index
    %swap3A_1390 = arith.constant 0 : index
    %swap3A_1391 = vector.load %arg6[%swap3A_1387, %swap3A_1388, %swap3A_1389, %swap3A_1390] : memref<1x64x64x256xf32, #tpu.memory_space<vmem>>, vector<1x64x1x256xf32>
    %swap3A_1392 = vector.shape_cast %swap3A_1391 : vector<1x64x1x256xf32> to vector<64x256xf32>
    %swap3A_1393 = vector.shape_cast %mul3A_1386 : vector<64x256xf32> to vector<1x64x1x256xf32>
    tpu.vector_store %arg6[%swap3A_1387, %swap3A_1388, %swap3A_1389, %swap3A_1390], %swap3A_1393 {strides = array<i32>} : memref<1x64x64x256xf32, #tpu.memory_space<vmem>>, vector<1x64x1x256xf32>,
    %get3A_1394 = arith.constant 0 : index
    %get3A_1395 = arith.constant 0 : index
    %get3A_1396 = vector.load %arg3[%get3A_1394, %get3A_1395] : memref<64x64xf32, #tpu.memory_space<vmem>>, vector<64x64xf32>
    %get3A_1397 = arith.constant 0 : index
    %get3A_1398 = arith.constant 0 : index
    %get3A_1399 = arith.constant 50 : index
    %get3A_1400 = arith.constant 0 : index
    %get3A_1401 = vector.load %arg2[%get3A_1397, %get3A_1398, %get3A_1399, %get3A_1400] : memref<1x64x64x256xf32, #tpu.memory_space<vmem>>, vector<1x64x1x256xf32>
    %get3A_1402 = vector.shape_cast %get3A_1401 : vector<1x64x1x256xf32> to vector<64x256xf32>
    %dot_general3A_1403 = arith.constant dense<0.000000e+00> : vector<64x256xf32>
    %dot_general3A_1404 = tpu.matmul %get3A_1396, %get3A_1402, %dot_general3A_1403 {dimension_numbers = #tpu.dot_dimension_numbers<[1], [0], [0], [1], [0, 0, 1, 1], [], []>, transpose_lhs_hint = false} : vector<64x64xf32>, vector<64x256xf32>, vector<64x256xf32> -> vector<64x256xf32>
    %get3A_1405 = arith.constant 0 : index
    %get3A_1406 = arith.constant 0 : index
    %get3A_1407 = vector.load %arg4[%get3A_1405, %get3A_1406] : memref<64x1xf32, #tpu.memory_space<vmem>>, vector<64x1xf32>
    %add3A_1408 = vector.broadcast %get3A_1407 : vector<64x1xf32> to vector<64x256xf32>
    %add3A_1409 = arith.addf %dot_general3A_1404, %add3A_1408 : vector<64x256xf32>
    %get3A_1410 = arith.constant 12800 : index
    %get3A_1411 = vector.load %arg5[%get3A_1410] : memref<16384xf32, #tpu.memory_space<vmem>>, vector<256xf32>
    %broadcast_in_dim3A_1412 = vector.shape_cast %get3A_1411 : vector<256xf32> to vector<1x256xf32>
    %mul3A_1413 = vector.broadcast %broadcast_in_dim3A_1412 : vector<1x256xf32> to vector<64x256xf32>
    %mul3A_1414 = arith.mulf %add3A_1409, %mul3A_1413 : vector<64x256xf32>
    %swap3A_1415 = arith.constant 0 : index
    %swap3A_1416 = arith.constant 0 : index
    %swap3A_1417 = arith.constant 50 : index
    %swap3A_1418 = arith.constant 0 : index
    %swap3A_1419 = vector.load %arg6[%swap3A_1415, %swap3A_1416, %swap3A_1417, %swap3A_1418] : memref<1x64x64x256xf32, #tpu.memory_space<vmem>>, vector<1x64x1x256xf32>
    %swap3A_1420 = vector.shape_cast %swap3A_1419 : vector<1x64x1x256xf32> to vector<64x256xf32>
    %swap3A_1421 = vector.shape_cast %mul3A_1414 : vector<64x256xf32> to vector<1x64x1x256xf32>
    tpu.vector_store %arg6[%swap3A_1415, %swap3A_1416, %swap3A_1417, %swap3A_1418], %swap3A_1421 {strides = array<i32>} : memref<1x64x64x256xf32, #tpu.memory_space<vmem>>, vector<1x64x1x256xf32>,
    %get3A_1422 = arith.constant 0 : index
    %get3A_1423 = arith.constant 0 : index
    %get3A_1424 = vector.load %arg3[%get3A_1422, %get3A_1423] : memref<64x64xf32, #tpu.memory_space<vmem>>, vector<64x64xf32>
    %get3A_1425 = arith.constant 0 : index
    %get3A_1426 = arith.constant 0 : index
    %get3A_1427 = arith.constant 51 : index
    %get3A_1428 = arith.constant 0 : index
    %get3A_1429 = vector.load %arg2[%get3A_1425, %get3A_1426, %get3A_1427, %get3A_1428] : memref<1x64x64x256xf32, #tpu.memory_space<vmem>>, vector<1x64x1x256xf32>
    %get3A_1430 = vector.shape_cast %get3A_1429 : vector<1x64x1x256xf32> to vector<64x256xf32>
    %dot_general3A_1431 = arith.constant dense<0.000000e+00> : vector<64x256xf32>
    %dot_general3A_1432 = tpu.matmul %get3A_1424, %get3A_1430, %dot_general3A_1431 {dimension_numbers = #tpu.dot_dimension_numbers<[1], [0], [0], [1], [0, 0, 1, 1], [], []>, transpose_lhs_hint = false} : vector<64x64xf32>, vector<64x256xf32>, vector<64x256xf32> -> vector<64x256xf32>
    %get3A_1433 = arith.constant 0 : index
    %get3A_1434 = arith.constant 0 : index
    %get3A_1435 = vector.load %arg4[%get3A_1433, %get3A_1434] : memref<64x1xf32, #tpu.memory_space<vmem>>, vector<64x1xf32>
    %add3A_1436 = vector.broadcast %get3A_1435 : vector<64x1xf32> to vector<64x256xf32>
    %add3A_1437 = arith.addf %dot_general3A_1432, %add3A_1436 : vector<64x256xf32>
    %get3A_1438 = arith.constant 13056 : index
    %get3A_1439 = vector.load %arg5[%get3A_1438] : memref<16384xf32, #tpu.memory_space<vmem>>, vector<256xf32>
    %broadcast_in_dim3A_1440 = vector.shape_cast %get3A_1439 : vector<256xf32> to vector<1x256xf32>
    %mul3A_1441 = vector.broadcast %broadcast_in_dim3A_1440 : vector<1x256xf32> to vector<64x256xf32>
    %mul3A_1442 = arith.mulf %add3A_1437, %mul3A_1441 : vector<64x256xf32>
    %swap3A_1443 = arith.constant 0 : index
    %swap3A_1444 = arith.constant 0 : index
    %swap3A_1445 = arith.constant 51 : index
    %swap3A_1446 = arith.constant 0 : index
    %swap3A_1447 = vector.load %arg6[%swap3A_1443, %swap3A_1444, %swap3A_1445, %swap3A_1446] : memref<1x64x64x256xf32, #tpu.memory_space<vmem>>, vector<1x64x1x256xf32>
    %swap3A_1448 = vector.shape_cast %swap3A_1447 : vector<1x64x1x256xf32> to vector<64x256xf32>
    %swap3A_1449 = vector.shape_cast %mul3A_1442 : vector<64x256xf32> to vector<1x64x1x256xf32>
    tpu.vector_store %arg6[%swap3A_1443, %swap3A_1444, %swap3A_1445, %swap3A_1446], %swap3A_1449 {strides = array<i32>} : memref<1x64x64x256xf32, #tpu.memory_space<vmem>>, vector<1x64x1x256xf32>,
    %get3A_1450 = arith.constant 0 : index
    %get3A_1451 = arith.constant 0 : index
    %get3A_1452 = vector.load %arg3[%get3A_1450, %get3A_1451] : memref<64x64xf32, #tpu.memory_space<vmem>>, vector<64x64xf32>
    %get3A_1453 = arith.constant 0 : index
    %get3A_1454 = arith.constant 0 : index
    %get3A_1455 = arith.constant 52 : index
    %get3A_1456 = arith.constant 0 : index
    %get3A_1457 = vector.load %arg2[%get3A_1453, %get3A_1454, %get3A_1455, %get3A_1456] : memref<1x64x64x256xf32, #tpu.memory_space<vmem>>, vector<1x64x1x256xf32>
    %get3A_1458 = vector.shape_cast %get3A_1457 : vector<1x64x1x256xf32> to vector<64x256xf32>
    %dot_general3A_1459 = arith.constant dense<0.000000e+00> : vector<64x256xf32>
    %dot_general3A_1460 = tpu.matmul %get3A_1452, %get3A_1458, %dot_general3A_1459 {dimension_numbers = #tpu.dot_dimension_numbers<[1], [0], [0], [1], [0, 0, 1, 1], [], []>, transpose_lhs_hint = false} : vector<64x64xf32>, vector<64x256xf32>, vector<64x256xf32> -> vector<64x256xf32>
    %get3A_1461 = arith.constant 0 : index
    %get3A_1462 = arith.constant 0 : index
    %get3A_1463 = vector.load %arg4[%get3A_1461, %get3A_1462] : memref<64x1xf32, #tpu.memory_space<vmem>>, vector<64x1xf32>
    %add3A_1464 = vector.broadcast %get3A_1463 : vector<64x1xf32> to vector<64x256xf32>
    %add3A_1465 = arith.addf %dot_general3A_1460, %add3A_1464 : vector<64x256xf32>
    %get3A_1466 = arith.constant 13312 : index
    %get3A_1467 = vector.load %arg5[%get3A_1466] : memref<16384xf32, #tpu.memory_space<vmem>>, vector<256xf32>
    %broadcast_in_dim3A_1468 = vector.shape_cast %get3A_1467 : vector<256xf32> to vector<1x256xf32>
    %mul3A_1469 = vector.broadcast %broadcast_in_dim3A_1468 : vector<1x256xf32> to vector<64x256xf32>
    %mul3A_1470 = arith.mulf %add3A_1465, %mul3A_1469 : vector<64x256xf32>
    %swap3A_1471 = arith.constant 0 : index
    %swap3A_1472 = arith.constant 0 : index
    %swap3A_1473 = arith.constant 52 : index
    %swap3A_1474 = arith.constant 0 : index
    %swap3A_1475 = vector.load %arg6[%swap3A_1471, %swap3A_1472, %swap3A_1473, %swap3A_1474] : memref<1x64x64x256xf32, #tpu.memory_space<vmem>>, vector<1x64x1x256xf32>
    %swap3A_1476 = vector.shape_cast %swap3A_1475 : vector<1x64x1x256xf32> to vector<64x256xf32>
    %swap3A_1477 = vector.shape_cast %mul3A_1470 : vector<64x256xf32> to vector<1x64x1x256xf32>
    tpu.vector_store %arg6[%swap3A_1471, %swap3A_1472, %swap3A_1473, %swap3A_1474], %swap3A_1477 {strides = array<i32>} : memref<1x64x64x256xf32, #tpu.memory_space<vmem>>, vector<1x64x1x256xf32>,
    %get3A_1478 = arith.constant 0 : index
    %get3A_1479 = arith.constant 0 : index
    %get3A_1480 = vector.load %arg3[%get3A_1478, %get3A_1479] : memref<64x64xf32, #tpu.memory_space<vmem>>, vector<64x64xf32>
    %get3A_1481 = arith.constant 0 : index
    %get3A_1482 = arith.constant 0 : index
    %get3A_1483 = arith.constant 53 : index
    %get3A_1484 = arith.constant 0 : index
    %get3A_1485 = vector.load %arg2[%get3A_1481, %get3A_1482, %get3A_1483, %get3A_1484] : memref<1x64x64x256xf32, #tpu.memory_space<vmem>>, vector<1x64x1x256xf32>
    %get3A_1486 = vector.shape_cast %get3A_1485 : vector<1x64x1x256xf32> to vector<64x256xf32>
    %dot_general3A_1487 = arith.constant dense<0.000000e+00> : vector<64x256xf32>
    %dot_general3A_1488 = tpu.matmul %get3A_1480, %get3A_1486, %dot_general3A_1487 {dimension_numbers = #tpu.dot_dimension_numbers<[1], [0], [0], [1], [0, 0, 1, 1], [], []>, transpose_lhs_hint = false} : vector<64x64xf32>, vector<64x256xf32>, vector<64x256xf32> -> vector<64x256xf32>
    %get3A_1489 = arith.constant 0 : index
    %get3A_1490 = arith.constant 0 : index
    %get3A_1491 = vector.load %arg4[%get3A_1489, %get3A_1490] : memref<64x1xf32, #tpu.memory_space<vmem>>, vector<64x1xf32>
    %add3A_1492 = vector.broadcast %get3A_1491 : vector<64x1xf32> to vector<64x256xf32>
    %add3A_1493 = arith.addf %dot_general3A_1488, %add3A_1492 : vector<64x256xf32>
    %get3A_1494 = arith.constant 13568 : index
    %get3A_1495 = vector.load %arg5[%get3A_1494] : memref<16384xf32, #tpu.memory_space<vmem>>, vector<256xf32>
    %broadcast_in_dim3A_1496 = vector.shape_cast %get3A_1495 : vector<256xf32> to vector<1x256xf32>
    %mul3A_1497 = vector.broadcast %broadcast_in_dim3A_1496 : vector<1x256xf32> to vector<64x256xf32>
    %mul3A_1498 = arith.mulf %add3A_1493, %mul3A_1497 : vector<64x256xf32>
    %swap3A_1499 = arith.constant 0 : index
    %swap3A_1500 = arith.constant 0 : index
    %swap3A_1501 = arith.constant 53 : index
    %swap3A_1502 = arith.constant 0 : index
    %swap3A_1503 = vector.load %arg6[%swap3A_1499, %swap3A_1500, %swap3A_1501, %swap3A_1502] : memref<1x64x64x256xf32, #tpu.memory_space<vmem>>, vector<1x64x1x256xf32>
    %swap3A_1504 = vector.shape_cast %swap3A_1503 : vector<1x64x1x256xf32> to vector<64x256xf32>
    %swap3A_1505 = vector.shape_cast %mul3A_1498 : vector<64x256xf32> to vector<1x64x1x256xf32>
    tpu.vector_store %arg6[%swap3A_1499, %swap3A_1500, %swap3A_1501, %swap3A_1502], %swap3A_1505 {strides = array<i32>} : memref<1x64x64x256xf32, #tpu.memory_space<vmem>>, vector<1x64x1x256xf32>,
    %get3A_1506 = arith.constant 0 : index
    %get3A_1507 = arith.constant 0 : index
    %get3A_1508 = vector.load %arg3[%get3A_1506, %get3A_1507] : memref<64x64xf32, #tpu.memory_space<vmem>>, vector<64x64xf32>
    %get3A_1509 = arith.constant 0 : index
    %get3A_1510 = arith.constant 0 : index
    %get3A_1511 = arith.constant 54 : index
    %get3A_1512 = arith.constant 0 : index
    %get3A_1513 = vector.load %arg2[%get3A_1509, %get3A_1510, %get3A_1511, %get3A_1512] : memref<1x64x64x256xf32, #tpu.memory_space<vmem>>, vector<1x64x1x256xf32>
    %get3A_1514 = vector.shape_cast %get3A_1513 : vector<1x64x1x256xf32> to vector<64x256xf32>
    %dot_general3A_1515 = arith.constant dense<0.000000e+00> : vector<64x256xf32>
    %dot_general3A_1516 = tpu.matmul %get3A_1508, %get3A_1514, %dot_general3A_1515 {dimension_numbers = #tpu.dot_dimension_numbers<[1], [0], [0], [1], [0, 0, 1, 1], [], []>, transpose_lhs_hint = false} : vector<64x64xf32>, vector<64x256xf32>, vector<64x256xf32> -> vector<64x256xf32>
    %get3A_1517 = arith.constant 0 : index
    %get3A_1518 = arith.constant 0 : index
    %get3A_1519 = vector.load %arg4[%get3A_1517, %get3A_1518] : memref<64x1xf32, #tpu.memory_space<vmem>>, vector<64x1xf32>
    %add3A_1520 = vector.broadcast %get3A_1519 : vector<64x1xf32> to vector<64x256xf32>
    %add3A_1521 = arith.addf %dot_general3A_1516, %add3A_1520 : vector<64x256xf32>
    %get3A_1522 = arith.constant 13824 : index
    %get3A_1523 = vector.load %arg5[%get3A_1522] : memref<16384xf32, #tpu.memory_space<vmem>>, vector<256xf32>
    %broadcast_in_dim3A_1524 = vector.shape_cast %get3A_1523 : vector<256xf32> to vector<1x256xf32>
    %mul3A_1525 = vector.broadcast %broadcast_in_dim3A_1524 : vector<1x256xf32> to vector<64x256xf32>
    %mul3A_1526 = arith.mulf %add3A_1521, %mul3A_1525 : vector<64x256xf32>
    %swap3A_1527 = arith.constant 0 : index
    %swap3A_1528 = arith.constant 0 : index
    %swap3A_1529 = arith.constant 54 : index
    %swap3A_1530 = arith.constant 0 : index
    %swap3A_1531 = vector.load %arg6[%swap3A_1527, %swap3A_1528, %swap3A_1529, %swap3A_1530] : memref<1x64x64x256xf32, #tpu.memory_space<vmem>>, vector<1x64x1x256xf32>
    %swap3A_1532 = vector.shape_cast %swap3A_1531 : vector<1x64x1x256xf32> to vector<64x256xf32>
    %swap3A_1533 = vector.shape_cast %mul3A_1526 : vector<64x256xf32> to vector<1x64x1x256xf32>
    tpu.vector_store %arg6[%swap3A_1527, %swap3A_1528, %swap3A_1529, %swap3A_1530], %swap3A_1533 {strides = array<i32>} : memref<1x64x64x256xf32, #tpu.memory_space<vmem>>, vector<1x64x1x256xf32>,
    %get3A_1534 = arith.constant 0 : index
    %get3A_1535 = arith.constant 0 : index
    %get3A_1536 = vector.load %arg3[%get3A_1534, %get3A_1535] : memref<64x64xf32, #tpu.memory_space<vmem>>, vector<64x64xf32>
    %get3A_1537 = arith.constant 0 : index
    %get3A_1538 = arith.constant 0 : index
    %get3A_1539 = arith.constant 55 : index
    %get3A_1540 = arith.constant 0 : index
    %get3A_1541 = vector.load %arg2[%get3A_1537, %get3A_1538, %get3A_1539, %get3A_1540] : memref<1x64x64x256xf32, #tpu.memory_space<vmem>>, vector<1x64x1x256xf32>
    %get3A_1542 = vector.shape_cast %get3A_1541 : vector<1x64x1x256xf32> to vector<64x256xf32>
    %dot_general3A_1543 = arith.constant dense<0.000000e+00> : vector<64x256xf32>
    %dot_general3A_1544 = tpu.matmul %get3A_1536, %get3A_1542, %dot_general3A_1543 {dimension_numbers = #tpu.dot_dimension_numbers<[1], [0], [0], [1], [0, 0, 1, 1], [], []>, transpose_lhs_hint = false} : vector<64x64xf32>, vector<64x256xf32>, vector<64x256xf32> -> vector<64x256xf32>
    %get3A_1545 = arith.constant 0 : index
    %get3A_1546 = arith.constant 0 : index
    %get3A_1547 = vector.load %arg4[%get3A_1545, %get3A_1546] : memref<64x1xf32, #tpu.memory_space<vmem>>, vector<64x1xf32>
    %add3A_1548 = vector.broadcast %get3A_1547 : vector<64x1xf32> to vector<64x256xf32>
    %add3A_1549 = arith.addf %dot_general3A_1544, %add3A_1548 : vector<64x256xf32>
    %get3A_1550 = arith.constant 14080 : index
    %get3A_1551 = vector.load %arg5[%get3A_1550] : memref<16384xf32, #tpu.memory_space<vmem>>, vector<256xf32>
    %broadcast_in_dim3A_1552 = vector.shape_cast %get3A_1551 : vector<256xf32> to vector<1x256xf32>
    %mul3A_1553 = vector.broadcast %broadcast_in_dim3A_1552 : vector<1x256xf32> to vector<64x256xf32>
    %mul3A_1554 = arith.mulf %add3A_1549, %mul3A_1553 : vector<64x256xf32>
    %swap3A_1555 = arith.constant 0 : index
    %swap3A_1556 = arith.constant 0 : index
    %swap3A_1557 = arith.constant 55 : index
    %swap3A_1558 = arith.constant 0 : index
    %swap3A_1559 = vector.load %arg6[%swap3A_1555, %swap3A_1556, %swap3A_1557, %swap3A_1558] : memref<1x64x64x256xf32, #tpu.memory_space<vmem>>, vector<1x64x1x256xf32>
    %swap3A_1560 = vector.shape_cast %swap3A_1559 : vector<1x64x1x256xf32> to vector<64x256xf32>
    %swap3A_1561 = vector.shape_cast %mul3A_1554 : vector<64x256xf32> to vector<1x64x1x256xf32>
    tpu.vector_store %arg6[%swap3A_1555, %swap3A_1556, %swap3A_1557, %swap3A_1558], %swap3A_1561 {strides = array<i32>} : memref<1x64x64x256xf32, #tpu.memory_space<vmem>>, vector<1x64x1x256xf32>,
    %get3A_1562 = arith.constant 0 : index
    %get3A_1563 = arith.constant 0 : index
    %get3A_1564 = vector.load %arg3[%get3A_1562, %get3A_1563] : memref<64x64xf32, #tpu.memory_space<vmem>>, vector<64x64xf32>
    %get3A_1565 = arith.constant 0 : index
    %get3A_1566 = arith.constant 0 : index
    %get3A_1567 = arith.constant 56 : index
    %get3A_1568 = arith.constant 0 : index
    %get3A_1569 = vector.load %arg2[%get3A_1565, %get3A_1566, %get3A_1567, %get3A_1568] : memref<1x64x64x256xf32, #tpu.memory_space<vmem>>, vector<1x64x1x256xf32>
    %get3A_1570 = vector.shape_cast %get3A_1569 : vector<1x64x1x256xf32> to vector<64x256xf32>
    %dot_general3A_1571 = arith.constant dense<0.000000e+00> : vector<64x256xf32>
    %dot_general3A_1572 = tpu.matmul %get3A_1564, %get3A_1570, %dot_general3A_1571 {dimension_numbers = #tpu.dot_dimension_numbers<[1], [0], [0], [1], [0, 0, 1, 1], [], []>, transpose_lhs_hint = false} : vector<64x64xf32>, vector<64x256xf32>, vector<64x256xf32> -> vector<64x256xf32>
    %get3A_1573 = arith.constant 0 : index
    %get3A_1574 = arith.constant 0 : index
    %get3A_1575 = vector.load %arg4[%get3A_1573, %get3A_1574] : memref<64x1xf32, #tpu.memory_space<vmem>>, vector<64x1xf32>
    %add3A_1576 = vector.broadcast %get3A_1575 : vector<64x1xf32> to vector<64x256xf32>
    %add3A_1577 = arith.addf %dot_general3A_1572, %add3A_1576 : vector<64x256xf32>
    %get3A_1578 = arith.constant 14336 : index
    %get3A_1579 = vector.load %arg5[%get3A_1578] : memref<16384xf32, #tpu.memory_space<vmem>>, vector<256xf32>
    %broadcast_in_dim3A_1580 = vector.shape_cast %get3A_1579 : vector<256xf32> to vector<1x256xf32>
    %mul3A_1581 = vector.broadcast %broadcast_in_dim3A_1580 : vector<1x256xf32> to vector<64x256xf32>
    %mul3A_1582 = arith.mulf %add3A_1577, %mul3A_1581 : vector<64x256xf32>
    %swap3A_1583 = arith.constant 0 : index
    %swap3A_1584 = arith.constant 0 : index
    %swap3A_1585 = arith.constant 56 : index
    %swap3A_1586 = arith.constant 0 : index
    %swap3A_1587 = vector.load %arg6[%swap3A_1583, %swap3A_1584, %swap3A_1585, %swap3A_1586] : memref<1x64x64x256xf32, #tpu.memory_space<vmem>>, vector<1x64x1x256xf32>
    %swap3A_1588 = vector.shape_cast %swap3A_1587 : vector<1x64x1x256xf32> to vector<64x256xf32>
    %swap3A_1589 = vector.shape_cast %mul3A_1582 : vector<64x256xf32> to vector<1x64x1x256xf32>
    tpu.vector_store %arg6[%swap3A_1583, %swap3A_1584, %swap3A_1585, %swap3A_1586], %swap3A_1589 {strides = array<i32>} : memref<1x64x64x256xf32, #tpu.memory_space<vmem>>, vector<1x64x1x256xf32>,
    %get3A_1590 = arith.constant 0 : index
    %get3A_1591 = arith.constant 0 : index
    %get3A_1592 = vector.load %arg3[%get3A_1590, %get3A_1591] : memref<64x64xf32, #tpu.memory_space<vmem>>, vector<64x64xf32>
    %get3A_1593 = arith.constant 0 : index
    %get3A_1594 = arith.constant 0 : index
    %get3A_1595 = arith.constant 57 : index
    %get3A_1596 = arith.constant 0 : index
    %get3A_1597 = vector.load %arg2[%get3A_1593, %get3A_1594, %get3A_1595, %get3A_1596] : memref<1x64x64x256xf32, #tpu.memory_space<vmem>>, vector<1x64x1x256xf32>
    %get3A_1598 = vector.shape_cast %get3A_1597 : vector<1x64x1x256xf32> to vector<64x256xf32>
    %dot_general3A_1599 = arith.constant dense<0.000000e+00> : vector<64x256xf32>
    %dot_general3A_1600 = tpu.matmul %get3A_1592, %get3A_1598, %dot_general3A_1599 {dimension_numbers = #tpu.dot_dimension_numbers<[1], [0], [0], [1], [0, 0, 1, 1], [], []>, transpose_lhs_hint = false} : vector<64x64xf32>, vector<64x256xf32>, vector<64x256xf32> -> vector<64x256xf32>
    %get3A_1601 = arith.constant 0 : index
    %get3A_1602 = arith.constant 0 : index
    %get3A_1603 = vector.load %arg4[%get3A_1601, %get3A_1602] : memref<64x1xf32, #tpu.memory_space<vmem>>, vector<64x1xf32>
    %add3A_1604 = vector.broadcast %get3A_1603 : vector<64x1xf32> to vector<64x256xf32>
    %add3A_1605 = arith.addf %dot_general3A_1600, %add3A_1604 : vector<64x256xf32>
    %get3A_1606 = arith.constant 14592 : index
    %get3A_1607 = vector.load %arg5[%get3A_1606] : memref<16384xf32, #tpu.memory_space<vmem>>, vector<256xf32>
    %broadcast_in_dim3A_1608 = vector.shape_cast %get3A_1607 : vector<256xf32> to vector<1x256xf32>
    %mul3A_1609 = vector.broadcast %broadcast_in_dim3A_1608 : vector<1x256xf32> to vector<64x256xf32>
    %mul3A_1610 = arith.mulf %add3A_1605, %mul3A_1609 : vector<64x256xf32>
    %swap3A_1611 = arith.constant 0 : index
    %swap3A_1612 = arith.constant 0 : index
    %swap3A_1613 = arith.constant 57 : index
    %swap3A_1614 = arith.constant 0 : index
    %swap3A_1615 = vector.load %arg6[%swap3A_1611, %swap3A_1612, %swap3A_1613, %swap3A_1614] : memref<1x64x64x256xf32, #tpu.memory_space<vmem>>, vector<1x64x1x256xf32>
    %swap3A_1616 = vector.shape_cast %swap3A_1615 : vector<1x64x1x256xf32> to vector<64x256xf32>
    %swap3A_1617 = vector.shape_cast %mul3A_1610 : vector<64x256xf32> to vector<1x64x1x256xf32>
    tpu.vector_store %arg6[%swap3A_1611, %swap3A_1612, %swap3A_1613, %swap3A_1614], %swap3A_1617 {strides = array<i32>} : memref<1x64x64x256xf32, #tpu.memory_space<vmem>>, vector<1x64x1x256xf32>,
    %get3A_1618 = arith.constant 0 : index
    %get3A_1619 = arith.constant 0 : index
    %get3A_1620 = vector.load %arg3[%get3A_1618, %get3A_1619] : memref<64x64xf32, #tpu.memory_space<vmem>>, vector<64x64xf32>
    %get3A_1621 = arith.constant 0 : index
    %get3A_1622 = arith.constant 0 : index
    %get3A_1623 = arith.constant 58 : index
    %get3A_1624 = arith.constant 0 : index
    %get3A_1625 = vector.load %arg2[%get3A_1621, %get3A_1622, %get3A_1623, %get3A_1624] : memref<1x64x64x256xf32, #tpu.memory_space<vmem>>, vector<1x64x1x256xf32>
    %get3A_1626 = vector.shape_cast %get3A_1625 : vector<1x64x1x256xf32> to vector<64x256xf32>
    %dot_general3A_1627 = arith.constant dense<0.000000e+00> : vector<64x256xf32>
    %dot_general3A_1628 = tpu.matmul %get3A_1620, %get3A_1626, %dot_general3A_1627 {dimension_numbers = #tpu.dot_dimension_numbers<[1], [0], [0], [1], [0, 0, 1, 1], [], []>, transpose_lhs_hint = false} : vector<64x64xf32>, vector<64x256xf32>, vector<64x256xf32> -> vector<64x256xf32>
    %get3A_1629 = arith.constant 0 : index
    %get3A_1630 = arith.constant 0 : index
    %get3A_1631 = vector.load %arg4[%get3A_1629, %get3A_1630] : memref<64x1xf32, #tpu.memory_space<vmem>>, vector<64x1xf32>
    %add3A_1632 = vector.broadcast %get3A_1631 : vector<64x1xf32> to vector<64x256xf32>
    %add3A_1633 = arith.addf %dot_general3A_1628, %add3A_1632 : vector<64x256xf32>
    %get3A_1634 = arith.constant 14848 : index
    %get3A_1635 = vector.load %arg5[%get3A_1634] : memref<16384xf32, #tpu.memory_space<vmem>>, vector<256xf32>
    %broadcast_in_dim3A_1636 = vector.shape_cast %get3A_1635 : vector<256xf32> to vector<1x256xf32>
    %mul3A_1637 = vector.broadcast %broadcast_in_dim3A_1636 : vector<1x256xf32> to vector<64x256xf32>
    %mul3A_1638 = arith.mulf %add3A_1633, %mul3A_1637 : vector<64x256xf32>
    %swap3A_1639 = arith.constant 0 : index
    %swap3A_1640 = arith.constant 0 : index
    %swap3A_1641 = arith.constant 58 : index
    %swap3A_1642 = arith.constant 0 : index
    %swap3A_1643 = vector.load %arg6[%swap3A_1639, %swap3A_1640, %swap3A_1641, %swap3A_1642] : memref<1x64x64x256xf32, #tpu.memory_space<vmem>>, vector<1x64x1x256xf32>
    %swap3A_1644 = vector.shape_cast %swap3A_1643 : vector<1x64x1x256xf32> to vector<64x256xf32>
    %swap3A_1645 = vector.shape_cast %mul3A_1638 : vector<64x256xf32> to vector<1x64x1x256xf32>
    tpu.vector_store %arg6[%swap3A_1639, %swap3A_1640, %swap3A_1641, %swap3A_1642], %swap3A_1645 {strides = array<i32>} : memref<1x64x64x256xf32, #tpu.memory_space<vmem>>, vector<1x64x1x256xf32>,
    %get3A_1646 = arith.constant 0 : index
    %get3A_1647 = arith.constant 0 : index
    %get3A_1648 = vector.load %arg3[%get3A_1646, %get3A_1647] : memref<64x64xf32, #tpu.memory_space<vmem>>, vector<64x64xf32>
    %get3A_1649 = arith.constant 0 : index
    %get3A_1650 = arith.constant 0 : index
    %get3A_1651 = arith.constant 59 : index
    %get3A_1652 = arith.constant 0 : index
    %get3A_1653 = vector.load %arg2[%get3A_1649, %get3A_1650, %get3A_1651, %get3A_1652] : memref<1x64x64x256xf32, #tpu.memory_space<vmem>>, vector<1x64x1x256xf32>
    %get3A_1654 = vector.shape_cast %get3A_1653 : vector<1x64x1x256xf32> to vector<64x256xf32>
    %dot_general3A_1655 = arith.constant dense<0.000000e+00> : vector<64x256xf32>
    %dot_general3A_1656 = tpu.matmul %get3A_1648, %get3A_1654, %dot_general3A_1655 {dimension_numbers = #tpu.dot_dimension_numbers<[1], [0], [0], [1], [0, 0, 1, 1], [], []>, transpose_lhs_hint = false} : vector<64x64xf32>, vector<64x256xf32>, vector<64x256xf32> -> vector<64x256xf32>
    %get3A_1657 = arith.constant 0 : index
    %get3A_1658 = arith.constant 0 : index
    %get3A_1659 = vector.load %arg4[%get3A_1657, %get3A_1658] : memref<64x1xf32, #tpu.memory_space<vmem>>, vector<64x1xf32>
    %add3A_1660 = vector.broadcast %get3A_1659 : vector<64x1xf32> to vector<64x256xf32>
    %add3A_1661 = arith.addf %dot_general3A_1656, %add3A_1660 : vector<64x256xf32>
    %get3A_1662 = arith.constant 15104 : index
    %get3A_1663 = vector.load %arg5[%get3A_1662] : memref<16384xf32, #tpu.memory_space<vmem>>, vector<256xf32>
    %broadcast_in_dim3A_1664 = vector.shape_cast %get3A_1663 : vector<256xf32> to vector<1x256xf32>
    %mul3A_1665 = vector.broadcast %broadcast_in_dim3A_1664 : vector<1x256xf32> to vector<64x256xf32>
    %mul3A_1666 = arith.mulf %add3A_1661, %mul3A_1665 : vector<64x256xf32>
    %swap3A_1667 = arith.constant 0 : index
    %swap3A_1668 = arith.constant 0 : index
    %swap3A_1669 = arith.constant 59 : index
    %swap3A_1670 = arith.constant 0 : index
    %swap3A_1671 = vector.load %arg6[%swap3A_1667, %swap3A_1668, %swap3A_1669, %swap3A_1670] : memref<1x64x64x256xf32, #tpu.memory_space<vmem>>, vector<1x64x1x256xf32>
    %swap3A_1672 = vector.shape_cast %swap3A_1671 : vector<1x64x1x256xf32> to vector<64x256xf32>
    %swap3A_1673 = vector.shape_cast %mul3A_1666 : vector<64x256xf32> to vector<1x64x1x256xf32>
    tpu.vector_store %arg6[%swap3A_1667, %swap3A_1668, %swap3A_1669, %swap3A_1670], %swap3A_1673 {strides = array<i32>} : memref<1x64x64x256xf32, #tpu.memory_space<vmem>>, vector<1x64x1x256xf32>,
    %get3A_1674 = arith.constant 0 : index
    %get3A_1675 = arith.constant 0 : index
    %get3A_1676 = vector.load %arg3[%get3A_1674, %get3A_1675] : memref<64x64xf32, #tpu.memory_space<vmem>>, vector<64x64xf32>
    %get3A_1677 = arith.constant 0 : index
    %get3A_1678 = arith.constant 0 : index
    %get3A_1679 = arith.constant 60 : index
    %get3A_1680 = arith.constant 0 : index
    %get3A_1681 = vector.load %arg2[%get3A_1677, %get3A_1678, %get3A_1679, %get3A_1680] : memref<1x64x64x256xf32, #tpu.memory_space<vmem>>, vector<1x64x1x256xf32>
    %get3A_1682 = vector.shape_cast %get3A_1681 : vector<1x64x1x256xf32> to vector<64x256xf32>
    %dot_general3A_1683 = arith.constant dense<0.000000e+00> : vector<64x256xf32>
    %dot_general3A_1684 = tpu.matmul %get3A_1676, %get3A_1682, %dot_general3A_1683 {dimension_numbers = #tpu.dot_dimension_numbers<[1], [0], [0], [1], [0, 0, 1, 1], [], []>, transpose_lhs_hint = false} : vector<64x64xf32>, vector<64x256xf32>, vector<64x256xf32> -> vector<64x256xf32>
    %get3A_1685 = arith.constant 0 : index
    %get3A_1686 = arith.constant 0 : index
    %get3A_1687 = vector.load %arg4[%get3A_1685, %get3A_1686] : memref<64x1xf32, #tpu.memory_space<vmem>>, vector<64x1xf32>
    %add3A_1688 = vector.broadcast %get3A_1687 : vector<64x1xf32> to vector<64x256xf32>
    %add3A_1689 = arith.addf %dot_general3A_1684, %add3A_1688 : vector<64x256xf32>
    %get3A_1690 = arith.constant 15360 : index
    %get3A_1691 = vector.load %arg5[%get3A_1690] : memref<16384xf32, #tpu.memory_space<vmem>>, vector<256xf32>
    %broadcast_in_dim3A_1692 = vector.shape_cast %get3A_1691 : vector<256xf32> to vector<1x256xf32>
    %mul3A_1693 = vector.broadcast %broadcast_in_dim3A_1692 : vector<1x256xf32> to vector<64x256xf32>
    %mul3A_1694 = arith.mulf %add3A_1689, %mul3A_1693 : vector<64x256xf32>
    %swap3A_1695 = arith.constant 0 : index
    %swap3A_1696 = arith.constant 0 : index
    %swap3A_1697 = arith.constant 60 : index
    %swap3A_1698 = arith.constant 0 : index
    %swap3A_1699 = vector.load %arg6[%swap3A_1695, %swap3A_1696, %swap3A_1697, %swap3A_1698] : memref<1x64x64x256xf32, #tpu.memory_space<vmem>>, vector<1x64x1x256xf32>
    %swap3A_1700 = vector.shape_cast %swap3A_1699 : vector<1x64x1x256xf32> to vector<64x256xf32>
    %swap3A_1701 = vector.shape_cast %mul3A_1694 : vector<64x256xf32> to vector<1x64x1x256xf32>
    tpu.vector_store %arg6[%swap3A_1695, %swap3A_1696, %swap3A_1697, %swap3A_1698], %swap3A_1701 {strides = array<i32>} : memref<1x64x64x256xf32, #tpu.memory_space<vmem>>, vector<1x64x1x256xf32>,
    %get3A_1702 = arith.constant 0 : index
    %get3A_1703 = arith.constant 0 : index
    %get3A_1704 = vector.load %arg3[%get3A_1702, %get3A_1703] : memref<64x64xf32, #tpu.memory_space<vmem>>, vector<64x64xf32>
    %get3A_1705 = arith.constant 0 : index
    %get3A_1706 = arith.constant 0 : index
    %get3A_1707 = arith.constant 61 : index
    %get3A_1708 = arith.constant 0 : index
    %get3A_1709 = vector.load %arg2[%get3A_1705, %get3A_1706, %get3A_1707, %get3A_1708] : memref<1x64x64x256xf32, #tpu.memory_space<vmem>>, vector<1x64x1x256xf32>
    %get3A_1710 = vector.shape_cast %get3A_1709 : vector<1x64x1x256xf32> to vector<64x256xf32>
    %dot_general3A_1711 = arith.constant dense<0.000000e+00> : vector<64x256xf32>
    %dot_general3A_1712 = tpu.matmul %get3A_1704, %get3A_1710, %dot_general3A_1711 {dimension_numbers = #tpu.dot_dimension_numbers<[1], [0], [0], [1], [0, 0, 1, 1], [], []>, transpose_lhs_hint = false} : vector<64x64xf32>, vector<64x256xf32>, vector<64x256xf32> -> vector<64x256xf32>
    %get3A_1713 = arith.constant 0 : index
    %get3A_1714 = arith.constant 0 : index
    %get3A_1715 = vector.load %arg4[%get3A_1713, %get3A_1714] : memref<64x1xf32, #tpu.memory_space<vmem>>, vector<64x1xf32>
    %add3A_1716 = vector.broadcast %get3A_1715 : vector<64x1xf32> to vector<64x256xf32>
    %add3A_1717 = arith.addf %dot_general3A_1712, %add3A_1716 : vector<64x256xf32>
    %get3A_1718 = arith.constant 15616 : index
    %get3A_1719 = vector.load %arg5[%get3A_1718] : memref<16384xf32, #tpu.memory_space<vmem>>, vector<256xf32>
    %broadcast_in_dim3A_1720 = vector.shape_cast %get3A_1719 : vector<256xf32> to vector<1x256xf32>
    %mul3A_1721 = vector.broadcast %broadcast_in_dim3A_1720 : vector<1x256xf32> to vector<64x256xf32>
    %mul3A_1722 = arith.mulf %add3A_1717, %mul3A_1721 : vector<64x256xf32>
    %swap3A_1723 = arith.constant 0 : index
    %swap3A_1724 = arith.constant 0 : index
    %swap3A_1725 = arith.constant 61 : index
    %swap3A_1726 = arith.constant 0 : index
    %swap3A_1727 = vector.load %arg6[%swap3A_1723, %swap3A_1724, %swap3A_1725, %swap3A_1726] : memref<1x64x64x256xf32, #tpu.memory_space<vmem>>, vector<1x64x1x256xf32>
    %swap3A_1728 = vector.shape_cast %swap3A_1727 : vector<1x64x1x256xf32> to vector<64x256xf32>
    %swap3A_1729 = vector.shape_cast %mul3A_1722 : vector<64x256xf32> to vector<1x64x1x256xf32>
    tpu.vector_store %arg6[%swap3A_1723, %swap3A_1724, %swap3A_1725, %swap3A_1726], %swap3A_1729 {strides = array<i32>} : memref<1x64x64x256xf32, #tpu.memory_space<vmem>>, vector<1x64x1x256xf32>,
    %get3A_1730 = arith.constant 0 : index
    %get3A_1731 = arith.constant 0 : index
    %get3A_1732 = vector.load %arg3[%get3A_1730, %get3A_1731] : memref<64x64xf32, #tpu.memory_space<vmem>>, vector<64x64xf32>
    %get3A_1733 = arith.constant 0 : index
    %get3A_1734 = arith.constant 0 : index
    %get3A_1735 = arith.constant 62 : index
    %get3A_1736 = arith.constant 0 : index
    %get3A_1737 = vector.load %arg2[%get3A_1733, %get3A_1734, %get3A_1735, %get3A_1736] : memref<1x64x64x256xf32, #tpu.memory_space<vmem>>, vector<1x64x1x256xf32>
    %get3A_1738 = vector.shape_cast %get3A_1737 : vector<1x64x1x256xf32> to vector<64x256xf32>
    %dot_general3A_1739 = arith.constant dense<0.000000e+00> : vector<64x256xf32>
    %dot_general3A_1740 = tpu.matmul %get3A_1732, %get3A_1738, %dot_general3A_1739 {dimension_numbers = #tpu.dot_dimension_numbers<[1], [0], [0], [1], [0, 0, 1, 1], [], []>, transpose_lhs_hint = false} : vector<64x64xf32>, vector<64x256xf32>, vector<64x256xf32> -> vector<64x256xf32>
    %get3A_1741 = arith.constant 0 : index
    %get3A_1742 = arith.constant 0 : index
    %get3A_1743 = vector.load %arg4[%get3A_1741, %get3A_1742] : memref<64x1xf32, #tpu.memory_space<vmem>>, vector<64x1xf32>
    %add3A_1744 = vector.broadcast %get3A_1743 : vector<64x1xf32> to vector<64x256xf32>
    %add3A_1745 = arith.addf %dot_general3A_1740, %add3A_1744 : vector<64x256xf32>
    %get3A_1746 = arith.constant 15872 : index
    %get3A_1747 = vector.load %arg5[%get3A_1746] : memref<16384xf32, #tpu.memory_space<vmem>>, vector<256xf32>
    %broadcast_in_dim3A_1748 = vector.shape_cast %get3A_1747 : vector<256xf32> to vector<1x256xf32>
    %mul3A_1749 = vector.broadcast %broadcast_in_dim3A_1748 : vector<1x256xf32> to vector<64x256xf32>
    %mul3A_1750 = arith.mulf %add3A_1745, %mul3A_1749 : vector<64x256xf32>
    %swap3A_1751 = arith.constant 0 : index
    %swap3A_1752 = arith.constant 0 : index
    %swap3A_1753 = arith.constant 62 : index
    %swap3A_1754 = arith.constant 0 : index
    %swap3A_1755 = vector.load %arg6[%swap3A_1751, %swap3A_1752, %swap3A_1753, %swap3A_1754] : memref<1x64x64x256xf32, #tpu.memory_space<vmem>>, vector<1x64x1x256xf32>
    %swap3A_1756 = vector.shape_cast %swap3A_1755 : vector<1x64x1x256xf32> to vector<64x256xf32>
    %swap3A_1757 = vector.shape_cast %mul3A_1750 : vector<64x256xf32> to vector<1x64x1x256xf32>
    tpu.vector_store %arg6[%swap3A_1751, %swap3A_1752, %swap3A_1753, %swap3A_1754], %swap3A_1757 {strides = array<i32>} : memref<1x64x64x256xf32, #tpu.memory_space<vmem>>, vector<1x64x1x256xf32>,
    %get3A_1758 = arith.constant 0 : index
    %get3A_1759 = arith.constant 0 : index
    %get3A_1760 = vector.load %arg3[%get3A_1758, %get3A_1759] : memref<64x64xf32, #tpu.memory_space<vmem>>, vector<64x64xf32>
    %get3A_1761 = arith.constant 0 : index
    %get3A_1762 = arith.constant 0 : index
    %get3A_1763 = arith.constant 63 : index
    %get3A_1764 = arith.constant 0 : index
    %get3A_1765 = vector.load %arg2[%get3A_1761, %get3A_1762, %get3A_1763, %get3A_1764] : memref<1x64x64x256xf32, #tpu.memory_space<vmem>>, vector<1x64x1x256xf32>
    %get3A_1766 = vector.shape_cast %get3A_1765 : vector<1x64x1x256xf32> to vector<64x256xf32>
    %dot_general3A_1767 = arith.constant dense<0.000000e+00> : vector<64x256xf32>
    %dot_general3A_1768 = tpu.matmul %get3A_1760, %get3A_1766, %dot_general3A_1767 {dimension_numbers = #tpu.dot_dimension_numbers<[1], [0], [0], [1], [0, 0, 1, 1], [], []>, transpose_lhs_hint = false} : vector<64x64xf32>, vector<64x256xf32>, vector<64x256xf32> -> vector<64x256xf32>
    %get3A_1769 = arith.constant 0 : index
    %get3A_1770 = arith.constant 0 : index
    %get3A_1771 = vector.load %arg4[%get3A_1769, %get3A_1770] : memref<64x1xf32, #tpu.memory_space<vmem>>, vector<64x1xf32>
    %add3A_1772 = vector.broadcast %get3A_1771 : vector<64x1xf32> to vector<64x256xf32>
    %add3A_1773 = arith.addf %dot_general3A_1768, %add3A_1772 : vector<64x256xf32>
    %get3A_1774 = arith.constant 16128 : index
    %get3A_1775 = vector.load %arg5[%get3A_1774] : memref<16384xf32, #tpu.memory_space<vmem>>, vector<256xf32>
    %broadcast_in_dim3A_1776 = vector.shape_cast %get3A_1775 : vector<256xf32> to vector<1x256xf32>
    %mul3A_1777 = vector.broadcast %broadcast_in_dim3A_1776 : vector<1x256xf32> to vector<64x256xf32>
    %mul3A_1778 = arith.mulf %add3A_1773, %mul3A_1777 : vector<64x256xf32>
    %swap3A_1779 = arith.constant 0 : index
    %swap3A_1780 = arith.constant 0 : index
    %swap3A_1781 = arith.constant 63 : index
    %swap3A_1782 = arith.constant 0 : index
    %swap3A_1783 = vector.load %arg6[%swap3A_1779, %swap3A_1780, %swap3A_1781, %swap3A_1782] : memref<1x64x64x256xf32, #tpu.memory_space<vmem>>, vector<1x64x1x256xf32>
    %swap3A_1784 = vector.shape_cast %swap3A_1783 : vector<1x64x1x256xf32> to vector<64x256xf32>
    %swap3A_1785 = vector.shape_cast %mul3A_1778 : vector<64x256xf32> to vector<1x64x1x256xf32>
    tpu.vector_store %arg6[%swap3A_1779, %swap3A_1780, %swap3A_1781, %swap3A_1782], %swap3A_1785 {strides = array<i32>} : memref<1x64x64x256xf32, #tpu.memory_space<vmem>>, vector<1x64x1x256xf32>,
    return
  }
  func.func @transform_0(%arg0: i32, %arg1: i32) -> (i32, i32, i32, i32) {
    %c0_i32 = arith.constant 0 : i32
    %c0_i32_0 = arith.constant 0 : i32
    %c0_i32_1 = arith.constant 0 : i32
    return %arg0, %c0_i32, %arg1, %c0_i32_0 : i32, i32, i32, i32
  }
  func.func @transform_1(%arg0: i32, %arg1: i32) -> (i32, i32) {
    %c0_i32 = arith.constant 0 : i32
    %c0_i32_0 = arith.constant 0 : i32
    %c0_i32_1 = arith.constant 0 : i32
    return %c0_i32, %c0_i32_0 : i32, i32
  }
  func.func @transform_2(%arg0: i32, %arg1: i32) -> (i32, i32) {
    %c0_i32 = arith.constant 0 : i32
    %c0_i32_0 = arith.constant 0 : i32
    %c0_i32_1 = arith.constant 0 : i32
    return %c0_i32, %c0_i32_0 : i32, i32
  }
  func.func @transform_3(%arg0: i32, %arg1: i32) -> i32 {
    %mul3A = arith.constant 4 : i32
    %mul3A_0 = arith.muli %arg0, %mul3A : i32
    %add3A = arith.addi %mul3A_0, %arg1 : i32
    %c0_i32 = arith.constant 0 : i32
    return %add3A : i32
  }
  func.func @transform_4(%arg0: i32, %arg1: i32) -> (i32, i32, i32, i32) {
    %c0_i32 = arith.constant 0 : i32
    %c0_i32_0 = arith.constant 0 : i32
    %c0_i32_1 = arith.constant 0 : i32
    return %arg0, %c0_i32, %arg1, %c0_i32_0 : i32, i32, i32, i32
  }
}

</mosaic_0001>

<sc_bundles>
// kernel: kernel.10.cloned.1.call-start
scs
__scs_entry_jumppad:
0x0: {  	(pc) =	sbr.rel $0x88, $3  }
0x1: {  	(tag) =	ssettag $0x0;
	lr =	simm.s32 $0x1  }
0x2: {  	[smem:$0x3F93] =	sst lr;
	_ =	strace $0xD0000000  }
0x3: {  	_ = 	snop  }
0x4: {  	_ = 	snop  }
0x5: {  	_ = 	snop  }
0x6: {  	_ = 	snop  }
0x7: {  	_ = 	snop  }
__scs_overlays_trampoline_lowered:
0x8: {  	[smem:$0x3FA2] =	sst s0  }
0x9: {  	[smem:$0x3FA3] =	sst s1  }
0xa: {  	[smem:$0x3FA4] =	sst s2  }
0xb: {  	[smem:$0x3FA5] =	sst s3  }
0xc: {  	[smem:$0x3FA6] =	sst s4  }
0xd: {  	[smem:$0x3FA7] =	sst s5  }
0xe: {  	[smem:$0x3FA8] =	sst s6  }
0xf: {  	[smem:$0x3FA9] =	sst s7  }
0x10: {  	[smem:$0x3FAA] =	sst s8  }
0x11: {  	[smem:$0x3FAB] =	sst s9;
	s0 =	simm.s32 @!p0 $0x0  }
0x12: {  	s1 =	sld [smem:$0x3F91];
	s0 =	simm.s32 @p0 $0x1  }
0x13: {  	[smem:$0x3FAC] =	sst s0;
	s0 =	simm.s32 @!p1 $0x0  }
0x14: {  	s2 =	sld [smem:$0x3F90];
	s0 =	simm.s32 @p1 $0x1  }
0x15: {  	[smem:$0x3FAD] =	sst s0;
	s0 =	simm.s32 @!p2 $0x0  }
0x16: {  	s3 =	sld [smem:$0x3FDB];
	s0 =	simm.s32 @p2 $0x1  }
0x17: {  	s4 =	simm.s32 $0x1BF5;
	[smem:$0x3FAF] =	sst s0  }
0x18: {  	s0 =	sld [smem:$0x3F92];
	_ =	swait.ge [sflag:s4], $0x0  }
0x19: {  	s7 =	sld [smem:$0x3F93]  }
0x1a: {  	s8 =	sadd.s32 $0xFFFFE003, lr  }
0x1b: {  	s9 =	sadd.s32 $0xFFFFFEF7, lr;
	s5 =	simm.s32 $0xFFFFFFFF;
	p2 =	slt.u32 s8, $0xFFFFF086  }
0x1c: {  	p1 =	slt.u32 s9, $0xF7A;
	s5 =	simm.s32 @!p2 $0x0  }
0x1d: {  	s5 =	simm.s32 @p1 $0x1;
	p0 =	seq.s32 s7, s2  }
0x1e: {  	s7 =	smul.u32 @!p0 $0xF7A, s2;
	p2 =	seq.s32 @!p0 s5, $0x0  }
0x1f: {  	s9 =	smul.u32 $0xF7A, s1;
	s8 =	simm.s32 @!p0 $0x1BF5;
	p2 =	por !p2, p0  }
0x20: {  	[sflag:s8] =	ssyncset.s32 @!p0 $0xFFFFF086;
	s6 =	sadd.s32 @!p0 s3, s7;
	s7 =	simm.s32 @!p0 $0x108  }
0x21: {  	s3 =	sadd.s32 s3, s9;
	s6 =	sadd.s32 @!p0 $0x88, s6;
	s7 =	simm.s32 @p2 $0x1082  }
0x22: {  	[simem:s7], [sflag:s8] =	dma.local @!p0 [hbm:s6], $0xF7A  }
0x23: {  	s9 =	sor.u32 $0xD0000000, s2;
	s6 =	simm.s32 $0x108;
	_ =	swait.ge @!p0 [sflag:s8], $0x0  }
0x24: {  	s3 =	sadd.s32 $0x88, s3;
	s6 =	simm.s32 @!p1 $0x1082;
	[sflag:s4] =	ssyncset.s32 $0xFFFFF086  }
0x25: {  	[simem:s6], [sflag:s4] =	dma.local [hbm:s3], $0xF7A  }
0x26: {  	[smem:$0x3F93] =	sst s1;
	(tag) =	ssettag s2;
	_ =	strace s9  }
0x27: {  	s1 =	sld [smem:$0x3FA3]  }
0x28: {  	s2 =	sld [smem:$0x3FA4]  }
0x29: {  	s4 =	sld [smem:$0x3FA6]  }
0x2a: {  	p0 =	seq.s32 s5, $0x0;
	s5 =	sld [smem:$0x3FA7]  }
0x2b: {  	s6 =	sld [smem:$0x3FA8]  }
0x2c: {  	s7 =	sld [smem:$0x3FA9]  }
0x2d: {  	s3 =	simm.s32 $0x108;
	s8 =	sld [smem:$0x3FAA]  }
0x2e: {  	s3 =	simm.s32 @!p0 $0x1082;
	s9 =	sld [smem:$0x3FAB]  }
0x2f: {  	lr =	sadd.s32 s0, s3;
	s0 =	sld [smem:$0x3FA2]  }
0x30: {  	s3 =	sld [smem:$0x3FA5]  }
0x31: {  	[smem:$0x3FAE] =	sst s10  }
0x32: {  	s10 =	sld [smem:$0x3FAC];
	_ =	sdelay $0x3  }
0x33: {  	p0 =	seq.s32 s10, $0x1;
	s10 =	sld [smem:$0x3FAE];
	_ =	sdelay $0x3  }
0x34: {  	[smem:$0x3FAE] =	sst s10  }
0x35: {  	s10 =	sld [smem:$0x3FAD];
	_ =	sdelay $0x3  }
0x36: {  	p1 =	seq.s32 s10, $0x1;
	s10 =	sld [smem:$0x3FAE];
	_ =	sdelay $0x3  }
0x37: {  	[smem:$0x3FAE] =	sst s10  }
0x38: {  	s10 =	sld [smem:$0x3FAF]  }
0x39: {  	_ = 	snop;
	(pc) =	sbr.ind lr, $3  }
0x3a: {  	_ = 	snop  }
0x3b: {  	_ = 	snop  }
0x3c: {  	p2 =	seq.s32 s10, $0x1;
	s10 =	sld [smem:$0x3FAE]  }
0x3d: {  	_ =	shalt  }
0x3e: {  	_ =	shalt  }
0x3f: {  	_ =	shalt  }
0x40: {  	_ =	shalt  }
0x41: {  	_ =	shalt  }
0x42: {  	_ =	shalt  }
0x43: {  	_ =	shalt  }
0x44: {  	_ =	shalt  }
0x45: {  	_ =	shalt  }
0x46: {  	_ =	shalt  }
0x47: {  	_ =	shalt  }
0x48: {  	_ =	shalt  }
0x49: {  	_ =	shalt  }
0x4a: {  	_ =	shalt  }
0x4b: {  	_ =	shalt  }
0x4c: {  	_ =	shalt  }
0x4d: {  	_ =	shalt  }
0x4e: {  	_ =	shalt  }
0x4f: {  	_ =	shalt  }
0x50: {  	_ =	shalt  }
0x51: {  	_ =	shalt  }
0x52: {  	_ =	shalt  }
0x53: {  	_ =	shalt  }
0x54: {  	_ =	shalt  }
0x55: {  	_ =	shalt  }
0x56: {  	_ =	shalt  }
0x57: {  	_ =	shalt  }
0x58: {  	_ =	shalt  }
0x59: {  	_ =	shalt  }
0x5a: {  	_ =	shalt  }
0x5b: {  	_ =	shalt  }
0x5c: {  	_ =	shalt  }
0x5d: {  	_ =	shalt  }
0x5e: {  	_ =	shalt  }
0x5f: {  	_ =	shalt  }
0x60: {  	_ =	shalt  }
0x61: {  	_ =	shalt  }
0x62: {  	_ =	shalt  }
0x63: {  	_ =	shalt  }
0x64: {  	_ =	shalt  }
0x65: {  	_ =	shalt  }
0x66: {  	_ =	shalt  }
0x67: {  	_ =	shalt  }
0x68: {  	_ =	shalt  }
0x69: {  	_ =	shalt  }
0x6a: {  	_ =	shalt  }
0x6b: {  	_ =	shalt  }
0x6c: {  	_ =	shalt  }
0x6d: {  	_ =	shalt  }
0x6e: {  	_ =	shalt  }
0x6f: {  	_ =	shalt  }
0x70: {  	_ =	shalt  }
0x71: {  	_ =	shalt  }
0x72: {  	_ =	shalt  }
0x73: {  	_ =	shalt  }
0x74: {  	_ =	shalt  }
0x75: {  	_ =	shalt  }
0x76: {  	_ =	shalt  }
0x77: {  	_ =	shalt  }
0x78: {  	_ =	shalt  }
0x79: {  	_ =	shalt  }
0x7a: {  	_ =	shalt  }
0x7b: {  	_ =	shalt  }
0x7c: {  	_ =	shalt  }
0x7d: {  	_ =	shalt  }
0x7e: {  	_ =	shalt  }
0x7f: {  	_ =	shalt  }
0x80: {  	_ =	shalt  }
0x81: {  	_ =	shalt  }
0x82: {  	_ =	shalt  }
0x83: {  	_ =	shalt  }
0x84: {  	_ =	shalt  }
0x85: {  	_ =	shalt  }
0x86: {  	_ =	shalt  }
0x87: {  	_ =	shalt  }
.Lfunc_end0:
.L_simem_size_0:
called_computation_lowered:
.L_overlay_start_0:
0x88: {  	s2 =	sld [smem:$0x3FD9]  }
0x89: {  	s3 =	sld [smem:$0x3FFE];
	_ =	sdelay $0x1  }
0x8a: {  	s1 =	srdreg.scid  }
0x8b: {  	s0 =	sand.u32 $0x1, s1  }
0x8c: {  	s15 =	sshll.u32 s0, $0xA;
	s2 =	sadd.s32 s3, s2  }
0x8d: {  	s2 =	sadd.s32 s2, s15  }
0x8e: {  	[smem:$0x3FBA] =	sst s2  }
0x8f: {  	_ = 	snop  }
0x90: {  	s2 =	sld [smem:$0x3FD0];
	_ =	sdelay $0x2  }
0x91: {  	s4 =	simm.s32 $0xB;
	s16 =	simm.s32 $0x10  }
0x92: {  	[smem:s16], [sflag:s4] =	dma.local [hbm:s2], $0x1  }
0x93: {  	_ =	swait.eq [sflag:s4], $0x1  }
0x94: {  	[sflag:s4] =	ssyncset.done $0x0  }
0x95: {  	s17 =	sld [smem:$0x10];
	[sflag:s4] =	ssyncadd.s32 $0xFFFFFFFF  }
0x96: {  	s18 =	sld [smem:$0x12];
	(tm) =	ssettm $0x1  }
0x97: {  	s19 =	sld [smem:$0x3FFB];
	_ =	sdelay $0x3  }
0x98: {  	_ =	strace s19  }
0x99: {  	s2 =	sld [smem:$0x3FFC];
	_ =	sdelay $0x3  }
0x9a: {  	_ =	strace s2  }
0x9b: {  	s2 =	sld [smem:$0x3FFD];
	_ =	sdelay $0x3  }
0x9c: {  	_ =	strace s2  }
0x9d: {  	_ =	strace $0x8FFFFFFF  }
0x9e: {  	s20 =	sld [smem:$0x3FDB];
	_ =	sdelay $0x1  }
0x9f: {  	s5 =	simm.s32 $_scs_section_size  }
0xa0: {  	s6 =	simm.s32 $_size__tile_overlayer_lowered;
	s7 =	simm.s32 $_tile_overlayer_lowered  }
0xa1: {  	s8 =	simm.s32 $0x1BFF;
	s21 =	sshll.u32 s7, $0x1;
	s5 =	sadd.s32 s5, s20  }
0xa2: {  	s22 =	simm.s32 $0x0;
	s6 =	sshll.u32 s6, $0x1;
	s7 =	sadd.s32 s21, s5  }
0xa3: {  	[timem:s22], [sflag:s8] =	dma.local [hbm:s7], s6  }
0xa4: {  	_ =	swait.ge [sflag:s8], s6  }
0xa5: {  	s6 =	ssub.s32 $0x0, s6;
	[sflag:s8] =	ssyncset.done $0x0  }
0xa6: {  	[sflag:s8] =	ssyncadd.s32 s6;
	_ =	sdelay $0x1  }
0xa7: {  	s23 =	simm.s32 $0x1B8B  }
0xa8: {  	_ =	swait.ge [sflag:s23], $0x1  }
0xa9: {  	[sflag:s23] =	ssyncset.done $0x0  }
0xaa: {  	[sflag:s23] =	ssyncadd.s32 $0xFFFFFFFF  }
0xab: {  	s6 =	sld [smem:$0x0]  }
0xac: {  	s7 =	sand.u32 $0xFFFFFFFE, s1  }
0xad: {  	p0 =	sne.s32 s1, s7  }
0xae: {  	s7 =	sshll.u32 @p0 s7, $0xE  }
0xaf: {  	s7 =	sadd.s32 @p0 $0x11B8D, s7;
	s8 =	sshll.u32 @p0 s6, $0x11  }
0xb0: {  	s7 =	sor.u32 @p0 s8, s7  }
0xb1: {  	[sflag:s7] =	ssyncadd.remote.s32 @p0 $0x1;
	_ =	sdelay $0x1  }
0xb2: {  	s7 =	simm.s32 @p0 $0x1B8D  }
0xb3: {  	_ =	swait.eq @p0 [sflag:s7], $0x1  }
0xb4: {  	[sflag:s7] =	ssyncadd.s32 @p0 $0xFFFFFFFF  }
0xb5: {  	s8 =	sshll.u32 @!p0 s1, $0xE  }
0xb6: {  	s8 =	sor.u32 @!p0 $0x4000, s8;
	s7 =	simm.s32 @!p0 $0x1B8D  }
0xb7: {  	s6 =	sshll.u32 @!p0 s6, $0x11;
	s8 =	sadd.s32 @!p0 $0x11B8D, s8;
	_ =	swait.eq @!p0 [sflag:s7], $0x1  }
0xb8: {  	s6 =	sor.u32 @!p0 s6, s8;
	[sflag:s7] =	ssyncadd.s32 @!p0 $0xFFFFFFFF  }
0xb9: {  	s25 =	simm.s32 $0x1B8E;
	s24 =	sld [smem:$0x3FFE];
	[sflag:s6] =	ssyncadd.remote.s32 @!p0 $0x1  }
0xba: {  	s26 =	simm.s32 $execute0_lowered;
	[smem:$0x3FD2] =	sst s25  }
0xbb: {  	s7 =	sshll.u32 s26, $0x1;
	_ =	strace $0x80000049;
	[dreg:$0x1] =	wrdreg $0xFFFFFFFF  }
0xbc: {  	s28 =	simm.s32 $_size_execute0_lowered;
	s5 =	sadd.s32 s5, s7;
	[dreg:$0x0] =	wrdreg $0x0  }
0xbd: {  	s7 =	sshll.u32 s28, $0x1;
	[dreg:$0x2] =	wrdreg s5  }
0xbe: {  	[dreg:$0x3] =	wrdreg s7  }
0xbf: {  	[dreg:$0x4] =	wrdreg $0xC0  }
0xc0: {  	_ =	task [dreg:s22], $0x5FFFF  }
0xc1: {  	[dreg:$0x1] =	wrdreg $0xFFFFFFFF  }
0xc2: {  	[dreg:$0x0] =	wrdreg $0x60  }
0xc3: {  	[dreg:$0x2] =	wrdreg s24  }
0xc4: {  	[dreg:$0x3] =	wrdreg s18  }
0xc5: {  	[dreg:$0x4] =	wrdreg s17  }
0xc6: {  	[dreg:$0x5] =	wrdreg $0x9  }
0xc7: {  	_ =	task.clear_ibuf [dreg:s22], $0x6FFFF;
	_ =	strace $0x90000049  }
0xc8: {  	s29 =	simm.s32 $0x9;
	_ =	strace $0x8000004B  }
0xc9: {  	_ =	swait.ge [sflag:s29], $0x1  }
0xca: {  	[sflag:s29] =	ssyncadd.s32 $0xFFFFFFFF  }
0xcb: {  	_ =	strace $0x9000004B  }
0xcc: {  	_ =	sfence  }
0xcd: {  	s30 =	sld [smem:$0x0];
	_ =	sdelay $0x2  }
0xce: {  	s31 =	sshll.u32 s1, $0xD;
	s1 =	sshrl.u32 s1, $0x2  }
0xcf: {  	s4 =	sand.u32 $0x4000, s31;
	s1 =	sadd.s32 s1, s30  }
0xd0: {  	s0 =	sor.u32 s4, s0;
	s1 =	sshll.u32 s1, $0x11  }
0xd1: {  	s0 =	sor.u32 s1, s0  }
0xd2: {  	s0 =	sadd.s32 $0x8F2B, s0  }
0xd3: {  	[sflag:s0] =	ssyncadd.remote.s32 $0x1  }
0xd4: {  	_ =	sfence.sel $0xFFFF  }
0xd5: {  	[dreg:$0x0] =	wrdreg $0xFFFFFFFF;
	(pc) =	sbr.abs _section_cstart, $3  }
0xd6: {  	[dreg:$0x1] =	wrdreg $0xFFFFFFFF  }
0xd7: {  	_ =	task.clear_ibuf [dreg:s22], $0x2FFFF;
	_ =	strace $0x9FFFFFFF  }
0xd8: {  	(tm) =	ssettm $0x7FFFFFFF  }
0xd9: {  	_ =	shalt  }
tec
execute0_lowered:
.L_overlay_start_1:
0x0: {  	(tag) =	ssettag $0x1  }
0x1: {  	s3 =	srdreg.scid  }
0x2: {  	s3 =	sand.u32 $0x1, s3  }
0x3: {  	s8 =	ssub.s32 $0x2, s3  }
0x4: {  	s30 =	sshrl.u32 s8, $0x1  }
0x5: {  	s2 =	rddreg [dreg:$0x0];
	s8 =	ssub.s32 s8, s30  }
0x6: {  	s5 =	rddreg [dreg:$0x1];
	s10 =	smax.u32 s8, $0x1  }
0x7: {  	s6 =	rddreg [dreg:$0x2];
	s1 =	stileid.u32;
	s18 =	sadd.s32 $0xFFFFFFFF, s10  }
0x8: {  	s0 =	rddreg [dreg:$0x3];
	s4 =	sshll.u32 s1, $0x1;
	p2 =	sne.s32 s18, $0x0  }
.Ltmp0:
0x9: {  	s7 =	simm.s32 $0x0;
	s9 =	sor.u32 s3, s4;
	(pc) =	sbr.rel @!p2 .LBB2_1-.Ltmp0, $4  }
0xa: {  	p1 =	por $0x0, $0x0;
	[smem:$0x7FF] =	sst s7;
	s31 =	smul.u32 $0x30E, s9  }
0xb: {  	_ =	strace $0x8000004A;
	s3 =	sadd.s32 $0xDA00, s2;
	p0 =	seq.s32 s9, $0x1F  }
0xc: {  	s7 =	simm.s32 @p0 $0x0;
	s4 =	sadd.s32 s5, s31;
	s2 =	sadd.s32 s6, s31  }
0xd: {  	s8 =	sadd.s32 $0x5EB2, s5;
	s5 =	sadd.s32 $0x5EB2, s6;
	s6 =	simm.s32 @p0 $0x2  }
0xe: {  	s9 =	simm.s32 @p0 $0x3100  }
0xf: {  	[tilespmem:s9], [sflag:$0x2] =	stream.linear.gather @p0 [hbm4b:s8+s7], $0x17B0, $0x38;
	[tilespmem:$0x6100] =	vst v63  }
0x10: {  	_ =	swait.ge @p0 [sflag:s6], $0x17B0  }
0x11: {  	s10 =	simm.s32 @p0 $0x1;
	[sflag:s6] =	ssyncset.done @p0 $0x0  }
0x12: {  	s11 =	simm.s32 @p0 $0x17B0;
	s12 =	simm.s32 @p0 $0x4900;
	[sflag:s6] =	ssyncadd.s32 @p0 $0xFFFFE850  }
0x13: {  	[tilespmem:s12], [sflag:$0x1] =	stream.indirect.gather @p0 [hbm4b:s3+s11], $0x1, s9, s11, $0xb8;
	[tilespmem:$0x6100] =	vst v63  }
0x14: {  	_ =	swait.ge @p0 [sflag:s10], $0x17B0  }
0x15: {  	[sflag:s10] =	ssyncset.done @p0 $0x0  }
0x16: {  	[sflag:s10] =	ssyncadd.s32 @p0 $0xFFFFE850  }
0x17: {  	[hbm4b:s5+s7] =	stream.linear.scatter @p0 [tilespmem:s12], [sflag:$0x2], $0x17B0, $0x38;
	[tilespmem:$0x6100] =	vst v63  }
0x18: {  	_ =	swait.ge @p0 [sflag:s6], $0x17B0  }
0x19: {  	[sflag:s6] =	ssyncset.done @p0 $0x0  }
0x1a: {  	s14 =	simm.s32 @!p0 $0x0;
	s13 =	simm.s32 @!p0 $0x2;
	[sflag:s6] =	ssyncadd.s32 @p0 $0xFFFFE850  }
0x1b: {  	[tilespmem:s14], [sflag:$0x2] =	stream.linear.gather @!p0 [hbm4b:s4+s14], $0x1870, $0x38;
	[tilespmem:$0x6100] =	vst v63  }
0x1c: {  	_ =	swait.ge @!p0 [sflag:s13], $0x1870  }
0x1d: {  	s15 =	simm.s32 @!p0 $0x1;
	s16 =	simm.s32 @!p0 $0x1870;
	[sflag:s13] =	ssyncset.done @!p0 $0x0  }
0x1e: {  	s17 =	simm.s32 @!p0 $0x1880;
	s18 =	sadd.s32 $0xFFFFFFFF, s18;
	[sflag:s13] =	ssyncadd.s32 @!p0 $0xFFFFE790  }
0x1f: {  	[tilespmem:s17], [sflag:$0x1] =	stream.indirect.gather @!p0 [hbm4b:s3+s16], $0x1, s14, s16, $0xb8;
	[tilespmem:$0x6100] =	vst v63  }
0x20: {  	p2 =	sne.s32 s18, $0x0;
	_ =	swait.ge @!p0 [sflag:s15], $0x1870  }
.Ltmp1:
0x21: {  	[sflag:s15] =	ssyncset.done @!p0 $0x0;
	(pc) =	sbr.rel @!p2 .LBB2_4-.Ltmp1, $4  }
0x22: {  	[sflag:s15] =	ssyncadd.s32 @!p0 $0xFFFFE790  }
0x23: {  	[hbm4b:s2+s14] =	stream.linear.scatter @!p0 [tilespmem:s17], [sflag:$0x2], $0x1870, $0x38;
	[tilespmem:$0x6100] =	vst v63  }
0x24: {  	_ =	swait.ge @!p0 [sflag:s13], $0x1870  }
0x25: {  	p1 =	por $0x1, $0x1;
	[sflag:s13] =	ssyncset.done @!p0 $0x0  }
.LBB2_3:
0x26: {  	s19 =	simm.s32 @p0 $0x0;
	[sflag:s13] =	ssyncadd.s32 @!p0 $0xFFFFE790  }
0x27: {  	[tilespmem:s9], [sflag:$0x2] =	stream.linear.gather @p0 [hbm4b:s8+s7], $0x17B0, $0x38;
	[tilespmem:$0x6100] =	vst v63  }
0x28: {  	s18 =	sadd.s32 $0xFFFFFFFF, s18;
	_ =	swait.ge @p0 [sflag:s6], $0x17B0  }
0x29: {  	p2 =	sne.s32 s18, $0x0;
	[sflag:s6] =	ssyncset.done @p0 $0x0  }
0x2a: {  	[sflag:s6] =	ssyncadd.s32 @p0 $0xFFFFE850  }
0x2b: {  	[tilespmem:s12], [sflag:$0x1] =	stream.indirect.gather @p0 [hbm4b:s3+s11], $0x1, s9, s11, $0xb8;
	[tilespmem:$0x6100] =	vst v63  }
0x2c: {  	_ =	swait.ge @p0 [sflag:s10], $0x17B0  }
0x2d: {  	[sflag:s10] =	ssyncset.done @p0 $0x0  }
0x2e: {  	[sflag:s10] =	ssyncadd.s32 @p0 $0xFFFFE850  }
0x2f: {  	[hbm4b:s5+s7] =	stream.linear.scatter @p0 [tilespmem:s12], [sflag:$0x2], $0x17B0, $0x38;
	[tilespmem:$0x6100] =	vst v63  }
0x30: {  	s7 =	smov.u32 s19;
	_ =	swait.ge @p0 [sflag:s6], $0x17B0  }
0x31: {  	[sflag:s6] =	ssyncset.done @p0 $0x0  }
0x32: {  	[sflag:s6] =	ssyncadd.s32 @p0 $0xFFFFE850  }
0x33: {  	[tilespmem:s14], [sflag:$0x2] =	stream.linear.gather @!p0 [hbm4b:s4+s14], $0x1870, $0x38;
	[tilespmem:$0x6100] =	vst v63  }
0x34: {  	_ =	swait.ge @!p0 [sflag:s13], $0x1870  }
0x35: {  	[sflag:s13] =	ssyncset.done @!p0 $0x0  }
0x36: {  	[sflag:s13] =	ssyncadd.s32 @!p0 $0xFFFFE790  }
0x37: {  	[tilespmem:s17], [sflag:$0x1] =	stream.indirect.gather @!p0 [hbm4b:s3+s16], $0x1, s14, s16, $0xb8;
	[tilespmem:$0x6100] =	vst v63  }
0x38: {  	_ =	swait.ge @!p0 [sflag:s15], $0x1870  }
.Ltmp2:
0x39: {  	[sflag:s15] =	ssyncset.done @!p0 $0x0;
	(pc) =	sbr.rel @p2 .LBB2_3-.Ltmp2, $4  }
0x3a: {  	[sflag:s15] =	ssyncadd.s32 @!p0 $0xFFFFE790  }
0x3b: {  	[hbm4b:s2+s14] =	stream.linear.scatter @!p0 [tilespmem:s17], [sflag:$0x2], $0x1870, $0x38;
	[tilespmem:$0x6100] =	vst v63  }
0x3c: {  	_ =	swait.ge @!p0 [sflag:s13], $0x1870  }
0x3d: {  	[sflag:s13] =	ssyncset.done @!p0 $0x0  }
.LBB2_4:
0x3e: {  	p1 =	por p0, !p1  }
0x3f: {  	s9 =	simm.s32 @p0 $0x3100;
	[sflag:s13] =	ssyncadd.s32 @!p1 $0xFFFFE790  }
0x40: {  	[tilespmem:s9], [sflag:$0x2] =	stream.linear.gather @p0 [hbm4b:s8+s7], $0x17B0, $0x38;
	[tilespmem:$0x6100] =	vst v63  }
0x41: {  	_ =	swait.ge @p0 [sflag:s6], $0x17B0  }
0x42: {  	s10 =	simm.s32 @p0 $0x17B0;
	[sflag:s6] =	ssyncset.done @p0 $0x0  }
0x43: {  	s11 =	simm.s32 @p0 $0x4900;
	s8 =	simm.s32 @p0 $0x1;
	[sflag:s6] =	ssyncadd.s32 @p0 $0xFFFFE850  }
0x44: {  	[tilespmem:s11], [sflag:$0x1] =	stream.indirect.gather @p0 [hbm4b:s3+s10], $0x1, s9, s10, $0xb8;
	[tilespmem:$0x6100] =	vst v63  }
0x45: {  	_ =	swait.ge @p0 [sflag:s8], $0x17B0  }
0x46: {  	[sflag:s8] =	ssyncset.done @p0 $0x0  }
0x47: {  	[sflag:s8] =	ssyncadd.s32 @p0 $0xFFFFE850  }
0x48: {  	[hbm4b:s5+s7] =	stream.linear.scatter @p0 [tilespmem:s11], [sflag:$0x2], $0x17B0, $0x38;
	[tilespmem:$0x6100] =	vst v63  }
0x49: {  	_ =	swait.ge @p0 [sflag:s6], $0x17B0  }
0x4a: {  	[sflag:s6] =	ssyncset.done @p0 $0x0  }
0x4b: {  	s5 =	simm.s32 @!p0 $0x0;
	[sflag:s6] =	ssyncadd.s32 @p0 $0xFFFFE850;
	s6 =	simm.s32 @!p0 $0x2  }
0x4c: {  	[tilespmem:s5], [sflag:$0x2] =	stream.linear.gather @!p0 [hbm4b:s4+s5], $0x1870, $0x38;
	[tilespmem:$0x6100] =	vst v63  }
0x4d: {  	_ =	swait.ge @!p0 [sflag:s6], $0x1870  }
0x4e: {  	s8 =	simm.s32 @!p0 $0x1880;
	[sflag:s6] =	ssyncset.done @!p0 $0x0  }
0x4f: {  	s7 =	simm.s32 @!p0 $0x1870;
	s4 =	simm.s32 @!p0 $0x1;
	[sflag:s6] =	ssyncadd.s32 @!p0 $0xFFFFE790  }
0x50: {  	[tilespmem:s8], [sflag:$0x1] =	stream.indirect.gather @!p0 [hbm4b:s3+s7], $0x1, s5, s7, $0xb8;
	[tilespmem:$0x6100] =	vst v63  }
0x51: {  	_ =	swait.ge @!p0 [sflag:s4], $0x1870  }
0x52: {  	[sflag:s4] =	ssyncset.done @!p0 $0x0  }
0x53: {  	[sflag:s4] =	ssyncadd.s32 @!p0 $0xFFFFE790  }
0x54: {  	[hbm4b:s2+s5] =	stream.linear.scatter @!p0 [tilespmem:s8], [sflag:$0x2], $0x1870, $0x38;
	[tilespmem:$0x6100] =	vst v63  }
0x55: {  	_ =	swait.ge @!p0 [sflag:s6], $0x1870  }
0x56: {  	[sflag:s6] =	ssyncset.done @!p0 $0x0  }
0x57: {  	[sflag:s6] =	ssyncadd.s32 @!p0 $0xFFFFE790  }
0x58: {  	_ =	sfence.sel $0x180000  }
0x59: {  	[bflag:$0x0] =	sbarrier.arrive $0xFFFF  }
0x5a: {  	p0 =	sne.s32 s1, $0x0;
	_ =	strace $0x9000004A  }
0x5b: {  	s0 =	sadd.s32 @!p0 $0x100000, s0;
	[bflag:$0x2] =	sbarrier.arrive $0xFFFF  }
0x5c: {  	[sflag:s0] =	ssyncadd.tile.s32 @!p0 $0x1;
	_ =	shalt  }
.LBB2_1:
.Ltmp3:
0x5d: {  	(pc) =	sbr.rel .LBB2_4-.Ltmp3, $2  }
0x5e: {  	_ =	sdelay $0x2  }
0x5f: {  	_ = 	snop  }
.Lfunc_end2:
_tile_overlayer_lowered:
.L_overlay_start_2:
0x60: {  	(tag) =	ssettag $0x2  }
0x61: {  	s0 =	rddreg [dreg:$0x0];
	s2 =	stileid.u32  }
0x62: {  	s1 =	rddreg [dreg:$0x1];
	p0 =	sne.s32 s2, $0x0  }
0x63: {  	s3 =	rddreg [dreg:$0x2];
	[bflag:$0x3] =	sbarrier.arrive $0xFFFF;
	s2 =	simm.s32 @!p0 $0x1C02  }
0x64: {  	[timem:s3], [sflag:s2] =	dma.local @!p0 [hbm:s0], s1  }
0x65: {  	s0 =	simm.s32 @!p0 $0x2  }
0x66: {  	_ =	swait.ge @!p0 [sflag:s0], s1  }
0x67: {  	s1 =	ssub.s32 @!p0 $0x0, s1;
	[sflag:s0] =	ssyncset.done @!p0 $0x0  }
0x68: {  	[sflag:s0] =	ssyncadd.s32 @!p0 s1  }
0x69: {  	[bflag:$0x3] =	sbarrier.arrive $0xFFFF  }
0x6a: {  	_ =	shalt  }

// kernel: kernel.13.cloned.1.call-start
scs
__scs_entry_jumppad:
0x0: {  	(pc) =	sbr.rel $0x88, $3  }
0x1: {  	(tag) =	ssettag $0x0;
	lr =	simm.s32 $0x1  }
0x2: {  	[smem:$0x3F93] =	sst lr;
	_ =	strace $0xD0000000  }
0x3: {  	_ = 	snop  }
0x4: {  	_ = 	snop  }
0x5: {  	_ = 	snop  }
0x6: {  	_ = 	snop  }
0x7: {  	_ = 	snop  }
__scs_overlays_trampoline_lowered:
0x8: {  	[smem:$0x3FA2] =	sst s0  }
0x9: {  	[smem:$0x3FA3] =	sst s1  }
0xa: {  	[smem:$0x3FA4] =	sst s2  }
0xb: {  	[smem:$0x3FA5] =	sst s3  }
0xc: {  	[smem:$0x3FA6] =	sst s4  }
0xd: {  	[smem:$0x3FA7] =	sst s5  }
0xe: {  	[smem:$0x3FA8] =	sst s6  }
0xf: {  	[smem:$0x3FA9] =	sst s7  }
0x10: {  	[smem:$0x3FAA] =	sst s8  }
0x11: {  	[smem:$0x3FAB] =	sst s9;
	s0 =	simm.s32 @!p0 $0x0  }
0x12: {  	s1 =	sld [smem:$0x3F91];
	s0 =	simm.s32 @p0 $0x1  }
0x13: {  	[smem:$0x3FAC] =	sst s0;
	s0 =	simm.s32 @!p1 $0x0  }
0x14: {  	s2 =	sld [smem:$0x3F90];
	s0 =	simm.s32 @p1 $0x1  }
0x15: {  	[smem:$0x3FAD] =	sst s0;
	s0 =	simm.s32 @!p2 $0x0  }
0x16: {  	s3 =	sld [smem:$0x3FDB];
	s0 =	simm.s32 @p2 $0x1  }
0x17: {  	s4 =	simm.s32 $0x1BF5;
	[smem:$0x3FAF] =	sst s0  }
0x18: {  	s0 =	sld [smem:$0x3F92];
	_ =	swait.ge [sflag:s4], $0x0  }
0x19: {  	s7 =	sld [smem:$0x3F93]  }
0x1a: {  	s8 =	sadd.s32 $0xFFFFE003, lr  }
0x1b: {  	s9 =	sadd.s32 $0xFFFFFEF7, lr;
	s5 =	simm.s32 $0xFFFFFFFF;
	p2 =	slt.u32 s8, $0xFFFFF086  }
0x1c: {  	p1 =	slt.u32 s9, $0xF7A;
	s5 =	simm.s32 @!p2 $0x0  }
0x1d: {  	s5 =	simm.s32 @p1 $0x1;
	p0 =	seq.s32 s7, s2  }
0x1e: {  	s7 =	smul.u32 @!p0 $0xF7A, s2;
	p2 =	seq.s32 @!p0 s5, $0x0  }
0x1f: {  	s9 =	smul.u32 $0xF7A, s1;
	s8 =	simm.s32 @!p0 $0x1BF5;
	p2 =	por !p2, p0  }
0x20: {  	[sflag:s8] =	ssyncset.s32 @!p0 $0xFFFFF086;
	s6 =	sadd.s32 @!p0 s3, s7;
	s7 =	simm.s32 @!p0 $0x108  }
0x21: {  	s3 =	sadd.s32 s3, s9;
	s6 =	sadd.s32 @!p0 $0x88, s6;
	s7 =	simm.s32 @p2 $0x1082  }
0x22: {  	[simem:s7], [sflag:s8] =	dma.local @!p0 [hbm:s6], $0xF7A  }
0x23: {  	s9 =	sor.u32 $0xD0000000, s2;
	s6 =	simm.s32 $0x108;
	_ =	swait.ge @!p0 [sflag:s8], $0x0  }
0x24: {  	s3 =	sadd.s32 $0x88, s3;
	s6 =	simm.s32 @!p1 $0x1082;
	[sflag:s4] =	ssyncset.s32 $0xFFFFF086  }
0x25: {  	[simem:s6], [sflag:s4] =	dma.local [hbm:s3], $0xF7A  }
0x26: {  	[smem:$0x3F93] =	sst s1;
	(tag) =	ssettag s2;
	_ =	strace s9  }
0x27: {  	s1 =	sld [smem:$0x3FA3]  }
0x28: {  	s2 =	sld [smem:$0x3FA4]  }
0x29: {  	s4 =	sld [smem:$0x3FA6]  }
0x2a: {  	p0 =	seq.s32 s5, $0x0;
	s5 =	sld [smem:$0x3FA7]  }
0x2b: {  	s6 =	sld [smem:$0x3FA8]  }
0x2c: {  	s7 =	sld [smem:$0x3FA9]  }
0x2d: {  	s3 =	simm.s32 $0x108;
	s8 =	sld [smem:$0x3FAA]  }
0x2e: {  	s3 =	simm.s32 @!p0 $0x1082;
	s9 =	sld [smem:$0x3FAB]  }
0x2f: {  	lr =	sadd.s32 s0, s3;
	s0 =	sld [smem:$0x3FA2]  }
0x30: {  	s3 =	sld [smem:$0x3FA5]  }
0x31: {  	[smem:$0x3FAE] =	sst s10  }
0x32: {  	s10 =	sld [smem:$0x3FAC];
	_ =	sdelay $0x3  }
0x33: {  	p0 =	seq.s32 s10, $0x1;
	s10 =	sld [smem:$0x3FAE];
	_ =	sdelay $0x3  }
0x34: {  	[smem:$0x3FAE] =	sst s10  }
0x35: {  	s10 =	sld [smem:$0x3FAD];
	_ =	sdelay $0x3  }
0x36: {  	p1 =	seq.s32 s10, $0x1;
	s10 =	sld [smem:$0x3FAE];
	_ =	sdelay $0x3  }
0x37: {  	[smem:$0x3FAE] =	sst s10  }
0x38: {  	s10 =	sld [smem:$0x3FAF]  }
0x39: {  	_ = 	snop;
	(pc) =	sbr.ind lr, $3  }
0x3a: {  	_ = 	snop  }
0x3b: {  	_ = 	snop  }
0x3c: {  	p2 =	seq.s32 s10, $0x1;
	s10 =	sld [smem:$0x3FAE]  }
0x3d: {  	_ =	shalt  }
0x3e: {  	_ =	shalt  }
0x3f: {  	_ =	shalt  }
0x40: {  	_ =	shalt  }
0x41: {  	_ =	shalt  }
0x42: {  	_ =	shalt  }
0x43: {  	_ =	shalt  }
0x44: {  	_ =	shalt  }
0x45: {  	_ =	shalt  }
0x46: {  	_ =	shalt  }
0x47: {  	_ =	shalt  }
0x48: {  	_ =	shalt  }
0x49: {  	_ =	shalt  }
0x4a: {  	_ =	shalt  }
0x4b: {  	_ =	shalt  }
0x4c: {  	_ =	shalt  }
0x4d: {  	_ =	shalt  }
0x4e: {  	_ =	shalt  }
0x4f: {  	_ =	shalt  }
0x50: {  	_ =	shalt  }
0x51: {  	_ =	shalt  }
0x52: {  	_ =	shalt  }
0x53: {  	_ =	shalt  }
0x54: {  	_ =	shalt  }
0x55: {  	_ =	shalt  }
0x56: {  	_ =	shalt  }
0x57: {  	_ =	shalt  }
0x58: {  	_ =	shalt  }
0x59: {  	_ =	shalt  }
0x5a: {  	_ =	shalt  }
0x5b: {  	_ =	shalt  }
0x5c: {  	_ =	shalt  }
0x5d: {  	_ =	shalt  }
0x5e: {  	_ =	shalt  }
0x5f: {  	_ =	shalt  }
0x60: {  	_ =	shalt  }
0x61: {  	_ =	shalt  }
0x62: {  	_ =	shalt  }
0x63: {  	_ =	shalt  }
0x64: {  	_ =	shalt  }
0x65: {  	_ =	shalt  }
0x66: {  	_ =	shalt  }
0x67: {  	_ =	shalt  }
0x68: {  	_ =	shalt  }
0x69: {  	_ =	shalt  }
0x6a: {  	_ =	shalt  }
0x6b: {  	_ =	shalt  }
0x6c: {  	_ =	shalt  }
0x6d: {  	_ =	shalt  }
0x6e: {  	_ =	shalt  }
0x6f: {  	_ =	shalt  }
0x70: {  	_ =	shalt  }
0x71: {  	_ =	shalt  }
0x72: {  	_ =	shalt  }
0x73: {  	_ =	shalt  }
0x74: {  	_ =	shalt  }
0x75: {  	_ =	shalt  }
0x76: {  	_ =	shalt  }
0x77: {  	_ =	shalt  }
0x78: {  	_ =	shalt  }
0x79: {  	_ =	shalt  }
0x7a: {  	_ =	shalt  }
0x7b: {  	_ =	shalt  }
0x7c: {  	_ =	shalt  }
0x7d: {  	_ =	shalt  }
0x7e: {  	_ =	shalt  }
0x7f: {  	_ =	shalt  }
0x80: {  	_ =	shalt  }
0x81: {  	_ =	shalt  }
0x82: {  	_ =	shalt  }
0x83: {  	_ =	shalt  }
0x84: {  	_ =	shalt  }
0x85: {  	_ =	shalt  }
0x86: {  	_ =	shalt  }
0x87: {  	_ =	shalt  }
.Lfunc_end0:
.L_simem_size_0:
called_computation.1_lowered:
.L_overlay_start_0:
0x88: {  	s2 =	sld [smem:$0x3FD9]  }
0x89: {  	s3 =	sld [smem:$0x3FFE];
	_ =	sdelay $0x1  }
0x8a: {  	s1 =	srdreg.scid  }
0x8b: {  	s0 =	sand.u32 $0x1, s1  }
0x8c: {  	s14 =	sshll.u32 s0, $0xA;
	s2 =	sadd.s32 s3, s2  }
0x8d: {  	s2 =	sadd.s32 s2, s14  }
0x8e: {  	[smem:$0x3FBA] =	sst s2  }
0x8f: {  	_ = 	snop  }
0x90: {  	s2 =	sld [smem:$0x3FD0];
	_ =	sdelay $0x2  }
0x91: {  	s15 =	simm.s32 $0xB;
	s4 =	simm.s32 $0x10  }
0x92: {  	[smem:s4], [sflag:s15] =	dma.local [hbm:s2], $0x1  }
0x93: {  	_ =	swait.eq [sflag:s15], $0x1  }
0x94: {  	[sflag:s15] =	ssyncset.done $0x0  }
0x95: {  	[sflag:s15] =	ssyncadd.s32 $0xFFFFFFFF  }
0x96: {  	s16 =	sld [smem:$0x11];
	(tm) =	ssettm $0x1  }
0x97: {  	s17 =	sld [smem:$0x3FFB];
	_ =	sdelay $0x3  }
0x98: {  	_ =	strace s17  }
0x99: {  	s3 =	sld [smem:$0x3FFC];
	_ =	sdelay $0x3  }
0x9a: {  	_ =	strace s3  }
0x9b: {  	s3 =	sld [smem:$0x3FFD];
	_ =	sdelay $0x3  }
0x9c: {  	_ =	strace s3  }
0x9d: {  	_ =	strace $0x8FFFFFFF  }
0x9e: {  	s18 =	sld [smem:$0x3FDB];
	_ =	sdelay $0x1  }
0x9f: {  	s19 =	simm.s32 $_scs_section_size  }
0xa0: {  	s5 =	simm.s32 $_size__tile_overlayer_lowered;
	s6 =	simm.s32 $_tile_overlayer_lowered  }
0xa1: {  	s22 =	simm.s32 $0x1BFF;
	s21 =	sshll.u32 s6, $0x1;
	s3 =	sadd.s32 s19, s18  }
0xa2: {  	s7 =	simm.s32 $0x0;
	s20 =	sshll.u32 s5, $0x1;
	s5 =	sadd.s32 s21, s3  }
0xa3: {  	[timem:s7], [sflag:s22] =	dma.local [hbm:s5], s20  }
0xa4: {  	_ =	swait.ge [sflag:s22], s20  }
0xa5: {  	s4 =	ssub.s32 $0x0, s20;
	[sflag:s22] =	ssyncset.done $0x0  }
0xa6: {  	[sflag:s22] =	ssyncadd.s32 s4;
	_ =	sdelay $0x1  }
0xa7: {  	s23 =	simm.s32 $0x1B8B  }
0xa8: {  	_ =	swait.ge [sflag:s23], $0x1  }
0xa9: {  	[sflag:s23] =	ssyncset.done $0x0  }
0xaa: {  	s25 =	simm.s32 $0x1B8E;
	s24 =	sld [smem:$0x3FFE];
	[sflag:s23] =	ssyncadd.s32 $0xFFFFFFFF  }
0xab: {  	s26 =	simm.s32 $execute0_lowered;
	[smem:$0x3FD2] =	sst s25  }
0xac: {  	s5 =	sshll.u32 s26, $0x1;
	_ =	strace $0x80000046;
	[dreg:$0x1] =	wrdreg $0xFFFFFFFF  }
0xad: {  	s28 =	simm.s32 $_size_execute0_lowered;
	s3 =	sadd.s32 s3, s5;
	[dreg:$0x0] =	wrdreg $0x0  }
0xae: {  	s5 =	sshll.u32 s28, $0x1;
	[dreg:$0x2] =	wrdreg s3  }
0xaf: {  	[dreg:$0x3] =	wrdreg s5  }
0xb0: {  	[dreg:$0x4] =	wrdreg $0xC0  }
0xb1: {  	_ =	task [dreg:s7], $0x5FFFF  }
0xb2: {  	[dreg:$0x1] =	wrdreg $0xFFFFFFFF  }
0xb3: {  	[dreg:$0x0] =	wrdreg $0x60  }
0xb4: {  	[dreg:$0x2] =	wrdreg s16  }
0xb5: {  	[dreg:$0x3] =	wrdreg s24  }
0xb6: {  	[dreg:$0x4] =	wrdreg $0xA  }
0xb7: {  	_ =	task.clear_ibuf [dreg:s7], $0x5FFFF;
	_ =	strace $0x90000046  }
0xb8: {  	s29 =	simm.s32 $0xA;
	_ =	strace $0x80000048  }
0xb9: {  	_ =	swait.ge [sflag:s29], $0x1  }
0xba: {  	[sflag:s29] =	ssyncadd.s32 $0xFFFFFFFF  }
0xbb: {  	_ =	strace $0x90000048  }
0xbc: {  	_ =	sfence  }
0xbd: {  	s30 =	sld [smem:$0x0];
	_ =	sdelay $0x2  }
0xbe: {  	s31 =	sshll.u32 s1, $0xD;
	s1 =	sshrl.u32 s1, $0x2  }
0xbf: {  	s3 =	sand.u32 $0x4000, s31;
	s1 =	sadd.s32 s1, s30  }
0xc0: {  	s0 =	sor.u32 s3, s0;
	s1 =	sshll.u32 s1, $0x11  }
0xc1: {  	s0 =	sor.u32 s1, s0  }
0xc2: {  	s0 =	sadd.s32 $0x8F2B, s0  }
0xc3: {  	[sflag:s0] =	ssyncadd.remote.s32 $0x1  }
0xc4: {  	_ =	sfence.sel $0xFFFF  }
0xc5: {  	[dreg:$0x0] =	wrdreg $0xFFFFFFFF;
	(pc) =	sbr.abs _section_cstart, $3  }
0xc6: {  	[dreg:$0x1] =	wrdreg $0xFFFFFFFF  }
0xc7: {  	_ =	task.clear_ibuf [dreg:s7], $0x2FFFF;
	_ =	strace $0x9FFFFFFF  }
0xc8: {  	(tm) =	ssettm $0x7FFFFFFF  }
0xc9: {  	_ =	shalt  }
tec
execute0_lowered:
.L_overlay_start_1:
0x0: {  	(tag) =	ssettag $0x1  }
0x1: {  	s1 =	srdreg.scid  }
0x2: {  	s1 =	sand.u32 $0x1, s1  }
0x3: {  	s4 =	ssub.s32 $0x2, s1  }
0x4: {  	s8 =	sshrl.u32 s4, $0x1  }
0x5: {  	s7 =	simm.s32 $0x0;
	s31 =	ssub.s32 s4, s8  }
0x6: {  	[smem:$0x7FF] =	sst s7;
	s7 =	smax.u32 s31, $0x1  }
0x7: {  	s0 =	stileid.u32;
	s18 =	sadd.s32 $0xFFFFFFFF, s7  }
0x8: {  	s2 =	rddreg [dreg:$0x0];
	s3 =	sshll.u32 s0, $0x1;
	p2 =	sne.s32 s18, $0x0  }
.Ltmp0:
0x9: {  	s5 =	rddreg [dreg:$0x1];
	s6 =	sor.u32 s1, s3;
	(pc) =	sbr.rel @!p2 .LBB2_1-.Ltmp0, $4  }
0xa: {  	p1 =	por $0x0, $0x0;
	s1 =	rddreg [dreg:$0x2];
	s3 =	smul.u32 $0x30E, s6  }
0xb: {  	_ =	strace $0x80000047;
	p0 =	seq.s32 s6, $0x1F;
	s8 =	sadd.s32 $0x74B2, s5  }
0xc: {  	s6 =	simm.s32 @p0 $0x2;
	s3 =	sadd.s32 s3, s5;
	s5 =	sadd.s32 $0xD6B2, s5  }
0xd: {  	s4 =	sadd.s32 $0x1600, s3;
	s3 =	sadd.s32 $0x7800, s3;
	s7 =	simm.s32 @p0 $0x0  }
0xe: {  	s9 =	simm.s32 @p0 $0x3100  }
0xf: {  	[tilespmem:s9], [sflag:$0x2] =	stream.linear.gather @p0 [hbm4b:s8+s7], $0x17B0, $0x38;
	[tilespmem:$0x6100] =	vst v63  }
0x10: {  	_ =	swait.ge @p0 [sflag:s6], $0x17B0  }
0x11: {  	s10 =	simm.s32 @p0 $0x1;
	[sflag:s6] =	ssyncset.done @p0 $0x0  }
0x12: {  	s11 =	simm.s32 @p0 $0x17B0;
	s12 =	simm.s32 @p0 $0x4900;
	[sflag:s6] =	ssyncadd.s32 @p0 $0xFFFFE850  }
0x13: {  	[tilespmem:s12], [sflag:$0x1] =	stream.indirect.gather @p0 [hbm4b:s2+s11], $0x1, s9, s11, $0xb8;
	[tilespmem:$0x6100] =	vst v63  }
0x14: {  	_ =	swait.ge @p0 [sflag:s10], $0x17B0  }
0x15: {  	[sflag:s10] =	ssyncset.done @p0 $0x0  }
0x16: {  	[sflag:s10] =	ssyncadd.s32 @p0 $0xFFFFE850  }
0x17: {  	[hbm4b:s5+s7] =	stream.linear.scatter @p0 [tilespmem:s12], [sflag:$0x2], $0x17B0, $0x38;
	[tilespmem:$0x6100] =	vst v63  }
0x18: {  	_ =	swait.ge @p0 [sflag:s6], $0x17B0  }
0x19: {  	[sflag:s6] =	ssyncset.done @p0 $0x0  }
0x1a: {  	s14 =	simm.s32 @!p0 $0x0;
	s13 =	simm.s32 @!p0 $0x2;
	[sflag:s6] =	ssyncadd.s32 @p0 $0xFFFFE850  }
0x1b: {  	[tilespmem:s14], [sflag:$0x2] =	stream.linear.gather @!p0 [hbm4b:s4+s14], $0x1870, $0x38;
	[tilespmem:$0x6100] =	vst v63  }
0x1c: {  	_ =	swait.ge @!p0 [sflag:s13], $0x1870  }
0x1d: {  	s15 =	simm.s32 @!p0 $0x1;
	s16 =	simm.s32 @!p0 $0x1870;
	[sflag:s13] =	ssyncset.done @!p0 $0x0  }
0x1e: {  	s17 =	simm.s32 @!p0 $0x1880;
	s18 =	sadd.s32 $0xFFFFFFFF, s18;
	[sflag:s13] =	ssyncadd.s32 @!p0 $0xFFFFE790  }
0x1f: {  	[tilespmem:s17], [sflag:$0x1] =	stream.indirect.gather @!p0 [hbm4b:s2+s16], $0x1, s14, s16, $0xb8;
	[tilespmem:$0x6100] =	vst v63  }
0x20: {  	p2 =	sne.s32 s18, $0x0;
	_ =	swait.ge @!p0 [sflag:s15], $0x1870  }
.Ltmp1:
0x21: {  	[sflag:s15] =	ssyncset.done @!p0 $0x0;
	(pc) =	sbr.rel @!p2 .LBB2_4-.Ltmp1, $4  }
0x22: {  	[sflag:s15] =	ssyncadd.s32 @!p0 $0xFFFFE790  }
0x23: {  	[hbm4b:s3+s14] =	stream.linear.scatter @!p0 [tilespmem:s17], [sflag:$0x2], $0x1870, $0x38;
	[tilespmem:$0x6100] =	vst v63  }
0x24: {  	_ =	swait.ge @!p0 [sflag:s13], $0x1870  }
0x25: {  	p1 =	por $0x1, $0x1;
	[sflag:s13] =	ssyncset.done @!p0 $0x0  }
.LBB2_3:
0x26: {  	s19 =	simm.s32 @p0 $0x0;
	[sflag:s13] =	ssyncadd.s32 @!p0 $0xFFFFE790  }
0x27: {  	[tilespmem:s9], [sflag:$0x2] =	stream.linear.gather @p0 [hbm4b:s8+s7], $0x17B0, $0x38;
	[tilespmem:$0x6100] =	vst v63  }
0x28: {  	s18 =	sadd.s32 $0xFFFFFFFF, s18;
	_ =	swait.ge @p0 [sflag:s6], $0x17B0  }
0x29: {  	p2 =	sne.s32 s18, $0x0;
	[sflag:s6] =	ssyncset.done @p0 $0x0  }
0x2a: {  	[sflag:s6] =	ssyncadd.s32 @p0 $0xFFFFE850  }
0x2b: {  	[tilespmem:s12], [sflag:$0x1] =	stream.indirect.gather @p0 [hbm4b:s2+s11], $0x1, s9, s11, $0xb8;
	[tilespmem:$0x6100] =	vst v63  }
0x2c: {  	_ =	swait.ge @p0 [sflag:s10], $0x17B0  }
0x2d: {  	[sflag:s10] =	ssyncset.done @p0 $0x0  }
0x2e: {  	[sflag:s10] =	ssyncadd.s32 @p0 $0xFFFFE850  }
0x2f: {  	[hbm4b:s5+s7] =	stream.linear.scatter @p0 [tilespmem:s12], [sflag:$0x2], $0x17B0, $0x38;
	[tilespmem:$0x6100] =	vst v63  }
0x30: {  	s7 =	smov.u32 s19;
	_ =	swait.ge @p0 [sflag:s6], $0x17B0  }
0x31: {  	[sflag:s6] =	ssyncset.done @p0 $0x0  }
0x32: {  	[sflag:s6] =	ssyncadd.s32 @p0 $0xFFFFE850  }
0x33: {  	[tilespmem:s14], [sflag:$0x2] =	stream.linear.gather @!p0 [hbm4b:s4+s14], $0x1870, $0x38;
	[tilespmem:$0x6100] =	vst v63  }
0x34: {  	_ =	swait.ge @!p0 [sflag:s13], $0x1870  }
0x35: {  	[sflag:s13] =	ssyncset.done @!p0 $0x0  }
0x36: {  	[sflag:s13] =	ssyncadd.s32 @!p0 $0xFFFFE790  }
0x37: {  	[tilespmem:s17], [sflag:$0x1] =	stream.indirect.gather @!p0 [hbm4b:s2+s16], $0x1, s14, s16, $0xb8;
	[tilespmem:$0x6100] =	vst v63  }
0x38: {  	_ =	swait.ge @!p0 [sflag:s15], $0x1870  }
.Ltmp2:
0x39: {  	[sflag:s15] =	ssyncset.done @!p0 $0x0;
	(pc) =	sbr.rel @p2 .LBB2_3-.Ltmp2, $4  }
0x3a: {  	[sflag:s15] =	ssyncadd.s32 @!p0 $0xFFFFE790  }
0x3b: {  	[hbm4b:s3+s14] =	stream.linear.scatter @!p0 [tilespmem:s17], [sflag:$0x2], $0x1870, $0x38;
	[tilespmem:$0x6100] =	vst v63  }
0x3c: {  	_ =	swait.ge @!p0 [sflag:s13], $0x1870  }
0x3d: {  	[sflag:s13] =	ssyncset.done @!p0 $0x0  }
.LBB2_4:
0x3e: {  	p1 =	por p0, !p1  }
0x3f: {  	s9 =	simm.s32 @p0 $0x3100;
	[sflag:s13] =	ssyncadd.s32 @!p1 $0xFFFFE790  }
0x40: {  	[tilespmem:s9], [sflag:$0x2] =	stream.linear.gather @p0 [hbm4b:s8+s7], $0x17B0, $0x38;
	[tilespmem:$0x6100] =	vst v63  }
0x41: {  	_ =	swait.ge @p0 [sflag:s6], $0x17B0  }
0x42: {  	s10 =	simm.s32 @p0 $0x17B0;
	[sflag:s6] =	ssyncset.done @p0 $0x0  }
0x43: {  	s11 =	simm.s32 @p0 $0x4900;
	s8 =	simm.s32 @p0 $0x1;
	[sflag:s6] =	ssyncadd.s32 @p0 $0xFFFFE850  }
0x44: {  	[tilespmem:s11], [sflag:$0x1] =	stream.indirect.gather @p0 [hbm4b:s2+s10], $0x1, s9, s10, $0xb8;
	[tilespmem:$0x6100] =	vst v63  }
0x45: {  	_ =	swait.ge @p0 [sflag:s8], $0x17B0  }
0x46: {  	[sflag:s8] =	ssyncset.done @p0 $0x0  }
0x47: {  	[sflag:s8] =	ssyncadd.s32 @p0 $0xFFFFE850  }
0x48: {  	[hbm4b:s5+s7] =	stream.linear.scatter @p0 [tilespmem:s11], [sflag:$0x2], $0x17B0, $0x38;
	[tilespmem:$0x6100] =	vst v63  }
0x49: {  	_ =	swait.ge @p0 [sflag:s6], $0x17B0  }
0x4a: {  	[sflag:s6] =	ssyncset.done @p0 $0x0  }
0x4b: {  	s5 =	simm.s32 @!p0 $0x0;
	[sflag:s6] =	ssyncadd.s32 @p0 $0xFFFFE850;
	s6 =	simm.s32 @!p0 $0x2  }
0x4c: {  	[tilespmem:s5], [sflag:$0x2] =	stream.linear.gather @!p0 [hbm4b:s4+s5], $0x1870, $0x38;
	[tilespmem:$0x6100] =	vst v63  }
0x4d: {  	_ =	swait.ge @!p0 [sflag:s6], $0x1870  }
0x4e: {  	s8 =	simm.s32 @!p0 $0x1880;
	[sflag:s6] =	ssyncset.done @!p0 $0x0  }
0x4f: {  	s7 =	simm.s32 @!p0 $0x1870;
	s4 =	simm.s32 @!p0 $0x1;
	[sflag:s6] =	ssyncadd.s32 @!p0 $0xFFFFE790  }
0x50: {  	[tilespmem:s8], [sflag:$0x1] =	stream.indirect.gather @!p0 [hbm4b:s2+s7], $0x1, s5, s7, $0xb8;
	[tilespmem:$0x6100] =	vst v63  }
0x51: {  	_ =	swait.ge @!p0 [sflag:s4], $0x1870  }
0x52: {  	[sflag:s4] =	ssyncset.done @!p0 $0x0  }
0x53: {  	[sflag:s4] =	ssyncadd.s32 @!p0 $0xFFFFE790  }
0x54: {  	[hbm4b:s3+s5] =	stream.linear.scatter @!p0 [tilespmem:s8], [sflag:$0x2], $0x1870, $0x38;
	[tilespmem:$0x6100] =	vst v63  }
0x55: {  	_ =	swait.ge @!p0 [sflag:s6], $0x1870  }
0x56: {  	[sflag:s6] =	ssyncset.done @!p0 $0x0  }
0x57: {  	[sflag:s6] =	ssyncadd.s32 @!p0 $0xFFFFE790  }
0x58: {  	_ =	sfence.sel $0x180000  }
0x59: {  	[bflag:$0x0] =	sbarrier.arrive $0xFFFF  }
0x5a: {  	p0 =	sne.s32 s0, $0x0;
	_ =	strace $0x90000047  }
0x5b: {  	s0 =	sadd.s32 @!p0 $0x100000, s1;
	[bflag:$0x2] =	sbarrier.arrive $0xFFFF  }
0x5c: {  	[sflag:s0] =	ssyncadd.tile.s32 @!p0 $0x1;
	_ =	shalt  }
.LBB2_1:
.Ltmp3:
0x5d: {  	(pc) =	sbr.rel .LBB2_4-.Ltmp3, $2  }
0x5e: {  	_ =	sdelay $0x2  }
0x5f: {  	_ = 	snop  }
.Lfunc_end2:
_tile_overlayer_lowered:
.L_overlay_start_2:
0x60: {  	(tag) =	ssettag $0x2  }
0x61: {  	s0 =	rddreg [dreg:$0x0];
	s2 =	stileid.u32  }
0x62: {  	s1 =	rddreg [dreg:$0x1];
	p0 =	sne.s32 s2, $0x0  }
0x63: {  	s3 =	rddreg [dreg:$0x2];
	[bflag:$0x3] =	sbarrier.arrive $0xFFFF;
	s2 =	simm.s32 @!p0 $0x1C02  }
0x64: {  	[timem:s3], [sflag:s2] =	dma.local @!p0 [hbm:s0], s1  }
0x65: {  	s0 =	simm.s32 @!p0 $0x2  }
0x66: {  	_ =	swait.ge @!p0 [sflag:s0], s1  }
0x67: {  	s1 =	ssub.s32 @!p0 $0x0, s1;
	[sflag:s0] =	ssyncset.done @!p0 $0x0  }
0x68: {  	[sflag:s0] =	ssyncadd.s32 @!p0 s1  }
0x69: {  	[bflag:$0x3] =	sbarrier.arrive $0xFFFF  }
0x6a: {  	_ =	shalt  }

// kernel: kernel.16.cloned.1.call-start
scs
__scs_entry_jumppad:
0x0: {  	(pc) =	sbr.rel $0x88, $3  }
0x1: {  	(tag) =	ssettag $0x0;
	lr =	simm.s32 $0x1  }
0x2: {  	[smem:$0x3F93] =	sst lr;
	_ =	strace $0xD0000000  }
0x3: {  	_ = 	snop  }
0x4: {  	_ = 	snop  }
0x5: {  	_ = 	snop  }
0x6: {  	_ = 	snop  }
0x7: {  	_ = 	snop  }
__scs_overlays_trampoline_lowered:
0x8: {  	[smem:$0x3FA2] =	sst s0  }
0x9: {  	[smem:$0x3FA3] =	sst s1  }
0xa: {  	[smem:$0x3FA4] =	sst s2  }
0xb: {  	[smem:$0x3FA5] =	sst s3  }
0xc: {  	[smem:$0x3FA6] =	sst s4  }
0xd: {  	[smem:$0x3FA7] =	sst s5  }
0xe: {  	[smem:$0x3FA8] =	sst s6  }
0xf: {  	[smem:$0x3FA9] =	sst s7  }
0x10: {  	[smem:$0x3FAA] =	sst s8  }
0x11: {  	[smem:$0x3FAB] =	sst s9;
	s0 =	simm.s32 @!p0 $0x0  }
0x12: {  	s1 =	sld [smem:$0x3F91];
	s0 =	simm.s32 @p0 $0x1  }
0x13: {  	[smem:$0x3FAC] =	sst s0;
	s0 =	simm.s32 @!p1 $0x0  }
0x14: {  	s2 =	sld [smem:$0x3F90];
	s0 =	simm.s32 @p1 $0x1  }
0x15: {  	[smem:$0x3FAD] =	sst s0;
	s0 =	simm.s32 @!p2 $0x0  }
0x16: {  	s3 =	sld [smem:$0x3FDB];
	s0 =	simm.s32 @p2 $0x1  }
0x17: {  	s4 =	simm.s32 $0x1BF5;
	[smem:$0x3FAF] =	sst s0  }
0x18: {  	s0 =	sld [smem:$0x3F92];
	_ =	swait.ge [sflag:s4], $0x0  }
0x19: {  	s7 =	sld [smem:$0x3F93]  }
0x1a: {  	s8 =	sadd.s32 $0xFFFFE003, lr  }
0x1b: {  	s9 =	sadd.s32 $0xFFFFFEF7, lr;
	s5 =	simm.s32 $0xFFFFFFFF;
	p2 =	slt.u32 s8, $0xFFFFF086  }
0x1c: {  	p1 =	slt.u32 s9, $0xF7A;
	s5 =	simm.s32 @!p2 $0x0  }
0x1d: {  	s5 =	simm.s32 @p1 $0x1;
	p0 =	seq.s32 s7, s2  }
0x1e: {  	s7 =	smul.u32 @!p0 $0xF7A, s2;
	p2 =	seq.s32 @!p0 s5, $0x0  }
0x1f: {  	s9 =	smul.u32 $0xF7A, s1;
	s8 =	simm.s32 @!p0 $0x1BF5;
	p2 =	por !p2, p0  }
0x20: {  	[sflag:s8] =	ssyncset.s32 @!p0 $0xFFFFF086;
	s6 =	sadd.s32 @!p0 s3, s7;
	s7 =	simm.s32 @!p0 $0x108  }
0x21: {  	s3 =	sadd.s32 s3, s9;
	s6 =	sadd.s32 @!p0 $0x88, s6;
	s7 =	simm.s32 @p2 $0x1082  }
0x22: {  	[simem:s7], [sflag:s8] =	dma.local @!p0 [hbm:s6], $0xF7A  }
0x23: {  	s9 =	sor.u32 $0xD0000000, s2;
	s6 =	simm.s32 $0x108;
	_ =	swait.ge @!p0 [sflag:s8], $0x0  }
0x24: {  	s3 =	sadd.s32 $0x88, s3;
	s6 =	simm.s32 @!p1 $0x1082;
	[sflag:s4] =	ssyncset.s32 $0xFFFFF086  }
0x25: {  	[simem:s6], [sflag:s4] =	dma.local [hbm:s3], $0xF7A  }
0x26: {  	[smem:$0x3F93] =	sst s1;
	(tag) =	ssettag s2;
	_ =	strace s9  }
0x27: {  	s1 =	sld [smem:$0x3FA3]  }
0x28: {  	s2 =	sld [smem:$0x3FA4]  }
0x29: {  	s4 =	sld [smem:$0x3FA6]  }
0x2a: {  	p0 =	seq.s32 s5, $0x0;
	s5 =	sld [smem:$0x3FA7]  }
0x2b: {  	s6 =	sld [smem:$0x3FA8]  }
0x2c: {  	s7 =	sld [smem:$0x3FA9]  }
0x2d: {  	s3 =	simm.s32 $0x108;
	s8 =	sld [smem:$0x3FAA]  }
0x2e: {  	s3 =	simm.s32 @!p0 $0x1082;
	s9 =	sld [smem:$0x3FAB]  }
0x2f: {  	lr =	sadd.s32 s0, s3;
	s0 =	sld [smem:$0x3FA2]  }
0x30: {  	s3 =	sld [smem:$0x3FA5]  }
0x31: {  	[smem:$0x3FAE] =	sst s10  }
0x32: {  	s10 =	sld [smem:$0x3FAC];
	_ =	sdelay $0x3  }
0x33: {  	p0 =	seq.s32 s10, $0x1;
	s10 =	sld [smem:$0x3FAE];
	_ =	sdelay $0x3  }
0x34: {  	[smem:$0x3FAE] =	sst s10  }
0x35: {  	s10 =	sld [smem:$0x3FAD];
	_ =	sdelay $0x3  }
0x36: {  	p1 =	seq.s32 s10, $0x1;
	s10 =	sld [smem:$0x3FAE];
	_ =	sdelay $0x3  }
0x37: {  	[smem:$0x3FAE] =	sst s10  }
0x38: {  	s10 =	sld [smem:$0x3FAF]  }
0x39: {  	_ = 	snop;
	(pc) =	sbr.ind lr, $3  }
0x3a: {  	_ = 	snop  }
0x3b: {  	_ = 	snop  }
0x3c: {  	p2 =	seq.s32 s10, $0x1;
	s10 =	sld [smem:$0x3FAE]  }
0x3d: {  	_ =	shalt  }
0x3e: {  	_ =	shalt  }
0x3f: {  	_ =	shalt  }
0x40: {  	_ =	shalt  }
0x41: {  	_ =	shalt  }
0x42: {  	_ =	shalt  }
0x43: {  	_ =	shalt  }
0x44: {  	_ =	shalt  }
0x45: {  	_ =	shalt  }
0x46: {  	_ =	shalt  }
0x47: {  	_ =	shalt  }
0x48: {  	_ =	shalt  }
0x49: {  	_ =	shalt  }
0x4a: {  	_ =	shalt  }
0x4b: {  	_ =	shalt  }
0x4c: {  	_ =	shalt  }
0x4d: {  	_ =	shalt  }
0x4e: {  	_ =	shalt  }
0x4f: {  	_ =	shalt  }
0x50: {  	_ =	shalt  }
0x51: {  	_ =	shalt  }
0x52: {  	_ =	shalt  }
0x53: {  	_ =	shalt  }
0x54: {  	_ =	shalt  }
0x55: {  	_ =	shalt  }
0x56: {  	_ =	shalt  }
0x57: {  	_ =	shalt  }
0x58: {  	_ =	shalt  }
0x59: {  	_ =	shalt  }
0x5a: {  	_ =	shalt  }
0x5b: {  	_ =	shalt  }
0x5c: {  	_ =	shalt  }
0x5d: {  	_ =	shalt  }
0x5e: {  	_ =	shalt  }
0x5f: {  	_ =	shalt  }
0x60: {  	_ =	shalt  }
0x61: {  	_ =	shalt  }
0x62: {  	_ =	shalt  }
0x63: {  	_ =	shalt  }
0x64: {  	_ =	shalt  }
0x65: {  	_ =	shalt  }
0x66: {  	_ =	shalt  }
0x67: {  	_ =	shalt  }
0x68: {  	_ =	shalt  }
0x69: {  	_ =	shalt  }
0x6a: {  	_ =	shalt  }
0x6b: {  	_ =	shalt  }
0x6c: {  	_ =	shalt  }
0x6d: {  	_ =	shalt  }
0x6e: {  	_ =	shalt  }
0x6f: {  	_ =	shalt  }
0x70: {  	_ =	shalt  }
0x71: {  	_ =	shalt  }
0x72: {  	_ =	shalt  }
0x73: {  	_ =	shalt  }
0x74: {  	_ =	shalt  }
0x75: {  	_ =	shalt  }
0x76: {  	_ =	shalt  }
0x77: {  	_ =	shalt  }
0x78: {  	_ =	shalt  }
0x79: {  	_ =	shalt  }
0x7a: {  	_ =	shalt  }
0x7b: {  	_ =	shalt  }
0x7c: {  	_ =	shalt  }
0x7d: {  	_ =	shalt  }
0x7e: {  	_ =	shalt  }
0x7f: {  	_ =	shalt  }
0x80: {  	_ =	shalt  }
0x81: {  	_ =	shalt  }
0x82: {  	_ =	shalt  }
0x83: {  	_ =	shalt  }
0x84: {  	_ =	shalt  }
0x85: {  	_ =	shalt  }
0x86: {  	_ =	shalt  }
0x87: {  	_ =	shalt  }
.Lfunc_end0:
.L_simem_size_0:
called_computation.2_lowered:
.L_overlay_start_0:
0x88: {  	s2 =	sld [smem:$0x3FD9]  }
0x89: {  	s3 =	sld [smem:$0x3FFE];
	_ =	sdelay $0x1  }
0x8a: {  	s1 =	srdreg.scid  }
0x8b: {  	s0 =	sand.u32 $0x1, s1  }
0x8c: {  	s14 =	sshll.u32 s0, $0xA;
	s2 =	sadd.s32 s3, s2  }
0x8d: {  	s2 =	sadd.s32 s2, s14  }
0x8e: {  	[smem:$0x3FBA] =	sst s2  }
0x8f: {  	_ = 	snop  }
0x90: {  	s2 =	sld [smem:$0x3FD0];
	_ =	sdelay $0x2  }
0x91: {  	s15 =	simm.s32 $0xB;
	s4 =	simm.s32 $0x10  }
0x92: {  	[smem:s4], [sflag:s15] =	dma.local [hbm:s2], $0x1  }
0x93: {  	_ =	swait.eq [sflag:s15], $0x1  }
0x94: {  	[sflag:s15] =	ssyncset.done $0x0  }
0x95: {  	s16 =	sld [smem:$0x11];
	[sflag:s15] =	ssyncadd.s32 $0xFFFFFFFF  }
0x96: {  	s17 =	sld [smem:$0x12];
	(tm) =	ssettm $0x1  }
0x97: {  	s18 =	sld [smem:$0x3FFB];
	_ =	sdelay $0x3  }
0x98: {  	_ =	strace s18  }
0x99: {  	s4 =	sld [smem:$0x3FFC];
	_ =	sdelay $0x3  }
0x9a: {  	_ =	strace s4  }
0x9b: {  	s4 =	sld [smem:$0x3FFD];
	_ =	sdelay $0x3  }
0x9c: {  	_ =	strace s4  }
0x9d: {  	_ =	strace $0x8FFFFFFF  }
0x9e: {  	s19 =	sld [smem:$0x3FDB];
	_ =	sdelay $0x1  }
0x9f: {  	s5 =	simm.s32 $_scs_section_size  }
0xa0: {  	s6 =	simm.s32 $_size__tile_overlayer_lowered;
	s7 =	simm.s32 $_tile_overlayer_lowered  }
0xa1: {  	s22 =	simm.s32 $0x1BFF;
	s21 =	sshll.u32 s7, $0x1;
	s4 =	sadd.s32 s5, s19  }
0xa2: {  	s8 =	simm.s32 $0x0;
	s20 =	sshll.u32 s6, $0x1;
	s6 =	sadd.s32 s21, s4  }
0xa3: {  	[timem:s8], [sflag:s22] =	dma.local [hbm:s6], s20  }
0xa4: {  	_ =	swait.ge [sflag:s22], s20  }
0xa5: {  	s5 =	ssub.s32 $0x0, s20;
	[sflag:s22] =	ssyncset.done $0x0  }
0xa6: {  	[sflag:s22] =	ssyncadd.s32 s5;
	_ =	sdelay $0x1  }
0xa7: {  	s23 =	simm.s32 $0x1B8B  }
0xa8: {  	_ =	swait.ge [sflag:s23], $0x1  }
0xa9: {  	[sflag:s23] =	ssyncset.done $0x0  }
0xaa: {  	s25 =	simm.s32 $0x1B8E;
	s24 =	sld [smem:$0x3FFE];
	[sflag:s23] =	ssyncadd.s32 $0xFFFFFFFF  }
0xab: {  	s26 =	simm.s32 $execute0_lowered;
	[smem:$0x3FD2] =	sst s25  }
0xac: {  	s6 =	sshll.u32 s26, $0x1;
	_ =	strace $0x8000004C;
	[dreg:$0x1] =	wrdreg $0xFFFFFFFF  }
0xad: {  	s28 =	simm.s32 $_size_execute0_lowered;
	s4 =	sadd.s32 s4, s6;
	[dreg:$0x0] =	wrdreg $0x0  }
0xae: {  	s6 =	sshll.u32 s28, $0x1;
	[dreg:$0x2] =	wrdreg s4  }
0xaf: {  	[dreg:$0x3] =	wrdreg s6  }
0xb0: {  	[dreg:$0x4] =	wrdreg $0xC0  }
0xb1: {  	_ =	task [dreg:s8], $0x5FFFF  }
0xb2: {  	[dreg:$0x1] =	wrdreg $0xFFFFFFFF  }
0xb3: {  	[dreg:$0x0] =	wrdreg $0x60  }
0xb4: {  	[dreg:$0x2] =	wrdreg s24  }
0xb5: {  	[dreg:$0x3] =	wrdreg s17  }
0xb6: {  	[dreg:$0x4] =	wrdreg s16  }
0xb7: {  	[dreg:$0x5] =	wrdreg $0xC4000  }
0xb8: {  	[dreg:$0x6] =	wrdreg $0xE4000  }
0xb9: {  	[dreg:$0x7] =	wrdreg $0x9  }
0xba: {  	_ =	task.clear_ibuf [dreg:s8], $0x8FFFF;
	_ =	strace $0x9000004C  }
0xbb: {  	s29 =	simm.s32 $0x9;
	_ =	strace $0x8000004E  }
0xbc: {  	_ =	swait.ge [sflag:s29], $0x1  }
0xbd: {  	[sflag:s29] =	ssyncadd.s32 $0xFFFFFFFF  }
0xbe: {  	_ =	strace $0x9000004E  }
0xbf: {  	_ =	sfence  }
0xc0: {  	s30 =	sld [smem:$0x0];
	_ =	sdelay $0x2  }
0xc1: {  	s31 =	sshll.u32 s1, $0xD;
	s1 =	sshrl.u32 s1, $0x2  }
0xc2: {  	s3 =	sand.u32 $0x4000, s31;
	s1 =	sadd.s32 s1, s30  }
0xc3: {  	s0 =	sor.u32 s3, s0;
	s1 =	sshll.u32 s1, $0x11  }
0xc4: {  	s0 =	sor.u32 s1, s0  }
0xc5: {  	s0 =	sadd.s32 $0x8F2B, s0  }
0xc6: {  	[sflag:s0] =	ssyncadd.remote.s32 $0x1  }
0xc7: {  	_ =	sfence.sel $0xFFFF  }
0xc8: {  	[dreg:$0x0] =	wrdreg $0xFFFFFFFF;
	(pc) =	sbr.abs _section_cstart, $3  }
0xc9: {  	[dreg:$0x1] =	wrdreg $0xFFFFFFFF  }
0xca: {  	_ =	task.clear_ibuf [dreg:s8], $0x2FFFF;
	_ =	strace $0x9FFFFFFF  }
0xcb: {  	(tm) =	ssettm $0x7FFFFFFF  }
tec
execute0_lowered:
.L_overlay_start_1:
0x0: {  	(tag) =	ssettag $0x1  }
0x1: {  	s13 =	rddreg [dreg:$0x0]  }
0x2: {  	s8 =	rddreg [dreg:$0x1]  }
0x3: {  	s15 =	rddreg [dreg:$0x2]  }
0x4: {  	s2 =	rddreg [dreg:$0x3]  }
0x5: {  	s3 =	rddreg [dreg:$0x4];
	s1 =	stileid.u32  }
0x6: {  	s0 =	rddreg [dreg:$0x5];
	s4 =	simm.s32 $0x0;
	s5 =	srdreg.scid  }
0x7: {  	s21 =	simm.s32 $0x1;
	s22 =	simm.s32 $0x3100;
	s23 =	simm.s32 $0x30D8  }
0x8: {  	s24 =	simm.s32 $0x6200;
	s25 =	simm.s32 $0x9300;
	s26 =	simm.s32 $0x3098  }
0x9: {  	s9 =	smul.u32 $0x61B, s1;
	[smem:$0x7FF] =	sst s4;
	s14 =	sand.u32 $0x1, s5  }
0xa: {  	s5 =	sadd.s32 $0x13C00, s13;
	s6 =	sshll.u32 s1, $0xA;
	s10 =	sshll.u32 s1, $0xD  }
0xb: {  	p4 =	sne.s32 s1, $0xF;
	p1 =	seq.s32 s1, $0xF;
	s31 =	sshll.u32 s1, $0xE  }
0xc: {  	s12 =	sadd.s32 $0x7195, s13;
	s19 =	sshll.u32 s1, $0xB;
	_ =	strace $0x8000004D  }
0xd: {  	s7 =	ssub.s32 $0x2, s14;
	s16 =	sadd.s32 s6, s13;
	p2 =	seq.s32 s14, $0x0  }
0xe: {  	s18 =	sadd.s32 s10, s2;
	p0 =	seq.s32 s14, $0x1;
	s20 =	sadd.s32 s31, s3  }
0xf: {  	s6 =	sadd.s32 $0x5B95, s8;
	s15 =	sadd.s32 s15, s19;
	s11 =	sadd.s32 s9, s13  }
0x10: {  	s30 =	sshrl.u32 s7, $0x1;
	p3 =	por !p2, !p4;
	p5 =	por !p2, !p1  }
0x11: {  	p4 =	por !p4, !p0;
	s8 =	sadd.s32 s8, s9;
	s20 =	sshrl.u32 @p0 s20, $0x3  }
0x12: {  	s17 =	ssub.s32 s7, s30;
	p2 =	por !p3, !p3;
	p3 =	por !p5, !p5  }
.Ltmp0:
0x13: {  	s7 =	sadd.s32 $0xD395, s13;
	s9 =	sadd.s32 $0x7800, s11;
	(pc) =	sbr.rel .LBB2_1-.Ltmp0, $4  }
0x14: {  	p4 =	por !p4, !p4;
	s10 =	sadd.s32 $0x1600, s11;
	p5 =	sne.s32 s14, $0x0  }
0x15: {  	s11 =	sadd.s32 $0xDA00, s11;
	s14 =	sadd.s32 $0x14400, s16;
	s19 =	sshll.u32 @!p5 s1, $0x6  }
0x16: {  	s16 =	smax.u32 s17, $0x1;
	s17 =	sor.u32 @!p5 $0x1C01, s19;
	s19 =	sshll.u32 @p0 s1, $0x6  }
0x17: {  	s13 =	sadd.s32 $0x13595, s13;
	s18 =	sshrl.u32 @!p5 s18, $0x3;
	s19 =	sor.u32 @p0 $0x1C01, s19  }
.LBB2_5:
0x18: {  	[tilespmem:s24], [sflag:$0x1] =	stream.linear.gather [hbm4b:s6+s4], $0x3098, $0x38;
	[tilespmem:$0x12400] =	vst v63  }
0x19: {  	_ =	swait.ge [sflag:s21], $0x3098  }
0x1a: {  	[sflag:s21] =	ssyncset.done $0x0  }
0x1b: {  	[sflag:s21] =	ssyncadd.s32 $0xFFFFCF68  }
0x1c: {  	[tilespmem:s25], [sflag:$0x1] =	stream.linear.gather [hbm4b:s7+s4], $0x3098, $0x38;
	[tilespmem:$0x12400] =	vst v63  }
0x1d: {  	_ =	swait.ge [sflag:s21], $0x3098  }
0x1e: {  	[sflag:s21] =	ssyncset.done $0x0  }
0x1f: {  	[sflag:s21] =	ssyncadd.s32 $0xFFFFCF68  }
0x20: {  	[spmem:s2] =	stream.indirect.scatter.add.f32 [tilespmem:s25], [sflag:$0x1], $0x1, s24, s26, $0xb8;
	[tilespmem:$0x12400] =	vst v63  }
0x21: {  	_ =	swait.ge [sflag:s21], $0x3098  }
0x22: {  	[sflag:s21] =	ssyncset.done $0x0  }
0x23: {  	p6 =	por $0x1, $0x1;
	[sflag:s21] =	ssyncadd.s32 $0xFFFFCF68  }
.LBB2_6:
0x24: {  	p6 =	por !p6, !p0  }
0x25: {  	p6 =	por !p6, !p6  }
0x26: {  	s28 =	simm.s32 @p6 $0x0;
	s29 =	simm.s32 @p6 $0x6200;
	s30 =	simm.s32 @p6 $0x1  }
0x27: {  	[tilespmem:s29], [sflag:$0x1] =	stream.linear.gather @p6 [hbm4b:s12+s28], $0x3098, $0x38;
	[tilespmem:$0x12400] =	vst v63  }
0x28: {  	_ =	swait.ge @p6 [sflag:s30], $0x3098  }
0x29: {  	[sflag:s30] =	ssyncset.done @p6 $0x0  }
0x2a: {  	s31 =	simm.s32 @p6 $0x9300;
	[sflag:s30] =	ssyncadd.s32 @p6 $0xFFFFCF68  }
0x2b: {  	[tilespmem:s31], [sflag:$0x1] =	stream.linear.gather @p6 [hbm4b:s13+s28], $0x3098, $0x38;
	[tilespmem:$0x12400] =	vst v63  }
0x2c: {  	_ =	swait.ge @p6 [sflag:s30], $0x3098  }
0x2d: {  	[sflag:s30] =	ssyncset.done @p6 $0x0  }
0x2e: {  	s28 =	simm.s32 @p6 $0x3098;
	[sflag:s30] =	ssyncadd.s32 @p6 $0xFFFFCF68  }
0x2f: {  	[spmem:s3] =	stream.indirect.scatter.add.f32 @p6 [tilespmem:s31], [sflag:$0x1], $0x1, s29, s28, $0xb8;
	[tilespmem:$0x12400] =	vst v63  }
0x30: {  	_ =	swait.ge @p6 [sflag:s30], $0x3098  }
0x31: {  	[sflag:s30] =	ssyncset.done @p6 $0x0  }
0x32: {  	[sflag:s30] =	ssyncadd.s32 @p6 $0xFFFFCF68  }
0x33: {  	s28 =	simm.s32 @!p5 $0x1;
	[bflag:$0x0] =	sbarrier.arrive $0xFFFF  }
0x34: {  	[hbm:s14], [sflag:s17] =	dma.local @!p5 [spmem:s18], $0x400  }
0x35: {  	s16 =	sadd.s32 $0xFFFFFFFF, s16;
	_ =	swait.ge @!p5 [sflag:s28], $0x400  }
0x36: {  	p6 =	sne.s32 s16, $0x0;
	[sflag:s28] =	ssyncset.done @!p5 $0x0  }
.Ltmp1:
0x37: {  	[sflag:s28] =	ssyncadd.s32 @!p5 $0xFFFFFC00;
	s28 =	simm.s32 @p0 $0x1;
	(pc) =	sbr.rel @!p6 .LBB2_7-.Ltmp1, $4  }
0x38: {  	[hbm:s15], [sflag:s19] =	dma.local @p0 [spmem:s20], $0x800  }
0x39: {  	_ =	swait.ge @p0 [sflag:s28], $0x800  }
0x3a: {  	[sflag:s28] =	ssyncset.done @p0 $0x0  }
0x3b: {  	[sflag:s28] =	ssyncadd.s32 @p0 $0xFFFFF800  }
.LBB2_1:
0x3c: {  	[spmem:s18], [sflag:s17] =	dma.local @!p5 [hbm:s5], $0x400  }
0x3d: {  	s28 =	simm.s32 @!p5 $0x1  }
0x3e: {  	_ =	swait.ge @!p5 [sflag:s28], $0x400  }
0x3f: {  	[sflag:s28] =	ssyncset.done @!p5 $0x0  }
0x40: {  	[sflag:s28] =	ssyncadd.s32 @!p5 $0xFFFFFC00;
	s28 =	simm.s32 @p0 $0x1  }
0x41: {  	[spmem:s20], [sflag:s19] =	dma.local @p0 [hbm:s5], $0x800  }
.Ltmp2:
0x42: {  	_ =	swait.ge @p0 [sflag:s28], $0x800;
	(pc) =	sbr.rel @!p2 .LBB2_4-.Ltmp2, $3  }
0x43: {  	[sflag:s28] =	ssyncset.done @p0 $0x0  }
0x44: {  	[sflag:s28] =	ssyncadd.s32 @p0 $0xFFFFF800  }
0x45: {  	[bflag:$0x0] =	sbarrier.arrive $0xFFFF;
	_ =	sdelay $0x1  }
0x46: {  	[tilespmem:s4], [sflag:$0x1] =	stream.linear.gather [hbm4b:s8+s4], $0x30D8, $0x38;
	[tilespmem:$0x12400] =	vst v63  }
0x47: {  	_ =	swait.ge [sflag:s21], $0x30D8  }
0x48: {  	[sflag:s21] =	ssyncset.done $0x0  }
0x49: {  	[sflag:s21] =	ssyncadd.s32 $0xFFFFCF28  }
0x4a: {  	[tilespmem:s22], [sflag:$0x1] =	stream.linear.gather [hbm4b:s9+s4], $0x30D8, $0x38;
	[tilespmem:$0x12400] =	vst v63  }
0x4b: {  	_ =	swait.ge [sflag:s21], $0x30D8  }
0x4c: {  	[sflag:s21] =	ssyncset.done $0x0  }
.Ltmp3:
0x4d: {  	[sflag:s21] =	ssyncadd.s32 $0xFFFFCF28;
	(pc) =	sbr.rel .LBB2_3-.Ltmp3, $4  }
0x4e: {  	[spmem:s2] =	stream.indirect.scatter.add.f32 [tilespmem:s22], [sflag:$0x1], $0x1, s4, s23, $0xb8;
	[tilespmem:$0x12400] =	vst v63  }
0x4f: {  	_ =	swait.ge [sflag:s21], $0x30D8  }
0x50: {  	[sflag:s21] =	ssyncset.done $0x0  }
0x51: {  	p6 =	por $0x0, $0x0;
	[sflag:s21] =	ssyncadd.s32 $0xFFFFCF28  }
.LBB2_4:
.Ltmp4:
0x52: {  	(pc) =	sbr.rel @p3 .LBB2_5-.Ltmp4, $2  }
0x53: {  	_ =	sdelay $0x2  }
0x54: {  	p6 =	por p1, p1  }
.LBB2_3:
0x55: {  	s28 =	simm.s32 @p4 $0x0;
	s29 =	simm.s32 @p4 $0x1  }
0x56: {  	[tilespmem:s28], [sflag:$0x1] =	stream.linear.gather @p4 [hbm4b:s10+s28], $0x30D8, $0x38;
	[tilespmem:$0x12400] =	vst v63  }
0x57: {  	_ =	swait.ge @p4 [sflag:s29], $0x30D8  }
0x58: {  	[sflag:s29] =	ssyncset.done @p4 $0x0  }
0x59: {  	s30 =	simm.s32 @p4 $0x3100;
	[sflag:s29] =	ssyncadd.s32 @p4 $0xFFFFCF28  }
0x5a: {  	[tilespmem:s30], [sflag:$0x1] =	stream.linear.gather @p4 [hbm4b:s11+s28], $0x30D8, $0x38;
	[tilespmem:$0x12400] =	vst v63  }
0x5b: {  	_ =	swait.ge @p4 [sflag:s29], $0x30D8  }
0x5c: {  	[sflag:s29] =	ssyncset.done @p4 $0x0  }
.Ltmp5:
0x5d: {  	s31 =	simm.s32 @p4 $0x30D8;
	[sflag:s29] =	ssyncadd.s32 @p4 $0xFFFFCF28;
	(pc) =	sbr.rel .LBB2_6-.Ltmp5, $4  }
0x5e: {  	[spmem:s3] =	stream.indirect.scatter.add.f32 @p4 [tilespmem:s30], [sflag:$0x1], $0x1, s28, s31, $0xb8;
	[tilespmem:$0x12400] =	vst v63  }
0x5f: {  	_ =	swait.ge @p4 [sflag:s29], $0x30D8  }
0x60: {  	[sflag:s29] =	ssyncset.done @p4 $0x0  }
0x61: {  	[sflag:s29] =	ssyncadd.s32 @p4 $0xFFFFCF28  }
.LBB2_7:
0x62: {  	_ =	sfence.sel $0x180000  }
0x63: {  	[bflag:$0x0] =	sbarrier.arrive $0xFFFF  }
0x64: {  	p0 =	sne.s32 s1, $0x0;
	_ =	strace $0x9000004D  }
0x65: {  	s0 =	sadd.s32 @!p0 $0x100000, s0;
	[bflag:$0x2] =	sbarrier.arrive $0xFFFF  }
0x66: {  	[sflag:s0] =	ssyncadd.tile.s32 @!p0 $0x1;
	_ =	shalt  }
.Lfunc_end2:
_tile_overlayer_lowered:
.L_overlay_start_2:
0x67: {  	(tag) =	ssettag $0x2  }
0x68: {  	s0 =	rddreg [dreg:$0x0];
	s2 =	stileid.u32  }
0x69: {  	s1 =	rddreg [dreg:$0x1];
	p0 =	sne.s32 s2, $0x0  }
0x6a: {  	s3 =	rddreg [dreg:$0x2];
	[bflag:$0x3] =	sbarrier.arrive $0xFFFF;
	s2 =	simm.s32 @!p0 $0x1C01  }
0x6b: {  	[timem:s3], [sflag:s2] =	dma.local @!p0 [hbm:s0], s1  }
0x6c: {  	s0 =	simm.s32 @!p0 $0x1  }
0x6d: {  	_ =	swait.ge @!p0 [sflag:s0], s1  }
0x6e: {  	s1 =	ssub.s32 @!p0 $0x0, s1;
	[sflag:s0] =	ssyncset.done @!p0 $0x0  }
0x6f: {  	[sflag:s0] =	ssyncadd.s32 @!p0 s1  }
0x70: {  	[bflag:$0x3] =	sbarrier.arrive $0xFFFF  }
0x71: {  	_ =	shalt  }

</sc_bundles>
